<compile_context>
chip_gen: v7x
topology: tpu7x:2x2x1
jax: 0.10.2.dev20260603
libtpu: 0.0.44.dev20260713+nightly
codegen_flags: <defaults>
</compile_context>

<pallas_src>
import jax
import jax.numpy as jnp
from jax import lax
from jax.experimental import pallas as pl
from jax.experimental.pallas import tpu as pltpu
from jax.experimental.pallas import tpu_sc as plsc

N = 50000
D = 512
G = 128
LANES = 16
NUM_CORES = 2
NUM_SUBCORES = 16
NW = NUM_CORES * NUM_SUBCORES
SEGS_PER_W = G // NW
R = 80
NBUF = 3
U = 8
COL_GROUPS = D // LANES

_NEG_INF = float("-inf")


_NB = N // LANES


def _searchsorted(batch_v, t):

  def step(_, carry):
    lo, hi = carry
    active = lo < hi
    mid = (lo + hi) // 2
    vec = batch_v[pl.ds(jnp.minimum(mid, _NB - 1) * LANES, LANES)]
    found = jnp.max(vec) >= t
    lo_new = jnp.where(active & ~found, mid + 1, lo)
    hi_new = jnp.where(active & found, mid, hi)
    return lo_new, hi_new

  lo, _ = lax.fori_loop(0, 12, step, (jnp.int32(0), jnp.int32(_NB)))
  m = jnp.minimum(lo, _NB - 1)
  vec = batch_v[pl.ds(m * LANES, LANES)]
  cnt = jnp.sum(jnp.where(vec < t, 1, 0))
  return m * LANES + cnt


def _worker_id():
  return lax.axis_index("s") * NUM_CORES + lax.axis_index("c")


def _sc_pool_body(x_hbm, batch_hbm, mean_hbm, max_hbm,
                  acc_sum, acc_max, bounds_s, sem_a, sem_b, sem_c):
  wid = _worker_id()
  g_base = wid * SEGS_PER_W

  def search_phase(batch_v):
    pltpu.sync_copy(batch_hbm, batch_v)
    for j in range(SEGS_PER_W + 1):
      bounds_s[j] = _searchsorted(batch_v, g_base + j)

  pl.run_scoped(search_phase, pltpu.VMEM((N,), jnp.int32))

  def main_phase(chunk_v):
   def seg_body(j, _):
    g = g_base + j
    start = bounds_s[j]
    end = bounds_s[j + 1]
    cnt = end - start

    zeros = jnp.zeros((LANES,), jnp.float32)
    ninf = jnp.full((LANES,), _NEG_INF, jnp.float32)
    for k in range(COL_GROUPS):
      cs = pl.ds(k * LANES, LANES)
      acc_sum[cs] = zeros
      acc_max[cs] = ninf

    a_start = (start // 8) * 8
    nc = (end - a_start + R - 1) // R
    sems = (sem_a, sem_b, sem_c)

    def copy(i, slot, sem):
      s_i = a_start + i * R
      o_i = jnp.minimum(s_i, N - R)
      dst = chunk_v.at[pl.ds(slot * R, R)]
      return pltpu.make_async_copy(x_hbm.at[pl.ds(o_i, R)], dst, sem)

    for p in range(NBUF - 1):
      @pl.when(nc > p)
      def _(p=p):
        copy(p, p, sems[p]).start()

    def chunk_body(i, _):
      slot = i % NBUF
      for p in range(NBUF):
        @pl.when(slot == p)
        def _(p=p):
          copy(i, p, sems[p]).wait()

      nxt = i + NBUF - 1
      for p in range(NBUF):
        @pl.when((nxt < nc) & (nxt % NBUF == p))
        def _(p=p):
          copy(nxt, p, sems[p]).start()

      base = slot * R
      s_i = a_start + i * R
      o_i = jnp.minimum(s_i, N - R)
      j_lo = jnp.maximum(s_i, start) - o_i + base
      j_hi = jnp.minimum(s_i + R, end) - o_i + base
      nfull = (j_hi - j_lo) // U

      HALF = COL_GROUPS // 2
      n2 = (j_hi - j_lo) // 2

      for h in range(2):
        ks = range(h * HALF, (h + 1) * HALF)
        init = tuple(acc_sum[pl.ds(k * LANES, LANES)] for k in ks) + \
               tuple(acc_max[pl.ds(k * LANES, LANES)] for k in ks)

        def row_step(c, r, ks=ks):
          ss, mm = c[:HALF], c[HALF:]
          vs = [chunk_v[r, pl.ds(k * LANES, LANES)] for k in ks]
          return (tuple(s + v for s, v in zip(ss, vs)) +
                  tuple(jnp.maximum(m, v) for m, v in zip(mm, vs)))

        def two_rows(i2, c, ks=ks):
          r = j_lo + i2 * 2
          return row_step(row_step(c, r, ks), r + 1, ks)

        def one_row(r, c, ks=ks):
          return row_step(c, r, ks)

        res = lax.fori_loop(0, n2, two_rows, init)
        res = lax.fori_loop(j_lo + n2 * 2, j_hi, one_row, res)
        for idx, k in enumerate(ks):
          acc_sum[pl.ds(k * LANES, LANES)] = res[idx]
          acc_max[pl.ds(k * LANES, LANES)] = res[HALF + idx]

      return 0

    lax.fori_loop(0, nc, chunk_body, 0)

    denom = jnp.maximum(cnt.astype(jnp.float32), 1.0)
    inv = jnp.ones((LANES,), jnp.float32) / lax.broadcast(denom, (LANES,))
    for k in range(COL_GROUPS):
      cs = pl.ds(k * LANES, LANES)
      acc_sum[cs] = acc_sum[cs] * inv
    pltpu.sync_copy(acc_sum, mean_hbm.at[pl.ds(g * D, D)])
    pltpu.sync_copy(acc_max, max_hbm.at[pl.ds(g * D, D)])
    return 0

   lax.fori_loop(0, SEGS_PER_W, seg_body, 0)

  pl.run_scoped(main_phase, pltpu.VMEM((NBUF * R, D), jnp.float32))


_sc_pool = pl.kernel(
    _sc_pool_body,
    out_type=(
        jax.ShapeDtypeStruct((G * D,), jnp.float32),
        jax.ShapeDtypeStruct((G * D,), jnp.float32),
    ),
    mesh=plsc.VectorSubcoreMesh(
        core_axis_name="c", subcore_axis_name="s",
        num_cores=NUM_CORES, num_subcores=NUM_SUBCORES,
    ),
    scratch_types=[
        pltpu.VMEM((D,), jnp.float32),
        pltpu.VMEM((D,), jnp.float32),
        pltpu.SMEM((SEGS_PER_W + 1,), jnp.int32),
        pltpu.SemaphoreType.DMA,
        pltpu.SemaphoreType.DMA,
        pltpu.SemaphoreType.DMA,
    ],
    compiler_params=pltpu.CompilerParams(needs_layout_passes=False),
)


def _proj_body(mean_ref, max_ref, w_ref, b_ref, o_ref):
  w = w_ref[...]
  wm = w[:, 0:D] + w[:, 2 * D:3 * D] + w[:, 4 * D:5 * D]
  wx = w[:, D:2 * D] + w[:, 3 * D:4 * D] + w[:, 5 * D:6 * D]
  acc = lax.dot_general(mean_ref[...], wm, (((1,), (1,)), ((), ())),
                        preferred_element_type=jnp.float32)
  acc = acc + lax.dot_general(max_ref[...], wx, (((1,), (1,)), ((), ())),
                              preferred_element_type=jnp.float32)
  o_ref[...] = acc + b_ref[...]


_proj = pl.pallas_call(
    _proj_body,
    out_shape=jax.ShapeDtypeStruct((G, D), jnp.float32),
)


@jax.jit
def kernel(x, batch, W, b):
  mean, mx = _sc_pool(x, batch)
  return _proj(mean.reshape(G, D), mx.reshape(G, D), W, b.reshape(1, D))

# --- scband reference (transcript-rebuilt; emitter-appended) ---
"""Pipeline reference for scband-spatial-pyramid-pooling-32066225832267 (READ-ONLY COPY).

The authoritative reference and input builder live on the scoring server;
editing this copy changes nothing except your own understanding.
"""

import jax, jax.numpy as jnp
import numpy as np

N = 50000
D = 512
G = 128
NUM_LEVELS = 3  # pool_sizes = [1, 2, 4]; each level reduces to global mean+max pools


def setup_inputs(seed: int = 0) -> dict:
    key = jax.random.key(seed)
    k1, k2, k3, k4 = jax.random.split(key, 4)
    x = jax.random.normal(k1, (N, D), dtype=jnp.float32)
    batch = jnp.sort(jax.random.randint(k2, (N,), 0, G, dtype=jnp.int32))
    # nn.Linear(6*D, D): weight [D, 6*D], bias [D]
    W = jax.random.normal(k3, (D, NUM_LEVELS * 2 * D), dtype=jnp.float32) * 0.02
    b = jax.random.normal(k4, (D,), dtype=jnp.float32) * 0.02
    return {"x": x, "batch": batch, "W": W, "b": b}


def _global_mean_pool(x, batch):
    s = jax.ops.segment_sum(x, batch, num_segments=G)
    cnt = jax.ops.segment_sum(jnp.ones((x.shape[0],), x.dtype), batch, num_segments=G)
    return s / jnp.maximum(cnt, 1.0)[:, None]


def _global_max_pool(x, batch):
    return jax.ops.segment_max(x, batch, num_segments=G)


def reference(x, batch, W, b):
    pooled_features = []
    for _ in range(NUM_LEVELS):
        mean_pool = _global_mean_pool(x, batch)
        max_pool = _global_max_pool(x, batch)
        pooled_features.append(mean_pool)
        pooled_features.append(max_pool)
    x_pooled = jnp.concatenate(pooled_features, axis=-1)  # [G, 6*D]
    return x_pooled @ W.T + b  # [G, D]

if __name__ == "__main__":
    import jax
    _d = setup_inputs()
    print(jax.jit(kernel)(*tuple(_d.values())))

</pallas_src>

<mosaic_0001>
#map = affine_map<(d0, d1) -> (0, 0)>
#map1 = affine_map<(d0, d1) -> (0)>
module attributes {stable_mosaic.version = 14 : i64} {
  func.func @_sc_pool_body(%arg0: i32, %arg1: i32, %arg2: memref<50000x512xf32, #tpu.memory_space<hbm>>, %arg3: memref<50000xi32, #tpu.memory_space<hbm>>, %arg4: memref<65536xf32, #tpu.memory_space<hbm>>, %arg5: memref<65536xf32, #tpu.memory_space<hbm>>, %arg6: memref<512xf32, #tpu.memory_space<vmem>>, %arg7: memref<512xf32, #tpu.memory_space<vmem>>, %arg8: memref<5xi32, #tpu.memory_space<smem>>, %arg9: memref<!tpu.dma_semaphore, #tpu.memory_space<semaphore_mem>>, %arg10: memref<!tpu.dma_semaphore, #tpu.memory_space<semaphore_mem>>, %arg11: memref<!tpu.dma_semaphore, #tpu.memory_space<semaphore_mem>>) attributes {dimension_semantics = [#tpu.dimension_semantics<core_parallel>, #tpu.dimension_semantics<subcore_parallel>], iteration_bounds = array<i64: 2, 16>, scalar_prefetch = 0 : i64, scratch_operands = 6 : i64, tpu.core_type = #tpu.core_type<sc_vector_subcore>, window_params = [{transform_indices = #map}, {transform_indices = #map1}, {transform_indices = #map1}, {transform_indices = #map1}]} {
    %mul3A = arith.constant 2 : i32
    %mul3A_0 = arith.muli %arg1, %mul3A : i32
    %add3A = arith.addi %mul3A_0, %arg0 : i32
    %mul3A_1 = arith.constant 4 : i32
    %mul3A_2 = arith.muli %add3A, %mul3A_1 : i32
    "tpu.region"() ({
      %run_scoped3A = memref.alloca() : memref<50000xi32, #tpu.memory_space<vmem>>
      "tpu.region"() ({
        %run_scoped3A_159 = tpu.sem_alloc : memref<!tpu.dma_semaphore, #tpu.memory_space<semaphore_mem>>
        tpu.enqueue_dma source(%arg3 : memref<50000xi32, #tpu.memory_space<hbm>>) target(%run_scoped3A : memref<50000xi32, #tpu.memory_space<vmem>>) target_semaphore(%run_scoped3A_159 : memref<!tpu.dma_semaphore, #tpu.memory_space<semaphore_mem>>)
        tpu.wait_dma2 semaphore(%run_scoped3A_159 : memref<!tpu.dma_semaphore, #tpu.memory_space<semaphore_mem>>) src(%arg3 : memref<50000xi32, #tpu.memory_space<hbm>>) dst(%run_scoped3A : memref<50000xi32, #tpu.memory_space<vmem>>)
        tpu.yield
      }) : () -> ()
      %add3A_3 = arith.constant 0 : i32
      %add3A_4 = arith.addi %mul3A_2, %add3A_3 : i32
      %scan3A = arith.constant 0 : i32
      %scan3A_5 = arith.constant 3125 : i32
      %scan3A_6 = arith.constant 0 : i32
      %scan3A_7 = arith.constant 12 : i32
      %scan3A_8 = arith.addi %scan3A_6, %scan3A_7 : i32
      %scan3A_9 = arith.constant 1 : i32
      %scan3A_10:2 = scf.for %scan3A_159 = %scan3A_6 to %scan3A_8 step %scan3A_9 iter_args(%scan3A_160 = %scan3A, %scan3A_161 = %scan3A_5) -> (i32, i32)  : i32 {
        %lt3A_162 = arith.cmpi slt, %scan3A_160, %scan3A_161 : i32
        %add3A_163 = arith.addi %scan3A_160, %scan3A_161 : i32
        %jit3A_164 = arith.constant 2 : i32
        %div3A = arith.divsi %add3A_163, %jit3A_164 : i32
        %sign3A = arith.constant 0 : i32
        %sign3A_165 = arith.cmpi sgt, %add3A_163, %sign3A : i32
        %sign3A_166 = arith.extui %sign3A_165 : i1 to i32
        %sign3A_167 = arith.constant 0 : i32
        %sign3A_168 = arith.cmpi slt, %add3A_163, %sign3A_167 : i32
        %sign3A_169 = arith.extui %sign3A_168 : i1 to i32
        %sign3A_170 = arith.subi %sign3A_166, %sign3A_169 : i32
        %sign3A_171 = arith.constant 0 : i32
        %sign3A_172 = arith.cmpi sgt, %jit3A_164, %sign3A_171 : i32
        %sign3A_173 = arith.extui %sign3A_172 : i1 to i32
        %sign3A_174 = arith.constant 0 : i32
        %sign3A_175 = arith.cmpi slt, %jit3A_164, %sign3A_174 : i32
        %sign3A_176 = arith.extui %sign3A_175 : i1 to i32
        %sign3A_177 = arith.subi %sign3A_173, %sign3A_176 : i32
        %ne3A = arith.cmpi ne, %sign3A_170, %sign3A_177 : i32
        %rem3A = arith.remsi %add3A_163, %jit3A_164 : i32
        %ne3A_178 = arith.constant 0 : i32
        %ne3A_179 = arith.cmpi ne, %rem3A, %ne3A_178 : i32
        %and3A = arith.andi %ne3A, %ne3A_179 : i1
        %sub3A = arith.constant 1 : i32
        %sub3A_180 = arith.subi %div3A, %sub3A : i32
        %select_n3A_181 = arith.select %and3A, %sub3A_180, %div3A : i32
        %min3A_182 = arith.constant 3124 : i32
        %min3A_183 = arith.minsi %select_n3A_181, %min3A_182 : i32
        %mul3A_184 = arith.constant 16 : i32
        %mul3A_185 = arith.muli %min3A_183, %mul3A_184 : i32
        %get3A_186 = arith.index_cast %mul3A_185 : i32 to index
        %get3A_187 = tpu.vector_load %run_scoped3A[%get3A_186] {strides = array<i32>} : memref<50000xi32, #tpu.memory_space<vmem>>, vector<16xi32>,
        %reduce_max3A = arith.constant true
        %reduce_max3A_188 = vector.broadcast %reduce_max3A : i1 to vector<16xi1>
        %reduce_max3A_189 = arith.constant -2147483648 : i32
        %reduce_max3A_190 = vector.broadcast %reduce_max3A_189 : i32 to vector<16xi32>
        %reduce_max3A_191 = arith.xori %get3A_187, %reduce_max3A_190 : vector<16xi32>
        %reduce_max3A_192 = tpu.scan <max>, %reduce_max3A_191 masked %reduce_max3A_188 : vector<16xi32>, vector<16xi1> -> vector<16xi32>
        %reduce_max3A_193 = arith.xori %reduce_max3A_192, %reduce_max3A_190 : vector<16xi32>
        %reduce_max3A_194 = vector.extract %reduce_max3A_193[15] : i32 from vector<16xi32>
        %ge3A = arith.cmpi sge, %reduce_max3A_194, %add3A_4 : i32
        %not3A = arith.constant true
        %not3A_195 = arith.xori %ge3A, %not3A : i1
        %and3A_196 = arith.andi %lt3A_162, %not3A_195 : i1
        %add3A_197 = arith.constant 1 : i32
        %add3A_198 = arith.addi %select_n3A_181, %add3A_197 : i32
        %select_n3A_199 = arith.select %and3A_196, %add3A_198, %scan3A_160 : i32
        %and3A_200 = arith.andi %lt3A_162, %ge3A : i1
        %select_n3A_201 = arith.select %and3A_200, %select_n3A_181, %scan3A_161 : i32
        scf.yield %select_n3A_199, %select_n3A_201 : i32, i32
      }
      %scan3A_11 = arith.constant 12 : i32
      %min3A = arith.constant 3124 : i32
      %min3A_12 = arith.minsi %scan3A_10#0, %min3A : i32
      %mul3A_13 = arith.constant 16 : i32
      %mul3A_14 = arith.muli %min3A_12, %mul3A_13 : i32
      %get3A = arith.index_cast %mul3A_14 : i32 to index
      %get3A_15 = tpu.vector_load %run_scoped3A[%get3A] {strides = array<i32>} : memref<50000xi32, #tpu.memory_space<vmem>>, vector<16xi32>,
      %lt3A = vector.broadcast %add3A_4 : i32 to vector<16xi32>
      %lt3A_16 = arith.cmpi slt, %get3A_15, %lt3A : vector<16xi32>
      %jit3A = arith.constant 1 : i32
      %jit3A_17 = arith.constant 0 : i32
      %broadcast_in_dim3A = vector.broadcast %jit3A : i32 to vector<16xi32>
      %broadcast_in_dim3A_18 = vector.broadcast %jit3A_17 : i32 to vector<16xi32>
      %select_n3A = arith.select %lt3A_16, %broadcast_in_dim3A, %broadcast_in_dim3A_18 : vector<16xi1>, vector<16xi32>
      %reduce_sum3A = arith.constant true
      %reduce_sum3A_19 = vector.broadcast %reduce_sum3A : i1 to vector<16xi1>
      %reduce_sum3A_20 = tpu.scan <sum>, %select_n3A masked %reduce_sum3A_19 : vector<16xi32>, vector<16xi1> -> vector<16xi32>
      %reduce_sum3A_21 = vector.extract %reduce_sum3A_20[15] : i32 from vector<16xi32>
      %mul3A_22 = arith.constant 16 : i32
      %mul3A_23 = arith.muli %min3A_12, %mul3A_22 : i32
      %add3A_24 = arith.addi %mul3A_23, %reduce_sum3A_21 : i32
      %swap3A = arith.constant 0 : i32
      %swap3A_25 = arith.index_cast %swap3A : i32 to index
      %swap3A_26 = memref.load %arg8[%swap3A_25] : memref<5xi32, #tpu.memory_space<smem>>
      memref.store %add3A_24, %arg8[%swap3A_25] : memref<5xi32, #tpu.memory_space<smem>>
      %add3A_27 = arith.constant 1 : i32
      %add3A_28 = arith.addi %mul3A_2, %add3A_27 : i32
      %scan3A_29 = arith.constant 0 : i32
      %scan3A_30 = arith.constant 3125 : i32
      %scan3A_31 = arith.constant 0 : i32
      %scan3A_32 = arith.constant 12 : i32
      %scan3A_33 = arith.addi %scan3A_31, %scan3A_32 : i32
      %scan3A_34 = arith.constant 1 : i32
      %scan3A_35:2 = scf.for %scan3A_159 = %scan3A_31 to %scan3A_33 step %scan3A_34 iter_args(%scan3A_160 = %scan3A_29, %scan3A_161 = %scan3A_30) -> (i32, i32)  : i32 {
        %lt3A_162 = arith.cmpi slt, %scan3A_160, %scan3A_161 : i32
        %add3A_163 = arith.addi %scan3A_160, %scan3A_161 : i32
        %jit3A_164 = arith.constant 2 : i32
        %div3A = arith.divsi %add3A_163, %jit3A_164 : i32
        %sign3A = arith.constant 0 : i32
        %sign3A_165 = arith.cmpi sgt, %add3A_163, %sign3A : i32
        %sign3A_166 = arith.extui %sign3A_165 : i1 to i32
        %sign3A_167 = arith.constant 0 : i32
        %sign3A_168 = arith.cmpi slt, %add3A_163, %sign3A_167 : i32
        %sign3A_169 = arith.extui %sign3A_168 : i1 to i32
        %sign3A_170 = arith.subi %sign3A_166, %sign3A_169 : i32
        %sign3A_171 = arith.constant 0 : i32
        %sign3A_172 = arith.cmpi sgt, %jit3A_164, %sign3A_171 : i32
        %sign3A_173 = arith.extui %sign3A_172 : i1 to i32
        %sign3A_174 = arith.constant 0 : i32
        %sign3A_175 = arith.cmpi slt, %jit3A_164, %sign3A_174 : i32
        %sign3A_176 = arith.extui %sign3A_175 : i1 to i32
        %sign3A_177 = arith.subi %sign3A_173, %sign3A_176 : i32
        %ne3A = arith.cmpi ne, %sign3A_170, %sign3A_177 : i32
        %rem3A = arith.remsi %add3A_163, %jit3A_164 : i32
        %ne3A_178 = arith.constant 0 : i32
        %ne3A_179 = arith.cmpi ne, %rem3A, %ne3A_178 : i32
        %and3A = arith.andi %ne3A, %ne3A_179 : i1
        %sub3A = arith.constant 1 : i32
        %sub3A_180 = arith.subi %div3A, %sub3A : i32
        %select_n3A_181 = arith.select %and3A, %sub3A_180, %div3A : i32
        %min3A_182 = arith.constant 3124 : i32
        %min3A_183 = arith.minsi %select_n3A_181, %min3A_182 : i32
        %mul3A_184 = arith.constant 16 : i32
        %mul3A_185 = arith.muli %min3A_183, %mul3A_184 : i32
        %get3A_186 = arith.index_cast %mul3A_185 : i32 to index
        %get3A_187 = tpu.vector_load %run_scoped3A[%get3A_186] {strides = array<i32>} : memref<50000xi32, #tpu.memory_space<vmem>>, vector<16xi32>,
        %reduce_max3A = arith.constant true
        %reduce_max3A_188 = vector.broadcast %reduce_max3A : i1 to vector<16xi1>
        %reduce_max3A_189 = arith.constant -2147483648 : i32
        %reduce_max3A_190 = vector.broadcast %reduce_max3A_189 : i32 to vector<16xi32>
        %reduce_max3A_191 = arith.xori %get3A_187, %reduce_max3A_190 : vector<16xi32>
        %reduce_max3A_192 = tpu.scan <max>, %reduce_max3A_191 masked %reduce_max3A_188 : vector<16xi32>, vector<16xi1> -> vector<16xi32>
        %reduce_max3A_193 = arith.xori %reduce_max3A_192, %reduce_max3A_190 : vector<16xi32>
        %reduce_max3A_194 = vector.extract %reduce_max3A_193[15] : i32 from vector<16xi32>
        %ge3A = arith.cmpi sge, %reduce_max3A_194, %add3A_28 : i32
        %not3A = arith.constant true
        %not3A_195 = arith.xori %ge3A, %not3A : i1
        %and3A_196 = arith.andi %lt3A_162, %not3A_195 : i1
        %add3A_197 = arith.constant 1 : i32
        %add3A_198 = arith.addi %select_n3A_181, %add3A_197 : i32
        %select_n3A_199 = arith.select %and3A_196, %add3A_198, %scan3A_160 : i32
        %and3A_200 = arith.andi %lt3A_162, %ge3A : i1
        %select_n3A_201 = arith.select %and3A_200, %select_n3A_181, %scan3A_161 : i32
        scf.yield %select_n3A_199, %select_n3A_201 : i32, i32
      }
      %scan3A_36 = arith.constant 12 : i32
      %min3A_37 = arith.constant 3124 : i32
      %min3A_38 = arith.minsi %scan3A_35#0, %min3A_37 : i32
      %mul3A_39 = arith.constant 16 : i32
      %mul3A_40 = arith.muli %min3A_38, %mul3A_39 : i32
      %get3A_41 = arith.index_cast %mul3A_40 : i32 to index
      %get3A_42 = tpu.vector_load %run_scoped3A[%get3A_41] {strides = array<i32>} : memref<50000xi32, #tpu.memory_space<vmem>>, vector<16xi32>,
      %lt3A_43 = vector.broadcast %add3A_28 : i32 to vector<16xi32>
      %lt3A_44 = arith.cmpi slt, %get3A_42, %lt3A_43 : vector<16xi32>
      %jit3A_45 = arith.constant 1 : i32
      %jit3A_46 = arith.constant 0 : i32
      %broadcast_in_dim3A_47 = vector.broadcast %jit3A_45 : i32 to vector<16xi32>
      %broadcast_in_dim3A_48 = vector.broadcast %jit3A_46 : i32 to vector<16xi32>
      %select_n3A_49 = arith.select %lt3A_44, %broadcast_in_dim3A_47, %broadcast_in_dim3A_48 : vector<16xi1>, vector<16xi32>
      %reduce_sum3A_50 = arith.constant true
      %reduce_sum3A_51 = vector.broadcast %reduce_sum3A_50 : i1 to vector<16xi1>
      %reduce_sum3A_52 = tpu.scan <sum>, %select_n3A_49 masked %reduce_sum3A_51 : vector<16xi32>, vector<16xi1> -> vector<16xi32>
      %reduce_sum3A_53 = vector.extract %reduce_sum3A_52[15] : i32 from vector<16xi32>
      %mul3A_54 = arith.constant 16 : i32
      %mul3A_55 = arith.muli %min3A_38, %mul3A_54 : i32
      %add3A_56 = arith.addi %mul3A_55, %reduce_sum3A_53 : i32
      %swap3A_57 = arith.constant 1 : i32
      %swap3A_58 = arith.index_cast %swap3A_57 : i32 to index
      %swap3A_59 = memref.load %arg8[%swap3A_58] : memref<5xi32, #tpu.memory_space<smem>>
      memref.store %add3A_56, %arg8[%swap3A_58] : memref<5xi32, #tpu.memory_space<smem>>
      %add3A_60 = arith.constant 2 : i32
      %add3A_61 = arith.addi %mul3A_2, %add3A_60 : i32
      %scan3A_62 = arith.constant 0 : i32
      %scan3A_63 = arith.constant 3125 : i32
      %scan3A_64 = arith.constant 0 : i32
      %scan3A_65 = arith.constant 12 : i32
      %scan3A_66 = arith.addi %scan3A_64, %scan3A_65 : i32
      %scan3A_67 = arith.constant 1 : i32
      %scan3A_68:2 = scf.for %scan3A_159 = %scan3A_64 to %scan3A_66 step %scan3A_67 iter_args(%scan3A_160 = %scan3A_62, %scan3A_161 = %scan3A_63) -> (i32, i32)  : i32 {
        %lt3A_162 = arith.cmpi slt, %scan3A_160, %scan3A_161 : i32
        %add3A_163 = arith.addi %scan3A_160, %scan3A_161 : i32
        %jit3A_164 = arith.constant 2 : i32
        %div3A = arith.divsi %add3A_163, %jit3A_164 : i32
        %sign3A = arith.constant 0 : i32
        %sign3A_165 = arith.cmpi sgt, %add3A_163, %sign3A : i32
        %sign3A_166 = arith.extui %sign3A_165 : i1 to i32
        %sign3A_167 = arith.constant 0 : i32
        %sign3A_168 = arith.cmpi slt, %add3A_163, %sign3A_167 : i32
        %sign3A_169 = arith.extui %sign3A_168 : i1 to i32
        %sign3A_170 = arith.subi %sign3A_166, %sign3A_169 : i32
        %sign3A_171 = arith.constant 0 : i32
        %sign3A_172 = arith.cmpi sgt, %jit3A_164, %sign3A_171 : i32
        %sign3A_173 = arith.extui %sign3A_172 : i1 to i32
        %sign3A_174 = arith.constant 0 : i32
        %sign3A_175 = arith.cmpi slt, %jit3A_164, %sign3A_174 : i32
        %sign3A_176 = arith.extui %sign3A_175 : i1 to i32
        %sign3A_177 = arith.subi %sign3A_173, %sign3A_176 : i32
        %ne3A = arith.cmpi ne, %sign3A_170, %sign3A_177 : i32
        %rem3A = arith.remsi %add3A_163, %jit3A_164 : i32
        %ne3A_178 = arith.constant 0 : i32
        %ne3A_179 = arith.cmpi ne, %rem3A, %ne3A_178 : i32
        %and3A = arith.andi %ne3A, %ne3A_179 : i1
        %sub3A = arith.constant 1 : i32
        %sub3A_180 = arith.subi %div3A, %sub3A : i32
        %select_n3A_181 = arith.select %and3A, %sub3A_180, %div3A : i32
        %min3A_182 = arith.constant 3124 : i32
        %min3A_183 = arith.minsi %select_n3A_181, %min3A_182 : i32
        %mul3A_184 = arith.constant 16 : i32
        %mul3A_185 = arith.muli %min3A_183, %mul3A_184 : i32
        %get3A_186 = arith.index_cast %mul3A_185 : i32 to index
        %get3A_187 = tpu.vector_load %run_scoped3A[%get3A_186] {strides = array<i32>} : memref<50000xi32, #tpu.memory_space<vmem>>, vector<16xi32>,
        %reduce_max3A = arith.constant true
        %reduce_max3A_188 = vector.broadcast %reduce_max3A : i1 to vector<16xi1>
        %reduce_max3A_189 = arith.constant -2147483648 : i32
        %reduce_max3A_190 = vector.broadcast %reduce_max3A_189 : i32 to vector<16xi32>
        %reduce_max3A_191 = arith.xori %get3A_187, %reduce_max3A_190 : vector<16xi32>
        %reduce_max3A_192 = tpu.scan <max>, %reduce_max3A_191 masked %reduce_max3A_188 : vector<16xi32>, vector<16xi1> -> vector<16xi32>
        %reduce_max3A_193 = arith.xori %reduce_max3A_192, %reduce_max3A_190 : vector<16xi32>
        %reduce_max3A_194 = vector.extract %reduce_max3A_193[15] : i32 from vector<16xi32>
        %ge3A = arith.cmpi sge, %reduce_max3A_194, %add3A_61 : i32
        %not3A = arith.constant true
        %not3A_195 = arith.xori %ge3A, %not3A : i1
        %and3A_196 = arith.andi %lt3A_162, %not3A_195 : i1
        %add3A_197 = arith.constant 1 : i32
        %add3A_198 = arith.addi %select_n3A_181, %add3A_197 : i32
        %select_n3A_199 = arith.select %and3A_196, %add3A_198, %scan3A_160 : i32
        %and3A_200 = arith.andi %lt3A_162, %ge3A : i1
        %select_n3A_201 = arith.select %and3A_200, %select_n3A_181, %scan3A_161 : i32
        scf.yield %select_n3A_199, %select_n3A_201 : i32, i32
      }
      %scan3A_69 = arith.constant 12 : i32
      %min3A_70 = arith.constant 3124 : i32
      %min3A_71 = arith.minsi %scan3A_68#0, %min3A_70 : i32
      %mul3A_72 = arith.constant 16 : i32
      %mul3A_73 = arith.muli %min3A_71, %mul3A_72 : i32
      %get3A_74 = arith.index_cast %mul3A_73 : i32 to index
      %get3A_75 = tpu.vector_load %run_scoped3A[%get3A_74] {strides = array<i32>} : memref<50000xi32, #tpu.memory_space<vmem>>, vector<16xi32>,
      %lt3A_76 = vector.broadcast %add3A_61 : i32 to vector<16xi32>
      %lt3A_77 = arith.cmpi slt, %get3A_75, %lt3A_76 : vector<16xi32>
      %jit3A_78 = arith.constant 1 : i32
      %jit3A_79 = arith.constant 0 : i32
      %broadcast_in_dim3A_80 = vector.broadcast %jit3A_78 : i32 to vector<16xi32>
      %broadcast_in_dim3A_81 = vector.broadcast %jit3A_79 : i32 to vector<16xi32>
      %select_n3A_82 = arith.select %lt3A_77, %broadcast_in_dim3A_80, %broadcast_in_dim3A_81 : vector<16xi1>, vector<16xi32>
      %reduce_sum3A_83 = arith.constant true
      %reduce_sum3A_84 = vector.broadcast %reduce_sum3A_83 : i1 to vector<16xi1>
      %reduce_sum3A_85 = tpu.scan <sum>, %select_n3A_82 masked %reduce_sum3A_84 : vector<16xi32>, vector<16xi1> -> vector<16xi32>
      %reduce_sum3A_86 = vector.extract %reduce_sum3A_85[15] : i32 from vector<16xi32>
      %mul3A_87 = arith.constant 16 : i32
      %mul3A_88 = arith.muli %min3A_71, %mul3A_87 : i32
      %add3A_89 = arith.addi %mul3A_88, %reduce_sum3A_86 : i32
      %swap3A_90 = arith.constant 2 : i32
      %swap3A_91 = arith.index_cast %swap3A_90 : i32 to index
      %swap3A_92 = memref.load %arg8[%swap3A_91] : memref<5xi32, #tpu.memory_space<smem>>
      memref.store %add3A_89, %arg8[%swap3A_91] : memref<5xi32, #tpu.memory_space<smem>>
      %add3A_93 = arith.constant 3 : i32
      %add3A_94 = arith.addi %mul3A_2, %add3A_93 : i32
      %scan3A_95 = arith.constant 0 : i32
      %scan3A_96 = arith.constant 3125 : i32
      %scan3A_97 = arith.constant 0 : i32
      %scan3A_98 = arith.constant 12 : i32
      %scan3A_99 = arith.addi %scan3A_97, %scan3A_98 : i32
      %scan3A_100 = arith.constant 1 : i32
      %scan3A_101:2 = scf.for %scan3A_159 = %scan3A_97 to %scan3A_99 step %scan3A_100 iter_args(%scan3A_160 = %scan3A_95, %scan3A_161 = %scan3A_96) -> (i32, i32)  : i32 {
        %lt3A_162 = arith.cmpi slt, %scan3A_160, %scan3A_161 : i32
        %add3A_163 = arith.addi %scan3A_160, %scan3A_161 : i32
        %jit3A_164 = arith.constant 2 : i32
        %div3A = arith.divsi %add3A_163, %jit3A_164 : i32
        %sign3A = arith.constant 0 : i32
        %sign3A_165 = arith.cmpi sgt, %add3A_163, %sign3A : i32
        %sign3A_166 = arith.extui %sign3A_165 : i1 to i32
        %sign3A_167 = arith.constant 0 : i32
        %sign3A_168 = arith.cmpi slt, %add3A_163, %sign3A_167 : i32
        %sign3A_169 = arith.extui %sign3A_168 : i1 to i32
        %sign3A_170 = arith.subi %sign3A_166, %sign3A_169 : i32
        %sign3A_171 = arith.constant 0 : i32
        %sign3A_172 = arith.cmpi sgt, %jit3A_164, %sign3A_171 : i32
        %sign3A_173 = arith.extui %sign3A_172 : i1 to i32
        %sign3A_174 = arith.constant 0 : i32
        %sign3A_175 = arith.cmpi slt, %jit3A_164, %sign3A_174 : i32
        %sign3A_176 = arith.extui %sign3A_175 : i1 to i32
        %sign3A_177 = arith.subi %sign3A_173, %sign3A_176 : i32
        %ne3A = arith.cmpi ne, %sign3A_170, %sign3A_177 : i32
        %rem3A = arith.remsi %add3A_163, %jit3A_164 : i32
        %ne3A_178 = arith.constant 0 : i32
        %ne3A_179 = arith.cmpi ne, %rem3A, %ne3A_178 : i32
        %and3A = arith.andi %ne3A, %ne3A_179 : i1
        %sub3A = arith.constant 1 : i32
        %sub3A_180 = arith.subi %div3A, %sub3A : i32
        %select_n3A_181 = arith.select %and3A, %sub3A_180, %div3A : i32
        %min3A_182 = arith.constant 3124 : i32
        %min3A_183 = arith.minsi %select_n3A_181, %min3A_182 : i32
        %mul3A_184 = arith.constant 16 : i32
        %mul3A_185 = arith.muli %min3A_183, %mul3A_184 : i32
        %get3A_186 = arith.index_cast %mul3A_185 : i32 to index
        %get3A_187 = tpu.vector_load %run_scoped3A[%get3A_186] {strides = array<i32>} : memref<50000xi32, #tpu.memory_space<vmem>>, vector<16xi32>,
        %reduce_max3A = arith.constant true
        %reduce_max3A_188 = vector.broadcast %reduce_max3A : i1 to vector<16xi1>
        %reduce_max3A_189 = arith.constant -2147483648 : i32
        %reduce_max3A_190 = vector.broadcast %reduce_max3A_189 : i32 to vector<16xi32>
        %reduce_max3A_191 = arith.xori %get3A_187, %reduce_max3A_190 : vector<16xi32>
        %reduce_max3A_192 = tpu.scan <max>, %reduce_max3A_191 masked %reduce_max3A_188 : vector<16xi32>, vector<16xi1> -> vector<16xi32>
        %reduce_max3A_193 = arith.xori %reduce_max3A_192, %reduce_max3A_190 : vector<16xi32>
        %reduce_max3A_194 = vector.extract %reduce_max3A_193[15] : i32 from vector<16xi32>
        %ge3A = arith.cmpi sge, %reduce_max3A_194, %add3A_94 : i32
        %not3A = arith.constant true
        %not3A_195 = arith.xori %ge3A, %not3A : i1
        %and3A_196 = arith.andi %lt3A_162, %not3A_195 : i1
        %add3A_197 = arith.constant 1 : i32
        %add3A_198 = arith.addi %select_n3A_181, %add3A_197 : i32
        %select_n3A_199 = arith.select %and3A_196, %add3A_198, %scan3A_160 : i32
        %and3A_200 = arith.andi %lt3A_162, %ge3A : i1
        %select_n3A_201 = arith.select %and3A_200, %select_n3A_181, %scan3A_161 : i32
        scf.yield %select_n3A_199, %select_n3A_201 : i32, i32
      }
      %scan3A_102 = arith.constant 12 : i32
      %min3A_103 = arith.constant 3124 : i32
      %min3A_104 = arith.minsi %scan3A_101#0, %min3A_103 : i32
      %mul3A_105 = arith.constant 16 : i32
      %mul3A_106 = arith.muli %min3A_104, %mul3A_105 : i32
      %get3A_107 = arith.index_cast %mul3A_106 : i32 to index
      %get3A_108 = tpu.vector_load %run_scoped3A[%get3A_107] {strides = array<i32>} : memref<50000xi32, #tpu.memory_space<vmem>>, vector<16xi32>,
      %lt3A_109 = vector.broadcast %add3A_94 : i32 to vector<16xi32>
      %lt3A_110 = arith.cmpi slt, %get3A_108, %lt3A_109 : vector<16xi32>
      %jit3A_111 = arith.constant 1 : i32
      %jit3A_112 = arith.constant 0 : i32
      %broadcast_in_dim3A_113 = vector.broadcast %jit3A_111 : i32 to vector<16xi32>
      %broadcast_in_dim3A_114 = vector.broadcast %jit3A_112 : i32 to vector<16xi32>
      %select_n3A_115 = arith.select %lt3A_110, %broadcast_in_dim3A_113, %broadcast_in_dim3A_114 : vector<16xi1>, vector<16xi32>
      %reduce_sum3A_116 = arith.constant true
      %reduce_sum3A_117 = vector.broadcast %reduce_sum3A_116 : i1 to vector<16xi1>
      %reduce_sum3A_118 = tpu.scan <sum>, %select_n3A_115 masked %reduce_sum3A_117 : vector<16xi32>, vector<16xi1> -> vector<16xi32>
      %reduce_sum3A_119 = vector.extract %reduce_sum3A_118[15] : i32 from vector<16xi32>
      %mul3A_120 = arith.constant 16 : i32
      %mul3A_121 = arith.muli %min3A_104, %mul3A_120 : i32
      %add3A_122 = arith.addi %mul3A_121, %reduce_sum3A_119 : i32
      %swap3A_123 = arith.constant 3 : i32
      %swap3A_124 = arith.index_cast %swap3A_123 : i32 to index
      %swap3A_125 = memref.load %arg8[%swap3A_124] : memref<5xi32, #tpu.memory_space<smem>>
      memref.store %add3A_122, %arg8[%swap3A_124] : memref<5xi32, #tpu.memory_space<smem>>
      %add3A_126 = arith.constant 4 : i32
      %add3A_127 = arith.addi %mul3A_2, %add3A_126 : i32
      %scan3A_128 = arith.constant 0 : i32
      %scan3A_129 = arith.constant 3125 : i32
      %scan3A_130 = arith.constant 0 : i32
      %scan3A_131 = arith.constant 12 : i32
      %scan3A_132 = arith.addi %scan3A_130, %scan3A_131 : i32
      %scan3A_133 = arith.constant 1 : i32
      %scan3A_134:2 = scf.for %scan3A_159 = %scan3A_130 to %scan3A_132 step %scan3A_133 iter_args(%scan3A_160 = %scan3A_128, %scan3A_161 = %scan3A_129) -> (i32, i32)  : i32 {
        %lt3A_162 = arith.cmpi slt, %scan3A_160, %scan3A_161 : i32
        %add3A_163 = arith.addi %scan3A_160, %scan3A_161 : i32
        %jit3A_164 = arith.constant 2 : i32
        %div3A = arith.divsi %add3A_163, %jit3A_164 : i32
        %sign3A = arith.constant 0 : i32
        %sign3A_165 = arith.cmpi sgt, %add3A_163, %sign3A : i32
        %sign3A_166 = arith.extui %sign3A_165 : i1 to i32
        %sign3A_167 = arith.constant 0 : i32
        %sign3A_168 = arith.cmpi slt, %add3A_163, %sign3A_167 : i32
        %sign3A_169 = arith.extui %sign3A_168 : i1 to i32
        %sign3A_170 = arith.subi %sign3A_166, %sign3A_169 : i32
        %sign3A_171 = arith.constant 0 : i32
        %sign3A_172 = arith.cmpi sgt, %jit3A_164, %sign3A_171 : i32
        %sign3A_173 = arith.extui %sign3A_172 : i1 to i32
        %sign3A_174 = arith.constant 0 : i32
        %sign3A_175 = arith.cmpi slt, %jit3A_164, %sign3A_174 : i32
        %sign3A_176 = arith.extui %sign3A_175 : i1 to i32
        %sign3A_177 = arith.subi %sign3A_173, %sign3A_176 : i32
        %ne3A = arith.cmpi ne, %sign3A_170, %sign3A_177 : i32
        %rem3A = arith.remsi %add3A_163, %jit3A_164 : i32
        %ne3A_178 = arith.constant 0 : i32
        %ne3A_179 = arith.cmpi ne, %rem3A, %ne3A_178 : i32
        %and3A = arith.andi %ne3A, %ne3A_179 : i1
        %sub3A = arith.constant 1 : i32
        %sub3A_180 = arith.subi %div3A, %sub3A : i32
        %select_n3A_181 = arith.select %and3A, %sub3A_180, %div3A : i32
        %min3A_182 = arith.constant 3124 : i32
        %min3A_183 = arith.minsi %select_n3A_181, %min3A_182 : i32
        %mul3A_184 = arith.constant 16 : i32
        %mul3A_185 = arith.muli %min3A_183, %mul3A_184 : i32
        %get3A_186 = arith.index_cast %mul3A_185 : i32 to index
        %get3A_187 = tpu.vector_load %run_scoped3A[%get3A_186] {strides = array<i32>} : memref<50000xi32, #tpu.memory_space<vmem>>, vector<16xi32>,
        %reduce_max3A = arith.constant true
        %reduce_max3A_188 = vector.broadcast %reduce_max3A : i1 to vector<16xi1>
        %reduce_max3A_189 = arith.constant -2147483648 : i32
        %reduce_max3A_190 = vector.broadcast %reduce_max3A_189 : i32 to vector<16xi32>
        %reduce_max3A_191 = arith.xori %get3A_187, %reduce_max3A_190 : vector<16xi32>
        %reduce_max3A_192 = tpu.scan <max>, %reduce_max3A_191 masked %reduce_max3A_188 : vector<16xi32>, vector<16xi1> -> vector<16xi32>
        %reduce_max3A_193 = arith.xori %reduce_max3A_192, %reduce_max3A_190 : vector<16xi32>
        %reduce_max3A_194 = vector.extract %reduce_max3A_193[15] : i32 from vector<16xi32>
        %ge3A = arith.cmpi sge, %reduce_max3A_194, %add3A_127 : i32
        %not3A = arith.constant true
        %not3A_195 = arith.xori %ge3A, %not3A : i1
        %and3A_196 = arith.andi %lt3A_162, %not3A_195 : i1
        %add3A_197 = arith.constant 1 : i32
        %add3A_198 = arith.addi %select_n3A_181, %add3A_197 : i32
        %select_n3A_199 = arith.select %and3A_196, %add3A_198, %scan3A_160 : i32
        %and3A_200 = arith.andi %lt3A_162, %ge3A : i1
        %select_n3A_201 = arith.select %and3A_200, %select_n3A_181, %scan3A_161 : i32
        scf.yield %select_n3A_199, %select_n3A_201 : i32, i32
      }
      %scan3A_135 = arith.constant 12 : i32
      %min3A_136 = arith.constant 3124 : i32
      %min3A_137 = arith.minsi %scan3A_134#0, %min3A_136 : i32
      %mul3A_138 = arith.constant 16 : i32
      %mul3A_139 = arith.muli %min3A_137, %mul3A_138 : i32
      %get3A_140 = arith.index_cast %mul3A_139 : i32 to index
      %get3A_141 = tpu.vector_load %run_scoped3A[%get3A_140] {strides = array<i32>} : memref<50000xi32, #tpu.memory_space<vmem>>, vector<16xi32>,
      %lt3A_142 = vector.broadcast %add3A_127 : i32 to vector<16xi32>
      %lt3A_143 = arith.cmpi slt, %get3A_141, %lt3A_142 : vector<16xi32>
      %jit3A_144 = arith.constant 1 : i32
      %jit3A_145 = arith.constant 0 : i32
      %broadcast_in_dim3A_146 = vector.broadcast %jit3A_144 : i32 to vector<16xi32>
      %broadcast_in_dim3A_147 = vector.broadcast %jit3A_145 : i32 to vector<16xi32>
      %select_n3A_148 = arith.select %lt3A_143, %broadcast_in_dim3A_146, %broadcast_in_dim3A_147 : vector<16xi1>, vector<16xi32>
      %reduce_sum3A_149 = arith.constant true
      %reduce_sum3A_150 = vector.broadcast %reduce_sum3A_149 : i1 to vector<16xi1>
      %reduce_sum3A_151 = tpu.scan <sum>, %select_n3A_148 masked %reduce_sum3A_150 : vector<16xi32>, vector<16xi1> -> vector<16xi32>
      %reduce_sum3A_152 = vector.extract %reduce_sum3A_151[15] : i32 from vector<16xi32>
      %mul3A_153 = arith.constant 16 : i32
      %mul3A_154 = arith.muli %min3A_137, %mul3A_153 : i32
      %add3A_155 = arith.addi %mul3A_154, %reduce_sum3A_152 : i32
      %swap3A_156 = arith.constant 4 : i32
      %swap3A_157 = arith.index_cast %swap3A_156 : i32 to index
      %swap3A_158 = memref.load %arg8[%swap3A_157] : memref<5xi32, #tpu.memory_space<smem>>
      memref.store %add3A_155, %arg8[%swap3A_157] : memref<5xi32, #tpu.memory_space<smem>>
      tpu.yield
    }) : () -> ()
    "tpu.region"() ({
      %run_scoped3A = memref.alloca() : memref<240x512xf32, #tpu.memory_space<vmem>>
      %scan3A = arith.constant 0 : i32
      %scan3A_3 = arith.constant 0 : i32
      %scan3A_4 = arith.constant 4 : i32
      %scan3A_5 = arith.addi %scan3A_3, %scan3A_4 : i32
      %scan3A_6 = arith.constant 1 : i32
      %scan3A_7 = scf.for %scan3A_9 = %scan3A_3 to %scan3A_5 step %scan3A_6 iter_args(%scan3A_10 = %scan3A) -> (i32)  : i32 {
        %add3A_11 = arith.addi %mul3A_2, %scan3A_9 : i32
        %get3A = arith.index_cast %scan3A_9 : i32 to index
        %get3A_12 = memref.load %arg8[%get3A] : memref<5xi32, #tpu.memory_space<smem>>
        %add3A_13 = arith.constant 1 : i32
        %add3A_14 = arith.addi %scan3A_9, %add3A_13 : i32
        %get3A_15 = arith.index_cast %add3A_14 : i32 to index
        %get3A_16 = memref.load %arg8[%get3A_15] : memref<5xi32, #tpu.memory_space<smem>>
        %sub3A = arith.subi %get3A_16, %get3A_12 : i32
        %broadcast_in_dim3A = arith.constant 0.000000e+00 : f32
        %broadcast_in_dim3A_17 = vector.broadcast %broadcast_in_dim3A : f32 to vector<16xf32>
        %broadcast_in_dim3A_18 = arith.constant 0xFF800000 : f32
        %broadcast_in_dim3A_19 = vector.broadcast %broadcast_in_dim3A_18 : f32 to vector<16xf32>
        %swap3A = arith.constant 0 : index
        %swap3A_20 = tpu.vector_load %arg6[%swap3A] {strides = array<i32>} : memref<512xf32, #tpu.memory_space<vmem>>, vector<16xf32>,
        tpu.vector_store %arg6[%swap3A], %broadcast_in_dim3A_17 {strides = array<i32>} : memref<512xf32, #tpu.memory_space<vmem>>, vector<16xf32>,
        %swap3A_21 = arith.constant 0 : index
        %swap3A_22 = tpu.vector_load %arg7[%swap3A_21] {strides = array<i32>} : memref<512xf32, #tpu.memory_space<vmem>>, vector<16xf32>,
        tpu.vector_store %arg7[%swap3A_21], %broadcast_in_dim3A_19 {strides = array<i32>} : memref<512xf32, #tpu.memory_space<vmem>>, vector<16xf32>,
        %swap3A_23 = arith.constant 16 : index
        %swap3A_24 = tpu.vector_load %arg6[%swap3A_23] {strides = array<i32>} : memref<512xf32, #tpu.memory_space<vmem>>, vector<16xf32>,
        tpu.vector_store %arg6[%swap3A_23], %broadcast_in_dim3A_17 {strides = array<i32>} : memref<512xf32, #tpu.memory_space<vmem>>, vector<16xf32>,
        %swap3A_25 = arith.constant 16 : index
        %swap3A_26 = tpu.vector_load %arg7[%swap3A_25] {strides = array<i32>} : memref<512xf32, #tpu.memory_space<vmem>>, vector<16xf32>,
        tpu.vector_store %arg7[%swap3A_25], %broadcast_in_dim3A_19 {strides = array<i32>} : memref<512xf32, #tpu.memory_space<vmem>>, vector<16xf32>,
        %swap3A_27 = arith.constant 32 : index
        %swap3A_28 = tpu.vector_load %arg6[%swap3A_27] {strides = array<i32>} : memref<512xf32, #tpu.memory_space<vmem>>, vector<16xf32>,
        tpu.vector_store %arg6[%swap3A_27], %broadcast_in_dim3A_17 {strides = array<i32>} : memref<512xf32, #tpu.memory_space<vmem>>, vector<16xf32>,
        %swap3A_29 = arith.constant 32 : index
        %swap3A_30 = tpu.vector_load %arg7[%swap3A_29] {strides = array<i32>} : memref<512xf32, #tpu.memory_space<vmem>>, vector<16xf32>,
        tpu.vector_store %arg7[%swap3A_29], %broadcast_in_dim3A_19 {strides = array<i32>} : memref<512xf32, #tpu.memory_space<vmem>>, vector<16xf32>,
        %swap3A_31 = arith.constant 48 : index
        %swap3A_32 = tpu.vector_load %arg6[%swap3A_31] {strides = array<i32>} : memref<512xf32, #tpu.memory_space<vmem>>, vector<16xf32>,
        tpu.vector_store %arg6[%swap3A_31], %broadcast_in_dim3A_17 {strides = array<i32>} : memref<512xf32, #tpu.memory_space<vmem>>, vector<16xf32>,
        %swap3A_33 = arith.constant 48 : index
        %swap3A_34 = tpu.vector_load %arg7[%swap3A_33] {strides = array<i32>} : memref<512xf32, #tpu.memory_space<vmem>>, vector<16xf32>,
        tpu.vector_store %arg7[%swap3A_33], %broadcast_in_dim3A_19 {strides = array<i32>} : memref<512xf32, #tpu.memory_space<vmem>>, vector<16xf32>,
        %swap3A_35 = arith.constant 64 : index
        %swap3A_36 = tpu.vector_load %arg6[%swap3A_35] {strides = array<i32>} : memref<512xf32, #tpu.memory_space<vmem>>, vector<16xf32>,
        tpu.vector_store %arg6[%swap3A_35], %broadcast_in_dim3A_17 {strides = array<i32>} : memref<512xf32, #tpu.memory_space<vmem>>, vector<16xf32>,
        %swap3A_37 = arith.constant 64 : index
        %swap3A_38 = tpu.vector_load %arg7[%swap3A_37] {strides = array<i32>} : memref<512xf32, #tpu.memory_space<vmem>>, vector<16xf32>,
        tpu.vector_store %arg7[%swap3A_37], %broadcast_in_dim3A_19 {strides = array<i32>} : memref<512xf32, #tpu.memory_space<vmem>>, vector<16xf32>,
        %swap3A_39 = arith.constant 80 : index
        %swap3A_40 = tpu.vector_load %arg6[%swap3A_39] {strides = array<i32>} : memref<512xf32, #tpu.memory_space<vmem>>, vector<16xf32>,
        tpu.vector_store %arg6[%swap3A_39], %broadcast_in_dim3A_17 {strides = array<i32>} : memref<512xf32, #tpu.memory_space<vmem>>, vector<16xf32>,
        %swap3A_41 = arith.constant 80 : index
        %swap3A_42 = tpu.vector_load %arg7[%swap3A_41] {strides = array<i32>} : memref<512xf32, #tpu.memory_space<vmem>>, vector<16xf32>,
        tpu.vector_store %arg7[%swap3A_41], %broadcast_in_dim3A_19 {strides = array<i32>} : memref<512xf32, #tpu.memory_space<vmem>>, vector<16xf32>,
        %swap3A_43 = arith.constant 96 : index
        %swap3A_44 = tpu.vector_load %arg6[%swap3A_43] {strides = array<i32>} : memref<512xf32, #tpu.memory_space<vmem>>, vector<16xf32>,
        tpu.vector_store %arg6[%swap3A_43], %broadcast_in_dim3A_17 {strides = array<i32>} : memref<512xf32, #tpu.memory_space<vmem>>, vector<16xf32>,
        %swap3A_45 = arith.constant 96 : index
        %swap3A_46 = tpu.vector_load %arg7[%swap3A_45] {strides = array<i32>} : memref<512xf32, #tpu.memory_space<vmem>>, vector<16xf32>,
        tpu.vector_store %arg7[%swap3A_45], %broadcast_in_dim3A_19 {strides = array<i32>} : memref<512xf32, #tpu.memory_space<vmem>>, vector<16xf32>,
        %swap3A_47 = arith.constant 112 : index
        %swap3A_48 = tpu.vector_load %arg6[%swap3A_47] {strides = array<i32>} : memref<512xf32, #tpu.memory_space<vmem>>, vector<16xf32>,
        tpu.vector_store %arg6[%swap3A_47], %broadcast_in_dim3A_17 {strides = array<i32>} : memref<512xf32, #tpu.memory_space<vmem>>, vector<16xf32>,
        %swap3A_49 = arith.constant 112 : index
        %swap3A_50 = tpu.vector_load %arg7[%swap3A_49] {strides = array<i32>} : memref<512xf32, #tpu.memory_space<vmem>>, vector<16xf32>,
        tpu.vector_store %arg7[%swap3A_49], %broadcast_in_dim3A_19 {strides = array<i32>} : memref<512xf32, #tpu.memory_space<vmem>>, vector<16xf32>,
        %swap3A_51 = arith.constant 128 : index
        %swap3A_52 = tpu.vector_load %arg6[%swap3A_51] {strides = array<i32>} : memref<512xf32, #tpu.memory_space<vmem>>, vector<16xf32>,
        tpu.vector_store %arg6[%swap3A_51], %broadcast_in_dim3A_17 {strides = array<i32>} : memref<512xf32, #tpu.memory_space<vmem>>, vector<16xf32>,
        %swap3A_53 = arith.constant 128 : index
        %swap3A_54 = tpu.vector_load %arg7[%swap3A_53] {strides = array<i32>} : memref<512xf32, #tpu.memory_space<vmem>>, vector<16xf32>,
        tpu.vector_store %arg7[%swap3A_53], %broadcast_in_dim3A_19 {strides = array<i32>} : memref<512xf32, #tpu.memory_space<vmem>>, vector<16xf32>,
        %swap3A_55 = arith.constant 144 : index
        %swap3A_56 = tpu.vector_load %arg6[%swap3A_55] {strides = array<i32>} : memref<512xf32, #tpu.memory_space<vmem>>, vector<16xf32>,
        tpu.vector_store %arg6[%swap3A_55], %broadcast_in_dim3A_17 {strides = array<i32>} : memref<512xf32, #tpu.memory_space<vmem>>, vector<16xf32>,
        %swap3A_57 = arith.constant 144 : index
        %swap3A_58 = tpu.vector_load %arg7[%swap3A_57] {strides = array<i32>} : memref<512xf32, #tpu.memory_space<vmem>>, vector<16xf32>,
        tpu.vector_store %arg7[%swap3A_57], %broadcast_in_dim3A_19 {strides = array<i32>} : memref<512xf32, #tpu.memory_space<vmem>>, vector<16xf32>,
        %swap3A_59 = arith.constant 160 : index
        %swap3A_60 = tpu.vector_load %arg6[%swap3A_59] {strides = array<i32>} : memref<512xf32, #tpu.memory_space<vmem>>, vector<16xf32>,
        tpu.vector_store %arg6[%swap3A_59], %broadcast_in_dim3A_17 {strides = array<i32>} : memref<512xf32, #tpu.memory_space<vmem>>, vector<16xf32>,
        %swap3A_61 = arith.constant 160 : index
        %swap3A_62 = tpu.vector_load %arg7[%swap3A_61] {strides = array<i32>} : memref<512xf32, #tpu.memory_space<vmem>>, vector<16xf32>,
        tpu.vector_store %arg7[%swap3A_61], %broadcast_in_dim3A_19 {strides = array<i32>} : memref<512xf32, #tpu.memory_space<vmem>>, vector<16xf32>,
        %swap3A_63 = arith.constant 176 : index
        %swap3A_64 = tpu.vector_load %arg6[%swap3A_63] {strides = array<i32>} : memref<512xf32, #tpu.memory_space<vmem>>, vector<16xf32>,
        tpu.vector_store %arg6[%swap3A_63], %broadcast_in_dim3A_17 {strides = array<i32>} : memref<512xf32, #tpu.memory_space<vmem>>, vector<16xf32>,
        %swap3A_65 = arith.constant 176 : index
        %swap3A_66 = tpu.vector_load %arg7[%swap3A_65] {strides = array<i32>} : memref<512xf32, #tpu.memory_space<vmem>>, vector<16xf32>,
        tpu.vector_store %arg7[%swap3A_65], %broadcast_in_dim3A_19 {strides = array<i32>} : memref<512xf32, #tpu.memory_space<vmem>>, vector<16xf32>,
        %swap3A_67 = arith.constant 192 : index
        %swap3A_68 = tpu.vector_load %arg6[%swap3A_67] {strides = array<i32>} : memref<512xf32, #tpu.memory_space<vmem>>, vector<16xf32>,
        tpu.vector_store %arg6[%swap3A_67], %broadcast_in_dim3A_17 {strides = array<i32>} : memref<512xf32, #tpu.memory_space<vmem>>, vector<16xf32>,
        %swap3A_69 = arith.constant 192 : index
        %swap3A_70 = tpu.vector_load %arg7[%swap3A_69] {strides = array<i32>} : memref<512xf32, #tpu.memory_space<vmem>>, vector<16xf32>,
        tpu.vector_store %arg7[%swap3A_69], %broadcast_in_dim3A_19 {strides = array<i32>} : memref<512xf32, #tpu.memory_space<vmem>>, vector<16xf32>,
        %swap3A_71 = arith.constant 208 : index
        %swap3A_72 = tpu.vector_load %arg6[%swap3A_71] {strides = array<i32>} : memref<512xf32, #tpu.memory_space<vmem>>, vector<16xf32>,
        tpu.vector_store %arg6[%swap3A_71], %broadcast_in_dim3A_17 {strides = array<i32>} : memref<512xf32, #tpu.memory_space<vmem>>, vector<16xf32>,
        %swap3A_73 = arith.constant 208 : index
        %swap3A_74 = tpu.vector_load %arg7[%swap3A_73] {strides = array<i32>} : memref<512xf32, #tpu.memory_space<vmem>>, vector<16xf32>,
        tpu.vector_store %arg7[%swap3A_73], %broadcast_in_dim3A_19 {strides = array<i32>} : memref<512xf32, #tpu.memory_space<vmem>>, vector<16xf32>,
        %swap3A_75 = arith.constant 224 : index
        %swap3A_76 = tpu.vector_load %arg6[%swap3A_75] {strides = array<i32>} : memref<512xf32, #tpu.memory_space<vmem>>, vector<16xf32>,
        tpu.vector_store %arg6[%swap3A_75], %broadcast_in_dim3A_17 {strides = array<i32>} : memref<512xf32, #tpu.memory_space<vmem>>, vector<16xf32>,
        %swap3A_77 = arith.constant 224 : index
        %swap3A_78 = tpu.vector_load %arg7[%swap3A_77] {strides = array<i32>} : memref<512xf32, #tpu.memory_space<vmem>>, vector<16xf32>,
        tpu.vector_store %arg7[%swap3A_77], %broadcast_in_dim3A_19 {strides = array<i32>} : memref<512xf32, #tpu.memory_space<vmem>>, vector<16xf32>,
        %swap3A_79 = arith.constant 240 : index
        %swap3A_80 = tpu.vector_load %arg6[%swap3A_79] {strides = array<i32>} : memref<512xf32, #tpu.memory_space<vmem>>, vector<16xf32>,
        tpu.vector_store %arg6[%swap3A_79], %broadcast_in_dim3A_17 {strides = array<i32>} : memref<512xf32, #tpu.memory_space<vmem>>, vector<16xf32>,
        %swap3A_81 = arith.constant 240 : index
        %swap3A_82 = tpu.vector_load %arg7[%swap3A_81] {strides = array<i32>} : memref<512xf32, #tpu.memory_space<vmem>>, vector<16xf32>,
        tpu.vector_store %arg7[%swap3A_81], %broadcast_in_dim3A_19 {strides = array<i32>} : memref<512xf32, #tpu.memory_space<vmem>>, vector<16xf32>,
        %swap3A_83 = arith.constant 256 : index
        %swap3A_84 = tpu.vector_load %arg6[%swap3A_83] {strides = array<i32>} : memref<512xf32, #tpu.memory_space<vmem>>, vector<16xf32>,
        tpu.vector_store %arg6[%swap3A_83], %broadcast_in_dim3A_17 {strides = array<i32>} : memref<512xf32, #tpu.memory_space<vmem>>, vector<16xf32>,
        %swap3A_85 = arith.constant 256 : index
        %swap3A_86 = tpu.vector_load %arg7[%swap3A_85] {strides = array<i32>} : memref<512xf32, #tpu.memory_space<vmem>>, vector<16xf32>,
        tpu.vector_store %arg7[%swap3A_85], %broadcast_in_dim3A_19 {strides = array<i32>} : memref<512xf32, #tpu.memory_space<vmem>>, vector<16xf32>,
        %swap3A_87 = arith.constant 272 : index
        %swap3A_88 = tpu.vector_load %arg6[%swap3A_87] {strides = array<i32>} : memref<512xf32, #tpu.memory_space<vmem>>, vector<16xf32>,
        tpu.vector_store %arg6[%swap3A_87], %broadcast_in_dim3A_17 {strides = array<i32>} : memref<512xf32, #tpu.memory_space<vmem>>, vector<16xf32>,
        %swap3A_89 = arith.constant 272 : index
        %swap3A_90 = tpu.vector_load %arg7[%swap3A_89] {strides = array<i32>} : memref<512xf32, #tpu.memory_space<vmem>>, vector<16xf32>,
        tpu.vector_store %arg7[%swap3A_89], %broadcast_in_dim3A_19 {strides = array<i32>} : memref<512xf32, #tpu.memory_space<vmem>>, vector<16xf32>,
        %swap3A_91 = arith.constant 288 : index
        %swap3A_92 = tpu.vector_load %arg6[%swap3A_91] {strides = array<i32>} : memref<512xf32, #tpu.memory_space<vmem>>, vector<16xf32>,
        tpu.vector_store %arg6[%swap3A_91], %broadcast_in_dim3A_17 {strides = array<i32>} : memref<512xf32, #tpu.memory_space<vmem>>, vector<16xf32>,
        %swap3A_93 = arith.constant 288 : index
        %swap3A_94 = tpu.vector_load %arg7[%swap3A_93] {strides = array<i32>} : memref<512xf32, #tpu.memory_space<vmem>>, vector<16xf32>,
        tpu.vector_store %arg7[%swap3A_93], %broadcast_in_dim3A_19 {strides = array<i32>} : memref<512xf32, #tpu.memory_space<vmem>>, vector<16xf32>,
        %swap3A_95 = arith.constant 304 : index
        %swap3A_96 = tpu.vector_load %arg6[%swap3A_95] {strides = array<i32>} : memref<512xf32, #tpu.memory_space<vmem>>, vector<16xf32>,
        tpu.vector_store %arg6[%swap3A_95], %broadcast_in_dim3A_17 {strides = array<i32>} : memref<512xf32, #tpu.memory_space<vmem>>, vector<16xf32>,
        %swap3A_97 = arith.constant 304 : index
        %swap3A_98 = tpu.vector_load %arg7[%swap3A_97] {strides = array<i32>} : memref<512xf32, #tpu.memory_space<vmem>>, vector<16xf32>,
        tpu.vector_store %arg7[%swap3A_97], %broadcast_in_dim3A_19 {strides = array<i32>} : memref<512xf32, #tpu.memory_space<vmem>>, vector<16xf32>,
        %swap3A_99 = arith.constant 320 : index
        %swap3A_100 = tpu.vector_load %arg6[%swap3A_99] {strides = array<i32>} : memref<512xf32, #tpu.memory_space<vmem>>, vector<16xf32>,
        tpu.vector_store %arg6[%swap3A_99], %broadcast_in_dim3A_17 {strides = array<i32>} : memref<512xf32, #tpu.memory_space<vmem>>, vector<16xf32>,
        %swap3A_101 = arith.constant 320 : index
        %swap3A_102 = tpu.vector_load %arg7[%swap3A_101] {strides = array<i32>} : memref<512xf32, #tpu.memory_space<vmem>>, vector<16xf32>,
        tpu.vector_store %arg7[%swap3A_101], %broadcast_in_dim3A_19 {strides = array<i32>} : memref<512xf32, #tpu.memory_space<vmem>>, vector<16xf32>,
        %swap3A_103 = arith.constant 336 : index
        %swap3A_104 = tpu.vector_load %arg6[%swap3A_103] {strides = array<i32>} : memref<512xf32, #tpu.memory_space<vmem>>, vector<16xf32>,
        tpu.vector_store %arg6[%swap3A_103], %broadcast_in_dim3A_17 {strides = array<i32>} : memref<512xf32, #tpu.memory_space<vmem>>, vector<16xf32>,
        %swap3A_105 = arith.constant 336 : index
        %swap3A_106 = tpu.vector_load %arg7[%swap3A_105] {strides = array<i32>} : memref<512xf32, #tpu.memory_space<vmem>>, vector<16xf32>,
        tpu.vector_store %arg7[%swap3A_105], %broadcast_in_dim3A_19 {strides = array<i32>} : memref<512xf32, #tpu.memory_space<vmem>>, vector<16xf32>,
        %swap3A_107 = arith.constant 352 : index
        %swap3A_108 = tpu.vector_load %arg6[%swap3A_107] {strides = array<i32>} : memref<512xf32, #tpu.memory_space<vmem>>, vector<16xf32>,
        tpu.vector_store %arg6[%swap3A_107], %broadcast_in_dim3A_17 {strides = array<i32>} : memref<512xf32, #tpu.memory_space<vmem>>, vector<16xf32>,
        %swap3A_109 = arith.constant 352 : index
        %swap3A_110 = tpu.vector_load %arg7[%swap3A_109] {strides = array<i32>} : memref<512xf32, #tpu.memory_space<vmem>>, vector<16xf32>,
        tpu.vector_store %arg7[%swap3A_109], %broadcast_in_dim3A_19 {strides = array<i32>} : memref<512xf32, #tpu.memory_space<vmem>>, vector<16xf32>,
        %swap3A_111 = arith.constant 368 : index
        %swap3A_112 = tpu.vector_load %arg6[%swap3A_111] {strides = array<i32>} : memref<512xf32, #tpu.memory_space<vmem>>, vector<16xf32>,
        tpu.vector_store %arg6[%swap3A_111], %broadcast_in_dim3A_17 {strides = array<i32>} : memref<512xf32, #tpu.memory_space<vmem>>, vector<16xf32>,
        %swap3A_113 = arith.constant 368 : index
        %swap3A_114 = tpu.vector_load %arg7[%swap3A_113] {strides = array<i32>} : memref<512xf32, #tpu.memory_space<vmem>>, vector<16xf32>,
        tpu.vector_store %arg7[%swap3A_113], %broadcast_in_dim3A_19 {strides = array<i32>} : memref<512xf32, #tpu.memory_space<vmem>>, vector<16xf32>,
        %swap3A_115 = arith.constant 384 : index
        %swap3A_116 = tpu.vector_load %arg6[%swap3A_115] {strides = array<i32>} : memref<512xf32, #tpu.memory_space<vmem>>, vector<16xf32>,
        tpu.vector_store %arg6[%swap3A_115], %broadcast_in_dim3A_17 {strides = array<i32>} : memref<512xf32, #tpu.memory_space<vmem>>, vector<16xf32>,
        %swap3A_117 = arith.constant 384 : index
        %swap3A_118 = tpu.vector_load %arg7[%swap3A_117] {strides = array<i32>} : memref<512xf32, #tpu.memory_space<vmem>>, vector<16xf32>,
        tpu.vector_store %arg7[%swap3A_117], %broadcast_in_dim3A_19 {strides = array<i32>} : memref<512xf32, #tpu.memory_space<vmem>>, vector<16xf32>,
        %swap3A_119 = arith.constant 400 : index
        %swap3A_120 = tpu.vector_load %arg6[%swap3A_119] {strides = array<i32>} : memref<512xf32, #tpu.memory_space<vmem>>, vector<16xf32>,
        tpu.vector_store %arg6[%swap3A_119], %broadcast_in_dim3A_17 {strides = array<i32>} : memref<512xf32, #tpu.memory_space<vmem>>, vector<16xf32>,
        %swap3A_121 = arith.constant 400 : index
        %swap3A_122 = tpu.vector_load %arg7[%swap3A_121] {strides = array<i32>} : memref<512xf32, #tpu.memory_space<vmem>>, vector<16xf32>,
        tpu.vector_store %arg7[%swap3A_121], %broadcast_in_dim3A_19 {strides = array<i32>} : memref<512xf32, #tpu.memory_space<vmem>>, vector<16xf32>,
        %swap3A_123 = arith.constant 416 : index
        %swap3A_124 = tpu.vector_load %arg6[%swap3A_123] {strides = array<i32>} : memref<512xf32, #tpu.memory_space<vmem>>, vector<16xf32>,
        tpu.vector_store %arg6[%swap3A_123], %broadcast_in_dim3A_17 {strides = array<i32>} : memref<512xf32, #tpu.memory_space<vmem>>, vector<16xf32>,
        %swap3A_125 = arith.constant 416 : index
        %swap3A_126 = tpu.vector_load %arg7[%swap3A_125] {strides = array<i32>} : memref<512xf32, #tpu.memory_space<vmem>>, vector<16xf32>,
        tpu.vector_store %arg7[%swap3A_125], %broadcast_in_dim3A_19 {strides = array<i32>} : memref<512xf32, #tpu.memory_space<vmem>>, vector<16xf32>,
        %swap3A_127 = arith.constant 432 : index
        %swap3A_128 = tpu.vector_load %arg6[%swap3A_127] {strides = array<i32>} : memref<512xf32, #tpu.memory_space<vmem>>, vector<16xf32>,
        tpu.vector_store %arg6[%swap3A_127], %broadcast_in_dim3A_17 {strides = array<i32>} : memref<512xf32, #tpu.memory_space<vmem>>, vector<16xf32>,
        %swap3A_129 = arith.constant 432 : index
        %swap3A_130 = tpu.vector_load %arg7[%swap3A_129] {strides = array<i32>} : memref<512xf32, #tpu.memory_space<vmem>>, vector<16xf32>,
        tpu.vector_store %arg7[%swap3A_129], %broadcast_in_dim3A_19 {strides = array<i32>} : memref<512xf32, #tpu.memory_space<vmem>>, vector<16xf32>,
        %swap3A_131 = arith.constant 448 : index
        %swap3A_132 = tpu.vector_load %arg6[%swap3A_131] {strides = array<i32>} : memref<512xf32, #tpu.memory_space<vmem>>, vector<16xf32>,
        tpu.vector_store %arg6[%swap3A_131], %broadcast_in_dim3A_17 {strides = array<i32>} : memref<512xf32, #tpu.memory_space<vmem>>, vector<16xf32>,
        %swap3A_133 = arith.constant 448 : index
        %swap3A_134 = tpu.vector_load %arg7[%swap3A_133] {strides = array<i32>} : memref<512xf32, #tpu.memory_space<vmem>>, vector<16xf32>,
        tpu.vector_store %arg7[%swap3A_133], %broadcast_in_dim3A_19 {strides = array<i32>} : memref<512xf32, #tpu.memory_space<vmem>>, vector<16xf32>,
        %swap3A_135 = arith.constant 464 : index
        %swap3A_136 = tpu.vector_load %arg6[%swap3A_135] {strides = array<i32>} : memref<512xf32, #tpu.memory_space<vmem>>, vector<16xf32>,
        tpu.vector_store %arg6[%swap3A_135], %broadcast_in_dim3A_17 {strides = array<i32>} : memref<512xf32, #tpu.memory_space<vmem>>, vector<16xf32>,
        %swap3A_137 = arith.constant 464 : index
        %swap3A_138 = tpu.vector_load %arg7[%swap3A_137] {strides = array<i32>} : memref<512xf32, #tpu.memory_space<vmem>>, vector<16xf32>,
        tpu.vector_store %arg7[%swap3A_137], %broadcast_in_dim3A_19 {strides = array<i32>} : memref<512xf32, #tpu.memory_space<vmem>>, vector<16xf32>,
        %swap3A_139 = arith.constant 480 : index
        %swap3A_140 = tpu.vector_load %arg6[%swap3A_139] {strides = array<i32>} : memref<512xf32, #tpu.memory_space<vmem>>, vector<16xf32>,
        tpu.vector_store %arg6[%swap3A_139], %broadcast_in_dim3A_17 {strides = array<i32>} : memref<512xf32, #tpu.memory_space<vmem>>, vector<16xf32>,
        %swap3A_141 = arith.constant 480 : index
        %swap3A_142 = tpu.vector_load %arg7[%swap3A_141] {strides = array<i32>} : memref<512xf32, #tpu.memory_space<vmem>>, vector<16xf32>,
        tpu.vector_store %arg7[%swap3A_141], %broadcast_in_dim3A_19 {strides = array<i32>} : memref<512xf32, #tpu.memory_space<vmem>>, vector<16xf32>,
        %swap3A_143 = arith.constant 496 : index
        %swap3A_144 = tpu.vector_load %arg6[%swap3A_143] {strides = array<i32>} : memref<512xf32, #tpu.memory_space<vmem>>, vector<16xf32>,
        tpu.vector_store %arg6[%swap3A_143], %broadcast_in_dim3A_17 {strides = array<i32>} : memref<512xf32, #tpu.memory_space<vmem>>, vector<16xf32>,
        %swap3A_145 = arith.constant 496 : index
        %swap3A_146 = tpu.vector_load %arg7[%swap3A_145] {strides = array<i32>} : memref<512xf32, #tpu.memory_space<vmem>>, vector<16xf32>,
        tpu.vector_store %arg7[%swap3A_145], %broadcast_in_dim3A_19 {strides = array<i32>} : memref<512xf32, #tpu.memory_space<vmem>>, vector<16xf32>,
        %jit3A = arith.constant 8 : i32
        %div3A = arith.divsi %get3A_12, %jit3A : i32
        %sign3A = arith.constant 0 : i32
        %sign3A_147 = arith.cmpi sgt, %get3A_12, %sign3A : i32
        %sign3A_148 = arith.extui %sign3A_147 : i1 to i32
        %sign3A_149 = arith.constant 0 : i32
        %sign3A_150 = arith.cmpi slt, %get3A_12, %sign3A_149 : i32
        %sign3A_151 = arith.extui %sign3A_150 : i1 to i32
        %sign3A_152 = arith.subi %sign3A_148, %sign3A_151 : i32
        %sign3A_153 = arith.constant 0 : i32
        %sign3A_154 = arith.cmpi sgt, %jit3A, %sign3A_153 : i32
        %sign3A_155 = arith.extui %sign3A_154 : i1 to i32
        %sign3A_156 = arith.constant 0 : i32
        %sign3A_157 = arith.cmpi slt, %jit3A, %sign3A_156 : i32
        %sign3A_158 = arith.extui %sign3A_157 : i1 to i32
        %sign3A_159 = arith.subi %sign3A_155, %sign3A_158 : i32
        %ne3A = arith.cmpi ne, %sign3A_152, %sign3A_159 : i32
        %rem3A = arith.remsi %get3A_12, %jit3A : i32
        %ne3A_160 = arith.constant 0 : i32
        %ne3A_161 = arith.cmpi ne, %rem3A, %ne3A_160 : i32
        %and3A = arith.andi %ne3A, %ne3A_161 : i1
        %sub3A_162 = arith.constant 1 : i32
        %sub3A_163 = arith.subi %div3A, %sub3A_162 : i32
        %select_n3A = arith.select %and3A, %sub3A_163, %div3A : i32
        %mul3A_164 = arith.constant 8 : i32
        %mul3A_165 = arith.muli %select_n3A, %mul3A_164 : i32
        %sub3A_166 = arith.subi %get3A_16, %mul3A_165 : i32
        %add3A_167 = arith.constant 80 : i32
        %add3A_168 = arith.addi %sub3A_166, %add3A_167 : i32
        %sub3A_169 = arith.constant 1 : i32
        %sub3A_170 = arith.subi %add3A_168, %sub3A_169 : i32
        %jit3A_171 = arith.constant 80 : i32
        %div3A_172 = arith.divsi %sub3A_170, %jit3A_171 : i32
        %sign3A_173 = arith.constant 0 : i32
        %sign3A_174 = arith.cmpi sgt, %sub3A_170, %sign3A_173 : i32
        %sign3A_175 = arith.extui %sign3A_174 : i1 to i32
        %sign3A_176 = arith.constant 0 : i32
        %sign3A_177 = arith.cmpi slt, %sub3A_170, %sign3A_176 : i32
        %sign3A_178 = arith.extui %sign3A_177 : i1 to i32
        %sign3A_179 = arith.subi %sign3A_175, %sign3A_178 : i32
        %sign3A_180 = arith.constant 0 : i32
        %sign3A_181 = arith.cmpi sgt, %jit3A_171, %sign3A_180 : i32
        %sign3A_182 = arith.extui %sign3A_181 : i1 to i32
        %sign3A_183 = arith.constant 0 : i32
        %sign3A_184 = arith.cmpi slt, %jit3A_171, %sign3A_183 : i32
        %sign3A_185 = arith.extui %sign3A_184 : i1 to i32
        %sign3A_186 = arith.subi %sign3A_182, %sign3A_185 : i32
        %ne3A_187 = arith.cmpi ne, %sign3A_179, %sign3A_186 : i32
        %rem3A_188 = arith.remsi %sub3A_170, %jit3A_171 : i32
        %ne3A_189 = arith.constant 0 : i32
        %ne3A_190 = arith.cmpi ne, %rem3A_188, %ne3A_189 : i32
        %and3A_191 = arith.andi %ne3A_187, %ne3A_190 : i1
        %sub3A_192 = arith.constant 1 : i32
        %sub3A_193 = arith.subi %div3A_172, %sub3A_192 : i32
        %select_n3A_194 = arith.select %and3A_191, %sub3A_193, %div3A_172 : i32
        %gt3A = arith.constant 0 : i32
        %gt3A_195 = arith.cmpi sgt, %select_n3A_194, %gt3A : i32
        %convert_element_type3A = arith.extui %gt3A_195 : i1 to i32
        %cond3A = arith.constant 0 : i32
        %cond3A_196 = arith.cmpi ne, %convert_element_type3A, %cond3A : i32
        scf.if %cond3A_196 {
          %add3A_384 = arith.constant 0 : i32
          %add3A_385 = arith.addi %mul3A_165, %add3A_384 : i32
          %min3A = arith.constant 49920 : i32
          %min3A_386 = arith.minsi %add3A_385, %min3A : i32
          %dma_start3A = arith.constant 0 : i32
          %dma_start3A_387 = arith.constant 0 : i32
          %dma_start3A_388 = tpu.memref_slice %run_scoped3A[%dma_start3A, %dma_start3A_387] : memref<240x512xf32, #tpu.memory_space<vmem>> -> memref<80x512xf32, #tpu.memory_space<vmem>>
          %dma_start3A_389 = arith.constant 0 : i32
          %dma_start3A_390 = tpu.memref_slice %arg2[%min3A_386, %dma_start3A_389] : memref<50000x512xf32, #tpu.memory_space<hbm>> -> memref<80x512xf32, #tpu.memory_space<hbm>>
          %dma_start3A_391 = arith.constant 0 : i32
          %dma_start3A_392 = arith.constant 0 : i32
          %dma_start3A_393 = tpu.memref_slice %run_scoped3A[%dma_start3A_391, %dma_start3A_392] : memref<240x512xf32, #tpu.memory_space<vmem>> -> memref<80x512xf32, #tpu.memory_space<vmem>>
          %dma_start3A_394 = arith.constant 0 : i32
          %dma_start3A_395 = tpu.memref_slice %arg2[%min3A_386, %dma_start3A_394] : memref<50000x512xf32, #tpu.memory_space<hbm>> -> memref<80x512xf32, #tpu.memory_space<hbm>>
          tpu.enqueue_dma source(%dma_start3A_395 : memref<80x512xf32, #tpu.memory_space<hbm>>) target(%dma_start3A_393 : memref<80x512xf32, #tpu.memory_space<vmem>>) target_semaphore(%arg9 : memref<!tpu.dma_semaphore, #tpu.memory_space<semaphore_mem>>)
        } else {
        }
        %gt3A_197 = arith.constant 1 : i32
        %gt3A_198 = arith.cmpi sgt, %select_n3A_194, %gt3A_197 : i32
        %convert_element_type3A_199 = arith.extui %gt3A_198 : i1 to i32
        %cond3A_200 = arith.constant 0 : i32
        %cond3A_201 = arith.cmpi ne, %convert_element_type3A_199, %cond3A_200 : i32
        scf.if %cond3A_201 {
          %add3A_384 = arith.constant 80 : i32
          %add3A_385 = arith.addi %mul3A_165, %add3A_384 : i32
          %min3A = arith.constant 49920 : i32
          %min3A_386 = arith.minsi %add3A_385, %min3A : i32
          %dma_start3A = arith.constant 80 : i32
          %dma_start3A_387 = arith.constant 0 : i32
          %dma_start3A_388 = tpu.memref_slice %run_scoped3A[%dma_start3A, %dma_start3A_387] : memref<240x512xf32, #tpu.memory_space<vmem>> -> memref<80x512xf32, #tpu.memory_space<vmem>>
          %dma_start3A_389 = arith.constant 0 : i32
          %dma_start3A_390 = tpu.memref_slice %arg2[%min3A_386, %dma_start3A_389] : memref<50000x512xf32, #tpu.memory_space<hbm>> -> memref<80x512xf32, #tpu.memory_space<hbm>>
          %dma_start3A_391 = arith.constant 80 : i32
          %dma_start3A_392 = arith.constant 0 : i32
          %dma_start3A_393 = tpu.memref_slice %run_scoped3A[%dma_start3A_391, %dma_start3A_392] : memref<240x512xf32, #tpu.memory_space<vmem>> -> memref<80x512xf32, #tpu.memory_space<vmem>>
          %dma_start3A_394 = arith.constant 0 : i32
          %dma_start3A_395 = tpu.memref_slice %arg2[%min3A_386, %dma_start3A_394] : memref<50000x512xf32, #tpu.memory_space<hbm>> -> memref<80x512xf32, #tpu.memory_space<hbm>>
          tpu.enqueue_dma source(%dma_start3A_395 : memref<80x512xf32, #tpu.memory_space<hbm>>) target(%dma_start3A_393 : memref<80x512xf32, #tpu.memory_space<vmem>>) target_semaphore(%arg10 : memref<!tpu.dma_semaphore, #tpu.memory_space<semaphore_mem>>)
        } else {
        }
        %while3A = arith.constant 0 : i32
        %while3A_202 = arith.constant 0 : i32
        %while3A_203 = arith.subi %select_n3A_194, %while3A : i32
        %while3A_204 = arith.addi %while3A, %while3A_203 : i32
        %while3A_205 = arith.constant 1 : i32
        %while3A_206 = arith.divsi %while3A_203, %while3A_205 : i32
        %while3A_207 = arith.muli %while3A_206, %while3A_205 : i32
        %while3A_208 = arith.addi %while3A, %while3A_207 : i32
        %while3A_209 = arith.constant 1 : i32
        %while3A_210 = scf.for %while3A_384 = %while3A to %while3A_208 step %while3A_209 iter_args(%while3A_385 = %while3A_202) -> (i32)  : i32 {
          %jit3A_386 = arith.constant 3 : i32
          %eq3A = arith.constant 0 : i32
          %eq3A_387 = arith.cmpi eq, %jit3A_386, %eq3A : i32
          %jit3A_388 = arith.constant 1 : i32
          %select_n3A_389 = arith.select %eq3A_387, %jit3A_388, %jit3A_386 : i32
          %rem3A_390 = arith.remsi %while3A_384, %select_n3A_389 : i32
          %ne3A_391 = arith.constant 0 : i32
          %ne3A_392 = arith.cmpi ne, %rem3A_390, %ne3A_391 : i32
          %lt3A = arith.constant 0 : i32
          %lt3A_393 = arith.cmpi slt, %rem3A_390, %lt3A : i32
          %lt3A_394 = arith.constant 0 : i32
          %lt3A_395 = arith.cmpi slt, %select_n3A_389, %lt3A_394 : i32
          %ne3A_396 = arith.xori %lt3A_393, %lt3A_395 : i1
          %and3A_397 = arith.andi %ne3A_396, %ne3A_392 : i1
          %add3A_398 = arith.addi %rem3A_390, %select_n3A_389 : i32
          %select_n3A_399 = arith.select %and3A_397, %add3A_398, %rem3A_390 : i32
          %eq3A_400 = arith.constant 0 : i32
          %eq3A_401 = arith.cmpi eq, %select_n3A_399, %eq3A_400 : i32
          %convert_element_type3A_402 = arith.extui %eq3A_401 : i1 to i32
          %cond3A_403 = arith.constant 0 : i32
          %cond3A_404 = arith.cmpi ne, %convert_element_type3A_402, %cond3A_403 : i32
          scf.if %cond3A_404 {
            %mul3A_857 = arith.constant 80 : i32
            %mul3A_858 = arith.muli %while3A_384, %mul3A_857 : i32
            %add3A_859 = arith.addi %mul3A_165, %mul3A_858 : i32
            %min3A_860 = arith.constant 49920 : i32
            %min3A_861 = arith.minsi %add3A_859, %min3A_860 : i32
            %dma_wait3A = arith.constant 0 : i32
            %dma_wait3A_862 = arith.constant 0 : i32
            %dma_wait3A_863 = tpu.memref_slice %run_scoped3A[%dma_wait3A, %dma_wait3A_862] : memref<240x512xf32, #tpu.memory_space<vmem>> -> memref<80x512xf32, #tpu.memory_space<vmem>>
            %dma_wait3A_864 = arith.constant 0 : i32
            %dma_wait3A_865 = tpu.memref_slice %arg2[%min3A_861, %dma_wait3A_864] : memref<50000x512xf32, #tpu.memory_space<hbm>> -> memref<80x512xf32, #tpu.memory_space<hbm>>
            %dma_wait3A_866 = arith.constant 0 : i32
            %dma_wait3A_867 = arith.constant 0 : i32
            %dma_wait3A_868 = tpu.memref_slice %run_scoped3A[%dma_wait3A_866, %dma_wait3A_867] : memref<240x512xf32, #tpu.memory_space<vmem>> -> memref<80x512xf32, #tpu.memory_space<vmem>>
            %dma_wait3A_869 = arith.constant 0 : i32
            %dma_wait3A_870 = tpu.memref_slice %arg2[%min3A_861, %dma_wait3A_869] : memref<50000x512xf32, #tpu.memory_space<hbm>> -> memref<80x512xf32, #tpu.memory_space<hbm>>
            tpu.wait_dma2 semaphore(%arg9 : memref<!tpu.dma_semaphore, #tpu.memory_space<semaphore_mem>>) src(%dma_wait3A_870 : memref<80x512xf32, #tpu.memory_space<hbm>>) dst(%dma_wait3A_868 : memref<80x512xf32, #tpu.memory_space<vmem>>)
          } else {
          }
          %eq3A_405 = arith.constant 1 : i32
          %eq3A_406 = arith.cmpi eq, %select_n3A_399, %eq3A_405 : i32
          %convert_element_type3A_407 = arith.extui %eq3A_406 : i1 to i32
          %cond3A_408 = arith.constant 0 : i32
          %cond3A_409 = arith.cmpi ne, %convert_element_type3A_407, %cond3A_408 : i32
          scf.if %cond3A_409 {
            %mul3A_857 = arith.constant 80 : i32
            %mul3A_858 = arith.muli %while3A_384, %mul3A_857 : i32
            %add3A_859 = arith.addi %mul3A_165, %mul3A_858 : i32
            %min3A_860 = arith.constant 49920 : i32
            %min3A_861 = arith.minsi %add3A_859, %min3A_860 : i32
            %dma_wait3A = arith.constant 80 : i32
            %dma_wait3A_862 = arith.constant 0 : i32
            %dma_wait3A_863 = tpu.memref_slice %run_scoped3A[%dma_wait3A, %dma_wait3A_862] : memref<240x512xf32, #tpu.memory_space<vmem>> -> memref<80x512xf32, #tpu.memory_space<vmem>>
            %dma_wait3A_864 = arith.constant 0 : i32
            %dma_wait3A_865 = tpu.memref_slice %arg2[%min3A_861, %dma_wait3A_864] : memref<50000x512xf32, #tpu.memory_space<hbm>> -> memref<80x512xf32, #tpu.memory_space<hbm>>
            %dma_wait3A_866 = arith.constant 80 : i32
            %dma_wait3A_867 = arith.constant 0 : i32
            %dma_wait3A_868 = tpu.memref_slice %run_scoped3A[%dma_wait3A_866, %dma_wait3A_867] : memref<240x512xf32, #tpu.memory_space<vmem>> -> memref<80x512xf32, #tpu.memory_space<vmem>>
            %dma_wait3A_869 = arith.constant 0 : i32
            %dma_wait3A_870 = tpu.memref_slice %arg2[%min3A_861, %dma_wait3A_869] : memref<50000x512xf32, #tpu.memory_space<hbm>> -> memref<80x512xf32, #tpu.memory_space<hbm>>
            tpu.wait_dma2 semaphore(%arg10 : memref<!tpu.dma_semaphore, #tpu.memory_space<semaphore_mem>>) src(%dma_wait3A_870 : memref<80x512xf32, #tpu.memory_space<hbm>>) dst(%dma_wait3A_868 : memref<80x512xf32, #tpu.memory_space<vmem>>)
          } else {
          }
          %eq3A_410 = arith.constant 2 : i32
          %eq3A_411 = arith.cmpi eq, %select_n3A_399, %eq3A_410 : i32
          %convert_element_type3A_412 = arith.extui %eq3A_411 : i1 to i32
          %cond3A_413 = arith.constant 0 : i32
          %cond3A_414 = arith.cmpi ne, %convert_element_type3A_412, %cond3A_413 : i32
          scf.if %cond3A_414 {
            %mul3A_857 = arith.constant 80 : i32
            %mul3A_858 = arith.muli %while3A_384, %mul3A_857 : i32
            %add3A_859 = arith.addi %mul3A_165, %mul3A_858 : i32
            %min3A_860 = arith.constant 49920 : i32
            %min3A_861 = arith.minsi %add3A_859, %min3A_860 : i32
            %dma_wait3A = arith.constant 160 : i32
            %dma_wait3A_862 = arith.constant 0 : i32
            %dma_wait3A_863 = tpu.memref_slice %run_scoped3A[%dma_wait3A, %dma_wait3A_862] : memref<240x512xf32, #tpu.memory_space<vmem>> -> memref<80x512xf32, #tpu.memory_space<vmem>>
            %dma_wait3A_864 = arith.constant 0 : i32
            %dma_wait3A_865 = tpu.memref_slice %arg2[%min3A_861, %dma_wait3A_864] : memref<50000x512xf32, #tpu.memory_space<hbm>> -> memref<80x512xf32, #tpu.memory_space<hbm>>
            %dma_wait3A_866 = arith.constant 160 : i32
            %dma_wait3A_867 = arith.constant 0 : i32
            %dma_wait3A_868 = tpu.memref_slice %run_scoped3A[%dma_wait3A_866, %dma_wait3A_867] : memref<240x512xf32, #tpu.memory_space<vmem>> -> memref<80x512xf32, #tpu.memory_space<vmem>>
            %dma_wait3A_869 = arith.constant 0 : i32
            %dma_wait3A_870 = tpu.memref_slice %arg2[%min3A_861, %dma_wait3A_869] : memref<50000x512xf32, #tpu.memory_space<hbm>> -> memref<80x512xf32, #tpu.memory_space<hbm>>
            tpu.wait_dma2 semaphore(%arg11 : memref<!tpu.dma_semaphore, #tpu.memory_space<semaphore_mem>>) src(%dma_wait3A_870 : memref<80x512xf32, #tpu.memory_space<hbm>>) dst(%dma_wait3A_868 : memref<80x512xf32, #tpu.memory_space<vmem>>)
          } else {
          }
          %add3A_415 = arith.constant 3 : i32
          %add3A_416 = arith.addi %while3A_384, %add3A_415 : i32
          %sub3A_417 = arith.constant 1 : i32
          %sub3A_418 = arith.subi %add3A_416, %sub3A_417 : i32
          %lt3A_419 = arith.cmpi slt, %sub3A_418, %select_n3A_194 : i32
          %jit3A_420 = arith.constant 3 : i32
          %eq3A_421 = arith.constant 0 : i32
          %eq3A_422 = arith.cmpi eq, %jit3A_420, %eq3A_421 : i32
          %jit3A_423 = arith.constant 1 : i32
          %select_n3A_424 = arith.select %eq3A_422, %jit3A_423, %jit3A_420 : i32
          %rem3A_425 = arith.remsi %sub3A_418, %select_n3A_424 : i32
          %ne3A_426 = arith.constant 0 : i32
          %ne3A_427 = arith.cmpi ne, %rem3A_425, %ne3A_426 : i32
          %lt3A_428 = arith.constant 0 : i32
          %lt3A_429 = arith.cmpi slt, %rem3A_425, %lt3A_428 : i32
          %lt3A_430 = arith.constant 0 : i32
          %lt3A_431 = arith.cmpi slt, %select_n3A_424, %lt3A_430 : i32
          %ne3A_432 = arith.xori %lt3A_429, %lt3A_431 : i1
          %and3A_433 = arith.andi %ne3A_432, %ne3A_427 : i1
          %add3A_434 = arith.addi %rem3A_425, %select_n3A_424 : i32
          %select_n3A_435 = arith.select %and3A_433, %add3A_434, %rem3A_425 : i32
          %eq3A_436 = arith.constant 0 : i32
          %eq3A_437 = arith.cmpi eq, %select_n3A_435, %eq3A_436 : i32
          %and3A_438 = arith.andi %lt3A_419, %eq3A_437 : i1
          %convert_element_type3A_439 = arith.extui %and3A_438 : i1 to i32
          %cond3A_440 = arith.constant 0 : i32
          %cond3A_441 = arith.cmpi ne, %convert_element_type3A_439, %cond3A_440 : i32
          scf.if %cond3A_441 {
            %mul3A_857 = arith.constant 80 : i32
            %mul3A_858 = arith.muli %sub3A_418, %mul3A_857 : i32
            %add3A_859 = arith.addi %mul3A_165, %mul3A_858 : i32
            %min3A_860 = arith.constant 49920 : i32
            %min3A_861 = arith.minsi %add3A_859, %min3A_860 : i32
            %dma_start3A = arith.constant 0 : i32
            %dma_start3A_862 = arith.constant 0 : i32
            %dma_start3A_863 = tpu.memref_slice %run_scoped3A[%dma_start3A, %dma_start3A_862] : memref<240x512xf32, #tpu.memory_space<vmem>> -> memref<80x512xf32, #tpu.memory_space<vmem>>
            %dma_start3A_864 = arith.constant 0 : i32
            %dma_start3A_865 = tpu.memref_slice %arg2[%min3A_861, %dma_start3A_864] : memref<50000x512xf32, #tpu.memory_space<hbm>> -> memref<80x512xf32, #tpu.memory_space<hbm>>
            %dma_start3A_866 = arith.constant 0 : i32
            %dma_start3A_867 = arith.constant 0 : i32
            %dma_start3A_868 = tpu.memref_slice %run_scoped3A[%dma_start3A_866, %dma_start3A_867] : memref<240x512xf32, #tpu.memory_space<vmem>> -> memref<80x512xf32, #tpu.memory_space<vmem>>
            %dma_start3A_869 = arith.constant 0 : i32
            %dma_start3A_870 = tpu.memref_slice %arg2[%min3A_861, %dma_start3A_869] : memref<50000x512xf32, #tpu.memory_space<hbm>> -> memref<80x512xf32, #tpu.memory_space<hbm>>
            tpu.enqueue_dma source(%dma_start3A_870 : memref<80x512xf32, #tpu.memory_space<hbm>>) target(%dma_start3A_868 : memref<80x512xf32, #tpu.memory_space<vmem>>) target_semaphore(%arg9 : memref<!tpu.dma_semaphore, #tpu.memory_space<semaphore_mem>>)
          } else {
          }
          %lt3A_442 = arith.cmpi slt, %sub3A_418, %select_n3A_194 : i32
          %jit3A_443 = arith.constant 3 : i32
          %eq3A_444 = arith.constant 0 : i32
          %eq3A_445 = arith.cmpi eq, %jit3A_443, %eq3A_444 : i32
          %jit3A_446 = arith.constant 1 : i32
          %select_n3A_447 = arith.select %eq3A_445, %jit3A_446, %jit3A_443 : i32
          %rem3A_448 = arith.remsi %sub3A_418, %select_n3A_447 : i32
          %ne3A_449 = arith.constant 0 : i32
          %ne3A_450 = arith.cmpi ne, %rem3A_448, %ne3A_449 : i32
          %lt3A_451 = arith.constant 0 : i32
          %lt3A_452 = arith.cmpi slt, %rem3A_448, %lt3A_451 : i32
          %lt3A_453 = arith.constant 0 : i32
          %lt3A_454 = arith.cmpi slt, %select_n3A_447, %lt3A_453 : i32
          %ne3A_455 = arith.xori %lt3A_452, %lt3A_454 : i1
          %and3A_456 = arith.andi %ne3A_455, %ne3A_450 : i1
          %add3A_457 = arith.addi %rem3A_448, %select_n3A_447 : i32
          %select_n3A_458 = arith.select %and3A_456, %add3A_457, %rem3A_448 : i32
          %eq3A_459 = arith.constant 1 : i32
          %eq3A_460 = arith.cmpi eq, %select_n3A_458, %eq3A_459 : i32
          %and3A_461 = arith.andi %lt3A_442, %eq3A_460 : i1
          %convert_element_type3A_462 = arith.extui %and3A_461 : i1 to i32
          %cond3A_463 = arith.constant 0 : i32
          %cond3A_464 = arith.cmpi ne, %convert_element_type3A_462, %cond3A_463 : i32
          scf.if %cond3A_464 {
            %mul3A_857 = arith.constant 80 : i32
            %mul3A_858 = arith.muli %sub3A_418, %mul3A_857 : i32
            %add3A_859 = arith.addi %mul3A_165, %mul3A_858 : i32
            %min3A_860 = arith.constant 49920 : i32
            %min3A_861 = arith.minsi %add3A_859, %min3A_860 : i32
            %dma_start3A = arith.constant 80 : i32
            %dma_start3A_862 = arith.constant 0 : i32
            %dma_start3A_863 = tpu.memref_slice %run_scoped3A[%dma_start3A, %dma_start3A_862] : memref<240x512xf32, #tpu.memory_space<vmem>> -> memref<80x512xf32, #tpu.memory_space<vmem>>
            %dma_start3A_864 = arith.constant 0 : i32
            %dma_start3A_865 = tpu.memref_slice %arg2[%min3A_861, %dma_start3A_864] : memref<50000x512xf32, #tpu.memory_space<hbm>> -> memref<80x512xf32, #tpu.memory_space<hbm>>
            %dma_start3A_866 = arith.constant 80 : i32
            %dma_start3A_867 = arith.constant 0 : i32
            %dma_start3A_868 = tpu.memref_slice %run_scoped3A[%dma_start3A_866, %dma_start3A_867] : memref<240x512xf32, #tpu.memory_space<vmem>> -> memref<80x512xf32, #tpu.memory_space<vmem>>
            %dma_start3A_869 = arith.constant 0 : i32
            %dma_start3A_870 = tpu.memref_slice %arg2[%min3A_861, %dma_start3A_869] : memref<50000x512xf32, #tpu.memory_space<hbm>> -> memref<80x512xf32, #tpu.memory_space<hbm>>
            tpu.enqueue_dma source(%dma_start3A_870 : memref<80x512xf32, #tpu.memory_space<hbm>>) target(%dma_start3A_868 : memref<80x512xf32, #tpu.memory_space<vmem>>) target_semaphore(%arg10 : memref<!tpu.dma_semaphore, #tpu.memory_space<semaphore_mem>>)
          } else {
          }
          %lt3A_465 = arith.cmpi slt, %sub3A_418, %select_n3A_194 : i32
          %jit3A_466 = arith.constant 3 : i32
          %eq3A_467 = arith.constant 0 : i32
          %eq3A_468 = arith.cmpi eq, %jit3A_466, %eq3A_467 : i32
          %jit3A_469 = arith.constant 1 : i32
          %select_n3A_470 = arith.select %eq3A_468, %jit3A_469, %jit3A_466 : i32
          %rem3A_471 = arith.remsi %sub3A_418, %select_n3A_470 : i32
          %ne3A_472 = arith.constant 0 : i32
          %ne3A_473 = arith.cmpi ne, %rem3A_471, %ne3A_472 : i32
          %lt3A_474 = arith.constant 0 : i32
          %lt3A_475 = arith.cmpi slt, %rem3A_471, %lt3A_474 : i32
          %lt3A_476 = arith.constant 0 : i32
          %lt3A_477 = arith.cmpi slt, %select_n3A_470, %lt3A_476 : i32
          %ne3A_478 = arith.xori %lt3A_475, %lt3A_477 : i1
          %and3A_479 = arith.andi %ne3A_478, %ne3A_473 : i1
          %add3A_480 = arith.addi %rem3A_471, %select_n3A_470 : i32
          %select_n3A_481 = arith.select %and3A_479, %add3A_480, %rem3A_471 : i32
          %eq3A_482 = arith.constant 2 : i32
          %eq3A_483 = arith.cmpi eq, %select_n3A_481, %eq3A_482 : i32
          %and3A_484 = arith.andi %lt3A_465, %eq3A_483 : i1
          %convert_element_type3A_485 = arith.extui %and3A_484 : i1 to i32
          %cond3A_486 = arith.constant 0 : i32
          %cond3A_487 = arith.cmpi ne, %convert_element_type3A_485, %cond3A_486 : i32
          scf.if %cond3A_487 {
            %mul3A_857 = arith.constant 80 : i32
            %mul3A_858 = arith.muli %sub3A_418, %mul3A_857 : i32
            %add3A_859 = arith.addi %mul3A_165, %mul3A_858 : i32
            %min3A_860 = arith.constant 49920 : i32
            %min3A_861 = arith.minsi %add3A_859, %min3A_860 : i32
            %dma_start3A = arith.constant 160 : i32
            %dma_start3A_862 = arith.constant 0 : i32
            %dma_start3A_863 = tpu.memref_slice %run_scoped3A[%dma_start3A, %dma_start3A_862] : memref<240x512xf32, #tpu.memory_space<vmem>> -> memref<80x512xf32, #tpu.memory_space<vmem>>
            %dma_start3A_864 = arith.constant 0 : i32
            %dma_start3A_865 = tpu.memref_slice %arg2[%min3A_861, %dma_start3A_864] : memref<50000x512xf32, #tpu.memory_space<hbm>> -> memref<80x512xf32, #tpu.memory_space<hbm>>
            %dma_start3A_866 = arith.constant 160 : i32
            %dma_start3A_867 = arith.constant 0 : i32
            %dma_start3A_868 = tpu.memref_slice %run_scoped3A[%dma_start3A_866, %dma_start3A_867] : memref<240x512xf32, #tpu.memory_space<vmem>> -> memref<80x512xf32, #tpu.memory_space<vmem>>
            %dma_start3A_869 = arith.constant 0 : i32
            %dma_start3A_870 = tpu.memref_slice %arg2[%min3A_861, %dma_start3A_869] : memref<50000x512xf32, #tpu.memory_space<hbm>> -> memref<80x512xf32, #tpu.memory_space<hbm>>
            tpu.enqueue_dma source(%dma_start3A_870 : memref<80x512xf32, #tpu.memory_space<hbm>>) target(%dma_start3A_868 : memref<80x512xf32, #tpu.memory_space<vmem>>) target_semaphore(%arg11 : memref<!tpu.dma_semaphore, #tpu.memory_space<semaphore_mem>>)
          } else {
          }
          %mul3A_488 = arith.constant 80 : i32
          %mul3A_489 = arith.muli %select_n3A_399, %mul3A_488 : i32
          %mul3A_490 = arith.constant 80 : i32
          %mul3A_491 = arith.muli %while3A_384, %mul3A_490 : i32
          %add3A_492 = arith.addi %mul3A_165, %mul3A_491 : i32
          %min3A = arith.constant 49920 : i32
          %min3A_493 = arith.minsi %add3A_492, %min3A : i32
          %max3A_494 = arith.maxsi %add3A_492, %get3A_12 : i32
          %sub3A_495 = arith.subi %max3A_494, %min3A_493 : i32
          %add3A_496 = arith.addi %sub3A_495, %mul3A_489 : i32
          %add3A_497 = arith.constant 80 : i32
          %add3A_498 = arith.addi %add3A_492, %add3A_497 : i32
          %min3A_499 = arith.minsi %add3A_498, %get3A_16 : i32
          %sub3A_500 = arith.subi %min3A_499, %min3A_493 : i32
          %add3A_501 = arith.addi %sub3A_500, %mul3A_489 : i32
          %sub3A_502 = arith.subi %add3A_501, %add3A_496 : i32
          %jit3A_503 = arith.constant 8 : i32
          %div3A_504 = arith.divsi %sub3A_502, %jit3A_503 : i32
          %sign3A_505 = arith.constant 0 : i32
          %sign3A_506 = arith.cmpi sgt, %sub3A_502, %sign3A_505 : i32
          %sign3A_507 = arith.extui %sign3A_506 : i1 to i32
          %sign3A_508 = arith.constant 0 : i32
          %sign3A_509 = arith.cmpi slt, %sub3A_502, %sign3A_508 : i32
          %sign3A_510 = arith.extui %sign3A_509 : i1 to i32
          %sign3A_511 = arith.subi %sign3A_507, %sign3A_510 : i32
          %sign3A_512 = arith.constant 0 : i32
          %sign3A_513 = arith.cmpi sgt, %jit3A_503, %sign3A_512 : i32
          %sign3A_514 = arith.extui %sign3A_513 : i1 to i32
          %sign3A_515 = arith.constant 0 : i32
          %sign3A_516 = arith.cmpi slt, %jit3A_503, %sign3A_515 : i32
          %sign3A_517 = arith.extui %sign3A_516 : i1 to i32
          %sign3A_518 = arith.subi %sign3A_514, %sign3A_517 : i32
          %ne3A_519 = arith.cmpi ne, %sign3A_511, %sign3A_518 : i32
          %rem3A_520 = arith.remsi %sub3A_502, %jit3A_503 : i32
          %ne3A_521 = arith.constant 0 : i32
          %ne3A_522 = arith.cmpi ne, %rem3A_520, %ne3A_521 : i32
          %and3A_523 = arith.andi %ne3A_519, %ne3A_522 : i1
          %sub3A_524 = arith.constant 1 : i32
          %sub3A_525 = arith.subi %div3A_504, %sub3A_524 : i32
          %select_n3A_526 = arith.select %and3A_523, %sub3A_525, %div3A_504 : i32
          %sub3A_527 = arith.subi %add3A_501, %add3A_496 : i32
          %jit3A_528 = arith.constant 2 : i32
          %div3A_529 = arith.divsi %sub3A_527, %jit3A_528 : i32
          %sign3A_530 = arith.constant 0 : i32
          %sign3A_531 = arith.cmpi sgt, %sub3A_527, %sign3A_530 : i32
          %sign3A_532 = arith.extui %sign3A_531 : i1 to i32
          %sign3A_533 = arith.constant 0 : i32
          %sign3A_534 = arith.cmpi slt, %sub3A_527, %sign3A_533 : i32
          %sign3A_535 = arith.extui %sign3A_534 : i1 to i32
          %sign3A_536 = arith.subi %sign3A_532, %sign3A_535 : i32
          %sign3A_537 = arith.constant 0 : i32
          %sign3A_538 = arith.cmpi sgt, %jit3A_528, %sign3A_537 : i32
          %sign3A_539 = arith.extui %sign3A_538 : i1 to i32
          %sign3A_540 = arith.constant 0 : i32
          %sign3A_541 = arith.cmpi slt, %jit3A_528, %sign3A_540 : i32
          %sign3A_542 = arith.extui %sign3A_541 : i1 to i32
          %sign3A_543 = arith.subi %sign3A_539, %sign3A_542 : i32
          %ne3A_544 = arith.cmpi ne, %sign3A_536, %sign3A_543 : i32
          %rem3A_545 = arith.remsi %sub3A_527, %jit3A_528 : i32
          %ne3A_546 = arith.constant 0 : i32
          %ne3A_547 = arith.cmpi ne, %rem3A_545, %ne3A_546 : i32
          %and3A_548 = arith.andi %ne3A_544, %ne3A_547 : i1
          %sub3A_549 = arith.constant 1 : i32
          %sub3A_550 = arith.subi %div3A_529, %sub3A_549 : i32
          %select_n3A_551 = arith.select %and3A_548, %sub3A_550, %div3A_529 : i32
          %get3A_552 = arith.constant 0 : index
          %get3A_553 = tpu.vector_load %arg6[%get3A_552] {strides = array<i32>} : memref<512xf32, #tpu.memory_space<vmem>>, vector<16xf32>,
          %get3A_554 = arith.constant 16 : index
          %get3A_555 = tpu.vector_load %arg6[%get3A_554] {strides = array<i32>} : memref<512xf32, #tpu.memory_space<vmem>>, vector<16xf32>,
          %get3A_556 = arith.constant 32 : index
          %get3A_557 = tpu.vector_load %arg6[%get3A_556] {strides = array<i32>} : memref<512xf32, #tpu.memory_space<vmem>>, vector<16xf32>,
          %get3A_558 = arith.constant 48 : index
          %get3A_559 = tpu.vector_load %arg6[%get3A_558] {strides = array<i32>} : memref<512xf32, #tpu.memory_space<vmem>>, vector<16xf32>,
          %get3A_560 = arith.constant 64 : index
          %get3A_561 = tpu.vector_load %arg6[%get3A_560] {strides = array<i32>} : memref<512xf32, #tpu.memory_space<vmem>>, vector<16xf32>,
          %get3A_562 = arith.constant 80 : index
          %get3A_563 = tpu.vector_load %arg6[%get3A_562] {strides = array<i32>} : memref<512xf32, #tpu.memory_space<vmem>>, vector<16xf32>,
          %get3A_564 = arith.constant 96 : index
          %get3A_565 = tpu.vector_load %arg6[%get3A_564] {strides = array<i32>} : memref<512xf32, #tpu.memory_space<vmem>>, vector<16xf32>,
          %get3A_566 = arith.constant 112 : index
          %get3A_567 = tpu.vector_load %arg6[%get3A_566] {strides = array<i32>} : memref<512xf32, #tpu.memory_space<vmem>>, vector<16xf32>,
          %get3A_568 = arith.constant 128 : index
          %get3A_569 = tpu.vector_load %arg6[%get3A_568] {strides = array<i32>} : memref<512xf32, #tpu.memory_space<vmem>>, vector<16xf32>,
          %get3A_570 = arith.constant 144 : index
          %get3A_571 = tpu.vector_load %arg6[%get3A_570] {strides = array<i32>} : memref<512xf32, #tpu.memory_space<vmem>>, vector<16xf32>,
          %get3A_572 = arith.constant 160 : index
          %get3A_573 = tpu.vector_load %arg6[%get3A_572] {strides = array<i32>} : memref<512xf32, #tpu.memory_space<vmem>>, vector<16xf32>,
          %get3A_574 = arith.constant 176 : index
          %get3A_575 = tpu.vector_load %arg6[%get3A_574] {strides = array<i32>} : memref<512xf32, #tpu.memory_space<vmem>>, vector<16xf32>,
          %get3A_576 = arith.constant 192 : index
          %get3A_577 = tpu.vector_load %arg6[%get3A_576] {strides = array<i32>} : memref<512xf32, #tpu.memory_space<vmem>>, vector<16xf32>,
          %get3A_578 = arith.constant 208 : index
          %get3A_579 = tpu.vector_load %arg6[%get3A_578] {strides = array<i32>} : memref<512xf32, #tpu.memory_space<vmem>>, vector<16xf32>,
          %get3A_580 = arith.constant 224 : index
          %get3A_581 = tpu.vector_load %arg6[%get3A_580] {strides = array<i32>} : memref<512xf32, #tpu.memory_space<vmem>>, vector<16xf32>,
          %get3A_582 = arith.constant 240 : index
          %get3A_583 = tpu.vector_load %arg6[%get3A_582] {strides = array<i32>} : memref<512xf32, #tpu.memory_space<vmem>>, vector<16xf32>,
          %get3A_584 = arith.constant 0 : index
          %get3A_585 = tpu.vector_load %arg7[%get3A_584] {strides = array<i32>} : memref<512xf32, #tpu.memory_space<vmem>>, vector<16xf32>,
          %get3A_586 = arith.constant 16 : index
          %get3A_587 = tpu.vector_load %arg7[%get3A_586] {strides = array<i32>} : memref<512xf32, #tpu.memory_space<vmem>>, vector<16xf32>,
          %get3A_588 = arith.constant 32 : index
          %get3A_589 = tpu.vector_load %arg7[%get3A_588] {strides = array<i32>} : memref<512xf32, #tpu.memory_space<vmem>>, vector<16xf32>,
          %get3A_590 = arith.constant 48 : index
          %get3A_591 = tpu.vector_load %arg7[%get3A_590] {strides = array<i32>} : memref<512xf32, #tpu.memory_space<vmem>>, vector<16xf32>,
          %get3A_592 = arith.constant 64 : index
          %get3A_593 = tpu.vector_load %arg7[%get3A_592] {strides = array<i32>} : memref<512xf32, #tpu.memory_space<vmem>>, vector<16xf32>,
          %get3A_594 = arith.constant 80 : index
          %get3A_595 = tpu.vector_load %arg7[%get3A_594] {strides = array<i32>} : memref<512xf32, #tpu.memory_space<vmem>>, vector<16xf32>,
          %get3A_596 = arith.constant 96 : index
          %get3A_597 = tpu.vector_load %arg7[%get3A_596] {strides = array<i32>} : memref<512xf32, #tpu.memory_space<vmem>>, vector<16xf32>,
          %get3A_598 = arith.constant 112 : index
          %get3A_599 = tpu.vector_load %arg7[%get3A_598] {strides = array<i32>} : memref<512xf32, #tpu.memory_space<vmem>>, vector<16xf32>,
          %get3A_600 = arith.constant 128 : index
          %get3A_601 = tpu.vector_load %arg7[%get3A_600] {strides = array<i32>} : memref<512xf32, #tpu.memory_space<vmem>>, vector<16xf32>,
          %get3A_602 = arith.constant 144 : index
          %get3A_603 = tpu.vector_load %arg7[%get3A_602] {strides = array<i32>} : memref<512xf32, #tpu.memory_space<vmem>>, vector<16xf32>,
          %get3A_604 = arith.constant 160 : index
          %get3A_605 = tpu.vector_load %arg7[%get3A_604] {strides = array<i32>} : memref<512xf32, #tpu.memory_space<vmem>>, vector<16xf32>,
          %get3A_606 = arith.constant 176 : index
          %get3A_607 = tpu.vector_load %arg7[%get3A_606] {strides = array<i32>} : memref<512xf32, #tpu.memory_space<vmem>>, vector<16xf32>,
          %get3A_608 = arith.constant 192 : index
          %get3A_609 = tpu.vector_load %arg7[%get3A_608] {strides = array<i32>} : memref<512xf32, #tpu.memory_space<vmem>>, vector<16xf32>,
          %get3A_610 = arith.constant 208 : index
          %get3A_611 = tpu.vector_load %arg7[%get3A_610] {strides = array<i32>} : memref<512xf32, #tpu.memory_space<vmem>>, vector<16xf32>,
          %get3A_612 = arith.constant 224 : index
          %get3A_613 = tpu.vector_load %arg7[%get3A_612] {strides = array<i32>} : memref<512xf32, #tpu.memory_space<vmem>>, vector<16xf32>,
          %get3A_614 = arith.constant 240 : index
          %get3A_615 = tpu.vector_load %arg7[%get3A_614] {strides = array<i32>} : memref<512xf32, #tpu.memory_space<vmem>>, vector<16xf32>,
          %while3A_616 = arith.constant 0 : i32
          %while3A_617 = arith.subi %select_n3A_551, %while3A_616 : i32
          %while3A_618 = arith.addi %while3A_616, %while3A_617 : i32
          %while3A_619 = arith.constant 1 : i32
          %while3A_620 = arith.divsi %while3A_617, %while3A_619 : i32
          %while3A_621 = arith.muli %while3A_620, %while3A_619 : i32
          %while3A_622 = arith.addi %while3A_616, %while3A_621 : i32
          %while3A_623 = arith.constant 1 : i32
          %while3A_624:32 = scf.for %while3A_857 = %while3A_616 to %while3A_622 step %while3A_623 iter_args(%while3A_858 = %get3A_553, %while3A_859 = %get3A_555, %while3A_860 = %get3A_557, %while3A_861 = %get3A_559, %while3A_862 = %get3A_561, %while3A_863 = %get3A_563, %while3A_864 = %get3A_565, %while3A_865 = %get3A_567, %while3A_866 = %get3A_569, %while3A_867 = %get3A_571, %while3A_868 = %get3A_573, %while3A_869 = %get3A_575, %while3A_870 = %get3A_577, %while3A_871 = %get3A_579, %while3A_872 = %get3A_581, %while3A_873 = %get3A_583, %while3A_874 = %get3A_585, %while3A_875 = %get3A_587, %while3A_876 = %get3A_589, %while3A_877 = %get3A_591, %while3A_878 = %get3A_593, %while3A_879 = %get3A_595, %while3A_880 = %get3A_597, %while3A_881 = %get3A_599, %while3A_882 = %get3A_601, %while3A_883 = %get3A_603, %while3A_884 = %get3A_605, %while3A_885 = %get3A_607, %while3A_886 = %get3A_609, %while3A_887 = %get3A_611, %while3A_888 = %get3A_613, %while3A_889 = %get3A_615) -> (vector<16xf32>, vector<16xf32>, vector<16xf32>, vector<16xf32>, vector<16xf32>, vector<16xf32>, vector<16xf32>, vector<16xf32>, vector<16xf32>, vector<16xf32>, vector<16xf32>, vector<16xf32>, vector<16xf32>, vector<16xf32>, vector<16xf32>, vector<16xf32>, vector<16xf32>, vector<16xf32>, vector<16xf32>, vector<16xf32>, vector<16xf32>, vector<16xf32>, vector<16xf32>, vector<16xf32>, vector<16xf32>, vector<16xf32>, vector<16xf32>, vector<16xf32>, vector<16xf32>, vector<16xf32>, vector<16xf32>, vector<16xf32>)  : i32 {
            %mul3A_890 = arith.constant 2 : i32
            %mul3A_891 = arith.muli %while3A_857, %mul3A_890 : i32
            %add3A_892 = arith.addi %add3A_496, %mul3A_891 : i32
            %get3A_893 = arith.index_cast %add3A_892 : i32 to index
            %get3A_894 = arith.constant 0 : index
            %get3A_895 = tpu.vector_load %run_scoped3A[%get3A_893, %get3A_894] {strides = array<i32>} : memref<240x512xf32, #tpu.memory_space<vmem>>, vector<16xf32>,
            %get3A_896 = arith.index_cast %add3A_892 : i32 to index
            %get3A_897 = arith.constant 16 : index
            %get3A_898 = tpu.vector_load %run_scoped3A[%get3A_896, %get3A_897] {strides = array<i32>} : memref<240x512xf32, #tpu.memory_space<vmem>>, vector<16xf32>,
            %get3A_899 = arith.index_cast %add3A_892 : i32 to index
            %get3A_900 = arith.constant 32 : index
            %get3A_901 = tpu.vector_load %run_scoped3A[%get3A_899, %get3A_900] {strides = array<i32>} : memref<240x512xf32, #tpu.memory_space<vmem>>, vector<16xf32>,
            %get3A_902 = arith.index_cast %add3A_892 : i32 to index
            %get3A_903 = arith.constant 48 : index
            %get3A_904 = tpu.vector_load %run_scoped3A[%get3A_902, %get3A_903] {strides = array<i32>} : memref<240x512xf32, #tpu.memory_space<vmem>>, vector<16xf32>,
            %get3A_905 = arith.index_cast %add3A_892 : i32 to index
            %get3A_906 = arith.constant 64 : index
            %get3A_907 = tpu.vector_load %run_scoped3A[%get3A_905, %get3A_906] {strides = array<i32>} : memref<240x512xf32, #tpu.memory_space<vmem>>, vector<16xf32>,
            %get3A_908 = arith.index_cast %add3A_892 : i32 to index
            %get3A_909 = arith.constant 80 : index
            %get3A_910 = tpu.vector_load %run_scoped3A[%get3A_908, %get3A_909] {strides = array<i32>} : memref<240x512xf32, #tpu.memory_space<vmem>>, vector<16xf32>,
            %get3A_911 = arith.index_cast %add3A_892 : i32 to index
            %get3A_912 = arith.constant 96 : index
            %get3A_913 = tpu.vector_load %run_scoped3A[%get3A_911, %get3A_912] {strides = array<i32>} : memref<240x512xf32, #tpu.memory_space<vmem>>, vector<16xf32>,
            %get3A_914 = arith.index_cast %add3A_892 : i32 to index
            %get3A_915 = arith.constant 112 : index
            %get3A_916 = tpu.vector_load %run_scoped3A[%get3A_914, %get3A_915] {strides = array<i32>} : memref<240x512xf32, #tpu.memory_space<vmem>>, vector<16xf32>,
            %get3A_917 = arith.index_cast %add3A_892 : i32 to index
            %get3A_918 = arith.constant 128 : index
            %get3A_919 = tpu.vector_load %run_scoped3A[%get3A_917, %get3A_918] {strides = array<i32>} : memref<240x512xf32, #tpu.memory_space<vmem>>, vector<16xf32>,
            %get3A_920 = arith.index_cast %add3A_892 : i32 to index
            %get3A_921 = arith.constant 144 : index
            %get3A_922 = tpu.vector_load %run_scoped3A[%get3A_920, %get3A_921] {strides = array<i32>} : memref<240x512xf32, #tpu.memory_space<vmem>>, vector<16xf32>,
            %get3A_923 = arith.index_cast %add3A_892 : i32 to index
            %get3A_924 = arith.constant 160 : index
            %get3A_925 = tpu.vector_load %run_scoped3A[%get3A_923, %get3A_924] {strides = array<i32>} : memref<240x512xf32, #tpu.memory_space<vmem>>, vector<16xf32>,
            %get3A_926 = arith.index_cast %add3A_892 : i32 to index
            %get3A_927 = arith.constant 176 : index
            %get3A_928 = tpu.vector_load %run_scoped3A[%get3A_926, %get3A_927] {strides = array<i32>} : memref<240x512xf32, #tpu.memory_space<vmem>>, vector<16xf32>,
            %get3A_929 = arith.index_cast %add3A_892 : i32 to index
            %get3A_930 = arith.constant 192 : index
            %get3A_931 = tpu.vector_load %run_scoped3A[%get3A_929, %get3A_930] {strides = array<i32>} : memref<240x512xf32, #tpu.memory_space<vmem>>, vector<16xf32>,
            %get3A_932 = arith.index_cast %add3A_892 : i32 to index
            %get3A_933 = arith.constant 208 : index
            %get3A_934 = tpu.vector_load %run_scoped3A[%get3A_932, %get3A_933] {strides = array<i32>} : memref<240x512xf32, #tpu.memory_space<vmem>>, vector<16xf32>,
            %get3A_935 = arith.index_cast %add3A_892 : i32 to index
            %get3A_936 = arith.constant 224 : index
            %get3A_937 = tpu.vector_load %run_scoped3A[%get3A_935, %get3A_936] {strides = array<i32>} : memref<240x512xf32, #tpu.memory_space<vmem>>, vector<16xf32>,
            %get3A_938 = arith.index_cast %add3A_892 : i32 to index
            %get3A_939 = arith.constant 240 : index
            %get3A_940 = tpu.vector_load %run_scoped3A[%get3A_938, %get3A_939] {strides = array<i32>} : memref<240x512xf32, #tpu.memory_space<vmem>>, vector<16xf32>,
            %add3A_941 = arith.addf %while3A_858, %get3A_895 : vector<16xf32>
            %add3A_942 = arith.addf %while3A_859, %get3A_898 : vector<16xf32>
            %add3A_943 = arith.addf %while3A_860, %get3A_901 : vector<16xf32>
            %add3A_944 = arith.addf %while3A_861, %get3A_904 : vector<16xf32>
            %add3A_945 = arith.addf %while3A_862, %get3A_907 : vector<16xf32>
            %add3A_946 = arith.addf %while3A_863, %get3A_910 : vector<16xf32>
            %add3A_947 = arith.addf %while3A_864, %get3A_913 : vector<16xf32>
            %add3A_948 = arith.addf %while3A_865, %get3A_916 : vector<16xf32>
            %add3A_949 = arith.addf %while3A_866, %get3A_919 : vector<16xf32>
            %add3A_950 = arith.addf %while3A_867, %get3A_922 : vector<16xf32>
            %add3A_951 = arith.addf %while3A_868, %get3A_925 : vector<16xf32>
            %add3A_952 = arith.addf %while3A_869, %get3A_928 : vector<16xf32>
            %add3A_953 = arith.addf %while3A_870, %get3A_931 : vector<16xf32>
            %add3A_954 = arith.addf %while3A_871, %get3A_934 : vector<16xf32>
            %add3A_955 = arith.addf %while3A_872, %get3A_937 : vector<16xf32>
            %add3A_956 = arith.addf %while3A_873, %get3A_940 : vector<16xf32>
            %max3A_957 = arith.maximumf %while3A_874, %get3A_895 : vector<16xf32>
            %max3A_958 = arith.maximumf %while3A_875, %get3A_898 : vector<16xf32>
            %max3A_959 = arith.maximumf %while3A_876, %get3A_901 : vector<16xf32>
            %max3A_960 = arith.maximumf %while3A_877, %get3A_904 : vector<16xf32>
            %max3A_961 = arith.maximumf %while3A_878, %get3A_907 : vector<16xf32>
            %max3A_962 = arith.maximumf %while3A_879, %get3A_910 : vector<16xf32>
            %max3A_963 = arith.maximumf %while3A_880, %get3A_913 : vector<16xf32>
            %max3A_964 = arith.maximumf %while3A_881, %get3A_916 : vector<16xf32>
            %max3A_965 = arith.maximumf %while3A_882, %get3A_919 : vector<16xf32>
            %max3A_966 = arith.maximumf %while3A_883, %get3A_922 : vector<16xf32>
            %max3A_967 = arith.maximumf %while3A_884, %get3A_925 : vector<16xf32>
            %max3A_968 = arith.maximumf %while3A_885, %get3A_928 : vector<16xf32>
            %max3A_969 = arith.maximumf %while3A_886, %get3A_931 : vector<16xf32>
            %max3A_970 = arith.maximumf %while3A_887, %get3A_934 : vector<16xf32>
            %max3A_971 = arith.maximumf %while3A_888, %get3A_937 : vector<16xf32>
            %max3A_972 = arith.maximumf %while3A_889, %get3A_940 : vector<16xf32>
            %add3A_973 = arith.constant 1 : i32
            %add3A_974 = arith.addi %add3A_892, %add3A_973 : i32
            %get3A_975 = arith.index_cast %add3A_974 : i32 to index
            %get3A_976 = arith.constant 0 : index
            %get3A_977 = tpu.vector_load %run_scoped3A[%get3A_975, %get3A_976] {strides = array<i32>} : memref<240x512xf32, #tpu.memory_space<vmem>>, vector<16xf32>,
            %get3A_978 = arith.index_cast %add3A_974 : i32 to index
            %get3A_979 = arith.constant 16 : index
            %get3A_980 = tpu.vector_load %run_scoped3A[%get3A_978, %get3A_979] {strides = array<i32>} : memref<240x512xf32, #tpu.memory_space<vmem>>, vector<16xf32>,
            %get3A_981 = arith.index_cast %add3A_974 : i32 to index
            %get3A_982 = arith.constant 32 : index
            %get3A_983 = tpu.vector_load %run_scoped3A[%get3A_981, %get3A_982] {strides = array<i32>} : memref<240x512xf32, #tpu.memory_space<vmem>>, vector<16xf32>,
            %get3A_984 = arith.index_cast %add3A_974 : i32 to index
            %get3A_985 = arith.constant 48 : index
            %get3A_986 = tpu.vector_load %run_scoped3A[%get3A_984, %get3A_985] {strides = array<i32>} : memref<240x512xf32, #tpu.memory_space<vmem>>, vector<16xf32>,
            %get3A_987 = arith.index_cast %add3A_974 : i32 to index
            %get3A_988 = arith.constant 64 : index
            %get3A_989 = tpu.vector_load %run_scoped3A[%get3A_987, %get3A_988] {strides = array<i32>} : memref<240x512xf32, #tpu.memory_space<vmem>>, vector<16xf32>,
            %get3A_990 = arith.index_cast %add3A_974 : i32 to index
            %get3A_991 = arith.constant 80 : index
            %get3A_992 = tpu.vector_load %run_scoped3A[%get3A_990, %get3A_991] {strides = array<i32>} : memref<240x512xf32, #tpu.memory_space<vmem>>, vector<16xf32>,
            %get3A_993 = arith.index_cast %add3A_974 : i32 to index
            %get3A_994 = arith.constant 96 : index
            %get3A_995 = tpu.vector_load %run_scoped3A[%get3A_993, %get3A_994] {strides = array<i32>} : memref<240x512xf32, #tpu.memory_space<vmem>>, vector<16xf32>,
            %get3A_996 = arith.index_cast %add3A_974 : i32 to index
            %get3A_997 = arith.constant 112 : index
            %get3A_998 = tpu.vector_load %run_scoped3A[%get3A_996, %get3A_997] {strides = array<i32>} : memref<240x512xf32, #tpu.memory_space<vmem>>, vector<16xf32>,
            %get3A_999 = arith.index_cast %add3A_974 : i32 to index
            %get3A_1000 = arith.constant 128 : index
            %get3A_1001 = tpu.vector_load %run_scoped3A[%get3A_999, %get3A_1000] {strides = array<i32>} : memref<240x512xf32, #tpu.memory_space<vmem>>, vector<16xf32>,
            %get3A_1002 = arith.index_cast %add3A_974 : i32 to index
            %get3A_1003 = arith.constant 144 : index
            %get3A_1004 = tpu.vector_load %run_scoped3A[%get3A_1002, %get3A_1003] {strides = array<i32>} : memref<240x512xf32, #tpu.memory_space<vmem>>, vector<16xf32>,
            %get3A_1005 = arith.index_cast %add3A_974 : i32 to index
            %get3A_1006 = arith.constant 160 : index
            %get3A_1007 = tpu.vector_load %run_scoped3A[%get3A_1005, %get3A_1006] {strides = array<i32>} : memref<240x512xf32, #tpu.memory_space<vmem>>, vector<16xf32>,
            %get3A_1008 = arith.index_cast %add3A_974 : i32 to index
            %get3A_1009 = arith.constant 176 : index
            %get3A_1010 = tpu.vector_load %run_scoped3A[%get3A_1008, %get3A_1009] {strides = array<i32>} : memref<240x512xf32, #tpu.memory_space<vmem>>, vector<16xf32>,
            %get3A_1011 = arith.index_cast %add3A_974 : i32 to index
            %get3A_1012 = arith.constant 192 : index
            %get3A_1013 = tpu.vector_load %run_scoped3A[%get3A_1011, %get3A_1012] {strides = array<i32>} : memref<240x512xf32, #tpu.memory_space<vmem>>, vector<16xf32>,
            %get3A_1014 = arith.index_cast %add3A_974 : i32 to index
            %get3A_1015 = arith.constant 208 : index
            %get3A_1016 = tpu.vector_load %run_scoped3A[%get3A_1014, %get3A_1015] {strides = array<i32>} : memref<240x512xf32, #tpu.memory_space<vmem>>, vector<16xf32>,
            %get3A_1017 = arith.index_cast %add3A_974 : i32 to index
            %get3A_1018 = arith.constant 224 : index
            %get3A_1019 = tpu.vector_load %run_scoped3A[%get3A_1017, %get3A_1018] {strides = array<i32>} : memref<240x512xf32, #tpu.memory_space<vmem>>, vector<16xf32>,
            %get3A_1020 = arith.index_cast %add3A_974 : i32 to index
            %get3A_1021 = arith.constant 240 : index
            %get3A_1022 = tpu.vector_load %run_scoped3A[%get3A_1020, %get3A_1021] {strides = array<i32>} : memref<240x512xf32, #tpu.memory_space<vmem>>, vector<16xf32>,
            %add3A_1023 = arith.addf %add3A_941, %get3A_977 : vector<16xf32>
            %add3A_1024 = arith.addf %add3A_942, %get3A_980 : vector<16xf32>
            %add3A_1025 = arith.addf %add3A_943, %get3A_983 : vector<16xf32>
            %add3A_1026 = arith.addf %add3A_944, %get3A_986 : vector<16xf32>
            %add3A_1027 = arith.addf %add3A_945, %get3A_989 : vector<16xf32>
            %add3A_1028 = arith.addf %add3A_946, %get3A_992 : vector<16xf32>
            %add3A_1029 = arith.addf %add3A_947, %get3A_995 : vector<16xf32>
            %add3A_1030 = arith.addf %add3A_948, %get3A_998 : vector<16xf32>
            %add3A_1031 = arith.addf %add3A_949, %get3A_1001 : vector<16xf32>
            %add3A_1032 = arith.addf %add3A_950, %get3A_1004 : vector<16xf32>
            %add3A_1033 = arith.addf %add3A_951, %get3A_1007 : vector<16xf32>
            %add3A_1034 = arith.addf %add3A_952, %get3A_1010 : vector<16xf32>
            %add3A_1035 = arith.addf %add3A_953, %get3A_1013 : vector<16xf32>
            %add3A_1036 = arith.addf %add3A_954, %get3A_1016 : vector<16xf32>
            %add3A_1037 = arith.addf %add3A_955, %get3A_1019 : vector<16xf32>
            %add3A_1038 = arith.addf %add3A_956, %get3A_1022 : vector<16xf32>
            %max3A_1039 = arith.maximumf %max3A_957, %get3A_977 : vector<16xf32>
            %max3A_1040 = arith.maximumf %max3A_958, %get3A_980 : vector<16xf32>
            %max3A_1041 = arith.maximumf %max3A_959, %get3A_983 : vector<16xf32>
            %max3A_1042 = arith.maximumf %max3A_960, %get3A_986 : vector<16xf32>
            %max3A_1043 = arith.maximumf %max3A_961, %get3A_989 : vector<16xf32>
            %max3A_1044 = arith.maximumf %max3A_962, %get3A_992 : vector<16xf32>
            %max3A_1045 = arith.maximumf %max3A_963, %get3A_995 : vector<16xf32>
            %max3A_1046 = arith.maximumf %max3A_964, %get3A_998 : vector<16xf32>
            %max3A_1047 = arith.maximumf %max3A_965, %get3A_1001 : vector<16xf32>
            %max3A_1048 = arith.maximumf %max3A_966, %get3A_1004 : vector<16xf32>
            %max3A_1049 = arith.maximumf %max3A_967, %get3A_1007 : vector<16xf32>
            %max3A_1050 = arith.maximumf %max3A_968, %get3A_1010 : vector<16xf32>
            %max3A_1051 = arith.maximumf %max3A_969, %get3A_1013 : vector<16xf32>
            %max3A_1052 = arith.maximumf %max3A_970, %get3A_1016 : vector<16xf32>
            %max3A_1053 = arith.maximumf %max3A_971, %get3A_1019 : vector<16xf32>
            %max3A_1054 = arith.maximumf %max3A_972, %get3A_1022 : vector<16xf32>
            scf.yield %add3A_1023, %add3A_1024, %add3A_1025, %add3A_1026, %add3A_1027, %add3A_1028, %add3A_1029, %add3A_1030, %add3A_1031, %add3A_1032, %add3A_1033, %add3A_1034, %add3A_1035, %add3A_1036, %add3A_1037, %add3A_1038, %max3A_1039, %max3A_1040, %max3A_1041, %max3A_1042, %max3A_1043, %max3A_1044, %max3A_1045, %max3A_1046, %max3A_1047, %max3A_1048, %max3A_1049, %max3A_1050, %max3A_1051, %max3A_1052, %max3A_1053, %max3A_1054 : vector<16xf32>, vector<16xf32>, vector<16xf32>, vector<16xf32>, vector<16xf32>, vector<16xf32>, vector<16xf32>, vector<16xf32>, vector<16xf32>, vector<16xf32>, vector<16xf32>, vector<16xf32>, vector<16xf32>, vector<16xf32>, vector<16xf32>, vector<16xf32>, vector<16xf32>, vector<16xf32>, vector<16xf32>, vector<16xf32>, vector<16xf32>, vector<16xf32>, vector<16xf32>, vector<16xf32>, vector<16xf32>, vector<16xf32>, vector<16xf32>, vector<16xf32>, vector<16xf32>, vector<16xf32>, vector<16xf32>, vector<16xf32>
          }
          %while3A_625 = arith.constant 1 : i32
          %while3A_626:32 = scf.for %while3A_857 = %while3A_622 to %while3A_618 step %while3A_625 iter_args(%while3A_858 = %while3A_624#0, %while3A_859 = %while3A_624#1, %while3A_860 = %while3A_624#2, %while3A_861 = %while3A_624#3, %while3A_862 = %while3A_624#4, %while3A_863 = %while3A_624#5, %while3A_864 = %while3A_624#6, %while3A_865 = %while3A_624#7, %while3A_866 = %while3A_624#8, %while3A_867 = %while3A_624#9, %while3A_868 = %while3A_624#10, %while3A_869 = %while3A_624#11, %while3A_870 = %while3A_624#12, %while3A_871 = %while3A_624#13, %while3A_872 = %while3A_624#14, %while3A_873 = %while3A_624#15, %while3A_874 = %while3A_624#16, %while3A_875 = %while3A_624#17, %while3A_876 = %while3A_624#18, %while3A_877 = %while3A_624#19, %while3A_878 = %while3A_624#20, %while3A_879 = %while3A_624#21, %while3A_880 = %while3A_624#22, %while3A_881 = %while3A_624#23, %while3A_882 = %while3A_624#24, %while3A_883 = %while3A_624#25, %while3A_884 = %while3A_624#26, %while3A_885 = %while3A_624#27, %while3A_886 = %while3A_624#28, %while3A_887 = %while3A_624#29, %while3A_888 = %while3A_624#30, %while3A_889 = %while3A_624#31) -> (vector<16xf32>, vector<16xf32>, vector<16xf32>, vector<16xf32>, vector<16xf32>, vector<16xf32>, vector<16xf32>, vector<16xf32>, vector<16xf32>, vector<16xf32>, vector<16xf32>, vector<16xf32>, vector<16xf32>, vector<16xf32>, vector<16xf32>, vector<16xf32>, vector<16xf32>, vector<16xf32>, vector<16xf32>, vector<16xf32>, vector<16xf32>, vector<16xf32>, vector<16xf32>, vector<16xf32>, vector<16xf32>, vector<16xf32>, vector<16xf32>, vector<16xf32>, vector<16xf32>, vector<16xf32>, vector<16xf32>, vector<16xf32>)  : i32 {
            %mul3A_890 = arith.constant 2 : i32
            %mul3A_891 = arith.muli %while3A_857, %mul3A_890 : i32
            %add3A_892 = arith.addi %add3A_496, %mul3A_891 : i32
            %get3A_893 = arith.index_cast %add3A_892 : i32 to index
            %get3A_894 = arith.constant 0 : index
            %get3A_895 = tpu.vector_load %run_scoped3A[%get3A_893, %get3A_894] {strides = array<i32>} : memref<240x512xf32, #tpu.memory_space<vmem>>, vector<16xf32>,
            %get3A_896 = arith.index_cast %add3A_892 : i32 to index
            %get3A_897 = arith.constant 16 : index
            %get3A_898 = tpu.vector_load %run_scoped3A[%get3A_896, %get3A_897] {strides = array<i32>} : memref<240x512xf32, #tpu.memory_space<vmem>>, vector<16xf32>,
            %get3A_899 = arith.index_cast %add3A_892 : i32 to index
            %get3A_900 = arith.constant 32 : index
            %get3A_901 = tpu.vector_load %run_scoped3A[%get3A_899, %get3A_900] {strides = array<i32>} : memref<240x512xf32, #tpu.memory_space<vmem>>, vector<16xf32>,
            %get3A_902 = arith.index_cast %add3A_892 : i32 to index
            %get3A_903 = arith.constant 48 : index
            %get3A_904 = tpu.vector_load %run_scoped3A[%get3A_902, %get3A_903] {strides = array<i32>} : memref<240x512xf32, #tpu.memory_space<vmem>>, vector<16xf32>,
            %get3A_905 = arith.index_cast %add3A_892 : i32 to index
            %get3A_906 = arith.constant 64 : index
            %get3A_907 = tpu.vector_load %run_scoped3A[%get3A_905, %get3A_906] {strides = array<i32>} : memref<240x512xf32, #tpu.memory_space<vmem>>, vector<16xf32>,
            %get3A_908 = arith.index_cast %add3A_892 : i32 to index
            %get3A_909 = arith.constant 80 : index
            %get3A_910 = tpu.vector_load %run_scoped3A[%get3A_908, %get3A_909] {strides = array<i32>} : memref<240x512xf32, #tpu.memory_space<vmem>>, vector<16xf32>,
            %get3A_911 = arith.index_cast %add3A_892 : i32 to index
            %get3A_912 = arith.constant 96 : index
            %get3A_913 = tpu.vector_load %run_scoped3A[%get3A_911, %get3A_912] {strides = array<i32>} : memref<240x512xf32, #tpu.memory_space<vmem>>, vector<16xf32>,
            %get3A_914 = arith.index_cast %add3A_892 : i32 to index
            %get3A_915 = arith.constant 112 : index
            %get3A_916 = tpu.vector_load %run_scoped3A[%get3A_914, %get3A_915] {strides = array<i32>} : memref<240x512xf32, #tpu.memory_space<vmem>>, vector<16xf32>,
            %get3A_917 = arith.index_cast %add3A_892 : i32 to index
            %get3A_918 = arith.constant 128 : index
            %get3A_919 = tpu.vector_load %run_scoped3A[%get3A_917, %get3A_918] {strides = array<i32>} : memref<240x512xf32, #tpu.memory_space<vmem>>, vector<16xf32>,
            %get3A_920 = arith.index_cast %add3A_892 : i32 to index
            %get3A_921 = arith.constant 144 : index
            %get3A_922 = tpu.vector_load %run_scoped3A[%get3A_920, %get3A_921] {strides = array<i32>} : memref<240x512xf32, #tpu.memory_space<vmem>>, vector<16xf32>,
            %get3A_923 = arith.index_cast %add3A_892 : i32 to index
            %get3A_924 = arith.constant 160 : index
            %get3A_925 = tpu.vector_load %run_scoped3A[%get3A_923, %get3A_924] {strides = array<i32>} : memref<240x512xf32, #tpu.memory_space<vmem>>, vector<16xf32>,
            %get3A_926 = arith.index_cast %add3A_892 : i32 to index
            %get3A_927 = arith.constant 176 : index
            %get3A_928 = tpu.vector_load %run_scoped3A[%get3A_926, %get3A_927] {strides = array<i32>} : memref<240x512xf32, #tpu.memory_space<vmem>>, vector<16xf32>,
            %get3A_929 = arith.index_cast %add3A_892 : i32 to index
            %get3A_930 = arith.constant 192 : index
            %get3A_931 = tpu.vector_load %run_scoped3A[%get3A_929, %get3A_930] {strides = array<i32>} : memref<240x512xf32, #tpu.memory_space<vmem>>, vector<16xf32>,
            %get3A_932 = arith.index_cast %add3A_892 : i32 to index
            %get3A_933 = arith.constant 208 : index
            %get3A_934 = tpu.vector_load %run_scoped3A[%get3A_932, %get3A_933] {strides = array<i32>} : memref<240x512xf32, #tpu.memory_space<vmem>>, vector<16xf32>,
            %get3A_935 = arith.index_cast %add3A_892 : i32 to index
            %get3A_936 = arith.constant 224 : index
            %get3A_937 = tpu.vector_load %run_scoped3A[%get3A_935, %get3A_936] {strides = array<i32>} : memref<240x512xf32, #tpu.memory_space<vmem>>, vector<16xf32>,
            %get3A_938 = arith.index_cast %add3A_892 : i32 to index
            %get3A_939 = arith.constant 240 : index
            %get3A_940 = tpu.vector_load %run_scoped3A[%get3A_938, %get3A_939] {strides = array<i32>} : memref<240x512xf32, #tpu.memory_space<vmem>>, vector<16xf32>,
            %add3A_941 = arith.addf %while3A_858, %get3A_895 : vector<16xf32>
            %add3A_942 = arith.addf %while3A_859, %get3A_898 : vector<16xf32>
            %add3A_943 = arith.addf %while3A_860, %get3A_901 : vector<16xf32>
            %add3A_944 = arith.addf %while3A_861, %get3A_904 : vector<16xf32>
            %add3A_945 = arith.addf %while3A_862, %get3A_907 : vector<16xf32>
            %add3A_946 = arith.addf %while3A_863, %get3A_910 : vector<16xf32>
            %add3A_947 = arith.addf %while3A_864, %get3A_913 : vector<16xf32>
            %add3A_948 = arith.addf %while3A_865, %get3A_916 : vector<16xf32>
            %add3A_949 = arith.addf %while3A_866, %get3A_919 : vector<16xf32>
            %add3A_950 = arith.addf %while3A_867, %get3A_922 : vector<16xf32>
            %add3A_951 = arith.addf %while3A_868, %get3A_925 : vector<16xf32>
            %add3A_952 = arith.addf %while3A_869, %get3A_928 : vector<16xf32>
            %add3A_953 = arith.addf %while3A_870, %get3A_931 : vector<16xf32>
            %add3A_954 = arith.addf %while3A_871, %get3A_934 : vector<16xf32>
            %add3A_955 = arith.addf %while3A_872, %get3A_937 : vector<16xf32>
            %add3A_956 = arith.addf %while3A_873, %get3A_940 : vector<16xf32>
            %max3A_957 = arith.maximumf %while3A_874, %get3A_895 : vector<16xf32>
            %max3A_958 = arith.maximumf %while3A_875, %get3A_898 : vector<16xf32>
            %max3A_959 = arith.maximumf %while3A_876, %get3A_901 : vector<16xf32>
            %max3A_960 = arith.maximumf %while3A_877, %get3A_904 : vector<16xf32>
            %max3A_961 = arith.maximumf %while3A_878, %get3A_907 : vector<16xf32>
            %max3A_962 = arith.maximumf %while3A_879, %get3A_910 : vector<16xf32>
            %max3A_963 = arith.maximumf %while3A_880, %get3A_913 : vector<16xf32>
            %max3A_964 = arith.maximumf %while3A_881, %get3A_916 : vector<16xf32>
            %max3A_965 = arith.maximumf %while3A_882, %get3A_919 : vector<16xf32>
            %max3A_966 = arith.maximumf %while3A_883, %get3A_922 : vector<16xf32>
            %max3A_967 = arith.maximumf %while3A_884, %get3A_925 : vector<16xf32>
            %max3A_968 = arith.maximumf %while3A_885, %get3A_928 : vector<16xf32>
            %max3A_969 = arith.maximumf %while3A_886, %get3A_931 : vector<16xf32>
            %max3A_970 = arith.maximumf %while3A_887, %get3A_934 : vector<16xf32>
            %max3A_971 = arith.maximumf %while3A_888, %get3A_937 : vector<16xf32>
            %max3A_972 = arith.maximumf %while3A_889, %get3A_940 : vector<16xf32>
            %add3A_973 = arith.constant 1 : i32
            %add3A_974 = arith.addi %add3A_892, %add3A_973 : i32
            %get3A_975 = arith.index_cast %add3A_974 : i32 to index
            %get3A_976 = arith.constant 0 : index
            %get3A_977 = tpu.vector_load %run_scoped3A[%get3A_975, %get3A_976] {strides = array<i32>} : memref<240x512xf32, #tpu.memory_space<vmem>>, vector<16xf32>,
            %get3A_978 = arith.index_cast %add3A_974 : i32 to index
            %get3A_979 = arith.constant 16 : index
            %get3A_980 = tpu.vector_load %run_scoped3A[%get3A_978, %get3A_979] {strides = array<i32>} : memref<240x512xf32, #tpu.memory_space<vmem>>, vector<16xf32>,
            %get3A_981 = arith.index_cast %add3A_974 : i32 to index
            %get3A_982 = arith.constant 32 : index
            %get3A_983 = tpu.vector_load %run_scoped3A[%get3A_981, %get3A_982] {strides = array<i32>} : memref<240x512xf32, #tpu.memory_space<vmem>>, vector<16xf32>,
            %get3A_984 = arith.index_cast %add3A_974 : i32 to index
            %get3A_985 = arith.constant 48 : index
            %get3A_986 = tpu.vector_load %run_scoped3A[%get3A_984, %get3A_985] {strides = array<i32>} : memref<240x512xf32, #tpu.memory_space<vmem>>, vector<16xf32>,
            %get3A_987 = arith.index_cast %add3A_974 : i32 to index
            %get3A_988 = arith.constant 64 : index
            %get3A_989 = tpu.vector_load %run_scoped3A[%get3A_987, %get3A_988] {strides = array<i32>} : memref<240x512xf32, #tpu.memory_space<vmem>>, vector<16xf32>,
            %get3A_990 = arith.index_cast %add3A_974 : i32 to index
            %get3A_991 = arith.constant 80 : index
            %get3A_992 = tpu.vector_load %run_scoped3A[%get3A_990, %get3A_991] {strides = array<i32>} : memref<240x512xf32, #tpu.memory_space<vmem>>, vector<16xf32>,
            %get3A_993 = arith.index_cast %add3A_974 : i32 to index
            %get3A_994 = arith.constant 96 : index
            %get3A_995 = tpu.vector_load %run_scoped3A[%get3A_993, %get3A_994] {strides = array<i32>} : memref<240x512xf32, #tpu.memory_space<vmem>>, vector<16xf32>,
            %get3A_996 = arith.index_cast %add3A_974 : i32 to index
            %get3A_997 = arith.constant 112 : index
            %get3A_998 = tpu.vector_load %run_scoped3A[%get3A_996, %get3A_997] {strides = array<i32>} : memref<240x512xf32, #tpu.memory_space<vmem>>, vector<16xf32>,
            %get3A_999 = arith.index_cast %add3A_974 : i32 to index
            %get3A_1000 = arith.constant 128 : index
            %get3A_1001 = tpu.vector_load %run_scoped3A[%get3A_999, %get3A_1000] {strides = array<i32>} : memref<240x512xf32, #tpu.memory_space<vmem>>, vector<16xf32>,
            %get3A_1002 = arith.index_cast %add3A_974 : i32 to index
            %get3A_1003 = arith.constant 144 : index
            %get3A_1004 = tpu.vector_load %run_scoped3A[%get3A_1002, %get3A_1003] {strides = array<i32>} : memref<240x512xf32, #tpu.memory_space<vmem>>, vector<16xf32>,
            %get3A_1005 = arith.index_cast %add3A_974 : i32 to index
            %get3A_1006 = arith.constant 160 : index
            %get3A_1007 = tpu.vector_load %run_scoped3A[%get3A_1005, %get3A_1006] {strides = array<i32>} : memref<240x512xf32, #tpu.memory_space<vmem>>, vector<16xf32>,
            %get3A_1008 = arith.index_cast %add3A_974 : i32 to index
            %get3A_1009 = arith.constant 176 : index
            %get3A_1010 = tpu.vector_load %run_scoped3A[%get3A_1008, %get3A_1009] {strides = array<i32>} : memref<240x512xf32, #tpu.memory_space<vmem>>, vector<16xf32>,
            %get3A_1011 = arith.index_cast %add3A_974 : i32 to index
            %get3A_1012 = arith.constant 192 : index
            %get3A_1013 = tpu.vector_load %run_scoped3A[%get3A_1011, %get3A_1012] {strides = array<i32>} : memref<240x512xf32, #tpu.memory_space<vmem>>, vector<16xf32>,
            %get3A_1014 = arith.index_cast %add3A_974 : i32 to index
            %get3A_1015 = arith.constant 208 : index
            %get3A_1016 = tpu.vector_load %run_scoped3A[%get3A_1014, %get3A_1015] {strides = array<i32>} : memref<240x512xf32, #tpu.memory_space<vmem>>, vector<16xf32>,
            %get3A_1017 = arith.index_cast %add3A_974 : i32 to index
            %get3A_1018 = arith.constant 224 : index
            %get3A_1019 = tpu.vector_load %run_scoped3A[%get3A_1017, %get3A_1018] {strides = array<i32>} : memref<240x512xf32, #tpu.memory_space<vmem>>, vector<16xf32>,
            %get3A_1020 = arith.index_cast %add3A_974 : i32 to index
            %get3A_1021 = arith.constant 240 : index
            %get3A_1022 = tpu.vector_load %run_scoped3A[%get3A_1020, %get3A_1021] {strides = array<i32>} : memref<240x512xf32, #tpu.memory_space<vmem>>, vector<16xf32>,
            %add3A_1023 = arith.addf %add3A_941, %get3A_977 : vector<16xf32>
            %add3A_1024 = arith.addf %add3A_942, %get3A_980 : vector<16xf32>
            %add3A_1025 = arith.addf %add3A_943, %get3A_983 : vector<16xf32>
            %add3A_1026 = arith.addf %add3A_944, %get3A_986 : vector<16xf32>
            %add3A_1027 = arith.addf %add3A_945, %get3A_989 : vector<16xf32>
            %add3A_1028 = arith.addf %add3A_946, %get3A_992 : vector<16xf32>
            %add3A_1029 = arith.addf %add3A_947, %get3A_995 : vector<16xf32>
            %add3A_1030 = arith.addf %add3A_948, %get3A_998 : vector<16xf32>
            %add3A_1031 = arith.addf %add3A_949, %get3A_1001 : vector<16xf32>
            %add3A_1032 = arith.addf %add3A_950, %get3A_1004 : vector<16xf32>
            %add3A_1033 = arith.addf %add3A_951, %get3A_1007 : vector<16xf32>
            %add3A_1034 = arith.addf %add3A_952, %get3A_1010 : vector<16xf32>
            %add3A_1035 = arith.addf %add3A_953, %get3A_1013 : vector<16xf32>
            %add3A_1036 = arith.addf %add3A_954, %get3A_1016 : vector<16xf32>
            %add3A_1037 = arith.addf %add3A_955, %get3A_1019 : vector<16xf32>
            %add3A_1038 = arith.addf %add3A_956, %get3A_1022 : vector<16xf32>
            %max3A_1039 = arith.maximumf %max3A_957, %get3A_977 : vector<16xf32>
            %max3A_1040 = arith.maximumf %max3A_958, %get3A_980 : vector<16xf32>
            %max3A_1041 = arith.maximumf %max3A_959, %get3A_983 : vector<16xf32>
            %max3A_1042 = arith.maximumf %max3A_960, %get3A_986 : vector<16xf32>
            %max3A_1043 = arith.maximumf %max3A_961, %get3A_989 : vector<16xf32>
            %max3A_1044 = arith.maximumf %max3A_962, %get3A_992 : vector<16xf32>
            %max3A_1045 = arith.maximumf %max3A_963, %get3A_995 : vector<16xf32>
            %max3A_1046 = arith.maximumf %max3A_964, %get3A_998 : vector<16xf32>
            %max3A_1047 = arith.maximumf %max3A_965, %get3A_1001 : vector<16xf32>
            %max3A_1048 = arith.maximumf %max3A_966, %get3A_1004 : vector<16xf32>
            %max3A_1049 = arith.maximumf %max3A_967, %get3A_1007 : vector<16xf32>
            %max3A_1050 = arith.maximumf %max3A_968, %get3A_1010 : vector<16xf32>
            %max3A_1051 = arith.maximumf %max3A_969, %get3A_1013 : vector<16xf32>
            %max3A_1052 = arith.maximumf %max3A_970, %get3A_1016 : vector<16xf32>
            %max3A_1053 = arith.maximumf %max3A_971, %get3A_1019 : vector<16xf32>
            %max3A_1054 = arith.maximumf %max3A_972, %get3A_1022 : vector<16xf32>
            scf.yield %add3A_1023, %add3A_1024, %add3A_1025, %add3A_1026, %add3A_1027, %add3A_1028, %add3A_1029, %add3A_1030, %add3A_1031, %add3A_1032, %add3A_1033, %add3A_1034, %add3A_1035, %add3A_1036, %add3A_1037, %add3A_1038, %max3A_1039, %max3A_1040, %max3A_1041, %max3A_1042, %max3A_1043, %max3A_1044, %max3A_1045, %max3A_1046, %max3A_1047, %max3A_1048, %max3A_1049, %max3A_1050, %max3A_1051, %max3A_1052, %max3A_1053, %max3A_1054 : vector<16xf32>, vector<16xf32>, vector<16xf32>, vector<16xf32>, vector<16xf32>, vector<16xf32>, vector<16xf32>, vector<16xf32>, vector<16xf32>, vector<16xf32>, vector<16xf32>, vector<16xf32>, vector<16xf32>, vector<16xf32>, vector<16xf32>, vector<16xf32>, vector<16xf32>, vector<16xf32>, vector<16xf32>, vector<16xf32>, vector<16xf32>, vector<16xf32>, vector<16xf32>, vector<16xf32>, vector<16xf32>, vector<16xf32>, vector<16xf32>, vector<16xf32>, vector<16xf32>, vector<16xf32>, vector<16xf32>, vector<16xf32>
          }
          %mul3A_627 = arith.constant 2 : i32
          %mul3A_628 = arith.muli %select_n3A_551, %mul3A_627 : i32
          %add3A_629 = arith.addi %add3A_496, %mul3A_628 : i32
          %while3A_630 = arith.subi %add3A_501, %add3A_629 : i32
          %while3A_631 = arith.addi %add3A_629, %while3A_630 : i32
          %while3A_632 = arith.constant 1 : i32
          %while3A_633 = arith.divsi %while3A_630, %while3A_632 : i32
          %while3A_634 = arith.muli %while3A_633, %while3A_632 : i32
          %while3A_635 = arith.addi %add3A_629, %while3A_634 : i32
          %while3A_636 = arith.constant 1 : i32
          %while3A_637:32 = scf.for %while3A_857 = %add3A_629 to %while3A_635 step %while3A_636 iter_args(%while3A_858 = %while3A_626#0, %while3A_859 = %while3A_626#1, %while3A_860 = %while3A_626#2, %while3A_861 = %while3A_626#3, %while3A_862 = %while3A_626#4, %while3A_863 = %while3A_626#5, %while3A_864 = %while3A_626#6, %while3A_865 = %while3A_626#7, %while3A_866 = %while3A_626#8, %while3A_867 = %while3A_626#9, %while3A_868 = %while3A_626#10, %while3A_869 = %while3A_626#11, %while3A_870 = %while3A_626#12, %while3A_871 = %while3A_626#13, %while3A_872 = %while3A_626#14, %while3A_873 = %while3A_626#15, %while3A_874 = %while3A_626#16, %while3A_875 = %while3A_626#17, %while3A_876 = %while3A_626#18, %while3A_877 = %while3A_626#19, %while3A_878 = %while3A_626#20, %while3A_879 = %while3A_626#21, %while3A_880 = %while3A_626#22, %while3A_881 = %while3A_626#23, %while3A_882 = %while3A_626#24, %while3A_883 = %while3A_626#25, %while3A_884 = %while3A_626#26, %while3A_885 = %while3A_626#27, %while3A_886 = %while3A_626#28, %while3A_887 = %while3A_626#29, %while3A_888 = %while3A_626#30, %while3A_889 = %while3A_626#31) -> (vector<16xf32>, vector<16xf32>, vector<16xf32>, vector<16xf32>, vector<16xf32>, vector<16xf32>, vector<16xf32>, vector<16xf32>, vector<16xf32>, vector<16xf32>, vector<16xf32>, vector<16xf32>, vector<16xf32>, vector<16xf32>, vector<16xf32>, vector<16xf32>, vector<16xf32>, vector<16xf32>, vector<16xf32>, vector<16xf32>, vector<16xf32>, vector<16xf32>, vector<16xf32>, vector<16xf32>, vector<16xf32>, vector<16xf32>, vector<16xf32>, vector<16xf32>, vector<16xf32>, vector<16xf32>, vector<16xf32>, vector<16xf32>)  : i32 {
            %get3A_890 = arith.index_cast %while3A_857 : i32 to index
            %get3A_891 = arith.constant 0 : index
            %get3A_892 = tpu.vector_load %run_scoped3A[%get3A_890, %get3A_891] {strides = array<i32>} : memref<240x512xf32, #tpu.memory_space<vmem>>, vector<16xf32>,
            %get3A_893 = arith.index_cast %while3A_857 : i32 to index
            %get3A_894 = arith.constant 16 : index
            %get3A_895 = tpu.vector_load %run_scoped3A[%get3A_893, %get3A_894] {strides = array<i32>} : memref<240x512xf32, #tpu.memory_space<vmem>>, vector<16xf32>,
            %get3A_896 = arith.index_cast %while3A_857 : i32 to index
            %get3A_897 = arith.constant 32 : index
            %get3A_898 = tpu.vector_load %run_scoped3A[%get3A_896, %get3A_897] {strides = array<i32>} : memref<240x512xf32, #tpu.memory_space<vmem>>, vector<16xf32>,
            %get3A_899 = arith.index_cast %while3A_857 : i32 to index
            %get3A_900 = arith.constant 48 : index
            %get3A_901 = tpu.vector_load %run_scoped3A[%get3A_899, %get3A_900] {strides = array<i32>} : memref<240x512xf32, #tpu.memory_space<vmem>>, vector<16xf32>,
            %get3A_902 = arith.index_cast %while3A_857 : i32 to index
            %get3A_903 = arith.constant 64 : index
            %get3A_904 = tpu.vector_load %run_scoped3A[%get3A_902, %get3A_903] {strides = array<i32>} : memref<240x512xf32, #tpu.memory_space<vmem>>, vector<16xf32>,
            %get3A_905 = arith.index_cast %while3A_857 : i32 to index
            %get3A_906 = arith.constant 80 : index
            %get3A_907 = tpu.vector_load %run_scoped3A[%get3A_905, %get3A_906] {strides = array<i32>} : memref<240x512xf32, #tpu.memory_space<vmem>>, vector<16xf32>,
            %get3A_908 = arith.index_cast %while3A_857 : i32 to index
            %get3A_909 = arith.constant 96 : index
            %get3A_910 = tpu.vector_load %run_scoped3A[%get3A_908, %get3A_909] {strides = array<i32>} : memref<240x512xf32, #tpu.memory_space<vmem>>, vector<16xf32>,
            %get3A_911 = arith.index_cast %while3A_857 : i32 to index
            %get3A_912 = arith.constant 112 : index
            %get3A_913 = tpu.vector_load %run_scoped3A[%get3A_911, %get3A_912] {strides = array<i32>} : memref<240x512xf32, #tpu.memory_space<vmem>>, vector<16xf32>,
            %get3A_914 = arith.index_cast %while3A_857 : i32 to index
            %get3A_915 = arith.constant 128 : index
            %get3A_916 = tpu.vector_load %run_scoped3A[%get3A_914, %get3A_915] {strides = array<i32>} : memref<240x512xf32, #tpu.memory_space<vmem>>, vector<16xf32>,
            %get3A_917 = arith.index_cast %while3A_857 : i32 to index
            %get3A_918 = arith.constant 144 : index
            %get3A_919 = tpu.vector_load %run_scoped3A[%get3A_917, %get3A_918] {strides = array<i32>} : memref<240x512xf32, #tpu.memory_space<vmem>>, vector<16xf32>,
            %get3A_920 = arith.index_cast %while3A_857 : i32 to index
            %get3A_921 = arith.constant 160 : index
            %get3A_922 = tpu.vector_load %run_scoped3A[%get3A_920, %get3A_921] {strides = array<i32>} : memref<240x512xf32, #tpu.memory_space<vmem>>, vector<16xf32>,
            %get3A_923 = arith.index_cast %while3A_857 : i32 to index
            %get3A_924 = arith.constant 176 : index
            %get3A_925 = tpu.vector_load %run_scoped3A[%get3A_923, %get3A_924] {strides = array<i32>} : memref<240x512xf32, #tpu.memory_space<vmem>>, vector<16xf32>,
            %get3A_926 = arith.index_cast %while3A_857 : i32 to index
            %get3A_927 = arith.constant 192 : index
            %get3A_928 = tpu.vector_load %run_scoped3A[%get3A_926, %get3A_927] {strides = array<i32>} : memref<240x512xf32, #tpu.memory_space<vmem>>, vector<16xf32>,
            %get3A_929 = arith.index_cast %while3A_857 : i32 to index
            %get3A_930 = arith.constant 208 : index
            %get3A_931 = tpu.vector_load %run_scoped3A[%get3A_929, %get3A_930] {strides = array<i32>} : memref<240x512xf32, #tpu.memory_space<vmem>>, vector<16xf32>,
            %get3A_932 = arith.index_cast %while3A_857 : i32 to index
            %get3A_933 = arith.constant 224 : index
            %get3A_934 = tpu.vector_load %run_scoped3A[%get3A_932, %get3A_933] {strides = array<i32>} : memref<240x512xf32, #tpu.memory_space<vmem>>, vector<16xf32>,
            %get3A_935 = arith.index_cast %while3A_857 : i32 to index
            %get3A_936 = arith.constant 240 : index
            %get3A_937 = tpu.vector_load %run_scoped3A[%get3A_935, %get3A_936] {strides = array<i32>} : memref<240x512xf32, #tpu.memory_space<vmem>>, vector<16xf32>,
            %add3A_938 = arith.addf %while3A_858, %get3A_892 : vector<16xf32>
            %add3A_939 = arith.addf %while3A_859, %get3A_895 : vector<16xf32>
            %add3A_940 = arith.addf %while3A_860, %get3A_898 : vector<16xf32>
            %add3A_941 = arith.addf %while3A_861, %get3A_901 : vector<16xf32>
            %add3A_942 = arith.addf %while3A_862, %get3A_904 : vector<16xf32>
            %add3A_943 = arith.addf %while3A_863, %get3A_907 : vector<16xf32>
            %add3A_944 = arith.addf %while3A_864, %get3A_910 : vector<16xf32>
            %add3A_945 = arith.addf %while3A_865, %get3A_913 : vector<16xf32>
            %add3A_946 = arith.addf %while3A_866, %get3A_916 : vector<16xf32>
            %add3A_947 = arith.addf %while3A_867, %get3A_919 : vector<16xf32>
            %add3A_948 = arith.addf %while3A_868, %get3A_922 : vector<16xf32>
            %add3A_949 = arith.addf %while3A_869, %get3A_925 : vector<16xf32>
            %add3A_950 = arith.addf %while3A_870, %get3A_928 : vector<16xf32>
            %add3A_951 = arith.addf %while3A_871, %get3A_931 : vector<16xf32>
            %add3A_952 = arith.addf %while3A_872, %get3A_934 : vector<16xf32>
            %add3A_953 = arith.addf %while3A_873, %get3A_937 : vector<16xf32>
            %max3A_954 = arith.maximumf %while3A_874, %get3A_892 : vector<16xf32>
            %max3A_955 = arith.maximumf %while3A_875, %get3A_895 : vector<16xf32>
            %max3A_956 = arith.maximumf %while3A_876, %get3A_898 : vector<16xf32>
            %max3A_957 = arith.maximumf %while3A_877, %get3A_901 : vector<16xf32>
            %max3A_958 = arith.maximumf %while3A_878, %get3A_904 : vector<16xf32>
            %max3A_959 = arith.maximumf %while3A_879, %get3A_907 : vector<16xf32>
            %max3A_960 = arith.maximumf %while3A_880, %get3A_910 : vector<16xf32>
            %max3A_961 = arith.maximumf %while3A_881, %get3A_913 : vector<16xf32>
            %max3A_962 = arith.maximumf %while3A_882, %get3A_916 : vector<16xf32>
            %max3A_963 = arith.maximumf %while3A_883, %get3A_919 : vector<16xf32>
            %max3A_964 = arith.maximumf %while3A_884, %get3A_922 : vector<16xf32>
            %max3A_965 = arith.maximumf %while3A_885, %get3A_925 : vector<16xf32>
            %max3A_966 = arith.maximumf %while3A_886, %get3A_928 : vector<16xf32>
            %max3A_967 = arith.maximumf %while3A_887, %get3A_931 : vector<16xf32>
            %max3A_968 = arith.maximumf %while3A_888, %get3A_934 : vector<16xf32>
            %max3A_969 = arith.maximumf %while3A_889, %get3A_937 : vector<16xf32>
            scf.yield %add3A_938, %add3A_939, %add3A_940, %add3A_941, %add3A_942, %add3A_943, %add3A_944, %add3A_945, %add3A_946, %add3A_947, %add3A_948, %add3A_949, %add3A_950, %add3A_951, %add3A_952, %add3A_953, %max3A_954, %max3A_955, %max3A_956, %max3A_957, %max3A_958, %max3A_959, %max3A_960, %max3A_961, %max3A_962, %max3A_963, %max3A_964, %max3A_965, %max3A_966, %max3A_967, %max3A_968, %max3A_969 : vector<16xf32>, vector<16xf32>, vector<16xf32>, vector<16xf32>, vector<16xf32>, vector<16xf32>, vector<16xf32>, vector<16xf32>, vector<16xf32>, vector<16xf32>, vector<16xf32>, vector<16xf32>, vector<16xf32>, vector<16xf32>, vector<16xf32>, vector<16xf32>, vector<16xf32>, vector<16xf32>, vector<16xf32>, vector<16xf32>, vector<16xf32>, vector<16xf32>, vector<16xf32>, vector<16xf32>, vector<16xf32>, vector<16xf32>, vector<16xf32>, vector<16xf32>, vector<16xf32>, vector<16xf32>, vector<16xf32>, vector<16xf32>
          }
          %while3A_638 = arith.constant 1 : i32
          %while3A_639:32 = scf.for %while3A_857 = %while3A_635 to %while3A_631 step %while3A_638 iter_args(%while3A_858 = %while3A_637#0, %while3A_859 = %while3A_637#1, %while3A_860 = %while3A_637#2, %while3A_861 = %while3A_637#3, %while3A_862 = %while3A_637#4, %while3A_863 = %while3A_637#5, %while3A_864 = %while3A_637#6, %while3A_865 = %while3A_637#7, %while3A_866 = %while3A_637#8, %while3A_867 = %while3A_637#9, %while3A_868 = %while3A_637#10, %while3A_869 = %while3A_637#11, %while3A_870 = %while3A_637#12, %while3A_871 = %while3A_637#13, %while3A_872 = %while3A_637#14, %while3A_873 = %while3A_637#15, %while3A_874 = %while3A_637#16, %while3A_875 = %while3A_637#17, %while3A_876 = %while3A_637#18, %while3A_877 = %while3A_637#19, %while3A_878 = %while3A_637#20, %while3A_879 = %while3A_637#21, %while3A_880 = %while3A_637#22, %while3A_881 = %while3A_637#23, %while3A_882 = %while3A_637#24, %while3A_883 = %while3A_637#25, %while3A_884 = %while3A_637#26, %while3A_885 = %while3A_637#27, %while3A_886 = %while3A_637#28, %while3A_887 = %while3A_637#29, %while3A_888 = %while3A_637#30, %while3A_889 = %while3A_637#31) -> (vector<16xf32>, vector<16xf32>, vector<16xf32>, vector<16xf32>, vector<16xf32>, vector<16xf32>, vector<16xf32>, vector<16xf32>, vector<16xf32>, vector<16xf32>, vector<16xf32>, vector<16xf32>, vector<16xf32>, vector<16xf32>, vector<16xf32>, vector<16xf32>, vector<16xf32>, vector<16xf32>, vector<16xf32>, vector<16xf32>, vector<16xf32>, vector<16xf32>, vector<16xf32>, vector<16xf32>, vector<16xf32>, vector<16xf32>, vector<16xf32>, vector<16xf32>, vector<16xf32>, vector<16xf32>, vector<16xf32>, vector<16xf32>)  : i32 {
            %get3A_890 = arith.index_cast %while3A_857 : i32 to index
            %get3A_891 = arith.constant 0 : index
            %get3A_892 = tpu.vector_load %run_scoped3A[%get3A_890, %get3A_891] {strides = array<i32>} : memref<240x512xf32, #tpu.memory_space<vmem>>, vector<16xf32>,
            %get3A_893 = arith.index_cast %while3A_857 : i32 to index
            %get3A_894 = arith.constant 16 : index
            %get3A_895 = tpu.vector_load %run_scoped3A[%get3A_893, %get3A_894] {strides = array<i32>} : memref<240x512xf32, #tpu.memory_space<vmem>>, vector<16xf32>,
            %get3A_896 = arith.index_cast %while3A_857 : i32 to index
            %get3A_897 = arith.constant 32 : index
            %get3A_898 = tpu.vector_load %run_scoped3A[%get3A_896, %get3A_897] {strides = array<i32>} : memref<240x512xf32, #tpu.memory_space<vmem>>, vector<16xf32>,
            %get3A_899 = arith.index_cast %while3A_857 : i32 to index
            %get3A_900 = arith.constant 48 : index
            %get3A_901 = tpu.vector_load %run_scoped3A[%get3A_899, %get3A_900] {strides = array<i32>} : memref<240x512xf32, #tpu.memory_space<vmem>>, vector<16xf32>,
            %get3A_902 = arith.index_cast %while3A_857 : i32 to index
            %get3A_903 = arith.constant 64 : index
            %get3A_904 = tpu.vector_load %run_scoped3A[%get3A_902, %get3A_903] {strides = array<i32>} : memref<240x512xf32, #tpu.memory_space<vmem>>, vector<16xf32>,
            %get3A_905 = arith.index_cast %while3A_857 : i32 to index
            %get3A_906 = arith.constant 80 : index
            %get3A_907 = tpu.vector_load %run_scoped3A[%get3A_905, %get3A_906] {strides = array<i32>} : memref<240x512xf32, #tpu.memory_space<vmem>>, vector<16xf32>,
            %get3A_908 = arith.index_cast %while3A_857 : i32 to index
            %get3A_909 = arith.constant 96 : index
            %get3A_910 = tpu.vector_load %run_scoped3A[%get3A_908, %get3A_909] {strides = array<i32>} : memref<240x512xf32, #tpu.memory_space<vmem>>, vector<16xf32>,
            %get3A_911 = arith.index_cast %while3A_857 : i32 to index
            %get3A_912 = arith.constant 112 : index
            %get3A_913 = tpu.vector_load %run_scoped3A[%get3A_911, %get3A_912] {strides = array<i32>} : memref<240x512xf32, #tpu.memory_space<vmem>>, vector<16xf32>,
            %get3A_914 = arith.index_cast %while3A_857 : i32 to index
            %get3A_915 = arith.constant 128 : index
            %get3A_916 = tpu.vector_load %run_scoped3A[%get3A_914, %get3A_915] {strides = array<i32>} : memref<240x512xf32, #tpu.memory_space<vmem>>, vector<16xf32>,
            %get3A_917 = arith.index_cast %while3A_857 : i32 to index
            %get3A_918 = arith.constant 144 : index
            %get3A_919 = tpu.vector_load %run_scoped3A[%get3A_917, %get3A_918] {strides = array<i32>} : memref<240x512xf32, #tpu.memory_space<vmem>>, vector<16xf32>,
            %get3A_920 = arith.index_cast %while3A_857 : i32 to index
            %get3A_921 = arith.constant 160 : index
            %get3A_922 = tpu.vector_load %run_scoped3A[%get3A_920, %get3A_921] {strides = array<i32>} : memref<240x512xf32, #tpu.memory_space<vmem>>, vector<16xf32>,
            %get3A_923 = arith.index_cast %while3A_857 : i32 to index
            %get3A_924 = arith.constant 176 : index
            %get3A_925 = tpu.vector_load %run_scoped3A[%get3A_923, %get3A_924] {strides = array<i32>} : memref<240x512xf32, #tpu.memory_space<vmem>>, vector<16xf32>,
            %get3A_926 = arith.index_cast %while3A_857 : i32 to index
            %get3A_927 = arith.constant 192 : index
            %get3A_928 = tpu.vector_load %run_scoped3A[%get3A_926, %get3A_927] {strides = array<i32>} : memref<240x512xf32, #tpu.memory_space<vmem>>, vector<16xf32>,
            %get3A_929 = arith.index_cast %while3A_857 : i32 to index
            %get3A_930 = arith.constant 208 : index
            %get3A_931 = tpu.vector_load %run_scoped3A[%get3A_929, %get3A_930] {strides = array<i32>} : memref<240x512xf32, #tpu.memory_space<vmem>>, vector<16xf32>,
            %get3A_932 = arith.index_cast %while3A_857 : i32 to index
            %get3A_933 = arith.constant 224 : index
            %get3A_934 = tpu.vector_load %run_scoped3A[%get3A_932, %get3A_933] {strides = array<i32>} : memref<240x512xf32, #tpu.memory_space<vmem>>, vector<16xf32>,
            %get3A_935 = arith.index_cast %while3A_857 : i32 to index
            %get3A_936 = arith.constant 240 : index
            %get3A_937 = tpu.vector_load %run_scoped3A[%get3A_935, %get3A_936] {strides = array<i32>} : memref<240x512xf32, #tpu.memory_space<vmem>>, vector<16xf32>,
            %add3A_938 = arith.addf %while3A_858, %get3A_892 : vector<16xf32>
            %add3A_939 = arith.addf %while3A_859, %get3A_895 : vector<16xf32>
            %add3A_940 = arith.addf %while3A_860, %get3A_898 : vector<16xf32>
            %add3A_941 = arith.addf %while3A_861, %get3A_901 : vector<16xf32>
            %add3A_942 = arith.addf %while3A_862, %get3A_904 : vector<16xf32>
            %add3A_943 = arith.addf %while3A_863, %get3A_907 : vector<16xf32>
            %add3A_944 = arith.addf %while3A_864, %get3A_910 : vector<16xf32>
            %add3A_945 = arith.addf %while3A_865, %get3A_913 : vector<16xf32>
            %add3A_946 = arith.addf %while3A_866, %get3A_916 : vector<16xf32>
            %add3A_947 = arith.addf %while3A_867, %get3A_919 : vector<16xf32>
            %add3A_948 = arith.addf %while3A_868, %get3A_922 : vector<16xf32>
            %add3A_949 = arith.addf %while3A_869, %get3A_925 : vector<16xf32>
            %add3A_950 = arith.addf %while3A_870, %get3A_928 : vector<16xf32>
            %add3A_951 = arith.addf %while3A_871, %get3A_931 : vector<16xf32>
            %add3A_952 = arith.addf %while3A_872, %get3A_934 : vector<16xf32>
            %add3A_953 = arith.addf %while3A_873, %get3A_937 : vector<16xf32>
            %max3A_954 = arith.maximumf %while3A_874, %get3A_892 : vector<16xf32>
            %max3A_955 = arith.maximumf %while3A_875, %get3A_895 : vector<16xf32>
            %max3A_956 = arith.maximumf %while3A_876, %get3A_898 : vector<16xf32>
            %max3A_957 = arith.maximumf %while3A_877, %get3A_901 : vector<16xf32>
            %max3A_958 = arith.maximumf %while3A_878, %get3A_904 : vector<16xf32>
            %max3A_959 = arith.maximumf %while3A_879, %get3A_907 : vector<16xf32>
            %max3A_960 = arith.maximumf %while3A_880, %get3A_910 : vector<16xf32>
            %max3A_961 = arith.maximumf %while3A_881, %get3A_913 : vector<16xf32>
            %max3A_962 = arith.maximumf %while3A_882, %get3A_916 : vector<16xf32>
            %max3A_963 = arith.maximumf %while3A_883, %get3A_919 : vector<16xf32>
            %max3A_964 = arith.maximumf %while3A_884, %get3A_922 : vector<16xf32>
            %max3A_965 = arith.maximumf %while3A_885, %get3A_925 : vector<16xf32>
            %max3A_966 = arith.maximumf %while3A_886, %get3A_928 : vector<16xf32>
            %max3A_967 = arith.maximumf %while3A_887, %get3A_931 : vector<16xf32>
            %max3A_968 = arith.maximumf %while3A_888, %get3A_934 : vector<16xf32>
            %max3A_969 = arith.maximumf %while3A_889, %get3A_937 : vector<16xf32>
            scf.yield %add3A_938, %add3A_939, %add3A_940, %add3A_941, %add3A_942, %add3A_943, %add3A_944, %add3A_945, %add3A_946, %add3A_947, %add3A_948, %add3A_949, %add3A_950, %add3A_951, %add3A_952, %add3A_953, %max3A_954, %max3A_955, %max3A_956, %max3A_957, %max3A_958, %max3A_959, %max3A_960, %max3A_961, %max3A_962, %max3A_963, %max3A_964, %max3A_965, %max3A_966, %max3A_967, %max3A_968, %max3A_969 : vector<16xf32>, vector<16xf32>, vector<16xf32>, vector<16xf32>, vector<16xf32>, vector<16xf32>, vector<16xf32>, vector<16xf32>, vector<16xf32>, vector<16xf32>, vector<16xf32>, vector<16xf32>, vector<16xf32>, vector<16xf32>, vector<16xf32>, vector<16xf32>, vector<16xf32>, vector<16xf32>, vector<16xf32>, vector<16xf32>, vector<16xf32>, vector<16xf32>, vector<16xf32>, vector<16xf32>, vector<16xf32>, vector<16xf32>, vector<16xf32>, vector<16xf32>, vector<16xf32>, vector<16xf32>, vector<16xf32>, vector<16xf32>
          }
          %swap3A_640 = arith.constant 0 : index
          %swap3A_641 = tpu.vector_load %arg6[%swap3A_640] {strides = array<i32>} : memref<512xf32, #tpu.memory_space<vmem>>, vector<16xf32>,
          tpu.vector_store %arg6[%swap3A_640], %while3A_639#0 {strides = array<i32>} : memref<512xf32, #tpu.memory_space<vmem>>, vector<16xf32>,
          %swap3A_642 = arith.constant 0 : index
          %swap3A_643 = tpu.vector_load %arg7[%swap3A_642] {strides = array<i32>} : memref<512xf32, #tpu.memory_space<vmem>>, vector<16xf32>,
          tpu.vector_store %arg7[%swap3A_642], %while3A_639#16 {strides = array<i32>} : memref<512xf32, #tpu.memory_space<vmem>>, vector<16xf32>,
          %swap3A_644 = arith.constant 16 : index
          %swap3A_645 = tpu.vector_load %arg6[%swap3A_644] {strides = array<i32>} : memref<512xf32, #tpu.memory_space<vmem>>, vector<16xf32>,
          tpu.vector_store %arg6[%swap3A_644], %while3A_639#1 {strides = array<i32>} : memref<512xf32, #tpu.memory_space<vmem>>, vector<16xf32>,
          %swap3A_646 = arith.constant 16 : index
          %swap3A_647 = tpu.vector_load %arg7[%swap3A_646] {strides = array<i32>} : memref<512xf32, #tpu.memory_space<vmem>>, vector<16xf32>,
          tpu.vector_store %arg7[%swap3A_646], %while3A_639#17 {strides = array<i32>} : memref<512xf32, #tpu.memory_space<vmem>>, vector<16xf32>,
          %swap3A_648 = arith.constant 32 : index
          %swap3A_649 = tpu.vector_load %arg6[%swap3A_648] {strides = array<i32>} : memref<512xf32, #tpu.memory_space<vmem>>, vector<16xf32>,
          tpu.vector_store %arg6[%swap3A_648], %while3A_639#2 {strides = array<i32>} : memref<512xf32, #tpu.memory_space<vmem>>, vector<16xf32>,
          %swap3A_650 = arith.constant 32 : index
          %swap3A_651 = tpu.vector_load %arg7[%swap3A_650] {strides = array<i32>} : memref<512xf32, #tpu.memory_space<vmem>>, vector<16xf32>,
          tpu.vector_store %arg7[%swap3A_650], %while3A_639#18 {strides = array<i32>} : memref<512xf32, #tpu.memory_space<vmem>>, vector<16xf32>,
          %swap3A_652 = arith.constant 48 : index
          %swap3A_653 = tpu.vector_load %arg6[%swap3A_652] {strides = array<i32>} : memref<512xf32, #tpu.memory_space<vmem>>, vector<16xf32>,
          tpu.vector_store %arg6[%swap3A_652], %while3A_639#3 {strides = array<i32>} : memref<512xf32, #tpu.memory_space<vmem>>, vector<16xf32>,
          %swap3A_654 = arith.constant 48 : index
          %swap3A_655 = tpu.vector_load %arg7[%swap3A_654] {strides = array<i32>} : memref<512xf32, #tpu.memory_space<vmem>>, vector<16xf32>,
          tpu.vector_store %arg7[%swap3A_654], %while3A_639#19 {strides = array<i32>} : memref<512xf32, #tpu.memory_space<vmem>>, vector<16xf32>,
          %swap3A_656 = arith.constant 64 : index
          %swap3A_657 = tpu.vector_load %arg6[%swap3A_656] {strides = array<i32>} : memref<512xf32, #tpu.memory_space<vmem>>, vector<16xf32>,
          tpu.vector_store %arg6[%swap3A_656], %while3A_639#4 {strides = array<i32>} : memref<512xf32, #tpu.memory_space<vmem>>, vector<16xf32>,
          %swap3A_658 = arith.constant 64 : index
          %swap3A_659 = tpu.vector_load %arg7[%swap3A_658] {strides = array<i32>} : memref<512xf32, #tpu.memory_space<vmem>>, vector<16xf32>,
          tpu.vector_store %arg7[%swap3A_658], %while3A_639#20 {strides = array<i32>} : memref<512xf32, #tpu.memory_space<vmem>>, vector<16xf32>,
          %swap3A_660 = arith.constant 80 : index
          %swap3A_661 = tpu.vector_load %arg6[%swap3A_660] {strides = array<i32>} : memref<512xf32, #tpu.memory_space<vmem>>, vector<16xf32>,
          tpu.vector_store %arg6[%swap3A_660], %while3A_639#5 {strides = array<i32>} : memref<512xf32, #tpu.memory_space<vmem>>, vector<16xf32>,
          %swap3A_662 = arith.constant 80 : index
          %swap3A_663 = tpu.vector_load %arg7[%swap3A_662] {strides = array<i32>} : memref<512xf32, #tpu.memory_space<vmem>>, vector<16xf32>,
          tpu.vector_store %arg7[%swap3A_662], %while3A_639#21 {strides = array<i32>} : memref<512xf32, #tpu.memory_space<vmem>>, vector<16xf32>,
          %swap3A_664 = arith.constant 96 : index
          %swap3A_665 = tpu.vector_load %arg6[%swap3A_664] {strides = array<i32>} : memref<512xf32, #tpu.memory_space<vmem>>, vector<16xf32>,
          tpu.vector_store %arg6[%swap3A_664], %while3A_639#6 {strides = array<i32>} : memref<512xf32, #tpu.memory_space<vmem>>, vector<16xf32>,
          %swap3A_666 = arith.constant 96 : index
          %swap3A_667 = tpu.vector_load %arg7[%swap3A_666] {strides = array<i32>} : memref<512xf32, #tpu.memory_space<vmem>>, vector<16xf32>,
          tpu.vector_store %arg7[%swap3A_666], %while3A_639#22 {strides = array<i32>} : memref<512xf32, #tpu.memory_space<vmem>>, vector<16xf32>,
          %swap3A_668 = arith.constant 112 : index
          %swap3A_669 = tpu.vector_load %arg6[%swap3A_668] {strides = array<i32>} : memref<512xf32, #tpu.memory_space<vmem>>, vector<16xf32>,
          tpu.vector_store %arg6[%swap3A_668], %while3A_639#7 {strides = array<i32>} : memref<512xf32, #tpu.memory_space<vmem>>, vector<16xf32>,
          %swap3A_670 = arith.constant 112 : index
          %swap3A_671 = tpu.vector_load %arg7[%swap3A_670] {strides = array<i32>} : memref<512xf32, #tpu.memory_space<vmem>>, vector<16xf32>,
          tpu.vector_store %arg7[%swap3A_670], %while3A_639#23 {strides = array<i32>} : memref<512xf32, #tpu.memory_space<vmem>>, vector<16xf32>,
          %swap3A_672 = arith.constant 128 : index
          %swap3A_673 = tpu.vector_load %arg6[%swap3A_672] {strides = array<i32>} : memref<512xf32, #tpu.memory_space<vmem>>, vector<16xf32>,
          tpu.vector_store %arg6[%swap3A_672], %while3A_639#8 {strides = array<i32>} : memref<512xf32, #tpu.memory_space<vmem>>, vector<16xf32>,
          %swap3A_674 = arith.constant 128 : index
          %swap3A_675 = tpu.vector_load %arg7[%swap3A_674] {strides = array<i32>} : memref<512xf32, #tpu.memory_space<vmem>>, vector<16xf32>,
          tpu.vector_store %arg7[%swap3A_674], %while3A_639#24 {strides = array<i32>} : memref<512xf32, #tpu.memory_space<vmem>>, vector<16xf32>,
          %swap3A_676 = arith.constant 144 : index
          %swap3A_677 = tpu.vector_load %arg6[%swap3A_676] {strides = array<i32>} : memref<512xf32, #tpu.memory_space<vmem>>, vector<16xf32>,
          tpu.vector_store %arg6[%swap3A_676], %while3A_639#9 {strides = array<i32>} : memref<512xf32, #tpu.memory_space<vmem>>, vector<16xf32>,
          %swap3A_678 = arith.constant 144 : index
          %swap3A_679 = tpu.vector_load %arg7[%swap3A_678] {strides = array<i32>} : memref<512xf32, #tpu.memory_space<vmem>>, vector<16xf32>,
          tpu.vector_store %arg7[%swap3A_678], %while3A_639#25 {strides = array<i32>} : memref<512xf32, #tpu.memory_space<vmem>>, vector<16xf32>,
          %swap3A_680 = arith.constant 160 : index
          %swap3A_681 = tpu.vector_load %arg6[%swap3A_680] {strides = array<i32>} : memref<512xf32, #tpu.memory_space<vmem>>, vector<16xf32>,
          tpu.vector_store %arg6[%swap3A_680], %while3A_639#10 {strides = array<i32>} : memref<512xf32, #tpu.memory_space<vmem>>, vector<16xf32>,
          %swap3A_682 = arith.constant 160 : index
          %swap3A_683 = tpu.vector_load %arg7[%swap3A_682] {strides = array<i32>} : memref<512xf32, #tpu.memory_space<vmem>>, vector<16xf32>,
          tpu.vector_store %arg7[%swap3A_682], %while3A_639#26 {strides = array<i32>} : memref<512xf32, #tpu.memory_space<vmem>>, vector<16xf32>,
          %swap3A_684 = arith.constant 176 : index
          %swap3A_685 = tpu.vector_load %arg6[%swap3A_684] {strides = array<i32>} : memref<512xf32, #tpu.memory_space<vmem>>, vector<16xf32>,
          tpu.vector_store %arg6[%swap3A_684], %while3A_639#11 {strides = array<i32>} : memref<512xf32, #tpu.memory_space<vmem>>, vector<16xf32>,
          %swap3A_686 = arith.constant 176 : index
          %swap3A_687 = tpu.vector_load %arg7[%swap3A_686] {strides = array<i32>} : memref<512xf32, #tpu.memory_space<vmem>>, vector<16xf32>,
          tpu.vector_store %arg7[%swap3A_686], %while3A_639#27 {strides = array<i32>} : memref<512xf32, #tpu.memory_space<vmem>>, vector<16xf32>,
          %swap3A_688 = arith.constant 192 : index
          %swap3A_689 = tpu.vector_load %arg6[%swap3A_688] {strides = array<i32>} : memref<512xf32, #tpu.memory_space<vmem>>, vector<16xf32>,
          tpu.vector_store %arg6[%swap3A_688], %while3A_639#12 {strides = array<i32>} : memref<512xf32, #tpu.memory_space<vmem>>, vector<16xf32>,
          %swap3A_690 = arith.constant 192 : index
          %swap3A_691 = tpu.vector_load %arg7[%swap3A_690] {strides = array<i32>} : memref<512xf32, #tpu.memory_space<vmem>>, vector<16xf32>,
          tpu.vector_store %arg7[%swap3A_690], %while3A_639#28 {strides = array<i32>} : memref<512xf32, #tpu.memory_space<vmem>>, vector<16xf32>,
          %swap3A_692 = arith.constant 208 : index
          %swap3A_693 = tpu.vector_load %arg6[%swap3A_692] {strides = array<i32>} : memref<512xf32, #tpu.memory_space<vmem>>, vector<16xf32>,
          tpu.vector_store %arg6[%swap3A_692], %while3A_639#13 {strides = array<i32>} : memref<512xf32, #tpu.memory_space<vmem>>, vector<16xf32>,
          %swap3A_694 = arith.constant 208 : index
          %swap3A_695 = tpu.vector_load %arg7[%swap3A_694] {strides = array<i32>} : memref<512xf32, #tpu.memory_space<vmem>>, vector<16xf32>,
          tpu.vector_store %arg7[%swap3A_694], %while3A_639#29 {strides = array<i32>} : memref<512xf32, #tpu.memory_space<vmem>>, vector<16xf32>,
          %swap3A_696 = arith.constant 224 : index
          %swap3A_697 = tpu.vector_load %arg6[%swap3A_696] {strides = array<i32>} : memref<512xf32, #tpu.memory_space<vmem>>, vector<16xf32>,
          tpu.vector_store %arg6[%swap3A_696], %while3A_639#14 {strides = array<i32>} : memref<512xf32, #tpu.memory_space<vmem>>, vector<16xf32>,
          %swap3A_698 = arith.constant 224 : index
          %swap3A_699 = tpu.vector_load %arg7[%swap3A_698] {strides = array<i32>} : memref<512xf32, #tpu.memory_space<vmem>>, vector<16xf32>,
          tpu.vector_store %arg7[%swap3A_698], %while3A_639#30 {strides = array<i32>} : memref<512xf32, #tpu.memory_space<vmem>>, vector<16xf32>,
          %swap3A_700 = arith.constant 240 : index
          %swap3A_701 = tpu.vector_load %arg6[%swap3A_700] {strides = array<i32>} : memref<512xf32, #tpu.memory_space<vmem>>, vector<16xf32>,
          tpu.vector_store %arg6[%swap3A_700], %while3A_639#15 {strides = array<i32>} : memref<512xf32, #tpu.memory_space<vmem>>, vector<16xf32>,
          %swap3A_702 = arith.constant 240 : index
          %swap3A_703 = tpu.vector_load %arg7[%swap3A_702] {strides = array<i32>} : memref<512xf32, #tpu.memory_space<vmem>>, vector<16xf32>,
          tpu.vector_store %arg7[%swap3A_702], %while3A_639#31 {strides = array<i32>} : memref<512xf32, #tpu.memory_space<vmem>>, vector<16xf32>,
          %get3A_704 = arith.constant 256 : index
          %get3A_705 = tpu.vector_load %arg6[%get3A_704] {strides = array<i32>} : memref<512xf32, #tpu.memory_space<vmem>>, vector<16xf32>,
          %get3A_706 = arith.constant 272 : index
          %get3A_707 = tpu.vector_load %arg6[%get3A_706] {strides = array<i32>} : memref<512xf32, #tpu.memory_space<vmem>>, vector<16xf32>,
          %get3A_708 = arith.constant 288 : index
          %get3A_709 = tpu.vector_load %arg6[%get3A_708] {strides = array<i32>} : memref<512xf32, #tpu.memory_space<vmem>>, vector<16xf32>,
          %get3A_710 = arith.constant 304 : index
          %get3A_711 = tpu.vector_load %arg6[%get3A_710] {strides = array<i32>} : memref<512xf32, #tpu.memory_space<vmem>>, vector<16xf32>,
          %get3A_712 = arith.constant 320 : index
          %get3A_713 = tpu.vector_load %arg6[%get3A_712] {strides = array<i32>} : memref<512xf32, #tpu.memory_space<vmem>>, vector<16xf32>,
          %get3A_714 = arith.constant 336 : index
          %get3A_715 = tpu.vector_load %arg6[%get3A_714] {strides = array<i32>} : memref<512xf32, #tpu.memory_space<vmem>>, vector<16xf32>,
          %get3A_716 = arith.constant 352 : index
          %get3A_717 = tpu.vector_load %arg6[%get3A_716] {strides = array<i32>} : memref<512xf32, #tpu.memory_space<vmem>>, vector<16xf32>,
          %get3A_718 = arith.constant 368 : index
          %get3A_719 = tpu.vector_load %arg6[%get3A_718] {strides = array<i32>} : memref<512xf32, #tpu.memory_space<vmem>>, vector<16xf32>,
          %get3A_720 = arith.constant 384 : index
          %get3A_721 = tpu.vector_load %arg6[%get3A_720] {strides = array<i32>} : memref<512xf32, #tpu.memory_space<vmem>>, vector<16xf32>,
          %get3A_722 = arith.constant 400 : index
          %get3A_723 = tpu.vector_load %arg6[%get3A_722] {strides = array<i32>} : memref<512xf32, #tpu.memory_space<vmem>>, vector<16xf32>,
          %get3A_724 = arith.constant 416 : index
          %get3A_725 = tpu.vector_load %arg6[%get3A_724] {strides = array<i32>} : memref<512xf32, #tpu.memory_space<vmem>>, vector<16xf32>,
          %get3A_726 = arith.constant 432 : index
          %get3A_727 = tpu.vector_load %arg6[%get3A_726] {strides = array<i32>} : memref<512xf32, #tpu.memory_space<vmem>>, vector<16xf32>,
          %get3A_728 = arith.constant 448 : index
          %get3A_729 = tpu.vector_load %arg6[%get3A_728] {strides = array<i32>} : memref<512xf32, #tpu.memory_space<vmem>>, vector<16xf32>,
          %get3A_730 = arith.constant 464 : index
          %get3A_731 = tpu.vector_load %arg6[%get3A_730] {strides = array<i32>} : memref<512xf32, #tpu.memory_space<vmem>>, vector<16xf32>,
          %get3A_732 = arith.constant 480 : index
          %get3A_733 = tpu.vector_load %arg6[%get3A_732] {strides = array<i32>} : memref<512xf32, #tpu.memory_space<vmem>>, vector<16xf32>,
          %get3A_734 = arith.constant 496 : index
          %get3A_735 = tpu.vector_load %arg6[%get3A_734] {strides = array<i32>} : memref<512xf32, #tpu.memory_space<vmem>>, vector<16xf32>,
          %get3A_736 = arith.constant 256 : index
          %get3A_737 = tpu.vector_load %arg7[%get3A_736] {strides = array<i32>} : memref<512xf32, #tpu.memory_space<vmem>>, vector<16xf32>,
          %get3A_738 = arith.constant 272 : index
          %get3A_739 = tpu.vector_load %arg7[%get3A_738] {strides = array<i32>} : memref<512xf32, #tpu.memory_space<vmem>>, vector<16xf32>,
          %get3A_740 = arith.constant 288 : index
          %get3A_741 = tpu.vector_load %arg7[%get3A_740] {strides = array<i32>} : memref<512xf32, #tpu.memory_space<vmem>>, vector<16xf32>,
          %get3A_742 = arith.constant 304 : index
          %get3A_743 = tpu.vector_load %arg7[%get3A_742] {strides = array<i32>} : memref<512xf32, #tpu.memory_space<vmem>>, vector<16xf32>,
          %get3A_744 = arith.constant 320 : index
          %get3A_745 = tpu.vector_load %arg7[%get3A_744] {strides = array<i32>} : memref<512xf32, #tpu.memory_space<vmem>>, vector<16xf32>,
          %get3A_746 = arith.constant 336 : index
          %get3A_747 = tpu.vector_load %arg7[%get3A_746] {strides = array<i32>} : memref<512xf32, #tpu.memory_space<vmem>>, vector<16xf32>,
          %get3A_748 = arith.constant 352 : index
          %get3A_749 = tpu.vector_load %arg7[%get3A_748] {strides = array<i32>} : memref<512xf32, #tpu.memory_space<vmem>>, vector<16xf32>,
          %get3A_750 = arith.constant 368 : index
          %get3A_751 = tpu.vector_load %arg7[%get3A_750] {strides = array<i32>} : memref<512xf32, #tpu.memory_space<vmem>>, vector<16xf32>,
          %get3A_752 = arith.constant 384 : index
          %get3A_753 = tpu.vector_load %arg7[%get3A_752] {strides = array<i32>} : memref<512xf32, #tpu.memory_space<vmem>>, vector<16xf32>,
          %get3A_754 = arith.constant 400 : index
          %get3A_755 = tpu.vector_load %arg7[%get3A_754] {strides = array<i32>} : memref<512xf32, #tpu.memory_space<vmem>>, vector<16xf32>,
          %get3A_756 = arith.constant 416 : index
          %get3A_757 = tpu.vector_load %arg7[%get3A_756] {strides = array<i32>} : memref<512xf32, #tpu.memory_space<vmem>>, vector<16xf32>,
          %get3A_758 = arith.constant 432 : index
          %get3A_759 = tpu.vector_load %arg7[%get3A_758] {strides = array<i32>} : memref<512xf32, #tpu.memory_space<vmem>>, vector<16xf32>,
          %get3A_760 = arith.constant 448 : index
          %get3A_761 = tpu.vector_load %arg7[%get3A_760] {strides = array<i32>} : memref<512xf32, #tpu.memory_space<vmem>>, vector<16xf32>,
          %get3A_762 = arith.constant 464 : index
          %get3A_763 = tpu.vector_load %arg7[%get3A_762] {strides = array<i32>} : memref<512xf32, #tpu.memory_space<vmem>>, vector<16xf32>,
          %get3A_764 = arith.constant 480 : index
          %get3A_765 = tpu.vector_load %arg7[%get3A_764] {strides = array<i32>} : memref<512xf32, #tpu.memory_space<vmem>>, vector<16xf32>,
          %get3A_766 = arith.constant 496 : index
          %get3A_767 = tpu.vector_load %arg7[%get3A_766] {strides = array<i32>} : memref<512xf32, #tpu.memory_space<vmem>>, vector<16xf32>,
          %while3A_768 = arith.constant 0 : i32
          %while3A_769 = arith.subi %select_n3A_551, %while3A_768 : i32
          %while3A_770 = arith.addi %while3A_768, %while3A_769 : i32
          %while3A_771 = arith.constant 1 : i32
          %while3A_772 = arith.divsi %while3A_769, %while3A_771 : i32
          %while3A_773 = arith.muli %while3A_772, %while3A_771 : i32
          %while3A_774 = arith.addi %while3A_768, %while3A_773 : i32
          %while3A_775 = arith.constant 1 : i32
          %while3A_776:32 = scf.for %while3A_857 = %while3A_768 to %while3A_774 step %while3A_775 iter_args(%while3A_858 = %get3A_705, %while3A_859 = %get3A_707, %while3A_860 = %get3A_709, %while3A_861 = %get3A_711, %while3A_862 = %get3A_713, %while3A_863 = %get3A_715, %while3A_864 = %get3A_717, %while3A_865 = %get3A_719, %while3A_866 = %get3A_721, %while3A_867 = %get3A_723, %while3A_868 = %get3A_725, %while3A_869 = %get3A_727, %while3A_870 = %get3A_729, %while3A_871 = %get3A_731, %while3A_872 = %get3A_733, %while3A_873 = %get3A_735, %while3A_874 = %get3A_737, %while3A_875 = %get3A_739, %while3A_876 = %get3A_741, %while3A_877 = %get3A_743, %while3A_878 = %get3A_745, %while3A_879 = %get3A_747, %while3A_880 = %get3A_749, %while3A_881 = %get3A_751, %while3A_882 = %get3A_753, %while3A_883 = %get3A_755, %while3A_884 = %get3A_757, %while3A_885 = %get3A_759, %while3A_886 = %get3A_761, %while3A_887 = %get3A_763, %while3A_888 = %get3A_765, %while3A_889 = %get3A_767) -> (vector<16xf32>, vector<16xf32>, vector<16xf32>, vector<16xf32>, vector<16xf32>, vector<16xf32>, vector<16xf32>, vector<16xf32>, vector<16xf32>, vector<16xf32>, vector<16xf32>, vector<16xf32>, vector<16xf32>, vector<16xf32>, vector<16xf32>, vector<16xf32>, vector<16xf32>, vector<16xf32>, vector<16xf32>, vector<16xf32>, vector<16xf32>, vector<16xf32>, vector<16xf32>, vector<16xf32>, vector<16xf32>, vector<16xf32>, vector<16xf32>, vector<16xf32>, vector<16xf32>, vector<16xf32>, vector<16xf32>, vector<16xf32>)  : i32 {
            %mul3A_890 = arith.constant 2 : i32
            %mul3A_891 = arith.muli %while3A_857, %mul3A_890 : i32
            %add3A_892 = arith.addi %add3A_496, %mul3A_891 : i32
            %get3A_893 = arith.index_cast %add3A_892 : i32 to index
            %get3A_894 = arith.constant 256 : index
            %get3A_895 = tpu.vector_load %run_scoped3A[%get3A_893, %get3A_894] {strides = array<i32>} : memref<240x512xf32, #tpu.memory_space<vmem>>, vector<16xf32>,
            %get3A_896 = arith.index_cast %add3A_892 : i32 to index
            %get3A_897 = arith.constant 272 : index
            %get3A_898 = tpu.vector_load %run_scoped3A[%get3A_896, %get3A_897] {strides = array<i32>} : memref<240x512xf32, #tpu.memory_space<vmem>>, vector<16xf32>,
            %get3A_899 = arith.index_cast %add3A_892 : i32 to index
            %get3A_900 = arith.constant 288 : index
            %get3A_901 = tpu.vector_load %run_scoped3A[%get3A_899, %get3A_900] {strides = array<i32>} : memref<240x512xf32, #tpu.memory_space<vmem>>, vector<16xf32>,
            %get3A_902 = arith.index_cast %add3A_892 : i32 to index
            %get3A_903 = arith.constant 304 : index
            %get3A_904 = tpu.vector_load %run_scoped3A[%get3A_902, %get3A_903] {strides = array<i32>} : memref<240x512xf32, #tpu.memory_space<vmem>>, vector<16xf32>,
            %get3A_905 = arith.index_cast %add3A_892 : i32 to index
            %get3A_906 = arith.constant 320 : index
            %get3A_907 = tpu.vector_load %run_scoped3A[%get3A_905, %get3A_906] {strides = array<i32>} : memref<240x512xf32, #tpu.memory_space<vmem>>, vector<16xf32>,
            %get3A_908 = arith.index_cast %add3A_892 : i32 to index
            %get3A_909 = arith.constant 336 : index
            %get3A_910 = tpu.vector_load %run_scoped3A[%get3A_908, %get3A_909] {strides = array<i32>} : memref<240x512xf32, #tpu.memory_space<vmem>>, vector<16xf32>,
            %get3A_911 = arith.index_cast %add3A_892 : i32 to index
            %get3A_912 = arith.constant 352 : index
            %get3A_913 = tpu.vector_load %run_scoped3A[%get3A_911, %get3A_912] {strides = array<i32>} : memref<240x512xf32, #tpu.memory_space<vmem>>, vector<16xf32>,
            %get3A_914 = arith.index_cast %add3A_892 : i32 to index
            %get3A_915 = arith.constant 368 : index
            %get3A_916 = tpu.vector_load %run_scoped3A[%get3A_914, %get3A_915] {strides = array<i32>} : memref<240x512xf32, #tpu.memory_space<vmem>>, vector<16xf32>,
            %get3A_917 = arith.index_cast %add3A_892 : i32 to index
            %get3A_918 = arith.constant 384 : index
            %get3A_919 = tpu.vector_load %run_scoped3A[%get3A_917, %get3A_918] {strides = array<i32>} : memref<240x512xf32, #tpu.memory_space<vmem>>, vector<16xf32>,
            %get3A_920 = arith.index_cast %add3A_892 : i32 to index
            %get3A_921 = arith.constant 400 : index
            %get3A_922 = tpu.vector_load %run_scoped3A[%get3A_920, %get3A_921] {strides = array<i32>} : memref<240x512xf32, #tpu.memory_space<vmem>>, vector<16xf32>,
            %get3A_923 = arith.index_cast %add3A_892 : i32 to index
            %get3A_924 = arith.constant 416 : index
            %get3A_925 = tpu.vector_load %run_scoped3A[%get3A_923, %get3A_924] {strides = array<i32>} : memref<240x512xf32, #tpu.memory_space<vmem>>, vector<16xf32>,
            %get3A_926 = arith.index_cast %add3A_892 : i32 to index
            %get3A_927 = arith.constant 432 : index
            %get3A_928 = tpu.vector_load %run_scoped3A[%get3A_926, %get3A_927] {strides = array<i32>} : memref<240x512xf32, #tpu.memory_space<vmem>>, vector<16xf32>,
            %get3A_929 = arith.index_cast %add3A_892 : i32 to index
            %get3A_930 = arith.constant 448 : index
            %get3A_931 = tpu.vector_load %run_scoped3A[%get3A_929, %get3A_930] {strides = array<i32>} : memref<240x512xf32, #tpu.memory_space<vmem>>, vector<16xf32>,
            %get3A_932 = arith.index_cast %add3A_892 : i32 to index
            %get3A_933 = arith.constant 464 : index
            %get3A_934 = tpu.vector_load %run_scoped3A[%get3A_932, %get3A_933] {strides = array<i32>} : memref<240x512xf32, #tpu.memory_space<vmem>>, vector<16xf32>,
            %get3A_935 = arith.index_cast %add3A_892 : i32 to index
            %get3A_936 = arith.constant 480 : index
            %get3A_937 = tpu.vector_load %run_scoped3A[%get3A_935, %get3A_936] {strides = array<i32>} : memref<240x512xf32, #tpu.memory_space<vmem>>, vector<16xf32>,
            %get3A_938 = arith.index_cast %add3A_892 : i32 to index
            %get3A_939 = arith.constant 496 : index
            %get3A_940 = tpu.vector_load %run_scoped3A[%get3A_938, %get3A_939] {strides = array<i32>} : memref<240x512xf32, #tpu.memory_space<vmem>>, vector<16xf32>,
            %add3A_941 = arith.addf %while3A_858, %get3A_895 : vector<16xf32>
            %add3A_942 = arith.addf %while3A_859, %get3A_898 : vector<16xf32>
            %add3A_943 = arith.addf %while3A_860, %get3A_901 : vector<16xf32>
            %add3A_944 = arith.addf %while3A_861, %get3A_904 : vector<16xf32>
            %add3A_945 = arith.addf %while3A_862, %get3A_907 : vector<16xf32>
            %add3A_946 = arith.addf %while3A_863, %get3A_910 : vector<16xf32>
            %add3A_947 = arith.addf %while3A_864, %get3A_913 : vector<16xf32>
            %add3A_948 = arith.addf %while3A_865, %get3A_916 : vector<16xf32>
            %add3A_949 = arith.addf %while3A_866, %get3A_919 : vector<16xf32>
            %add3A_950 = arith.addf %while3A_867, %get3A_922 : vector<16xf32>
            %add3A_951 = arith.addf %while3A_868, %get3A_925 : vector<16xf32>
            %add3A_952 = arith.addf %while3A_869, %get3A_928 : vector<16xf32>
            %add3A_953 = arith.addf %while3A_870, %get3A_931 : vector<16xf32>
            %add3A_954 = arith.addf %while3A_871, %get3A_934 : vector<16xf32>
            %add3A_955 = arith.addf %while3A_872, %get3A_937 : vector<16xf32>
            %add3A_956 = arith.addf %while3A_873, %get3A_940 : vector<16xf32>
            %max3A_957 = arith.maximumf %while3A_874, %get3A_895 : vector<16xf32>
            %max3A_958 = arith.maximumf %while3A_875, %get3A_898 : vector<16xf32>
            %max3A_959 = arith.maximumf %while3A_876, %get3A_901 : vector<16xf32>
            %max3A_960 = arith.maximumf %while3A_877, %get3A_904 : vector<16xf32>
            %max3A_961 = arith.maximumf %while3A_878, %get3A_907 : vector<16xf32>
            %max3A_962 = arith.maximumf %while3A_879, %get3A_910 : vector<16xf32>
            %max3A_963 = arith.maximumf %while3A_880, %get3A_913 : vector<16xf32>
            %max3A_964 = arith.maximumf %while3A_881, %get3A_916 : vector<16xf32>
            %max3A_965 = arith.maximumf %while3A_882, %get3A_919 : vector<16xf32>
            %max3A_966 = arith.maximumf %while3A_883, %get3A_922 : vector<16xf32>
            %max3A_967 = arith.maximumf %while3A_884, %get3A_925 : vector<16xf32>
            %max3A_968 = arith.maximumf %while3A_885, %get3A_928 : vector<16xf32>
            %max3A_969 = arith.maximumf %while3A_886, %get3A_931 : vector<16xf32>
            %max3A_970 = arith.maximumf %while3A_887, %get3A_934 : vector<16xf32>
            %max3A_971 = arith.maximumf %while3A_888, %get3A_937 : vector<16xf32>
            %max3A_972 = arith.maximumf %while3A_889, %get3A_940 : vector<16xf32>
            %add3A_973 = arith.constant 1 : i32
            %add3A_974 = arith.addi %add3A_892, %add3A_973 : i32
            %get3A_975 = arith.index_cast %add3A_974 : i32 to index
            %get3A_976 = arith.constant 256 : index
            %get3A_977 = tpu.vector_load %run_scoped3A[%get3A_975, %get3A_976] {strides = array<i32>} : memref<240x512xf32, #tpu.memory_space<vmem>>, vector<16xf32>,
            %get3A_978 = arith.index_cast %add3A_974 : i32 to index
            %get3A_979 = arith.constant 272 : index
            %get3A_980 = tpu.vector_load %run_scoped3A[%get3A_978, %get3A_979] {strides = array<i32>} : memref<240x512xf32, #tpu.memory_space<vmem>>, vector<16xf32>,
            %get3A_981 = arith.index_cast %add3A_974 : i32 to index
            %get3A_982 = arith.constant 288 : index
            %get3A_983 = tpu.vector_load %run_scoped3A[%get3A_981, %get3A_982] {strides = array<i32>} : memref<240x512xf32, #tpu.memory_space<vmem>>, vector<16xf32>,
            %get3A_984 = arith.index_cast %add3A_974 : i32 to index
            %get3A_985 = arith.constant 304 : index
            %get3A_986 = tpu.vector_load %run_scoped3A[%get3A_984, %get3A_985] {strides = array<i32>} : memref<240x512xf32, #tpu.memory_space<vmem>>, vector<16xf32>,
            %get3A_987 = arith.index_cast %add3A_974 : i32 to index
            %get3A_988 = arith.constant 320 : index
            %get3A_989 = tpu.vector_load %run_scoped3A[%get3A_987, %get3A_988] {strides = array<i32>} : memref<240x512xf32, #tpu.memory_space<vmem>>, vector<16xf32>,
            %get3A_990 = arith.index_cast %add3A_974 : i32 to index
            %get3A_991 = arith.constant 336 : index
            %get3A_992 = tpu.vector_load %run_scoped3A[%get3A_990, %get3A_991] {strides = array<i32>} : memref<240x512xf32, #tpu.memory_space<vmem>>, vector<16xf32>,
            %get3A_993 = arith.index_cast %add3A_974 : i32 to index
            %get3A_994 = arith.constant 352 : index
            %get3A_995 = tpu.vector_load %run_scoped3A[%get3A_993, %get3A_994] {strides = array<i32>} : memref<240x512xf32, #tpu.memory_space<vmem>>, vector<16xf32>,
            %get3A_996 = arith.index_cast %add3A_974 : i32 to index
            %get3A_997 = arith.constant 368 : index
            %get3A_998 = tpu.vector_load %run_scoped3A[%get3A_996, %get3A_997] {strides = array<i32>} : memref<240x512xf32, #tpu.memory_space<vmem>>, vector<16xf32>,
            %get3A_999 = arith.index_cast %add3A_974 : i32 to index
            %get3A_1000 = arith.constant 384 : index
            %get3A_1001 = tpu.vector_load %run_scoped3A[%get3A_999, %get3A_1000] {strides = array<i32>} : memref<240x512xf32, #tpu.memory_space<vmem>>, vector<16xf32>,
            %get3A_1002 = arith.index_cast %add3A_974 : i32 to index
            %get3A_1003 = arith.constant 400 : index
            %get3A_1004 = tpu.vector_load %run_scoped3A[%get3A_1002, %get3A_1003] {strides = array<i32>} : memref<240x512xf32, #tpu.memory_space<vmem>>, vector<16xf32>,
            %get3A_1005 = arith.index_cast %add3A_974 : i32 to index
            %get3A_1006 = arith.constant 416 : index
            %get3A_1007 = tpu.vector_load %run_scoped3A[%get3A_1005, %get3A_1006] {strides = array<i32>} : memref<240x512xf32, #tpu.memory_space<vmem>>, vector<16xf32>,
            %get3A_1008 = arith.index_cast %add3A_974 : i32 to index
            %get3A_1009 = arith.constant 432 : index
            %get3A_1010 = tpu.vector_load %run_scoped3A[%get3A_1008, %get3A_1009] {strides = array<i32>} : memref<240x512xf32, #tpu.memory_space<vmem>>, vector<16xf32>,
            %get3A_1011 = arith.index_cast %add3A_974 : i32 to index
            %get3A_1012 = arith.constant 448 : index
            %get3A_1013 = tpu.vector_load %run_scoped3A[%get3A_1011, %get3A_1012] {strides = array<i32>} : memref<240x512xf32, #tpu.memory_space<vmem>>, vector<16xf32>,
            %get3A_1014 = arith.index_cast %add3A_974 : i32 to index
            %get3A_1015 = arith.constant 464 : index
            %get3A_1016 = tpu.vector_load %run_scoped3A[%get3A_1014, %get3A_1015] {strides = array<i32>} : memref<240x512xf32, #tpu.memory_space<vmem>>, vector<16xf32>,
            %get3A_1017 = arith.index_cast %add3A_974 : i32 to index
            %get3A_1018 = arith.constant 480 : index
            %get3A_1019 = tpu.vector_load %run_scoped3A[%get3A_1017, %get3A_1018] {strides = array<i32>} : memref<240x512xf32, #tpu.memory_space<vmem>>, vector<16xf32>,
            %get3A_1020 = arith.index_cast %add3A_974 : i32 to index
            %get3A_1021 = arith.constant 496 : index
            %get3A_1022 = tpu.vector_load %run_scoped3A[%get3A_1020, %get3A_1021] {strides = array<i32>} : memref<240x512xf32, #tpu.memory_space<vmem>>, vector<16xf32>,
            %add3A_1023 = arith.addf %add3A_941, %get3A_977 : vector<16xf32>
            %add3A_1024 = arith.addf %add3A_942, %get3A_980 : vector<16xf32>
            %add3A_1025 = arith.addf %add3A_943, %get3A_983 : vector<16xf32>
            %add3A_1026 = arith.addf %add3A_944, %get3A_986 : vector<16xf32>
            %add3A_1027 = arith.addf %add3A_945, %get3A_989 : vector<16xf32>
            %add3A_1028 = arith.addf %add3A_946, %get3A_992 : vector<16xf32>
            %add3A_1029 = arith.addf %add3A_947, %get3A_995 : vector<16xf32>
            %add3A_1030 = arith.addf %add3A_948, %get3A_998 : vector<16xf32>
            %add3A_1031 = arith.addf %add3A_949, %get3A_1001 : vector<16xf32>
            %add3A_1032 = arith.addf %add3A_950, %get3A_1004 : vector<16xf32>
            %add3A_1033 = arith.addf %add3A_951, %get3A_1007 : vector<16xf32>
            %add3A_1034 = arith.addf %add3A_952, %get3A_1010 : vector<16xf32>
            %add3A_1035 = arith.addf %add3A_953, %get3A_1013 : vector<16xf32>
            %add3A_1036 = arith.addf %add3A_954, %get3A_1016 : vector<16xf32>
            %add3A_1037 = arith.addf %add3A_955, %get3A_1019 : vector<16xf32>
            %add3A_1038 = arith.addf %add3A_956, %get3A_1022 : vector<16xf32>
            %max3A_1039 = arith.maximumf %max3A_957, %get3A_977 : vector<16xf32>
            %max3A_1040 = arith.maximumf %max3A_958, %get3A_980 : vector<16xf32>
            %max3A_1041 = arith.maximumf %max3A_959, %get3A_983 : vector<16xf32>
            %max3A_1042 = arith.maximumf %max3A_960, %get3A_986 : vector<16xf32>
            %max3A_1043 = arith.maximumf %max3A_961, %get3A_989 : vector<16xf32>
            %max3A_1044 = arith.maximumf %max3A_962, %get3A_992 : vector<16xf32>
            %max3A_1045 = arith.maximumf %max3A_963, %get3A_995 : vector<16xf32>
            %max3A_1046 = arith.maximumf %max3A_964, %get3A_998 : vector<16xf32>
            %max3A_1047 = arith.maximumf %max3A_965, %get3A_1001 : vector<16xf32>
            %max3A_1048 = arith.maximumf %max3A_966, %get3A_1004 : vector<16xf32>
            %max3A_1049 = arith.maximumf %max3A_967, %get3A_1007 : vector<16xf32>
            %max3A_1050 = arith.maximumf %max3A_968, %get3A_1010 : vector<16xf32>
            %max3A_1051 = arith.maximumf %max3A_969, %get3A_1013 : vector<16xf32>
            %max3A_1052 = arith.maximumf %max3A_970, %get3A_1016 : vector<16xf32>
            %max3A_1053 = arith.maximumf %max3A_971, %get3A_1019 : vector<16xf32>
            %max3A_1054 = arith.maximumf %max3A_972, %get3A_1022 : vector<16xf32>
            scf.yield %add3A_1023, %add3A_1024, %add3A_1025, %add3A_1026, %add3A_1027, %add3A_1028, %add3A_1029, %add3A_1030, %add3A_1031, %add3A_1032, %add3A_1033, %add3A_1034, %add3A_1035, %add3A_1036, %add3A_1037, %add3A_1038, %max3A_1039, %max3A_1040, %max3A_1041, %max3A_1042, %max3A_1043, %max3A_1044, %max3A_1045, %max3A_1046, %max3A_1047, %max3A_1048, %max3A_1049, %max3A_1050, %max3A_1051, %max3A_1052, %max3A_1053, %max3A_1054 : vector<16xf32>, vector<16xf32>, vector<16xf32>, vector<16xf32>, vector<16xf32>, vector<16xf32>, vector<16xf32>, vector<16xf32>, vector<16xf32>, vector<16xf32>, vector<16xf32>, vector<16xf32>, vector<16xf32>, vector<16xf32>, vector<16xf32>, vector<16xf32>, vector<16xf32>, vector<16xf32>, vector<16xf32>, vector<16xf32>, vector<16xf32>, vector<16xf32>, vector<16xf32>, vector<16xf32>, vector<16xf32>, vector<16xf32>, vector<16xf32>, vector<16xf32>, vector<16xf32>, vector<16xf32>, vector<16xf32>, vector<16xf32>
          }
          %while3A_777 = arith.constant 1 : i32
          %while3A_778:32 = scf.for %while3A_857 = %while3A_774 to %while3A_770 step %while3A_777 iter_args(%while3A_858 = %while3A_776#0, %while3A_859 = %while3A_776#1, %while3A_860 = %while3A_776#2, %while3A_861 = %while3A_776#3, %while3A_862 = %while3A_776#4, %while3A_863 = %while3A_776#5, %while3A_864 = %while3A_776#6, %while3A_865 = %while3A_776#7, %while3A_866 = %while3A_776#8, %while3A_867 = %while3A_776#9, %while3A_868 = %while3A_776#10, %while3A_869 = %while3A_776#11, %while3A_870 = %while3A_776#12, %while3A_871 = %while3A_776#13, %while3A_872 = %while3A_776#14, %while3A_873 = %while3A_776#15, %while3A_874 = %while3A_776#16, %while3A_875 = %while3A_776#17, %while3A_876 = %while3A_776#18, %while3A_877 = %while3A_776#19, %while3A_878 = %while3A_776#20, %while3A_879 = %while3A_776#21, %while3A_880 = %while3A_776#22, %while3A_881 = %while3A_776#23, %while3A_882 = %while3A_776#24, %while3A_883 = %while3A_776#25, %while3A_884 = %while3A_776#26, %while3A_885 = %while3A_776#27, %while3A_886 = %while3A_776#28, %while3A_887 = %while3A_776#29, %while3A_888 = %while3A_776#30, %while3A_889 = %while3A_776#31) -> (vector<16xf32>, vector<16xf32>, vector<16xf32>, vector<16xf32>, vector<16xf32>, vector<16xf32>, vector<16xf32>, vector<16xf32>, vector<16xf32>, vector<16xf32>, vector<16xf32>, vector<16xf32>, vector<16xf32>, vector<16xf32>, vector<16xf32>, vector<16xf32>, vector<16xf32>, vector<16xf32>, vector<16xf32>, vector<16xf32>, vector<16xf32>, vector<16xf32>, vector<16xf32>, vector<16xf32>, vector<16xf32>, vector<16xf32>, vector<16xf32>, vector<16xf32>, vector<16xf32>, vector<16xf32>, vector<16xf32>, vector<16xf32>)  : i32 {
            %mul3A_890 = arith.constant 2 : i32
            %mul3A_891 = arith.muli %while3A_857, %mul3A_890 : i32
            %add3A_892 = arith.addi %add3A_496, %mul3A_891 : i32
            %get3A_893 = arith.index_cast %add3A_892 : i32 to index
            %get3A_894 = arith.constant 256 : index
            %get3A_895 = tpu.vector_load %run_scoped3A[%get3A_893, %get3A_894] {strides = array<i32>} : memref<240x512xf32, #tpu.memory_space<vmem>>, vector<16xf32>,
            %get3A_896 = arith.index_cast %add3A_892 : i32 to index
            %get3A_897 = arith.constant 272 : index
            %get3A_898 = tpu.vector_load %run_scoped3A[%get3A_896, %get3A_897] {strides = array<i32>} : memref<240x512xf32, #tpu.memory_space<vmem>>, vector<16xf32>,
            %get3A_899 = arith.index_cast %add3A_892 : i32 to index
            %get3A_900 = arith.constant 288 : index
            %get3A_901 = tpu.vector_load %run_scoped3A[%get3A_899, %get3A_900] {strides = array<i32>} : memref<240x512xf32, #tpu.memory_space<vmem>>, vector<16xf32>,
            %get3A_902 = arith.index_cast %add3A_892 : i32 to index
            %get3A_903 = arith.constant 304 : index
            %get3A_904 = tpu.vector_load %run_scoped3A[%get3A_902, %get3A_903] {strides = array<i32>} : memref<240x512xf32, #tpu.memory_space<vmem>>, vector<16xf32>,
            %get3A_905 = arith.index_cast %add3A_892 : i32 to index
            %get3A_906 = arith.constant 320 : index
            %get3A_907 = tpu.vector_load %run_scoped3A[%get3A_905, %get3A_906] {strides = array<i32>} : memref<240x512xf32, #tpu.memory_space<vmem>>, vector<16xf32>,
            %get3A_908 = arith.index_cast %add3A_892 : i32 to index
            %get3A_909 = arith.constant 336 : index
            %get3A_910 = tpu.vector_load %run_scoped3A[%get3A_908, %get3A_909] {strides = array<i32>} : memref<240x512xf32, #tpu.memory_space<vmem>>, vector<16xf32>,
            %get3A_911 = arith.index_cast %add3A_892 : i32 to index
            %get3A_912 = arith.constant 352 : index
            %get3A_913 = tpu.vector_load %run_scoped3A[%get3A_911, %get3A_912] {strides = array<i32>} : memref<240x512xf32, #tpu.memory_space<vmem>>, vector<16xf32>,
            %get3A_914 = arith.index_cast %add3A_892 : i32 to index
            %get3A_915 = arith.constant 368 : index
            %get3A_916 = tpu.vector_load %run_scoped3A[%get3A_914, %get3A_915] {strides = array<i32>} : memref<240x512xf32, #tpu.memory_space<vmem>>, vector<16xf32>,
            %get3A_917 = arith.index_cast %add3A_892 : i32 to index
            %get3A_918 = arith.constant 384 : index
            %get3A_919 = tpu.vector_load %run_scoped3A[%get3A_917, %get3A_918] {strides = array<i32>} : memref<240x512xf32, #tpu.memory_space<vmem>>, vector<16xf32>,
            %get3A_920 = arith.index_cast %add3A_892 : i32 to index
            %get3A_921 = arith.constant 400 : index
            %get3A_922 = tpu.vector_load %run_scoped3A[%get3A_920, %get3A_921] {strides = array<i32>} : memref<240x512xf32, #tpu.memory_space<vmem>>, vector<16xf32>,
            %get3A_923 = arith.index_cast %add3A_892 : i32 to index
            %get3A_924 = arith.constant 416 : index
            %get3A_925 = tpu.vector_load %run_scoped3A[%get3A_923, %get3A_924] {strides = array<i32>} : memref<240x512xf32, #tpu.memory_space<vmem>>, vector<16xf32>,
            %get3A_926 = arith.index_cast %add3A_892 : i32 to index
            %get3A_927 = arith.constant 432 : index
            %get3A_928 = tpu.vector_load %run_scoped3A[%get3A_926, %get3A_927] {strides = array<i32>} : memref<240x512xf32, #tpu.memory_space<vmem>>, vector<16xf32>,
            %get3A_929 = arith.index_cast %add3A_892 : i32 to index
            %get3A_930 = arith.constant 448 : index
            %get3A_931 = tpu.vector_load %run_scoped3A[%get3A_929, %get3A_930] {strides = array<i32>} : memref<240x512xf32, #tpu.memory_space<vmem>>, vector<16xf32>,
            %get3A_932 = arith.index_cast %add3A_892 : i32 to index
            %get3A_933 = arith.constant 464 : index
            %get3A_934 = tpu.vector_load %run_scoped3A[%get3A_932, %get3A_933] {strides = array<i32>} : memref<240x512xf32, #tpu.memory_space<vmem>>, vector<16xf32>,
            %get3A_935 = arith.index_cast %add3A_892 : i32 to index
            %get3A_936 = arith.constant 480 : index
            %get3A_937 = tpu.vector_load %run_scoped3A[%get3A_935, %get3A_936] {strides = array<i32>} : memref<240x512xf32, #tpu.memory_space<vmem>>, vector<16xf32>,
            %get3A_938 = arith.index_cast %add3A_892 : i32 to index
            %get3A_939 = arith.constant 496 : index
            %get3A_940 = tpu.vector_load %run_scoped3A[%get3A_938, %get3A_939] {strides = array<i32>} : memref<240x512xf32, #tpu.memory_space<vmem>>, vector<16xf32>,
            %add3A_941 = arith.addf %while3A_858, %get3A_895 : vector<16xf32>
            %add3A_942 = arith.addf %while3A_859, %get3A_898 : vector<16xf32>
            %add3A_943 = arith.addf %while3A_860, %get3A_901 : vector<16xf32>
            %add3A_944 = arith.addf %while3A_861, %get3A_904 : vector<16xf32>
            %add3A_945 = arith.addf %while3A_862, %get3A_907 : vector<16xf32>
            %add3A_946 = arith.addf %while3A_863, %get3A_910 : vector<16xf32>
            %add3A_947 = arith.addf %while3A_864, %get3A_913 : vector<16xf32>
            %add3A_948 = arith.addf %while3A_865, %get3A_916 : vector<16xf32>
            %add3A_949 = arith.addf %while3A_866, %get3A_919 : vector<16xf32>
            %add3A_950 = arith.addf %while3A_867, %get3A_922 : vector<16xf32>
            %add3A_951 = arith.addf %while3A_868, %get3A_925 : vector<16xf32>
            %add3A_952 = arith.addf %while3A_869, %get3A_928 : vector<16xf32>
            %add3A_953 = arith.addf %while3A_870, %get3A_931 : vector<16xf32>
            %add3A_954 = arith.addf %while3A_871, %get3A_934 : vector<16xf32>
            %add3A_955 = arith.addf %while3A_872, %get3A_937 : vector<16xf32>
            %add3A_956 = arith.addf %while3A_873, %get3A_940 : vector<16xf32>
            %max3A_957 = arith.maximumf %while3A_874, %get3A_895 : vector<16xf32>
            %max3A_958 = arith.maximumf %while3A_875, %get3A_898 : vector<16xf32>
            %max3A_959 = arith.maximumf %while3A_876, %get3A_901 : vector<16xf32>
            %max3A_960 = arith.maximumf %while3A_877, %get3A_904 : vector<16xf32>
            %max3A_961 = arith.maximumf %while3A_878, %get3A_907 : vector<16xf32>
            %max3A_962 = arith.maximumf %while3A_879, %get3A_910 : vector<16xf32>
            %max3A_963 = arith.maximumf %while3A_880, %get3A_913 : vector<16xf32>
            %max3A_964 = arith.maximumf %while3A_881, %get3A_916 : vector<16xf32>
            %max3A_965 = arith.maximumf %while3A_882, %get3A_919 : vector<16xf32>
            %max3A_966 = arith.maximumf %while3A_883, %get3A_922 : vector<16xf32>
            %max3A_967 = arith.maximumf %while3A_884, %get3A_925 : vector<16xf32>
            %max3A_968 = arith.maximumf %while3A_885, %get3A_928 : vector<16xf32>
            %max3A_969 = arith.maximumf %while3A_886, %get3A_931 : vector<16xf32>
            %max3A_970 = arith.maximumf %while3A_887, %get3A_934 : vector<16xf32>
            %max3A_971 = arith.maximumf %while3A_888, %get3A_937 : vector<16xf32>
            %max3A_972 = arith.maximumf %while3A_889, %get3A_940 : vector<16xf32>
            %add3A_973 = arith.constant 1 : i32
            %add3A_974 = arith.addi %add3A_892, %add3A_973 : i32
            %get3A_975 = arith.index_cast %add3A_974 : i32 to index
            %get3A_976 = arith.constant 256 : index
            %get3A_977 = tpu.vector_load %run_scoped3A[%get3A_975, %get3A_976] {strides = array<i32>} : memref<240x512xf32, #tpu.memory_space<vmem>>, vector<16xf32>,
            %get3A_978 = arith.index_cast %add3A_974 : i32 to index
            %get3A_979 = arith.constant 272 : index
            %get3A_980 = tpu.vector_load %run_scoped3A[%get3A_978, %get3A_979] {strides = array<i32>} : memref<240x512xf32, #tpu.memory_space<vmem>>, vector<16xf32>,
            %get3A_981 = arith.index_cast %add3A_974 : i32 to index
            %get3A_982 = arith.constant 288 : index
            %get3A_983 = tpu.vector_load %run_scoped3A[%get3A_981, %get3A_982] {strides = array<i32>} : memref<240x512xf32, #tpu.memory_space<vmem>>, vector<16xf32>,
            %get3A_984 = arith.index_cast %add3A_974 : i32 to index
            %get3A_985 = arith.constant 304 : index
            %get3A_986 = tpu.vector_load %run_scoped3A[%get3A_984, %get3A_985] {strides = array<i32>} : memref<240x512xf32, #tpu.memory_space<vmem>>, vector<16xf32>,
            %get3A_987 = arith.index_cast %add3A_974 : i32 to index
            %get3A_988 = arith.constant 320 : index
            %get3A_989 = tpu.vector_load %run_scoped3A[%get3A_987, %get3A_988] {strides = array<i32>} : memref<240x512xf32, #tpu.memory_space<vmem>>, vector<16xf32>,
            %get3A_990 = arith.index_cast %add3A_974 : i32 to index
            %get3A_991 = arith.constant 336 : index
            %get3A_992 = tpu.vector_load %run_scoped3A[%get3A_990, %get3A_991] {strides = array<i32>} : memref<240x512xf32, #tpu.memory_space<vmem>>, vector<16xf32>,
            %get3A_993 = arith.index_cast %add3A_974 : i32 to index
            %get3A_994 = arith.constant 352 : index
            %get3A_995 = tpu.vector_load %run_scoped3A[%get3A_993, %get3A_994] {strides = array<i32>} : memref<240x512xf32, #tpu.memory_space<vmem>>, vector<16xf32>,
            %get3A_996 = arith.index_cast %add3A_974 : i32 to index
            %get3A_997 = arith.constant 368 : index
            %get3A_998 = tpu.vector_load %run_scoped3A[%get3A_996, %get3A_997] {strides = array<i32>} : memref<240x512xf32, #tpu.memory_space<vmem>>, vector<16xf32>,
            %get3A_999 = arith.index_cast %add3A_974 : i32 to index
            %get3A_1000 = arith.constant 384 : index
            %get3A_1001 = tpu.vector_load %run_scoped3A[%get3A_999, %get3A_1000] {strides = array<i32>} : memref<240x512xf32, #tpu.memory_space<vmem>>, vector<16xf32>,
            %get3A_1002 = arith.index_cast %add3A_974 : i32 to index
            %get3A_1003 = arith.constant 400 : index
            %get3A_1004 = tpu.vector_load %run_scoped3A[%get3A_1002, %get3A_1003] {strides = array<i32>} : memref<240x512xf32, #tpu.memory_space<vmem>>, vector<16xf32>,
            %get3A_1005 = arith.index_cast %add3A_974 : i32 to index
            %get3A_1006 = arith.constant 416 : index
            %get3A_1007 = tpu.vector_load %run_scoped3A[%get3A_1005, %get3A_1006] {strides = array<i32>} : memref<240x512xf32, #tpu.memory_space<vmem>>, vector<16xf32>,
            %get3A_1008 = arith.index_cast %add3A_974 : i32 to index
            %get3A_1009 = arith.constant 432 : index
            %get3A_1010 = tpu.vector_load %run_scoped3A[%get3A_1008, %get3A_1009] {strides = array<i32>} : memref<240x512xf32, #tpu.memory_space<vmem>>, vector<16xf32>,
            %get3A_1011 = arith.index_cast %add3A_974 : i32 to index
            %get3A_1012 = arith.constant 448 : index
            %get3A_1013 = tpu.vector_load %run_scoped3A[%get3A_1011, %get3A_1012] {strides = array<i32>} : memref<240x512xf32, #tpu.memory_space<vmem>>, vector<16xf32>,
            %get3A_1014 = arith.index_cast %add3A_974 : i32 to index
            %get3A_1015 = arith.constant 464 : index
            %get3A_1016 = tpu.vector_load %run_scoped3A[%get3A_1014, %get3A_1015] {strides = array<i32>} : memref<240x512xf32, #tpu.memory_space<vmem>>, vector<16xf32>,
            %get3A_1017 = arith.index_cast %add3A_974 : i32 to index
            %get3A_1018 = arith.constant 480 : index
            %get3A_1019 = tpu.vector_load %run_scoped3A[%get3A_1017, %get3A_1018] {strides = array<i32>} : memref<240x512xf32, #tpu.memory_space<vmem>>, vector<16xf32>,
            %get3A_1020 = arith.index_cast %add3A_974 : i32 to index
            %get3A_1021 = arith.constant 496 : index
            %get3A_1022 = tpu.vector_load %run_scoped3A[%get3A_1020, %get3A_1021] {strides = array<i32>} : memref<240x512xf32, #tpu.memory_space<vmem>>, vector<16xf32>,
            %add3A_1023 = arith.addf %add3A_941, %get3A_977 : vector<16xf32>
            %add3A_1024 = arith.addf %add3A_942, %get3A_980 : vector<16xf32>
            %add3A_1025 = arith.addf %add3A_943, %get3A_983 : vector<16xf32>
            %add3A_1026 = arith.addf %add3A_944, %get3A_986 : vector<16xf32>
            %add3A_1027 = arith.addf %add3A_945, %get3A_989 : vector<16xf32>
            %add3A_1028 = arith.addf %add3A_946, %get3A_992 : vector<16xf32>
            %add3A_1029 = arith.addf %add3A_947, %get3A_995 : vector<16xf32>
            %add3A_1030 = arith.addf %add3A_948, %get3A_998 : vector<16xf32>
            %add3A_1031 = arith.addf %add3A_949, %get3A_1001 : vector<16xf32>
            %add3A_1032 = arith.addf %add3A_950, %get3A_1004 : vector<16xf32>
            %add3A_1033 = arith.addf %add3A_951, %get3A_1007 : vector<16xf32>
            %add3A_1034 = arith.addf %add3A_952, %get3A_1010 : vector<16xf32>
            %add3A_1035 = arith.addf %add3A_953, %get3A_1013 : vector<16xf32>
            %add3A_1036 = arith.addf %add3A_954, %get3A_1016 : vector<16xf32>
            %add3A_1037 = arith.addf %add3A_955, %get3A_1019 : vector<16xf32>
            %add3A_1038 = arith.addf %add3A_956, %get3A_1022 : vector<16xf32>
            %max3A_1039 = arith.maximumf %max3A_957, %get3A_977 : vector<16xf32>
            %max3A_1040 = arith.maximumf %max3A_958, %get3A_980 : vector<16xf32>
            %max3A_1041 = arith.maximumf %max3A_959, %get3A_983 : vector<16xf32>
            %max3A_1042 = arith.maximumf %max3A_960, %get3A_986 : vector<16xf32>
            %max3A_1043 = arith.maximumf %max3A_961, %get3A_989 : vector<16xf32>
            %max3A_1044 = arith.maximumf %max3A_962, %get3A_992 : vector<16xf32>
            %max3A_1045 = arith.maximumf %max3A_963, %get3A_995 : vector<16xf32>
            %max3A_1046 = arith.maximumf %max3A_964, %get3A_998 : vector<16xf32>
            %max3A_1047 = arith.maximumf %max3A_965, %get3A_1001 : vector<16xf32>
            %max3A_1048 = arith.maximumf %max3A_966, %get3A_1004 : vector<16xf32>
            %max3A_1049 = arith.maximumf %max3A_967, %get3A_1007 : vector<16xf32>
            %max3A_1050 = arith.maximumf %max3A_968, %get3A_1010 : vector<16xf32>
            %max3A_1051 = arith.maximumf %max3A_969, %get3A_1013 : vector<16xf32>
            %max3A_1052 = arith.maximumf %max3A_970, %get3A_1016 : vector<16xf32>
            %max3A_1053 = arith.maximumf %max3A_971, %get3A_1019 : vector<16xf32>
            %max3A_1054 = arith.maximumf %max3A_972, %get3A_1022 : vector<16xf32>
            scf.yield %add3A_1023, %add3A_1024, %add3A_1025, %add3A_1026, %add3A_1027, %add3A_1028, %add3A_1029, %add3A_1030, %add3A_1031, %add3A_1032, %add3A_1033, %add3A_1034, %add3A_1035, %add3A_1036, %add3A_1037, %add3A_1038, %max3A_1039, %max3A_1040, %max3A_1041, %max3A_1042, %max3A_1043, %max3A_1044, %max3A_1045, %max3A_1046, %max3A_1047, %max3A_1048, %max3A_1049, %max3A_1050, %max3A_1051, %max3A_1052, %max3A_1053, %max3A_1054 : vector<16xf32>, vector<16xf32>, vector<16xf32>, vector<16xf32>, vector<16xf32>, vector<16xf32>, vector<16xf32>, vector<16xf32>, vector<16xf32>, vector<16xf32>, vector<16xf32>, vector<16xf32>, vector<16xf32>, vector<16xf32>, vector<16xf32>, vector<16xf32>, vector<16xf32>, vector<16xf32>, vector<16xf32>, vector<16xf32>, vector<16xf32>, vector<16xf32>, vector<16xf32>, vector<16xf32>, vector<16xf32>, vector<16xf32>, vector<16xf32>, vector<16xf32>, vector<16xf32>, vector<16xf32>, vector<16xf32>, vector<16xf32>
          }
          %mul3A_779 = arith.constant 2 : i32
          %mul3A_780 = arith.muli %select_n3A_551, %mul3A_779 : i32
          %add3A_781 = arith.addi %add3A_496, %mul3A_780 : i32
          %while3A_782 = arith.subi %add3A_501, %add3A_781 : i32
          %while3A_783 = arith.addi %add3A_781, %while3A_782 : i32
          %while3A_784 = arith.constant 1 : i32
          %while3A_785 = arith.divsi %while3A_782, %while3A_784 : i32
          %while3A_786 = arith.muli %while3A_785, %while3A_784 : i32
          %while3A_787 = arith.addi %add3A_781, %while3A_786 : i32
          %while3A_788 = arith.constant 1 : i32
          %while3A_789:32 = scf.for %while3A_857 = %add3A_781 to %while3A_787 step %while3A_788 iter_args(%while3A_858 = %while3A_778#0, %while3A_859 = %while3A_778#1, %while3A_860 = %while3A_778#2, %while3A_861 = %while3A_778#3, %while3A_862 = %while3A_778#4, %while3A_863 = %while3A_778#5, %while3A_864 = %while3A_778#6, %while3A_865 = %while3A_778#7, %while3A_866 = %while3A_778#8, %while3A_867 = %while3A_778#9, %while3A_868 = %while3A_778#10, %while3A_869 = %while3A_778#11, %while3A_870 = %while3A_778#12, %while3A_871 = %while3A_778#13, %while3A_872 = %while3A_778#14, %while3A_873 = %while3A_778#15, %while3A_874 = %while3A_778#16, %while3A_875 = %while3A_778#17, %while3A_876 = %while3A_778#18, %while3A_877 = %while3A_778#19, %while3A_878 = %while3A_778#20, %while3A_879 = %while3A_778#21, %while3A_880 = %while3A_778#22, %while3A_881 = %while3A_778#23, %while3A_882 = %while3A_778#24, %while3A_883 = %while3A_778#25, %while3A_884 = %while3A_778#26, %while3A_885 = %while3A_778#27, %while3A_886 = %while3A_778#28, %while3A_887 = %while3A_778#29, %while3A_888 = %while3A_778#30, %while3A_889 = %while3A_778#31) -> (vector<16xf32>, vector<16xf32>, vector<16xf32>, vector<16xf32>, vector<16xf32>, vector<16xf32>, vector<16xf32>, vector<16xf32>, vector<16xf32>, vector<16xf32>, vector<16xf32>, vector<16xf32>, vector<16xf32>, vector<16xf32>, vector<16xf32>, vector<16xf32>, vector<16xf32>, vector<16xf32>, vector<16xf32>, vector<16xf32>, vector<16xf32>, vector<16xf32>, vector<16xf32>, vector<16xf32>, vector<16xf32>, vector<16xf32>, vector<16xf32>, vector<16xf32>, vector<16xf32>, vector<16xf32>, vector<16xf32>, vector<16xf32>)  : i32 {
            %get3A_890 = arith.index_cast %while3A_857 : i32 to index
            %get3A_891 = arith.constant 256 : index
            %get3A_892 = tpu.vector_load %run_scoped3A[%get3A_890, %get3A_891] {strides = array<i32>} : memref<240x512xf32, #tpu.memory_space<vmem>>, vector<16xf32>,
            %get3A_893 = arith.index_cast %while3A_857 : i32 to index
            %get3A_894 = arith.constant 272 : index
            %get3A_895 = tpu.vector_load %run_scoped3A[%get3A_893, %get3A_894] {strides = array<i32>} : memref<240x512xf32, #tpu.memory_space<vmem>>, vector<16xf32>,
            %get3A_896 = arith.index_cast %while3A_857 : i32 to index
            %get3A_897 = arith.constant 288 : index
            %get3A_898 = tpu.vector_load %run_scoped3A[%get3A_896, %get3A_897] {strides = array<i32>} : memref<240x512xf32, #tpu.memory_space<vmem>>, vector<16xf32>,
            %get3A_899 = arith.index_cast %while3A_857 : i32 to index
            %get3A_900 = arith.constant 304 : index
            %get3A_901 = tpu.vector_load %run_scoped3A[%get3A_899, %get3A_900] {strides = array<i32>} : memref<240x512xf32, #tpu.memory_space<vmem>>, vector<16xf32>,
            %get3A_902 = arith.index_cast %while3A_857 : i32 to index
            %get3A_903 = arith.constant 320 : index
            %get3A_904 = tpu.vector_load %run_scoped3A[%get3A_902, %get3A_903] {strides = array<i32>} : memref<240x512xf32, #tpu.memory_space<vmem>>, vector<16xf32>,
            %get3A_905 = arith.index_cast %while3A_857 : i32 to index
            %get3A_906 = arith.constant 336 : index
            %get3A_907 = tpu.vector_load %run_scoped3A[%get3A_905, %get3A_906] {strides = array<i32>} : memref<240x512xf32, #tpu.memory_space<vmem>>, vector<16xf32>,
            %get3A_908 = arith.index_cast %while3A_857 : i32 to index
            %get3A_909 = arith.constant 352 : index
            %get3A_910 = tpu.vector_load %run_scoped3A[%get3A_908, %get3A_909] {strides = array<i32>} : memref<240x512xf32, #tpu.memory_space<vmem>>, vector<16xf32>,
            %get3A_911 = arith.index_cast %while3A_857 : i32 to index
            %get3A_912 = arith.constant 368 : index
            %get3A_913 = tpu.vector_load %run_scoped3A[%get3A_911, %get3A_912] {strides = array<i32>} : memref<240x512xf32, #tpu.memory_space<vmem>>, vector<16xf32>,
            %get3A_914 = arith.index_cast %while3A_857 : i32 to index
            %get3A_915 = arith.constant 384 : index
            %get3A_916 = tpu.vector_load %run_scoped3A[%get3A_914, %get3A_915] {strides = array<i32>} : memref<240x512xf32, #tpu.memory_space<vmem>>, vector<16xf32>,
            %get3A_917 = arith.index_cast %while3A_857 : i32 to index
            %get3A_918 = arith.constant 400 : index
            %get3A_919 = tpu.vector_load %run_scoped3A[%get3A_917, %get3A_918] {strides = array<i32>} : memref<240x512xf32, #tpu.memory_space<vmem>>, vector<16xf32>,
            %get3A_920 = arith.index_cast %while3A_857 : i32 to index
            %get3A_921 = arith.constant 416 : index
            %get3A_922 = tpu.vector_load %run_scoped3A[%get3A_920, %get3A_921] {strides = array<i32>} : memref<240x512xf32, #tpu.memory_space<vmem>>, vector<16xf32>,
            %get3A_923 = arith.index_cast %while3A_857 : i32 to index
            %get3A_924 = arith.constant 432 : index
            %get3A_925 = tpu.vector_load %run_scoped3A[%get3A_923, %get3A_924] {strides = array<i32>} : memref<240x512xf32, #tpu.memory_space<vmem>>, vector<16xf32>,
            %get3A_926 = arith.index_cast %while3A_857 : i32 to index
            %get3A_927 = arith.constant 448 : index
            %get3A_928 = tpu.vector_load %run_scoped3A[%get3A_926, %get3A_927] {strides = array<i32>} : memref<240x512xf32, #tpu.memory_space<vmem>>, vector<16xf32>,
            %get3A_929 = arith.index_cast %while3A_857 : i32 to index
            %get3A_930 = arith.constant 464 : index
            %get3A_931 = tpu.vector_load %run_scoped3A[%get3A_929, %get3A_930] {strides = array<i32>} : memref<240x512xf32, #tpu.memory_space<vmem>>, vector<16xf32>,
            %get3A_932 = arith.index_cast %while3A_857 : i32 to index
            %get3A_933 = arith.constant 480 : index
            %get3A_934 = tpu.vector_load %run_scoped3A[%get3A_932, %get3A_933] {strides = array<i32>} : memref<240x512xf32, #tpu.memory_space<vmem>>, vector<16xf32>,
            %get3A_935 = arith.index_cast %while3A_857 : i32 to index
            %get3A_936 = arith.constant 496 : index
            %get3A_937 = tpu.vector_load %run_scoped3A[%get3A_935, %get3A_936] {strides = array<i32>} : memref<240x512xf32, #tpu.memory_space<vmem>>, vector<16xf32>,
            %add3A_938 = arith.addf %while3A_858, %get3A_892 : vector<16xf32>
            %add3A_939 = arith.addf %while3A_859, %get3A_895 : vector<16xf32>
            %add3A_940 = arith.addf %while3A_860, %get3A_898 : vector<16xf32>
            %add3A_941 = arith.addf %while3A_861, %get3A_901 : vector<16xf32>
            %add3A_942 = arith.addf %while3A_862, %get3A_904 : vector<16xf32>
            %add3A_943 = arith.addf %while3A_863, %get3A_907 : vector<16xf32>
            %add3A_944 = arith.addf %while3A_864, %get3A_910 : vector<16xf32>
            %add3A_945 = arith.addf %while3A_865, %get3A_913 : vector<16xf32>
            %add3A_946 = arith.addf %while3A_866, %get3A_916 : vector<16xf32>
            %add3A_947 = arith.addf %while3A_867, %get3A_919 : vector<16xf32>
            %add3A_948 = arith.addf %while3A_868, %get3A_922 : vector<16xf32>
            %add3A_949 = arith.addf %while3A_869, %get3A_925 : vector<16xf32>
            %add3A_950 = arith.addf %while3A_870, %get3A_928 : vector<16xf32>
            %add3A_951 = arith.addf %while3A_871, %get3A_931 : vector<16xf32>
            %add3A_952 = arith.addf %while3A_872, %get3A_934 : vector<16xf32>
            %add3A_953 = arith.addf %while3A_873, %get3A_937 : vector<16xf32>
            %max3A_954 = arith.maximumf %while3A_874, %get3A_892 : vector<16xf32>
            %max3A_955 = arith.maximumf %while3A_875, %get3A_895 : vector<16xf32>
            %max3A_956 = arith.maximumf %while3A_876, %get3A_898 : vector<16xf32>
            %max3A_957 = arith.maximumf %while3A_877, %get3A_901 : vector<16xf32>
            %max3A_958 = arith.maximumf %while3A_878, %get3A_904 : vector<16xf32>
            %max3A_959 = arith.maximumf %while3A_879, %get3A_907 : vector<16xf32>
            %max3A_960 = arith.maximumf %while3A_880, %get3A_910 : vector<16xf32>
            %max3A_961 = arith.maximumf %while3A_881, %get3A_913 : vector<16xf32>
            %max3A_962 = arith.maximumf %while3A_882, %get3A_916 : vector<16xf32>
            %max3A_963 = arith.maximumf %while3A_883, %get3A_919 : vector<16xf32>
            %max3A_964 = arith.maximumf %while3A_884, %get3A_922 : vector<16xf32>
            %max3A_965 = arith.maximumf %while3A_885, %get3A_925 : vector<16xf32>
            %max3A_966 = arith.maximumf %while3A_886, %get3A_928 : vector<16xf32>
            %max3A_967 = arith.maximumf %while3A_887, %get3A_931 : vector<16xf32>
            %max3A_968 = arith.maximumf %while3A_888, %get3A_934 : vector<16xf32>
            %max3A_969 = arith.maximumf %while3A_889, %get3A_937 : vector<16xf32>
            scf.yield %add3A_938, %add3A_939, %add3A_940, %add3A_941, %add3A_942, %add3A_943, %add3A_944, %add3A_945, %add3A_946, %add3A_947, %add3A_948, %add3A_949, %add3A_950, %add3A_951, %add3A_952, %add3A_953, %max3A_954, %max3A_955, %max3A_956, %max3A_957, %max3A_958, %max3A_959, %max3A_960, %max3A_961, %max3A_962, %max3A_963, %max3A_964, %max3A_965, %max3A_966, %max3A_967, %max3A_968, %max3A_969 : vector<16xf32>, vector<16xf32>, vector<16xf32>, vector<16xf32>, vector<16xf32>, vector<16xf32>, vector<16xf32>, vector<16xf32>, vector<16xf32>, vector<16xf32>, vector<16xf32>, vector<16xf32>, vector<16xf32>, vector<16xf32>, vector<16xf32>, vector<16xf32>, vector<16xf32>, vector<16xf32>, vector<16xf32>, vector<16xf32>, vector<16xf32>, vector<16xf32>, vector<16xf32>, vector<16xf32>, vector<16xf32>, vector<16xf32>, vector<16xf32>, vector<16xf32>, vector<16xf32>, vector<16xf32>, vector<16xf32>, vector<16xf32>
          }
          %while3A_790 = arith.constant 1 : i32
          %while3A_791:32 = scf.for %while3A_857 = %while3A_787 to %while3A_783 step %while3A_790 iter_args(%while3A_858 = %while3A_789#0, %while3A_859 = %while3A_789#1, %while3A_860 = %while3A_789#2, %while3A_861 = %while3A_789#3, %while3A_862 = %while3A_789#4, %while3A_863 = %while3A_789#5, %while3A_864 = %while3A_789#6, %while3A_865 = %while3A_789#7, %while3A_866 = %while3A_789#8, %while3A_867 = %while3A_789#9, %while3A_868 = %while3A_789#10, %while3A_869 = %while3A_789#11, %while3A_870 = %while3A_789#12, %while3A_871 = %while3A_789#13, %while3A_872 = %while3A_789#14, %while3A_873 = %while3A_789#15, %while3A_874 = %while3A_789#16, %while3A_875 = %while3A_789#17, %while3A_876 = %while3A_789#18, %while3A_877 = %while3A_789#19, %while3A_878 = %while3A_789#20, %while3A_879 = %while3A_789#21, %while3A_880 = %while3A_789#22, %while3A_881 = %while3A_789#23, %while3A_882 = %while3A_789#24, %while3A_883 = %while3A_789#25, %while3A_884 = %while3A_789#26, %while3A_885 = %while3A_789#27, %while3A_886 = %while3A_789#28, %while3A_887 = %while3A_789#29, %while3A_888 = %while3A_789#30, %while3A_889 = %while3A_789#31) -> (vector<16xf32>, vector<16xf32>, vector<16xf32>, vector<16xf32>, vector<16xf32>, vector<16xf32>, vector<16xf32>, vector<16xf32>, vector<16xf32>, vector<16xf32>, vector<16xf32>, vector<16xf32>, vector<16xf32>, vector<16xf32>, vector<16xf32>, vector<16xf32>, vector<16xf32>, vector<16xf32>, vector<16xf32>, vector<16xf32>, vector<16xf32>, vector<16xf32>, vector<16xf32>, vector<16xf32>, vector<16xf32>, vector<16xf32>, vector<16xf32>, vector<16xf32>, vector<16xf32>, vector<16xf32>, vector<16xf32>, vector<16xf32>)  : i32 {
            %get3A_890 = arith.index_cast %while3A_857 : i32 to index
            %get3A_891 = arith.constant 256 : index
            %get3A_892 = tpu.vector_load %run_scoped3A[%get3A_890, %get3A_891] {strides = array<i32>} : memref<240x512xf32, #tpu.memory_space<vmem>>, vector<16xf32>,
            %get3A_893 = arith.index_cast %while3A_857 : i32 to index
            %get3A_894 = arith.constant 272 : index
            %get3A_895 = tpu.vector_load %run_scoped3A[%get3A_893, %get3A_894] {strides = array<i32>} : memref<240x512xf32, #tpu.memory_space<vmem>>, vector<16xf32>,
            %get3A_896 = arith.index_cast %while3A_857 : i32 to index
            %get3A_897 = arith.constant 288 : index
            %get3A_898 = tpu.vector_load %run_scoped3A[%get3A_896, %get3A_897] {strides = array<i32>} : memref<240x512xf32, #tpu.memory_space<vmem>>, vector<16xf32>,
            %get3A_899 = arith.index_cast %while3A_857 : i32 to index
            %get3A_900 = arith.constant 304 : index
            %get3A_901 = tpu.vector_load %run_scoped3A[%get3A_899, %get3A_900] {strides = array<i32>} : memref<240x512xf32, #tpu.memory_space<vmem>>, vector<16xf32>,
            %get3A_902 = arith.index_cast %while3A_857 : i32 to index
            %get3A_903 = arith.constant 320 : index
            %get3A_904 = tpu.vector_load %run_scoped3A[%get3A_902, %get3A_903] {strides = array<i32>} : memref<240x512xf32, #tpu.memory_space<vmem>>, vector<16xf32>,
            %get3A_905 = arith.index_cast %while3A_857 : i32 to index
            %get3A_906 = arith.constant 336 : index
            %get3A_907 = tpu.vector_load %run_scoped3A[%get3A_905, %get3A_906] {strides = array<i32>} : memref<240x512xf32, #tpu.memory_space<vmem>>, vector<16xf32>,
            %get3A_908 = arith.index_cast %while3A_857 : i32 to index
            %get3A_909 = arith.constant 352 : index
            %get3A_910 = tpu.vector_load %run_scoped3A[%get3A_908, %get3A_909] {strides = array<i32>} : memref<240x512xf32, #tpu.memory_space<vmem>>, vector<16xf32>,
            %get3A_911 = arith.index_cast %while3A_857 : i32 to index
            %get3A_912 = arith.constant 368 : index
            %get3A_913 = tpu.vector_load %run_scoped3A[%get3A_911, %get3A_912] {strides = array<i32>} : memref<240x512xf32, #tpu.memory_space<vmem>>, vector<16xf32>,
            %get3A_914 = arith.index_cast %while3A_857 : i32 to index
            %get3A_915 = arith.constant 384 : index
            %get3A_916 = tpu.vector_load %run_scoped3A[%get3A_914, %get3A_915] {strides = array<i32>} : memref<240x512xf32, #tpu.memory_space<vmem>>, vector<16xf32>,
            %get3A_917 = arith.index_cast %while3A_857 : i32 to index
            %get3A_918 = arith.constant 400 : index
            %get3A_919 = tpu.vector_load %run_scoped3A[%get3A_917, %get3A_918] {strides = array<i32>} : memref<240x512xf32, #tpu.memory_space<vmem>>, vector<16xf32>,
            %get3A_920 = arith.index_cast %while3A_857 : i32 to index
            %get3A_921 = arith.constant 416 : index
            %get3A_922 = tpu.vector_load %run_scoped3A[%get3A_920, %get3A_921] {strides = array<i32>} : memref<240x512xf32, #tpu.memory_space<vmem>>, vector<16xf32>,
            %get3A_923 = arith.index_cast %while3A_857 : i32 to index
            %get3A_924 = arith.constant 432 : index
            %get3A_925 = tpu.vector_load %run_scoped3A[%get3A_923, %get3A_924] {strides = array<i32>} : memref<240x512xf32, #tpu.memory_space<vmem>>, vector<16xf32>,
            %get3A_926 = arith.index_cast %while3A_857 : i32 to index
            %get3A_927 = arith.constant 448 : index
            %get3A_928 = tpu.vector_load %run_scoped3A[%get3A_926, %get3A_927] {strides = array<i32>} : memref<240x512xf32, #tpu.memory_space<vmem>>, vector<16xf32>,
            %get3A_929 = arith.index_cast %while3A_857 : i32 to index
            %get3A_930 = arith.constant 464 : index
            %get3A_931 = tpu.vector_load %run_scoped3A[%get3A_929, %get3A_930] {strides = array<i32>} : memref<240x512xf32, #tpu.memory_space<vmem>>, vector<16xf32>,
            %get3A_932 = arith.index_cast %while3A_857 : i32 to index
            %get3A_933 = arith.constant 480 : index
            %get3A_934 = tpu.vector_load %run_scoped3A[%get3A_932, %get3A_933] {strides = array<i32>} : memref<240x512xf32, #tpu.memory_space<vmem>>, vector<16xf32>,
            %get3A_935 = arith.index_cast %while3A_857 : i32 to index
            %get3A_936 = arith.constant 496 : index
            %get3A_937 = tpu.vector_load %run_scoped3A[%get3A_935, %get3A_936] {strides = array<i32>} : memref<240x512xf32, #tpu.memory_space<vmem>>, vector<16xf32>,
            %add3A_938 = arith.addf %while3A_858, %get3A_892 : vector<16xf32>
            %add3A_939 = arith.addf %while3A_859, %get3A_895 : vector<16xf32>
            %add3A_940 = arith.addf %while3A_860, %get3A_898 : vector<16xf32>
            %add3A_941 = arith.addf %while3A_861, %get3A_901 : vector<16xf32>
            %add3A_942 = arith.addf %while3A_862, %get3A_904 : vector<16xf32>
            %add3A_943 = arith.addf %while3A_863, %get3A_907 : vector<16xf32>
            %add3A_944 = arith.addf %while3A_864, %get3A_910 : vector<16xf32>
            %add3A_945 = arith.addf %while3A_865, %get3A_913 : vector<16xf32>
            %add3A_946 = arith.addf %while3A_866, %get3A_916 : vector<16xf32>
            %add3A_947 = arith.addf %while3A_867, %get3A_919 : vector<16xf32>
            %add3A_948 = arith.addf %while3A_868, %get3A_922 : vector<16xf32>
            %add3A_949 = arith.addf %while3A_869, %get3A_925 : vector<16xf32>
            %add3A_950 = arith.addf %while3A_870, %get3A_928 : vector<16xf32>
            %add3A_951 = arith.addf %while3A_871, %get3A_931 : vector<16xf32>
            %add3A_952 = arith.addf %while3A_872, %get3A_934 : vector<16xf32>
            %add3A_953 = arith.addf %while3A_873, %get3A_937 : vector<16xf32>
            %max3A_954 = arith.maximumf %while3A_874, %get3A_892 : vector<16xf32>
            %max3A_955 = arith.maximumf %while3A_875, %get3A_895 : vector<16xf32>
            %max3A_956 = arith.maximumf %while3A_876, %get3A_898 : vector<16xf32>
            %max3A_957 = arith.maximumf %while3A_877, %get3A_901 : vector<16xf32>
            %max3A_958 = arith.maximumf %while3A_878, %get3A_904 : vector<16xf32>
            %max3A_959 = arith.maximumf %while3A_879, %get3A_907 : vector<16xf32>
            %max3A_960 = arith.maximumf %while3A_880, %get3A_910 : vector<16xf32>
            %max3A_961 = arith.maximumf %while3A_881, %get3A_913 : vector<16xf32>
            %max3A_962 = arith.maximumf %while3A_882, %get3A_916 : vector<16xf32>
            %max3A_963 = arith.maximumf %while3A_883, %get3A_919 : vector<16xf32>
            %max3A_964 = arith.maximumf %while3A_884, %get3A_922 : vector<16xf32>
            %max3A_965 = arith.maximumf %while3A_885, %get3A_925 : vector<16xf32>
            %max3A_966 = arith.maximumf %while3A_886, %get3A_928 : vector<16xf32>
            %max3A_967 = arith.maximumf %while3A_887, %get3A_931 : vector<16xf32>
            %max3A_968 = arith.maximumf %while3A_888, %get3A_934 : vector<16xf32>
            %max3A_969 = arith.maximumf %while3A_889, %get3A_937 : vector<16xf32>
            scf.yield %add3A_938, %add3A_939, %add3A_940, %add3A_941, %add3A_942, %add3A_943, %add3A_944, %add3A_945, %add3A_946, %add3A_947, %add3A_948, %add3A_949, %add3A_950, %add3A_951, %add3A_952, %add3A_953, %max3A_954, %max3A_955, %max3A_956, %max3A_957, %max3A_958, %max3A_959, %max3A_960, %max3A_961, %max3A_962, %max3A_963, %max3A_964, %max3A_965, %max3A_966, %max3A_967, %max3A_968, %max3A_969 : vector<16xf32>, vector<16xf32>, vector<16xf32>, vector<16xf32>, vector<16xf32>, vector<16xf32>, vector<16xf32>, vector<16xf32>, vector<16xf32>, vector<16xf32>, vector<16xf32>, vector<16xf32>, vector<16xf32>, vector<16xf32>, vector<16xf32>, vector<16xf32>, vector<16xf32>, vector<16xf32>, vector<16xf32>, vector<16xf32>, vector<16xf32>, vector<16xf32>, vector<16xf32>, vector<16xf32>, vector<16xf32>, vector<16xf32>, vector<16xf32>, vector<16xf32>, vector<16xf32>, vector<16xf32>, vector<16xf32>, vector<16xf32>
          }
          %swap3A_792 = arith.constant 256 : index
          %swap3A_793 = tpu.vector_load %arg6[%swap3A_792] {strides = array<i32>} : memref<512xf32, #tpu.memory_space<vmem>>, vector<16xf32>,
          tpu.vector_store %arg6[%swap3A_792], %while3A_791#0 {strides = array<i32>} : memref<512xf32, #tpu.memory_space<vmem>>, vector<16xf32>,
          %swap3A_794 = arith.constant 256 : index
          %swap3A_795 = tpu.vector_load %arg7[%swap3A_794] {strides = array<i32>} : memref<512xf32, #tpu.memory_space<vmem>>, vector<16xf32>,
          tpu.vector_store %arg7[%swap3A_794], %while3A_791#16 {strides = array<i32>} : memref<512xf32, #tpu.memory_space<vmem>>, vector<16xf32>,
          %swap3A_796 = arith.constant 272 : index
          %swap3A_797 = tpu.vector_load %arg6[%swap3A_796] {strides = array<i32>} : memref<512xf32, #tpu.memory_space<vmem>>, vector<16xf32>,
          tpu.vector_store %arg6[%swap3A_796], %while3A_791#1 {strides = array<i32>} : memref<512xf32, #tpu.memory_space<vmem>>, vector<16xf32>,
          %swap3A_798 = arith.constant 272 : index
          %swap3A_799 = tpu.vector_load %arg7[%swap3A_798] {strides = array<i32>} : memref<512xf32, #tpu.memory_space<vmem>>, vector<16xf32>,
          tpu.vector_store %arg7[%swap3A_798], %while3A_791#17 {strides = array<i32>} : memref<512xf32, #tpu.memory_space<vmem>>, vector<16xf32>,
          %swap3A_800 = arith.constant 288 : index
          %swap3A_801 = tpu.vector_load %arg6[%swap3A_800] {strides = array<i32>} : memref<512xf32, #tpu.memory_space<vmem>>, vector<16xf32>,
          tpu.vector_store %arg6[%swap3A_800], %while3A_791#2 {strides = array<i32>} : memref<512xf32, #tpu.memory_space<vmem>>, vector<16xf32>,
          %swap3A_802 = arith.constant 288 : index
          %swap3A_803 = tpu.vector_load %arg7[%swap3A_802] {strides = array<i32>} : memref<512xf32, #tpu.memory_space<vmem>>, vector<16xf32>,
          tpu.vector_store %arg7[%swap3A_802], %while3A_791#18 {strides = array<i32>} : memref<512xf32, #tpu.memory_space<vmem>>, vector<16xf32>,
          %swap3A_804 = arith.constant 304 : index
          %swap3A_805 = tpu.vector_load %arg6[%swap3A_804] {strides = array<i32>} : memref<512xf32, #tpu.memory_space<vmem>>, vector<16xf32>,
          tpu.vector_store %arg6[%swap3A_804], %while3A_791#3 {strides = array<i32>} : memref<512xf32, #tpu.memory_space<vmem>>, vector<16xf32>,
          %swap3A_806 = arith.constant 304 : index
          %swap3A_807 = tpu.vector_load %arg7[%swap3A_806] {strides = array<i32>} : memref<512xf32, #tpu.memory_space<vmem>>, vector<16xf32>,
          tpu.vector_store %arg7[%swap3A_806], %while3A_791#19 {strides = array<i32>} : memref<512xf32, #tpu.memory_space<vmem>>, vector<16xf32>,
          %swap3A_808 = arith.constant 320 : index
          %swap3A_809 = tpu.vector_load %arg6[%swap3A_808] {strides = array<i32>} : memref<512xf32, #tpu.memory_space<vmem>>, vector<16xf32>,
          tpu.vector_store %arg6[%swap3A_808], %while3A_791#4 {strides = array<i32>} : memref<512xf32, #tpu.memory_space<vmem>>, vector<16xf32>,
          %swap3A_810 = arith.constant 320 : index
          %swap3A_811 = tpu.vector_load %arg7[%swap3A_810] {strides = array<i32>} : memref<512xf32, #tpu.memory_space<vmem>>, vector<16xf32>,
          tpu.vector_store %arg7[%swap3A_810], %while3A_791#20 {strides = array<i32>} : memref<512xf32, #tpu.memory_space<vmem>>, vector<16xf32>,
          %swap3A_812 = arith.constant 336 : index
          %swap3A_813 = tpu.vector_load %arg6[%swap3A_812] {strides = array<i32>} : memref<512xf32, #tpu.memory_space<vmem>>, vector<16xf32>,
          tpu.vector_store %arg6[%swap3A_812], %while3A_791#5 {strides = array<i32>} : memref<512xf32, #tpu.memory_space<vmem>>, vector<16xf32>,
          %swap3A_814 = arith.constant 336 : index
          %swap3A_815 = tpu.vector_load %arg7[%swap3A_814] {strides = array<i32>} : memref<512xf32, #tpu.memory_space<vmem>>, vector<16xf32>,
          tpu.vector_store %arg7[%swap3A_814], %while3A_791#21 {strides = array<i32>} : memref<512xf32, #tpu.memory_space<vmem>>, vector<16xf32>,
          %swap3A_816 = arith.constant 352 : index
          %swap3A_817 = tpu.vector_load %arg6[%swap3A_816] {strides = array<i32>} : memref<512xf32, #tpu.memory_space<vmem>>, vector<16xf32>,
          tpu.vector_store %arg6[%swap3A_816], %while3A_791#6 {strides = array<i32>} : memref<512xf32, #tpu.memory_space<vmem>>, vector<16xf32>,
          %swap3A_818 = arith.constant 352 : index
          %swap3A_819 = tpu.vector_load %arg7[%swap3A_818] {strides = array<i32>} : memref<512xf32, #tpu.memory_space<vmem>>, vector<16xf32>,
          tpu.vector_store %arg7[%swap3A_818], %while3A_791#22 {strides = array<i32>} : memref<512xf32, #tpu.memory_space<vmem>>, vector<16xf32>,
          %swap3A_820 = arith.constant 368 : index
          %swap3A_821 = tpu.vector_load %arg6[%swap3A_820] {strides = array<i32>} : memref<512xf32, #tpu.memory_space<vmem>>, vector<16xf32>,
          tpu.vector_store %arg6[%swap3A_820], %while3A_791#7 {strides = array<i32>} : memref<512xf32, #tpu.memory_space<vmem>>, vector<16xf32>,
          %swap3A_822 = arith.constant 368 : index
          %swap3A_823 = tpu.vector_load %arg7[%swap3A_822] {strides = array<i32>} : memref<512xf32, #tpu.memory_space<vmem>>, vector<16xf32>,
          tpu.vector_store %arg7[%swap3A_822], %while3A_791#23 {strides = array<i32>} : memref<512xf32, #tpu.memory_space<vmem>>, vector<16xf32>,
          %swap3A_824 = arith.constant 384 : index
          %swap3A_825 = tpu.vector_load %arg6[%swap3A_824] {strides = array<i32>} : memref<512xf32, #tpu.memory_space<vmem>>, vector<16xf32>,
          tpu.vector_store %arg6[%swap3A_824], %while3A_791#8 {strides = array<i32>} : memref<512xf32, #tpu.memory_space<vmem>>, vector<16xf32>,
          %swap3A_826 = arith.constant 384 : index
          %swap3A_827 = tpu.vector_load %arg7[%swap3A_826] {strides = array<i32>} : memref<512xf32, #tpu.memory_space<vmem>>, vector<16xf32>,
          tpu.vector_store %arg7[%swap3A_826], %while3A_791#24 {strides = array<i32>} : memref<512xf32, #tpu.memory_space<vmem>>, vector<16xf32>,
          %swap3A_828 = arith.constant 400 : index
          %swap3A_829 = tpu.vector_load %arg6[%swap3A_828] {strides = array<i32>} : memref<512xf32, #tpu.memory_space<vmem>>, vector<16xf32>,
          tpu.vector_store %arg6[%swap3A_828], %while3A_791#9 {strides = array<i32>} : memref<512xf32, #tpu.memory_space<vmem>>, vector<16xf32>,
          %swap3A_830 = arith.constant 400 : index
          %swap3A_831 = tpu.vector_load %arg7[%swap3A_830] {strides = array<i32>} : memref<512xf32, #tpu.memory_space<vmem>>, vector<16xf32>,
          tpu.vector_store %arg7[%swap3A_830], %while3A_791#25 {strides = array<i32>} : memref<512xf32, #tpu.memory_space<vmem>>, vector<16xf32>,
          %swap3A_832 = arith.constant 416 : index
          %swap3A_833 = tpu.vector_load %arg6[%swap3A_832] {strides = array<i32>} : memref<512xf32, #tpu.memory_space<vmem>>, vector<16xf32>,
          tpu.vector_store %arg6[%swap3A_832], %while3A_791#10 {strides = array<i32>} : memref<512xf32, #tpu.memory_space<vmem>>, vector<16xf32>,
          %swap3A_834 = arith.constant 416 : index
          %swap3A_835 = tpu.vector_load %arg7[%swap3A_834] {strides = array<i32>} : memref<512xf32, #tpu.memory_space<vmem>>, vector<16xf32>,
          tpu.vector_store %arg7[%swap3A_834], %while3A_791#26 {strides = array<i32>} : memref<512xf32, #tpu.memory_space<vmem>>, vector<16xf32>,
          %swap3A_836 = arith.constant 432 : index
          %swap3A_837 = tpu.vector_load %arg6[%swap3A_836] {strides = array<i32>} : memref<512xf32, #tpu.memory_space<vmem>>, vector<16xf32>,
          tpu.vector_store %arg6[%swap3A_836], %while3A_791#11 {strides = array<i32>} : memref<512xf32, #tpu.memory_space<vmem>>, vector<16xf32>,
          %swap3A_838 = arith.constant 432 : index
          %swap3A_839 = tpu.vector_load %arg7[%swap3A_838] {strides = array<i32>} : memref<512xf32, #tpu.memory_space<vmem>>, vector<16xf32>,
          tpu.vector_store %arg7[%swap3A_838], %while3A_791#27 {strides = array<i32>} : memref<512xf32, #tpu.memory_space<vmem>>, vector<16xf32>,
          %swap3A_840 = arith.constant 448 : index
          %swap3A_841 = tpu.vector_load %arg6[%swap3A_840] {strides = array<i32>} : memref<512xf32, #tpu.memory_space<vmem>>, vector<16xf32>,
          tpu.vector_store %arg6[%swap3A_840], %while3A_791#12 {strides = array<i32>} : memref<512xf32, #tpu.memory_space<vmem>>, vector<16xf32>,
          %swap3A_842 = arith.constant 448 : index
          %swap3A_843 = tpu.vector_load %arg7[%swap3A_842] {strides = array<i32>} : memref<512xf32, #tpu.memory_space<vmem>>, vector<16xf32>,
          tpu.vector_store %arg7[%swap3A_842], %while3A_791#28 {strides = array<i32>} : memref<512xf32, #tpu.memory_space<vmem>>, vector<16xf32>,
          %swap3A_844 = arith.constant 464 : index
          %swap3A_845 = tpu.vector_load %arg6[%swap3A_844] {strides = array<i32>} : memref<512xf32, #tpu.memory_space<vmem>>, vector<16xf32>,
          tpu.vector_store %arg6[%swap3A_844], %while3A_791#13 {strides = array<i32>} : memref<512xf32, #tpu.memory_space<vmem>>, vector<16xf32>,
          %swap3A_846 = arith.constant 464 : index
          %swap3A_847 = tpu.vector_load %arg7[%swap3A_846] {strides = array<i32>} : memref<512xf32, #tpu.memory_space<vmem>>, vector<16xf32>,
          tpu.vector_store %arg7[%swap3A_846], %while3A_791#29 {strides = array<i32>} : memref<512xf32, #tpu.memory_space<vmem>>, vector<16xf32>,
          %swap3A_848 = arith.constant 480 : index
          %swap3A_849 = tpu.vector_load %arg6[%swap3A_848] {strides = array<i32>} : memref<512xf32, #tpu.memory_space<vmem>>, vector<16xf32>,
          tpu.vector_store %arg6[%swap3A_848], %while3A_791#14 {strides = array<i32>} : memref<512xf32, #tpu.memory_space<vmem>>, vector<16xf32>,
          %swap3A_850 = arith.constant 480 : index
          %swap3A_851 = tpu.vector_load %arg7[%swap3A_850] {strides = array<i32>} : memref<512xf32, #tpu.memory_space<vmem>>, vector<16xf32>,
          tpu.vector_store %arg7[%swap3A_850], %while3A_791#30 {strides = array<i32>} : memref<512xf32, #tpu.memory_space<vmem>>, vector<16xf32>,
          %swap3A_852 = arith.constant 496 : index
          %swap3A_853 = tpu.vector_load %arg6[%swap3A_852] {strides = array<i32>} : memref<512xf32, #tpu.memory_space<vmem>>, vector<16xf32>,
          tpu.vector_store %arg6[%swap3A_852], %while3A_791#15 {strides = array<i32>} : memref<512xf32, #tpu.memory_space<vmem>>, vector<16xf32>,
          %swap3A_854 = arith.constant 496 : index
          %swap3A_855 = tpu.vector_load %arg7[%swap3A_854] {strides = array<i32>} : memref<512xf32, #tpu.memory_space<vmem>>, vector<16xf32>,
          tpu.vector_store %arg7[%swap3A_854], %while3A_791#31 {strides = array<i32>} : memref<512xf32, #tpu.memory_space<vmem>>, vector<16xf32>,
          %while3A_856 = arith.constant 0 : i32
          scf.yield %while3A_856 : i32
        }
        %while3A_211 = arith.constant 1 : i32
        %while3A_212 = scf.for %while3A_384 = %while3A_208 to %while3A_204 step %while3A_211 iter_args(%while3A_385 = %while3A_210) -> (i32)  : i32 {
          %jit3A_386 = arith.constant 3 : i32
          %eq3A = arith.constant 0 : i32
          %eq3A_387 = arith.cmpi eq, %jit3A_386, %eq3A : i32
          %jit3A_388 = arith.constant 1 : i32
          %select_n3A_389 = arith.select %eq3A_387, %jit3A_388, %jit3A_386 : i32
          %rem3A_390 = arith.remsi %while3A_384, %select_n3A_389 : i32
          %ne3A_391 = arith.constant 0 : i32
          %ne3A_392 = arith.cmpi ne, %rem3A_390, %ne3A_391 : i32
          %lt3A = arith.constant 0 : i32
          %lt3A_393 = arith.cmpi slt, %rem3A_390, %lt3A : i32
          %lt3A_394 = arith.constant 0 : i32
          %lt3A_395 = arith.cmpi slt, %select_n3A_389, %lt3A_394 : i32
          %ne3A_396 = arith.xori %lt3A_393, %lt3A_395 : i1
          %and3A_397 = arith.andi %ne3A_396, %ne3A_392 : i1
          %add3A_398 = arith.addi %rem3A_390, %select_n3A_389 : i32
          %select_n3A_399 = arith.select %and3A_397, %add3A_398, %rem3A_390 : i32
          %eq3A_400 = arith.constant 0 : i32
          %eq3A_401 = arith.cmpi eq, %select_n3A_399, %eq3A_400 : i32
          %convert_element_type3A_402 = arith.extui %eq3A_401 : i1 to i32
          %cond3A_403 = arith.constant 0 : i32
          %cond3A_404 = arith.cmpi ne, %convert_element_type3A_402, %cond3A_403 : i32
          scf.if %cond3A_404 {
            %mul3A_857 = arith.constant 80 : i32
            %mul3A_858 = arith.muli %while3A_384, %mul3A_857 : i32
            %add3A_859 = arith.addi %mul3A_165, %mul3A_858 : i32
            %min3A_860 = arith.constant 49920 : i32
            %min3A_861 = arith.minsi %add3A_859, %min3A_860 : i32
            %dma_wait3A = arith.constant 0 : i32
            %dma_wait3A_862 = arith.constant 0 : i32
            %dma_wait3A_863 = tpu.memref_slice %run_scoped3A[%dma_wait3A, %dma_wait3A_862] : memref<240x512xf32, #tpu.memory_space<vmem>> -> memref<80x512xf32, #tpu.memory_space<vmem>>
            %dma_wait3A_864 = arith.constant 0 : i32
            %dma_wait3A_865 = tpu.memref_slice %arg2[%min3A_861, %dma_wait3A_864] : memref<50000x512xf32, #tpu.memory_space<hbm>> -> memref<80x512xf32, #tpu.memory_space<hbm>>
            %dma_wait3A_866 = arith.constant 0 : i32
            %dma_wait3A_867 = arith.constant 0 : i32
            %dma_wait3A_868 = tpu.memref_slice %run_scoped3A[%dma_wait3A_866, %dma_wait3A_867] : memref<240x512xf32, #tpu.memory_space<vmem>> -> memref<80x512xf32, #tpu.memory_space<vmem>>
            %dma_wait3A_869 = arith.constant 0 : i32
            %dma_wait3A_870 = tpu.memref_slice %arg2[%min3A_861, %dma_wait3A_869] : memref<50000x512xf32, #tpu.memory_space<hbm>> -> memref<80x512xf32, #tpu.memory_space<hbm>>
            tpu.wait_dma2 semaphore(%arg9 : memref<!tpu.dma_semaphore, #tpu.memory_space<semaphore_mem>>) src(%dma_wait3A_870 : memref<80x512xf32, #tpu.memory_space<hbm>>) dst(%dma_wait3A_868 : memref<80x512xf32, #tpu.memory_space<vmem>>)
          } else {
          }
          %eq3A_405 = arith.constant 1 : i32
          %eq3A_406 = arith.cmpi eq, %select_n3A_399, %eq3A_405 : i32
          %convert_element_type3A_407 = arith.extui %eq3A_406 : i1 to i32
          %cond3A_408 = arith.constant 0 : i32
          %cond3A_409 = arith.cmpi ne, %convert_element_type3A_407, %cond3A_408 : i32
          scf.if %cond3A_409 {
            %mul3A_857 = arith.constant 80 : i32
            %mul3A_858 = arith.muli %while3A_384, %mul3A_857 : i32
            %add3A_859 = arith.addi %mul3A_165, %mul3A_858 : i32
            %min3A_860 = arith.constant 49920 : i32
            %min3A_861 = arith.minsi %add3A_859, %min3A_860 : i32
            %dma_wait3A = arith.constant 80 : i32
            %dma_wait3A_862 = arith.constant 0 : i32
            %dma_wait3A_863 = tpu.memref_slice %run_scoped3A[%dma_wait3A, %dma_wait3A_862] : memref<240x512xf32, #tpu.memory_space<vmem>> -> memref<80x512xf32, #tpu.memory_space<vmem>>
            %dma_wait3A_864 = arith.constant 0 : i32
            %dma_wait3A_865 = tpu.memref_slice %arg2[%min3A_861, %dma_wait3A_864] : memref<50000x512xf32, #tpu.memory_space<hbm>> -> memref<80x512xf32, #tpu.memory_space<hbm>>
            %dma_wait3A_866 = arith.constant 80 : i32
            %dma_wait3A_867 = arith.constant 0 : i32
            %dma_wait3A_868 = tpu.memref_slice %run_scoped3A[%dma_wait3A_866, %dma_wait3A_867] : memref<240x512xf32, #tpu.memory_space<vmem>> -> memref<80x512xf32, #tpu.memory_space<vmem>>
            %dma_wait3A_869 = arith.constant 0 : i32
            %dma_wait3A_870 = tpu.memref_slice %arg2[%min3A_861, %dma_wait3A_869] : memref<50000x512xf32, #tpu.memory_space<hbm>> -> memref<80x512xf32, #tpu.memory_space<hbm>>
            tpu.wait_dma2 semaphore(%arg10 : memref<!tpu.dma_semaphore, #tpu.memory_space<semaphore_mem>>) src(%dma_wait3A_870 : memref<80x512xf32, #tpu.memory_space<hbm>>) dst(%dma_wait3A_868 : memref<80x512xf32, #tpu.memory_space<vmem>>)
          } else {
          }
          %eq3A_410 = arith.constant 2 : i32
          %eq3A_411 = arith.cmpi eq, %select_n3A_399, %eq3A_410 : i32
          %convert_element_type3A_412 = arith.extui %eq3A_411 : i1 to i32
          %cond3A_413 = arith.constant 0 : i32
          %cond3A_414 = arith.cmpi ne, %convert_element_type3A_412, %cond3A_413 : i32
          scf.if %cond3A_414 {
            %mul3A_857 = arith.constant 80 : i32
            %mul3A_858 = arith.muli %while3A_384, %mul3A_857 : i32
            %add3A_859 = arith.addi %mul3A_165, %mul3A_858 : i32
            %min3A_860 = arith.constant 49920 : i32
            %min3A_861 = arith.minsi %add3A_859, %min3A_860 : i32
            %dma_wait3A = arith.constant 160 : i32
            %dma_wait3A_862 = arith.constant 0 : i32
            %dma_wait3A_863 = tpu.memref_slice %run_scoped3A[%dma_wait3A, %dma_wait3A_862] : memref<240x512xf32, #tpu.memory_space<vmem>> -> memref<80x512xf32, #tpu.memory_space<vmem>>
            %dma_wait3A_864 = arith.constant 0 : i32
            %dma_wait3A_865 = tpu.memref_slice %arg2[%min3A_861, %dma_wait3A_864] : memref<50000x512xf32, #tpu.memory_space<hbm>> -> memref<80x512xf32, #tpu.memory_space<hbm>>
            %dma_wait3A_866 = arith.constant 160 : i32
            %dma_wait3A_867 = arith.constant 0 : i32
            %dma_wait3A_868 = tpu.memref_slice %run_scoped3A[%dma_wait3A_866, %dma_wait3A_867] : memref<240x512xf32, #tpu.memory_space<vmem>> -> memref<80x512xf32, #tpu.memory_space<vmem>>
            %dma_wait3A_869 = arith.constant 0 : i32
            %dma_wait3A_870 = tpu.memref_slice %arg2[%min3A_861, %dma_wait3A_869] : memref<50000x512xf32, #tpu.memory_space<hbm>> -> memref<80x512xf32, #tpu.memory_space<hbm>>
            tpu.wait_dma2 semaphore(%arg11 : memref<!tpu.dma_semaphore, #tpu.memory_space<semaphore_mem>>) src(%dma_wait3A_870 : memref<80x512xf32, #tpu.memory_space<hbm>>) dst(%dma_wait3A_868 : memref<80x512xf32, #tpu.memory_space<vmem>>)
          } else {
          }
          %add3A_415 = arith.constant 3 : i32
          %add3A_416 = arith.addi %while3A_384, %add3A_415 : i32
          %sub3A_417 = arith.constant 1 : i32
          %sub3A_418 = arith.subi %add3A_416, %sub3A_417 : i32
          %lt3A_419 = arith.cmpi slt, %sub3A_418, %select_n3A_194 : i32
          %jit3A_420 = arith.constant 3 : i32
          %eq3A_421 = arith.constant 0 : i32
          %eq3A_422 = arith.cmpi eq, %jit3A_420, %eq3A_421 : i32
          %jit3A_423 = arith.constant 1 : i32
          %select_n3A_424 = arith.select %eq3A_422, %jit3A_423, %jit3A_420 : i32
          %rem3A_425 = arith.remsi %sub3A_418, %select_n3A_424 : i32
          %ne3A_426 = arith.constant 0 : i32
          %ne3A_427 = arith.cmpi ne, %rem3A_425, %ne3A_426 : i32
          %lt3A_428 = arith.constant 0 : i32
          %lt3A_429 = arith.cmpi slt, %rem3A_425, %lt3A_428 : i32
          %lt3A_430 = arith.constant 0 : i32
          %lt3A_431 = arith.cmpi slt, %select_n3A_424, %lt3A_430 : i32
          %ne3A_432 = arith.xori %lt3A_429, %lt3A_431 : i1
          %and3A_433 = arith.andi %ne3A_432, %ne3A_427 : i1
          %add3A_434 = arith.addi %rem3A_425, %select_n3A_424 : i32
          %select_n3A_435 = arith.select %and3A_433, %add3A_434, %rem3A_425 : i32
          %eq3A_436 = arith.constant 0 : i32
          %eq3A_437 = arith.cmpi eq, %select_n3A_435, %eq3A_436 : i32
          %and3A_438 = arith.andi %lt3A_419, %eq3A_437 : i1
          %convert_element_type3A_439 = arith.extui %and3A_438 : i1 to i32
          %cond3A_440 = arith.constant 0 : i32
          %cond3A_441 = arith.cmpi ne, %convert_element_type3A_439, %cond3A_440 : i32
          scf.if %cond3A_441 {
            %mul3A_857 = arith.constant 80 : i32
            %mul3A_858 = arith.muli %sub3A_418, %mul3A_857 : i32
            %add3A_859 = arith.addi %mul3A_165, %mul3A_858 : i32
            %min3A_860 = arith.constant 49920 : i32
            %min3A_861 = arith.minsi %add3A_859, %min3A_860 : i32
            %dma_start3A = arith.constant 0 : i32
            %dma_start3A_862 = arith.constant 0 : i32
            %dma_start3A_863 = tpu.memref_slice %run_scoped3A[%dma_start3A, %dma_start3A_862] : memref<240x512xf32, #tpu.memory_space<vmem>> -> memref<80x512xf32, #tpu.memory_space<vmem>>
            %dma_start3A_864 = arith.constant 0 : i32
            %dma_start3A_865 = tpu.memref_slice %arg2[%min3A_861, %dma_start3A_864] : memref<50000x512xf32, #tpu.memory_space<hbm>> -> memref<80x512xf32, #tpu.memory_space<hbm>>
            %dma_start3A_866 = arith.constant 0 : i32
            %dma_start3A_867 = arith.constant 0 : i32
            %dma_start3A_868 = tpu.memref_slice %run_scoped3A[%dma_start3A_866, %dma_start3A_867] : memref<240x512xf32, #tpu.memory_space<vmem>> -> memref<80x512xf32, #tpu.memory_space<vmem>>
            %dma_start3A_869 = arith.constant 0 : i32
            %dma_start3A_870 = tpu.memref_slice %arg2[%min3A_861, %dma_start3A_869] : memref<50000x512xf32, #tpu.memory_space<hbm>> -> memref<80x512xf32, #tpu.memory_space<hbm>>
            tpu.enqueue_dma source(%dma_start3A_870 : memref<80x512xf32, #tpu.memory_space<hbm>>) target(%dma_start3A_868 : memref<80x512xf32, #tpu.memory_space<vmem>>) target_semaphore(%arg9 : memref<!tpu.dma_semaphore, #tpu.memory_space<semaphore_mem>>)
          } else {
          }
          %lt3A_442 = arith.cmpi slt, %sub3A_418, %select_n3A_194 : i32
          %jit3A_443 = arith.constant 3 : i32
          %eq3A_444 = arith.constant 0 : i32
          %eq3A_445 = arith.cmpi eq, %jit3A_443, %eq3A_444 : i32
          %jit3A_446 = arith.constant 1 : i32
          %select_n3A_447 = arith.select %eq3A_445, %jit3A_446, %jit3A_443 : i32
          %rem3A_448 = arith.remsi %sub3A_418, %select_n3A_447 : i32
          %ne3A_449 = arith.constant 0 : i32
          %ne3A_450 = arith.cmpi ne, %rem3A_448, %ne3A_449 : i32
          %lt3A_451 = arith.constant 0 : i32
          %lt3A_452 = arith.cmpi slt, %rem3A_448, %lt3A_451 : i32
          %lt3A_453 = arith.constant 0 : i32
          %lt3A_454 = arith.cmpi slt, %select_n3A_447, %lt3A_453 : i32
          %ne3A_455 = arith.xori %lt3A_452, %lt3A_454 : i1
          %and3A_456 = arith.andi %ne3A_455, %ne3A_450 : i1
          %add3A_457 = arith.addi %rem3A_448, %select_n3A_447 : i32
          %select_n3A_458 = arith.select %and3A_456, %add3A_457, %rem3A_448 : i32
          %eq3A_459 = arith.constant 1 : i32
          %eq3A_460 = arith.cmpi eq, %select_n3A_458, %eq3A_459 : i32
          %and3A_461 = arith.andi %lt3A_442, %eq3A_460 : i1
          %convert_element_type3A_462 = arith.extui %and3A_461 : i1 to i32
          %cond3A_463 = arith.constant 0 : i32
          %cond3A_464 = arith.cmpi ne, %convert_element_type3A_462, %cond3A_463 : i32
          scf.if %cond3A_464 {
            %mul3A_857 = arith.constant 80 : i32
            %mul3A_858 = arith.muli %sub3A_418, %mul3A_857 : i32
            %add3A_859 = arith.addi %mul3A_165, %mul3A_858 : i32
            %min3A_860 = arith.constant 49920 : i32
            %min3A_861 = arith.minsi %add3A_859, %min3A_860 : i32
            %dma_start3A = arith.constant 80 : i32
            %dma_start3A_862 = arith.constant 0 : i32
            %dma_start3A_863 = tpu.memref_slice %run_scoped3A[%dma_start3A, %dma_start3A_862] : memref<240x512xf32, #tpu.memory_space<vmem>> -> memref<80x512xf32, #tpu.memory_space<vmem>>
            %dma_start3A_864 = arith.constant 0 : i32
            %dma_start3A_865 = tpu.memref_slice %arg2[%min3A_861, %dma_start3A_864] : memref<50000x512xf32, #tpu.memory_space<hbm>> -> memref<80x512xf32, #tpu.memory_space<hbm>>
            %dma_start3A_866 = arith.constant 80 : i32
            %dma_start3A_867 = arith.constant 0 : i32
            %dma_start3A_868 = tpu.memref_slice %run_scoped3A[%dma_start3A_866, %dma_start3A_867] : memref<240x512xf32, #tpu.memory_space<vmem>> -> memref<80x512xf32, #tpu.memory_space<vmem>>
            %dma_start3A_869 = arith.constant 0 : i32
            %dma_start3A_870 = tpu.memref_slice %arg2[%min3A_861, %dma_start3A_869] : memref<50000x512xf32, #tpu.memory_space<hbm>> -> memref<80x512xf32, #tpu.memory_space<hbm>>
            tpu.enqueue_dma source(%dma_start3A_870 : memref<80x512xf32, #tpu.memory_space<hbm>>) target(%dma_start3A_868 : memref<80x512xf32, #tpu.memory_space<vmem>>) target_semaphore(%arg10 : memref<!tpu.dma_semaphore, #tpu.memory_space<semaphore_mem>>)
          } else {
          }
          %lt3A_465 = arith.cmpi slt, %sub3A_418, %select_n3A_194 : i32
          %jit3A_466 = arith.constant 3 : i32
          %eq3A_467 = arith.constant 0 : i32
          %eq3A_468 = arith.cmpi eq, %jit3A_466, %eq3A_467 : i32
          %jit3A_469 = arith.constant 1 : i32
          %select_n3A_470 = arith.select %eq3A_468, %jit3A_469, %jit3A_466 : i32
          %rem3A_471 = arith.remsi %sub3A_418, %select_n3A_470 : i32
          %ne3A_472 = arith.constant 0 : i32
          %ne3A_473 = arith.cmpi ne, %rem3A_471, %ne3A_472 : i32
          %lt3A_474 = arith.constant 0 : i32
          %lt3A_475 = arith.cmpi slt, %rem3A_471, %lt3A_474 : i32
          %lt3A_476 = arith.constant 0 : i32
          %lt3A_477 = arith.cmpi slt, %select_n3A_470, %lt3A_476 : i32
          %ne3A_478 = arith.xori %lt3A_475, %lt3A_477 : i1
          %and3A_479 = arith.andi %ne3A_478, %ne3A_473 : i1
          %add3A_480 = arith.addi %rem3A_471, %select_n3A_470 : i32
          %select_n3A_481 = arith.select %and3A_479, %add3A_480, %rem3A_471 : i32
          %eq3A_482 = arith.constant 2 : i32
          %eq3A_483 = arith.cmpi eq, %select_n3A_481, %eq3A_482 : i32
          %and3A_484 = arith.andi %lt3A_465, %eq3A_483 : i1
          %convert_element_type3A_485 = arith.extui %and3A_484 : i1 to i32
          %cond3A_486 = arith.constant 0 : i32
          %cond3A_487 = arith.cmpi ne, %convert_element_type3A_485, %cond3A_486 : i32
          scf.if %cond3A_487 {
            %mul3A_857 = arith.constant 80 : i32
            %mul3A_858 = arith.muli %sub3A_418, %mul3A_857 : i32
            %add3A_859 = arith.addi %mul3A_165, %mul3A_858 : i32
            %min3A_860 = arith.constant 49920 : i32
            %min3A_861 = arith.minsi %add3A_859, %min3A_860 : i32
            %dma_start3A = arith.constant 160 : i32
            %dma_start3A_862 = arith.constant 0 : i32
            %dma_start3A_863 = tpu.memref_slice %run_scoped3A[%dma_start3A, %dma_start3A_862] : memref<240x512xf32, #tpu.memory_space<vmem>> -> memref<80x512xf32, #tpu.memory_space<vmem>>
            %dma_start3A_864 = arith.constant 0 : i32
            %dma_start3A_865 = tpu.memref_slice %arg2[%min3A_861, %dma_start3A_864] : memref<50000x512xf32, #tpu.memory_space<hbm>> -> memref<80x512xf32, #tpu.memory_space<hbm>>
            %dma_start3A_866 = arith.constant 160 : i32
            %dma_start3A_867 = arith.constant 0 : i32
            %dma_start3A_868 = tpu.memref_slice %run_scoped3A[%dma_start3A_866, %dma_start3A_867] : memref<240x512xf32, #tpu.memory_space<vmem>> -> memref<80x512xf32, #tpu.memory_space<vmem>>
            %dma_start3A_869 = arith.constant 0 : i32
            %dma_start3A_870 = tpu.memref_slice %arg2[%min3A_861, %dma_start3A_869] : memref<50000x512xf32, #tpu.memory_space<hbm>> -> memref<80x512xf32, #tpu.memory_space<hbm>>
            tpu.enqueue_dma source(%dma_start3A_870 : memref<80x512xf32, #tpu.memory_space<hbm>>) target(%dma_start3A_868 : memref<80x512xf32, #tpu.memory_space<vmem>>) target_semaphore(%arg11 : memref<!tpu.dma_semaphore, #tpu.memory_space<semaphore_mem>>)
          } else {
          }
          %mul3A_488 = arith.constant 80 : i32
          %mul3A_489 = arith.muli %select_n3A_399, %mul3A_488 : i32
          %mul3A_490 = arith.constant 80 : i32
          %mul3A_491 = arith.muli %while3A_384, %mul3A_490 : i32
          %add3A_492 = arith.addi %mul3A_165, %mul3A_491 : i32
          %min3A = arith.constant 49920 : i32
          %min3A_493 = arith.minsi %add3A_492, %min3A : i32
          %max3A_494 = arith.maxsi %add3A_492, %get3A_12 : i32
          %sub3A_495 = arith.subi %max3A_494, %min3A_493 : i32
          %add3A_496 = arith.addi %sub3A_495, %mul3A_489 : i32
          %add3A_497 = arith.constant 80 : i32
          %add3A_498 = arith.addi %add3A_492, %add3A_497 : i32
          %min3A_499 = arith.minsi %add3A_498, %get3A_16 : i32
          %sub3A_500 = arith.subi %min3A_499, %min3A_493 : i32
          %add3A_501 = arith.addi %sub3A_500, %mul3A_489 : i32
          %sub3A_502 = arith.subi %add3A_501, %add3A_496 : i32
          %jit3A_503 = arith.constant 8 : i32
          %div3A_504 = arith.divsi %sub3A_502, %jit3A_503 : i32
          %sign3A_505 = arith.constant 0 : i32
          %sign3A_506 = arith.cmpi sgt, %sub3A_502, %sign3A_505 : i32
          %sign3A_507 = arith.extui %sign3A_506 : i1 to i32
          %sign3A_508 = arith.constant 0 : i32
          %sign3A_509 = arith.cmpi slt, %sub3A_502, %sign3A_508 : i32
          %sign3A_510 = arith.extui %sign3A_509 : i1 to i32
          %sign3A_511 = arith.subi %sign3A_507, %sign3A_510 : i32
          %sign3A_512 = arith.constant 0 : i32
          %sign3A_513 = arith.cmpi sgt, %jit3A_503, %sign3A_512 : i32
          %sign3A_514 = arith.extui %sign3A_513 : i1 to i32
          %sign3A_515 = arith.constant 0 : i32
          %sign3A_516 = arith.cmpi slt, %jit3A_503, %sign3A_515 : i32
          %sign3A_517 = arith.extui %sign3A_516 : i1 to i32
          %sign3A_518 = arith.subi %sign3A_514, %sign3A_517 : i32
          %ne3A_519 = arith.cmpi ne, %sign3A_511, %sign3A_518 : i32
          %rem3A_520 = arith.remsi %sub3A_502, %jit3A_503 : i32
          %ne3A_521 = arith.constant 0 : i32
          %ne3A_522 = arith.cmpi ne, %rem3A_520, %ne3A_521 : i32
          %and3A_523 = arith.andi %ne3A_519, %ne3A_522 : i1
          %sub3A_524 = arith.constant 1 : i32
          %sub3A_525 = arith.subi %div3A_504, %sub3A_524 : i32
          %select_n3A_526 = arith.select %and3A_523, %sub3A_525, %div3A_504 : i32
          %sub3A_527 = arith.subi %add3A_501, %add3A_496 : i32
          %jit3A_528 = arith.constant 2 : i32
          %div3A_529 = arith.divsi %sub3A_527, %jit3A_528 : i32
          %sign3A_530 = arith.constant 0 : i32
          %sign3A_531 = arith.cmpi sgt, %sub3A_527, %sign3A_530 : i32
          %sign3A_532 = arith.extui %sign3A_531 : i1 to i32
          %sign3A_533 = arith.constant 0 : i32
          %sign3A_534 = arith.cmpi slt, %sub3A_527, %sign3A_533 : i32
          %sign3A_535 = arith.extui %sign3A_534 : i1 to i32
          %sign3A_536 = arith.subi %sign3A_532, %sign3A_535 : i32
          %sign3A_537 = arith.constant 0 : i32
          %sign3A_538 = arith.cmpi sgt, %jit3A_528, %sign3A_537 : i32
          %sign3A_539 = arith.extui %sign3A_538 : i1 to i32
          %sign3A_540 = arith.constant 0 : i32
          %sign3A_541 = arith.cmpi slt, %jit3A_528, %sign3A_540 : i32
          %sign3A_542 = arith.extui %sign3A_541 : i1 to i32
          %sign3A_543 = arith.subi %sign3A_539, %sign3A_542 : i32
          %ne3A_544 = arith.cmpi ne, %sign3A_536, %sign3A_543 : i32
          %rem3A_545 = arith.remsi %sub3A_527, %jit3A_528 : i32
          %ne3A_546 = arith.constant 0 : i32
          %ne3A_547 = arith.cmpi ne, %rem3A_545, %ne3A_546 : i32
          %and3A_548 = arith.andi %ne3A_544, %ne3A_547 : i1
          %sub3A_549 = arith.constant 1 : i32
          %sub3A_550 = arith.subi %div3A_529, %sub3A_549 : i32
          %select_n3A_551 = arith.select %and3A_548, %sub3A_550, %div3A_529 : i32
          %get3A_552 = arith.constant 0 : index
          %get3A_553 = tpu.vector_load %arg6[%get3A_552] {strides = array<i32>} : memref<512xf32, #tpu.memory_space<vmem>>, vector<16xf32>,
          %get3A_554 = arith.constant 16 : index
          %get3A_555 = tpu.vector_load %arg6[%get3A_554] {strides = array<i32>} : memref<512xf32, #tpu.memory_space<vmem>>, vector<16xf32>,
          %get3A_556 = arith.constant 32 : index
          %get3A_557 = tpu.vector_load %arg6[%get3A_556] {strides = array<i32>} : memref<512xf32, #tpu.memory_space<vmem>>, vector<16xf32>,
          %get3A_558 = arith.constant 48 : index
          %get3A_559 = tpu.vector_load %arg6[%get3A_558] {strides = array<i32>} : memref<512xf32, #tpu.memory_space<vmem>>, vector<16xf32>,
          %get3A_560 = arith.constant 64 : index
          %get3A_561 = tpu.vector_load %arg6[%get3A_560] {strides = array<i32>} : memref<512xf32, #tpu.memory_space<vmem>>, vector<16xf32>,
          %get3A_562 = arith.constant 80 : index
          %get3A_563 = tpu.vector_load %arg6[%get3A_562] {strides = array<i32>} : memref<512xf32, #tpu.memory_space<vmem>>, vector<16xf32>,
          %get3A_564 = arith.constant 96 : index
          %get3A_565 = tpu.vector_load %arg6[%get3A_564] {strides = array<i32>} : memref<512xf32, #tpu.memory_space<vmem>>, vector<16xf32>,
          %get3A_566 = arith.constant 112 : index
          %get3A_567 = tpu.vector_load %arg6[%get3A_566] {strides = array<i32>} : memref<512xf32, #tpu.memory_space<vmem>>, vector<16xf32>,
          %get3A_568 = arith.constant 128 : index
          %get3A_569 = tpu.vector_load %arg6[%get3A_568] {strides = array<i32>} : memref<512xf32, #tpu.memory_space<vmem>>, vector<16xf32>,
          %get3A_570 = arith.constant 144 : index
          %get3A_571 = tpu.vector_load %arg6[%get3A_570] {strides = array<i32>} : memref<512xf32, #tpu.memory_space<vmem>>, vector<16xf32>,
          %get3A_572 = arith.constant 160 : index
          %get3A_573 = tpu.vector_load %arg6[%get3A_572] {strides = array<i32>} : memref<512xf32, #tpu.memory_space<vmem>>, vector<16xf32>,
          %get3A_574 = arith.constant 176 : index
          %get3A_575 = tpu.vector_load %arg6[%get3A_574] {strides = array<i32>} : memref<512xf32, #tpu.memory_space<vmem>>, vector<16xf32>,
          %get3A_576 = arith.constant 192 : index
          %get3A_577 = tpu.vector_load %arg6[%get3A_576] {strides = array<i32>} : memref<512xf32, #tpu.memory_space<vmem>>, vector<16xf32>,
          %get3A_578 = arith.constant 208 : index
          %get3A_579 = tpu.vector_load %arg6[%get3A_578] {strides = array<i32>} : memref<512xf32, #tpu.memory_space<vmem>>, vector<16xf32>,
          %get3A_580 = arith.constant 224 : index
          %get3A_581 = tpu.vector_load %arg6[%get3A_580] {strides = array<i32>} : memref<512xf32, #tpu.memory_space<vmem>>, vector<16xf32>,
          %get3A_582 = arith.constant 240 : index
          %get3A_583 = tpu.vector_load %arg6[%get3A_582] {strides = array<i32>} : memref<512xf32, #tpu.memory_space<vmem>>, vector<16xf32>,
          %get3A_584 = arith.constant 0 : index
          %get3A_585 = tpu.vector_load %arg7[%get3A_584] {strides = array<i32>} : memref<512xf32, #tpu.memory_space<vmem>>, vector<16xf32>,
          %get3A_586 = arith.constant 16 : index
          %get3A_587 = tpu.vector_load %arg7[%get3A_586] {strides = array<i32>} : memref<512xf32, #tpu.memory_space<vmem>>, vector<16xf32>,
          %get3A_588 = arith.constant 32 : index
          %get3A_589 = tpu.vector_load %arg7[%get3A_588] {strides = array<i32>} : memref<512xf32, #tpu.memory_space<vmem>>, vector<16xf32>,
          %get3A_590 = arith.constant 48 : index
          %get3A_591 = tpu.vector_load %arg7[%get3A_590] {strides = array<i32>} : memref<512xf32, #tpu.memory_space<vmem>>, vector<16xf32>,
          %get3A_592 = arith.constant 64 : index
          %get3A_593 = tpu.vector_load %arg7[%get3A_592] {strides = array<i32>} : memref<512xf32, #tpu.memory_space<vmem>>, vector<16xf32>,
          %get3A_594 = arith.constant 80 : index
          %get3A_595 = tpu.vector_load %arg7[%get3A_594] {strides = array<i32>} : memref<512xf32, #tpu.memory_space<vmem>>, vector<16xf32>,
          %get3A_596 = arith.constant 96 : index
          %get3A_597 = tpu.vector_load %arg7[%get3A_596] {strides = array<i32>} : memref<512xf32, #tpu.memory_space<vmem>>, vector<16xf32>,
          %get3A_598 = arith.constant 112 : index
          %get3A_599 = tpu.vector_load %arg7[%get3A_598] {strides = array<i32>} : memref<512xf32, #tpu.memory_space<vmem>>, vector<16xf32>,
          %get3A_600 = arith.constant 128 : index
          %get3A_601 = tpu.vector_load %arg7[%get3A_600] {strides = array<i32>} : memref<512xf32, #tpu.memory_space<vmem>>, vector<16xf32>,
          %get3A_602 = arith.constant 144 : index
          %get3A_603 = tpu.vector_load %arg7[%get3A_602] {strides = array<i32>} : memref<512xf32, #tpu.memory_space<vmem>>, vector<16xf32>,
          %get3A_604 = arith.constant 160 : index
          %get3A_605 = tpu.vector_load %arg7[%get3A_604] {strides = array<i32>} : memref<512xf32, #tpu.memory_space<vmem>>, vector<16xf32>,
          %get3A_606 = arith.constant 176 : index
          %get3A_607 = tpu.vector_load %arg7[%get3A_606] {strides = array<i32>} : memref<512xf32, #tpu.memory_space<vmem>>, vector<16xf32>,
          %get3A_608 = arith.constant 192 : index
          %get3A_609 = tpu.vector_load %arg7[%get3A_608] {strides = array<i32>} : memref<512xf32, #tpu.memory_space<vmem>>, vector<16xf32>,
          %get3A_610 = arith.constant 208 : index
          %get3A_611 = tpu.vector_load %arg7[%get3A_610] {strides = array<i32>} : memref<512xf32, #tpu.memory_space<vmem>>, vector<16xf32>,
          %get3A_612 = arith.constant 224 : index
          %get3A_613 = tpu.vector_load %arg7[%get3A_612] {strides = array<i32>} : memref<512xf32, #tpu.memory_space<vmem>>, vector<16xf32>,
          %get3A_614 = arith.constant 240 : index
          %get3A_615 = tpu.vector_load %arg7[%get3A_614] {strides = array<i32>} : memref<512xf32, #tpu.memory_space<vmem>>, vector<16xf32>,
          %while3A_616 = arith.constant 0 : i32
          %while3A_617 = arith.subi %select_n3A_551, %while3A_616 : i32
          %while3A_618 = arith.addi %while3A_616, %while3A_617 : i32
          %while3A_619 = arith.constant 1 : i32
          %while3A_620 = arith.divsi %while3A_617, %while3A_619 : i32
          %while3A_621 = arith.muli %while3A_620, %while3A_619 : i32
          %while3A_622 = arith.addi %while3A_616, %while3A_621 : i32
          %while3A_623 = arith.constant 1 : i32
          %while3A_624:32 = scf.for %while3A_857 = %while3A_616 to %while3A_622 step %while3A_623 iter_args(%while3A_858 = %get3A_553, %while3A_859 = %get3A_555, %while3A_860 = %get3A_557, %while3A_861 = %get3A_559, %while3A_862 = %get3A_561, %while3A_863 = %get3A_563, %while3A_864 = %get3A_565, %while3A_865 = %get3A_567, %while3A_866 = %get3A_569, %while3A_867 = %get3A_571, %while3A_868 = %get3A_573, %while3A_869 = %get3A_575, %while3A_870 = %get3A_577, %while3A_871 = %get3A_579, %while3A_872 = %get3A_581, %while3A_873 = %get3A_583, %while3A_874 = %get3A_585, %while3A_875 = %get3A_587, %while3A_876 = %get3A_589, %while3A_877 = %get3A_591, %while3A_878 = %get3A_593, %while3A_879 = %get3A_595, %while3A_880 = %get3A_597, %while3A_881 = %get3A_599, %while3A_882 = %get3A_601, %while3A_883 = %get3A_603, %while3A_884 = %get3A_605, %while3A_885 = %get3A_607, %while3A_886 = %get3A_609, %while3A_887 = %get3A_611, %while3A_888 = %get3A_613, %while3A_889 = %get3A_615) -> (vector<16xf32>, vector<16xf32>, vector<16xf32>, vector<16xf32>, vector<16xf32>, vector<16xf32>, vector<16xf32>, vector<16xf32>, vector<16xf32>, vector<16xf32>, vector<16xf32>, vector<16xf32>, vector<16xf32>, vector<16xf32>, vector<16xf32>, vector<16xf32>, vector<16xf32>, vector<16xf32>, vector<16xf32>, vector<16xf32>, vector<16xf32>, vector<16xf32>, vector<16xf32>, vector<16xf32>, vector<16xf32>, vector<16xf32>, vector<16xf32>, vector<16xf32>, vector<16xf32>, vector<16xf32>, vector<16xf32>, vector<16xf32>)  : i32 {
            %mul3A_890 = arith.constant 2 : i32
            %mul3A_891 = arith.muli %while3A_857, %mul3A_890 : i32
            %add3A_892 = arith.addi %add3A_496, %mul3A_891 : i32
            %get3A_893 = arith.index_cast %add3A_892 : i32 to index
            %get3A_894 = arith.constant 0 : index
            %get3A_895 = tpu.vector_load %run_scoped3A[%get3A_893, %get3A_894] {strides = array<i32>} : memref<240x512xf32, #tpu.memory_space<vmem>>, vector<16xf32>,
            %get3A_896 = arith.index_cast %add3A_892 : i32 to index
            %get3A_897 = arith.constant 16 : index
            %get3A_898 = tpu.vector_load %run_scoped3A[%get3A_896, %get3A_897] {strides = array<i32>} : memref<240x512xf32, #tpu.memory_space<vmem>>, vector<16xf32>,
            %get3A_899 = arith.index_cast %add3A_892 : i32 to index
            %get3A_900 = arith.constant 32 : index
            %get3A_901 = tpu.vector_load %run_scoped3A[%get3A_899, %get3A_900] {strides = array<i32>} : memref<240x512xf32, #tpu.memory_space<vmem>>, vector<16xf32>,
            %get3A_902 = arith.index_cast %add3A_892 : i32 to index
            %get3A_903 = arith.constant 48 : index
            %get3A_904 = tpu.vector_load %run_scoped3A[%get3A_902, %get3A_903] {strides = array<i32>} : memref<240x512xf32, #tpu.memory_space<vmem>>, vector<16xf32>,
            %get3A_905 = arith.index_cast %add3A_892 : i32 to index
            %get3A_906 = arith.constant 64 : index
            %get3A_907 = tpu.vector_load %run_scoped3A[%get3A_905, %get3A_906] {strides = array<i32>} : memref<240x512xf32, #tpu.memory_space<vmem>>, vector<16xf32>,
            %get3A_908 = arith.index_cast %add3A_892 : i32 to index
            %get3A_909 = arith.constant 80 : index
            %get3A_910 = tpu.vector_load %run_scoped3A[%get3A_908, %get3A_909] {strides = array<i32>} : memref<240x512xf32, #tpu.memory_space<vmem>>, vector<16xf32>,
            %get3A_911 = arith.index_cast %add3A_892 : i32 to index
            %get3A_912 = arith.constant 96 : index
            %get3A_913 = tpu.vector_load %run_scoped3A[%get3A_911, %get3A_912] {strides = array<i32>} : memref<240x512xf32, #tpu.memory_space<vmem>>, vector<16xf32>,
            %get3A_914 = arith.index_cast %add3A_892 : i32 to index
            %get3A_915 = arith.constant 112 : index
            %get3A_916 = tpu.vector_load %run_scoped3A[%get3A_914, %get3A_915] {strides = array<i32>} : memref<240x512xf32, #tpu.memory_space<vmem>>, vector<16xf32>,
            %get3A_917 = arith.index_cast %add3A_892 : i32 to index
            %get3A_918 = arith.constant 128 : index
            %get3A_919 = tpu.vector_load %run_scoped3A[%get3A_917, %get3A_918] {strides = array<i32>} : memref<240x512xf32, #tpu.memory_space<vmem>>, vector<16xf32>,
            %get3A_920 = arith.index_cast %add3A_892 : i32 to index
            %get3A_921 = arith.constant 144 : index
            %get3A_922 = tpu.vector_load %run_scoped3A[%get3A_920, %get3A_921] {strides = array<i32>} : memref<240x512xf32, #tpu.memory_space<vmem>>, vector<16xf32>,
            %get3A_923 = arith.index_cast %add3A_892 : i32 to index
            %get3A_924 = arith.constant 160 : index
            %get3A_925 = tpu.vector_load %run_scoped3A[%get3A_923, %get3A_924] {strides = array<i32>} : memref<240x512xf32, #tpu.memory_space<vmem>>, vector<16xf32>,
            %get3A_926 = arith.index_cast %add3A_892 : i32 to index
            %get3A_927 = arith.constant 176 : index
            %get3A_928 = tpu.vector_load %run_scoped3A[%get3A_926, %get3A_927] {strides = array<i32>} : memref<240x512xf32, #tpu.memory_space<vmem>>, vector<16xf32>,
            %get3A_929 = arith.index_cast %add3A_892 : i32 to index
            %get3A_930 = arith.constant 192 : index
            %get3A_931 = tpu.vector_load %run_scoped3A[%get3A_929, %get3A_930] {strides = array<i32>} : memref<240x512xf32, #tpu.memory_space<vmem>>, vector<16xf32>,
            %get3A_932 = arith.index_cast %add3A_892 : i32 to index
            %get3A_933 = arith.constant 208 : index
            %get3A_934 = tpu.vector_load %run_scoped3A[%get3A_932, %get3A_933] {strides = array<i32>} : memref<240x512xf32, #tpu.memory_space<vmem>>, vector<16xf32>,
            %get3A_935 = arith.index_cast %add3A_892 : i32 to index
            %get3A_936 = arith.constant 224 : index
            %get3A_937 = tpu.vector_load %run_scoped3A[%get3A_935, %get3A_936] {strides = array<i32>} : memref<240x512xf32, #tpu.memory_space<vmem>>, vector<16xf32>,
            %get3A_938 = arith.index_cast %add3A_892 : i32 to index
            %get3A_939 = arith.constant 240 : index
            %get3A_940 = tpu.vector_load %run_scoped3A[%get3A_938, %get3A_939] {strides = array<i32>} : memref<240x512xf32, #tpu.memory_space<vmem>>, vector<16xf32>,
            %add3A_941 = arith.addf %while3A_858, %get3A_895 : vector<16xf32>
            %add3A_942 = arith.addf %while3A_859, %get3A_898 : vector<16xf32>
            %add3A_943 = arith.addf %while3A_860, %get3A_901 : vector<16xf32>
            %add3A_944 = arith.addf %while3A_861, %get3A_904 : vector<16xf32>
            %add3A_945 = arith.addf %while3A_862, %get3A_907 : vector<16xf32>
            %add3A_946 = arith.addf %while3A_863, %get3A_910 : vector<16xf32>
            %add3A_947 = arith.addf %while3A_864, %get3A_913 : vector<16xf32>
            %add3A_948 = arith.addf %while3A_865, %get3A_916 : vector<16xf32>
            %add3A_949 = arith.addf %while3A_866, %get3A_919 : vector<16xf32>
            %add3A_950 = arith.addf %while3A_867, %get3A_922 : vector<16xf32>
            %add3A_951 = arith.addf %while3A_868, %get3A_925 : vector<16xf32>
            %add3A_952 = arith.addf %while3A_869, %get3A_928 : vector<16xf32>
            %add3A_953 = arith.addf %while3A_870, %get3A_931 : vector<16xf32>
            %add3A_954 = arith.addf %while3A_871, %get3A_934 : vector<16xf32>
            %add3A_955 = arith.addf %while3A_872, %get3A_937 : vector<16xf32>
            %add3A_956 = arith.addf %while3A_873, %get3A_940 : vector<16xf32>
            %max3A_957 = arith.maximumf %while3A_874, %get3A_895 : vector<16xf32>
            %max3A_958 = arith.maximumf %while3A_875, %get3A_898 : vector<16xf32>
            %max3A_959 = arith.maximumf %while3A_876, %get3A_901 : vector<16xf32>
            %max3A_960 = arith.maximumf %while3A_877, %get3A_904 : vector<16xf32>
            %max3A_961 = arith.maximumf %while3A_878, %get3A_907 : vector<16xf32>
            %max3A_962 = arith.maximumf %while3A_879, %get3A_910 : vector<16xf32>
            %max3A_963 = arith.maximumf %while3A_880, %get3A_913 : vector<16xf32>
            %max3A_964 = arith.maximumf %while3A_881, %get3A_916 : vector<16xf32>
            %max3A_965 = arith.maximumf %while3A_882, %get3A_919 : vector<16xf32>
            %max3A_966 = arith.maximumf %while3A_883, %get3A_922 : vector<16xf32>
            %max3A_967 = arith.maximumf %while3A_884, %get3A_925 : vector<16xf32>
            %max3A_968 = arith.maximumf %while3A_885, %get3A_928 : vector<16xf32>
            %max3A_969 = arith.maximumf %while3A_886, %get3A_931 : vector<16xf32>
            %max3A_970 = arith.maximumf %while3A_887, %get3A_934 : vector<16xf32>
            %max3A_971 = arith.maximumf %while3A_888, %get3A_937 : vector<16xf32>
            %max3A_972 = arith.maximumf %while3A_889, %get3A_940 : vector<16xf32>
            %add3A_973 = arith.constant 1 : i32
            %add3A_974 = arith.addi %add3A_892, %add3A_973 : i32
            %get3A_975 = arith.index_cast %add3A_974 : i32 to index
            %get3A_976 = arith.constant 0 : index
            %get3A_977 = tpu.vector_load %run_scoped3A[%get3A_975, %get3A_976] {strides = array<i32>} : memref<240x512xf32, #tpu.memory_space<vmem>>, vector<16xf32>,
            %get3A_978 = arith.index_cast %add3A_974 : i32 to index
            %get3A_979 = arith.constant 16 : index
            %get3A_980 = tpu.vector_load %run_scoped3A[%get3A_978, %get3A_979] {strides = array<i32>} : memref<240x512xf32, #tpu.memory_space<vmem>>, vector<16xf32>,
            %get3A_981 = arith.index_cast %add3A_974 : i32 to index
            %get3A_982 = arith.constant 32 : index
            %get3A_983 = tpu.vector_load %run_scoped3A[%get3A_981, %get3A_982] {strides = array<i32>} : memref<240x512xf32, #tpu.memory_space<vmem>>, vector<16xf32>,
            %get3A_984 = arith.index_cast %add3A_974 : i32 to index
            %get3A_985 = arith.constant 48 : index
            %get3A_986 = tpu.vector_load %run_scoped3A[%get3A_984, %get3A_985] {strides = array<i32>} : memref<240x512xf32, #tpu.memory_space<vmem>>, vector<16xf32>,
            %get3A_987 = arith.index_cast %add3A_974 : i32 to index
            %get3A_988 = arith.constant 64 : index
            %get3A_989 = tpu.vector_load %run_scoped3A[%get3A_987, %get3A_988] {strides = array<i32>} : memref<240x512xf32, #tpu.memory_space<vmem>>, vector<16xf32>,
            %get3A_990 = arith.index_cast %add3A_974 : i32 to index
            %get3A_991 = arith.constant 80 : index
            %get3A_992 = tpu.vector_load %run_scoped3A[%get3A_990, %get3A_991] {strides = array<i32>} : memref<240x512xf32, #tpu.memory_space<vmem>>, vector<16xf32>,
            %get3A_993 = arith.index_cast %add3A_974 : i32 to index
            %get3A_994 = arith.constant 96 : index
            %get3A_995 = tpu.vector_load %run_scoped3A[%get3A_993, %get3A_994] {strides = array<i32>} : memref<240x512xf32, #tpu.memory_space<vmem>>, vector<16xf32>,
            %get3A_996 = arith.index_cast %add3A_974 : i32 to index
            %get3A_997 = arith.constant 112 : index
            %get3A_998 = tpu.vector_load %run_scoped3A[%get3A_996, %get3A_997] {strides = array<i32>} : memref<240x512xf32, #tpu.memory_space<vmem>>, vector<16xf32>,
            %get3A_999 = arith.index_cast %add3A_974 : i32 to index
            %get3A_1000 = arith.constant 128 : index
            %get3A_1001 = tpu.vector_load %run_scoped3A[%get3A_999, %get3A_1000] {strides = array<i32>} : memref<240x512xf32, #tpu.memory_space<vmem>>, vector<16xf32>,
            %get3A_1002 = arith.index_cast %add3A_974 : i32 to index
            %get3A_1003 = arith.constant 144 : index
            %get3A_1004 = tpu.vector_load %run_scoped3A[%get3A_1002, %get3A_1003] {strides = array<i32>} : memref<240x512xf32, #tpu.memory_space<vmem>>, vector<16xf32>,
            %get3A_1005 = arith.index_cast %add3A_974 : i32 to index
            %get3A_1006 = arith.constant 160 : index
            %get3A_1007 = tpu.vector_load %run_scoped3A[%get3A_1005, %get3A_1006] {strides = array<i32>} : memref<240x512xf32, #tpu.memory_space<vmem>>, vector<16xf32>,
            %get3A_1008 = arith.index_cast %add3A_974 : i32 to index
            %get3A_1009 = arith.constant 176 : index
            %get3A_1010 = tpu.vector_load %run_scoped3A[%get3A_1008, %get3A_1009] {strides = array<i32>} : memref<240x512xf32, #tpu.memory_space<vmem>>, vector<16xf32>,
            %get3A_1011 = arith.index_cast %add3A_974 : i32 to index
            %get3A_1012 = arith.constant 192 : index
            %get3A_1013 = tpu.vector_load %run_scoped3A[%get3A_1011, %get3A_1012] {strides = array<i32>} : memref<240x512xf32, #tpu.memory_space<vmem>>, vector<16xf32>,
            %get3A_1014 = arith.index_cast %add3A_974 : i32 to index
            %get3A_1015 = arith.constant 208 : index
            %get3A_1016 = tpu.vector_load %run_scoped3A[%get3A_1014, %get3A_1015] {strides = array<i32>} : memref<240x512xf32, #tpu.memory_space<vmem>>, vector<16xf32>,
            %get3A_1017 = arith.index_cast %add3A_974 : i32 to index
            %get3A_1018 = arith.constant 224 : index
            %get3A_1019 = tpu.vector_load %run_scoped3A[%get3A_1017, %get3A_1018] {strides = array<i32>} : memref<240x512xf32, #tpu.memory_space<vmem>>, vector<16xf32>,
            %get3A_1020 = arith.index_cast %add3A_974 : i32 to index
            %get3A_1021 = arith.constant 240 : index
            %get3A_1022 = tpu.vector_load %run_scoped3A[%get3A_1020, %get3A_1021] {strides = array<i32>} : memref<240x512xf32, #tpu.memory_space<vmem>>, vector<16xf32>,
            %add3A_1023 = arith.addf %add3A_941, %get3A_977 : vector<16xf32>
            %add3A_1024 = arith.addf %add3A_942, %get3A_980 : vector<16xf32>
            %add3A_1025 = arith.addf %add3A_943, %get3A_983 : vector<16xf32>
            %add3A_1026 = arith.addf %add3A_944, %get3A_986 : vector<16xf32>
            %add3A_1027 = arith.addf %add3A_945, %get3A_989 : vector<16xf32>
            %add3A_1028 = arith.addf %add3A_946, %get3A_992 : vector<16xf32>
            %add3A_1029 = arith.addf %add3A_947, %get3A_995 : vector<16xf32>
            %add3A_1030 = arith.addf %add3A_948, %get3A_998 : vector<16xf32>
            %add3A_1031 = arith.addf %add3A_949, %get3A_1001 : vector<16xf32>
            %add3A_1032 = arith.addf %add3A_950, %get3A_1004 : vector<16xf32>
            %add3A_1033 = arith.addf %add3A_951, %get3A_1007 : vector<16xf32>
            %add3A_1034 = arith.addf %add3A_952, %get3A_1010 : vector<16xf32>
            %add3A_1035 = arith.addf %add3A_953, %get3A_1013 : vector<16xf32>
            %add3A_1036 = arith.addf %add3A_954, %get3A_1016 : vector<16xf32>
            %add3A_1037 = arith.addf %add3A_955, %get3A_1019 : vector<16xf32>
            %add3A_1038 = arith.addf %add3A_956, %get3A_1022 : vector<16xf32>
            %max3A_1039 = arith.maximumf %max3A_957, %get3A_977 : vector<16xf32>
            %max3A_1040 = arith.maximumf %max3A_958, %get3A_980 : vector<16xf32>
            %max3A_1041 = arith.maximumf %max3A_959, %get3A_983 : vector<16xf32>
            %max3A_1042 = arith.maximumf %max3A_960, %get3A_986 : vector<16xf32>
            %max3A_1043 = arith.maximumf %max3A_961, %get3A_989 : vector<16xf32>
            %max3A_1044 = arith.maximumf %max3A_962, %get3A_992 : vector<16xf32>
            %max3A_1045 = arith.maximumf %max3A_963, %get3A_995 : vector<16xf32>
            %max3A_1046 = arith.maximumf %max3A_964, %get3A_998 : vector<16xf32>
            %max3A_1047 = arith.maximumf %max3A_965, %get3A_1001 : vector<16xf32>
            %max3A_1048 = arith.maximumf %max3A_966, %get3A_1004 : vector<16xf32>
            %max3A_1049 = arith.maximumf %max3A_967, %get3A_1007 : vector<16xf32>
            %max3A_1050 = arith.maximumf %max3A_968, %get3A_1010 : vector<16xf32>
            %max3A_1051 = arith.maximumf %max3A_969, %get3A_1013 : vector<16xf32>
            %max3A_1052 = arith.maximumf %max3A_970, %get3A_1016 : vector<16xf32>
            %max3A_1053 = arith.maximumf %max3A_971, %get3A_1019 : vector<16xf32>
            %max3A_1054 = arith.maximumf %max3A_972, %get3A_1022 : vector<16xf32>
            scf.yield %add3A_1023, %add3A_1024, %add3A_1025, %add3A_1026, %add3A_1027, %add3A_1028, %add3A_1029, %add3A_1030, %add3A_1031, %add3A_1032, %add3A_1033, %add3A_1034, %add3A_1035, %add3A_1036, %add3A_1037, %add3A_1038, %max3A_1039, %max3A_1040, %max3A_1041, %max3A_1042, %max3A_1043, %max3A_1044, %max3A_1045, %max3A_1046, %max3A_1047, %max3A_1048, %max3A_1049, %max3A_1050, %max3A_1051, %max3A_1052, %max3A_1053, %max3A_1054 : vector<16xf32>, vector<16xf32>, vector<16xf32>, vector<16xf32>, vector<16xf32>, vector<16xf32>, vector<16xf32>, vector<16xf32>, vector<16xf32>, vector<16xf32>, vector<16xf32>, vector<16xf32>, vector<16xf32>, vector<16xf32>, vector<16xf32>, vector<16xf32>, vector<16xf32>, vector<16xf32>, vector<16xf32>, vector<16xf32>, vector<16xf32>, vector<16xf32>, vector<16xf32>, vector<16xf32>, vector<16xf32>, vector<16xf32>, vector<16xf32>, vector<16xf32>, vector<16xf32>, vector<16xf32>, vector<16xf32>, vector<16xf32>
          }
          %while3A_625 = arith.constant 1 : i32
          %while3A_626:32 = scf.for %while3A_857 = %while3A_622 to %while3A_618 step %while3A_625 iter_args(%while3A_858 = %while3A_624#0, %while3A_859 = %while3A_624#1, %while3A_860 = %while3A_624#2, %while3A_861 = %while3A_624#3, %while3A_862 = %while3A_624#4, %while3A_863 = %while3A_624#5, %while3A_864 = %while3A_624#6, %while3A_865 = %while3A_624#7, %while3A_866 = %while3A_624#8, %while3A_867 = %while3A_624#9, %while3A_868 = %while3A_624#10, %while3A_869 = %while3A_624#11, %while3A_870 = %while3A_624#12, %while3A_871 = %while3A_624#13, %while3A_872 = %while3A_624#14, %while3A_873 = %while3A_624#15, %while3A_874 = %while3A_624#16, %while3A_875 = %while3A_624#17, %while3A_876 = %while3A_624#18, %while3A_877 = %while3A_624#19, %while3A_878 = %while3A_624#20, %while3A_879 = %while3A_624#21, %while3A_880 = %while3A_624#22, %while3A_881 = %while3A_624#23, %while3A_882 = %while3A_624#24, %while3A_883 = %while3A_624#25, %while3A_884 = %while3A_624#26, %while3A_885 = %while3A_624#27, %while3A_886 = %while3A_624#28, %while3A_887 = %while3A_624#29, %while3A_888 = %while3A_624#30, %while3A_889 = %while3A_624#31) -> (vector<16xf32>, vector<16xf32>, vector<16xf32>, vector<16xf32>, vector<16xf32>, vector<16xf32>, vector<16xf32>, vector<16xf32>, vector<16xf32>, vector<16xf32>, vector<16xf32>, vector<16xf32>, vector<16xf32>, vector<16xf32>, vector<16xf32>, vector<16xf32>, vector<16xf32>, vector<16xf32>, vector<16xf32>, vector<16xf32>, vector<16xf32>, vector<16xf32>, vector<16xf32>, vector<16xf32>, vector<16xf32>, vector<16xf32>, vector<16xf32>, vector<16xf32>, vector<16xf32>, vector<16xf32>, vector<16xf32>, vector<16xf32>)  : i32 {
            %mul3A_890 = arith.constant 2 : i32
            %mul3A_891 = arith.muli %while3A_857, %mul3A_890 : i32
            %add3A_892 = arith.addi %add3A_496, %mul3A_891 : i32
            %get3A_893 = arith.index_cast %add3A_892 : i32 to index
            %get3A_894 = arith.constant 0 : index
            %get3A_895 = tpu.vector_load %run_scoped3A[%get3A_893, %get3A_894] {strides = array<i32>} : memref<240x512xf32, #tpu.memory_space<vmem>>, vector<16xf32>,
            %get3A_896 = arith.index_cast %add3A_892 : i32 to index
            %get3A_897 = arith.constant 16 : index
            %get3A_898 = tpu.vector_load %run_scoped3A[%get3A_896, %get3A_897] {strides = array<i32>} : memref<240x512xf32, #tpu.memory_space<vmem>>, vector<16xf32>,
            %get3A_899 = arith.index_cast %add3A_892 : i32 to index
            %get3A_900 = arith.constant 32 : index
            %get3A_901 = tpu.vector_load %run_scoped3A[%get3A_899, %get3A_900] {strides = array<i32>} : memref<240x512xf32, #tpu.memory_space<vmem>>, vector<16xf32>,
            %get3A_902 = arith.index_cast %add3A_892 : i32 to index
            %get3A_903 = arith.constant 48 : index
            %get3A_904 = tpu.vector_load %run_scoped3A[%get3A_902, %get3A_903] {strides = array<i32>} : memref<240x512xf32, #tpu.memory_space<vmem>>, vector<16xf32>,
            %get3A_905 = arith.index_cast %add3A_892 : i32 to index
            %get3A_906 = arith.constant 64 : index
            %get3A_907 = tpu.vector_load %run_scoped3A[%get3A_905, %get3A_906] {strides = array<i32>} : memref<240x512xf32, #tpu.memory_space<vmem>>, vector<16xf32>,
            %get3A_908 = arith.index_cast %add3A_892 : i32 to index
            %get3A_909 = arith.constant 80 : index
            %get3A_910 = tpu.vector_load %run_scoped3A[%get3A_908, %get3A_909] {strides = array<i32>} : memref<240x512xf32, #tpu.memory_space<vmem>>, vector<16xf32>,
            %get3A_911 = arith.index_cast %add3A_892 : i32 to index
            %get3A_912 = arith.constant 96 : index
            %get3A_913 = tpu.vector_load %run_scoped3A[%get3A_911, %get3A_912] {strides = array<i32>} : memref<240x512xf32, #tpu.memory_space<vmem>>, vector<16xf32>,
            %get3A_914 = arith.index_cast %add3A_892 : i32 to index
            %get3A_915 = arith.constant 112 : index
            %get3A_916 = tpu.vector_load %run_scoped3A[%get3A_914, %get3A_915] {strides = array<i32>} : memref<240x512xf32, #tpu.memory_space<vmem>>, vector<16xf32>,
            %get3A_917 = arith.index_cast %add3A_892 : i32 to index
            %get3A_918 = arith.constant 128 : index
            %get3A_919 = tpu.vector_load %run_scoped3A[%get3A_917, %get3A_918] {strides = array<i32>} : memref<240x512xf32, #tpu.memory_space<vmem>>, vector<16xf32>,
            %get3A_920 = arith.index_cast %add3A_892 : i32 to index
            %get3A_921 = arith.constant 144 : index
            %get3A_922 = tpu.vector_load %run_scoped3A[%get3A_920, %get3A_921] {strides = array<i32>} : memref<240x512xf32, #tpu.memory_space<vmem>>, vector<16xf32>,
            %get3A_923 = arith.index_cast %add3A_892 : i32 to index
            %get3A_924 = arith.constant 160 : index
            %get3A_925 = tpu.vector_load %run_scoped3A[%get3A_923, %get3A_924] {strides = array<i32>} : memref<240x512xf32, #tpu.memory_space<vmem>>, vector<16xf32>,
            %get3A_926 = arith.index_cast %add3A_892 : i32 to index
            %get3A_927 = arith.constant 176 : index
            %get3A_928 = tpu.vector_load %run_scoped3A[%get3A_926, %get3A_927] {strides = array<i32>} : memref<240x512xf32, #tpu.memory_space<vmem>>, vector<16xf32>,
            %get3A_929 = arith.index_cast %add3A_892 : i32 to index
            %get3A_930 = arith.constant 192 : index
            %get3A_931 = tpu.vector_load %run_scoped3A[%get3A_929, %get3A_930] {strides = array<i32>} : memref<240x512xf32, #tpu.memory_space<vmem>>, vector<16xf32>,
            %get3A_932 = arith.index_cast %add3A_892 : i32 to index
            %get3A_933 = arith.constant 208 : index
            %get3A_934 = tpu.vector_load %run_scoped3A[%get3A_932, %get3A_933] {strides = array<i32>} : memref<240x512xf32, #tpu.memory_space<vmem>>, vector<16xf32>,
            %get3A_935 = arith.index_cast %add3A_892 : i32 to index
            %get3A_936 = arith.constant 224 : index
            %get3A_937 = tpu.vector_load %run_scoped3A[%get3A_935, %get3A_936] {strides = array<i32>} : memref<240x512xf32, #tpu.memory_space<vmem>>, vector<16xf32>,
            %get3A_938 = arith.index_cast %add3A_892 : i32 to index
            %get3A_939 = arith.constant 240 : index
            %get3A_940 = tpu.vector_load %run_scoped3A[%get3A_938, %get3A_939] {strides = array<i32>} : memref<240x512xf32, #tpu.memory_space<vmem>>, vector<16xf32>,
            %add3A_941 = arith.addf %while3A_858, %get3A_895 : vector<16xf32>
            %add3A_942 = arith.addf %while3A_859, %get3A_898 : vector<16xf32>
            %add3A_943 = arith.addf %while3A_860, %get3A_901 : vector<16xf32>
            %add3A_944 = arith.addf %while3A_861, %get3A_904 : vector<16xf32>
            %add3A_945 = arith.addf %while3A_862, %get3A_907 : vector<16xf32>
            %add3A_946 = arith.addf %while3A_863, %get3A_910 : vector<16xf32>
            %add3A_947 = arith.addf %while3A_864, %get3A_913 : vector<16xf32>
            %add3A_948 = arith.addf %while3A_865, %get3A_916 : vector<16xf32>
            %add3A_949 = arith.addf %while3A_866, %get3A_919 : vector<16xf32>
            %add3A_950 = arith.addf %while3A_867, %get3A_922 : vector<16xf32>
            %add3A_951 = arith.addf %while3A_868, %get3A_925 : vector<16xf32>
            %add3A_952 = arith.addf %while3A_869, %get3A_928 : vector<16xf32>
            %add3A_953 = arith.addf %while3A_870, %get3A_931 : vector<16xf32>
            %add3A_954 = arith.addf %while3A_871, %get3A_934 : vector<16xf32>
            %add3A_955 = arith.addf %while3A_872, %get3A_937 : vector<16xf32>
            %add3A_956 = arith.addf %while3A_873, %get3A_940 : vector<16xf32>
            %max3A_957 = arith.maximumf %while3A_874, %get3A_895 : vector<16xf32>
            %max3A_958 = arith.maximumf %while3A_875, %get3A_898 : vector<16xf32>
            %max3A_959 = arith.maximumf %while3A_876, %get3A_901 : vector<16xf32>
            %max3A_960 = arith.maximumf %while3A_877, %get3A_904 : vector<16xf32>
            %max3A_961 = arith.maximumf %while3A_878, %get3A_907 : vector<16xf32>
            %max3A_962 = arith.maximumf %while3A_879, %get3A_910 : vector<16xf32>
            %max3A_963 = arith.maximumf %while3A_880, %get3A_913 : vector<16xf32>
            %max3A_964 = arith.maximumf %while3A_881, %get3A_916 : vector<16xf32>
            %max3A_965 = arith.maximumf %while3A_882, %get3A_919 : vector<16xf32>
            %max3A_966 = arith.maximumf %while3A_883, %get3A_922 : vector<16xf32>
            %max3A_967 = arith.maximumf %while3A_884, %get3A_925 : vector<16xf32>
            %max3A_968 = arith.maximumf %while3A_885, %get3A_928 : vector<16xf32>
            %max3A_969 = arith.maximumf %while3A_886, %get3A_931 : vector<16xf32>
            %max3A_970 = arith.maximumf %while3A_887, %get3A_934 : vector<16xf32>
            %max3A_971 = arith.maximumf %while3A_888, %get3A_937 : vector<16xf32>
            %max3A_972 = arith.maximumf %while3A_889, %get3A_940 : vector<16xf32>
            %add3A_973 = arith.constant 1 : i32
            %add3A_974 = arith.addi %add3A_892, %add3A_973 : i32
            %get3A_975 = arith.index_cast %add3A_974 : i32 to index
            %get3A_976 = arith.constant 0 : index
            %get3A_977 = tpu.vector_load %run_scoped3A[%get3A_975, %get3A_976] {strides = array<i32>} : memref<240x512xf32, #tpu.memory_space<vmem>>, vector<16xf32>,
            %get3A_978 = arith.index_cast %add3A_974 : i32 to index
            %get3A_979 = arith.constant 16 : index
            %get3A_980 = tpu.vector_load %run_scoped3A[%get3A_978, %get3A_979] {strides = array<i32>} : memref<240x512xf32, #tpu.memory_space<vmem>>, vector<16xf32>,
            %get3A_981 = arith.index_cast %add3A_974 : i32 to index
            %get3A_982 = arith.constant 32 : index
            %get3A_983 = tpu.vector_load %run_scoped3A[%get3A_981, %get3A_982] {strides = array<i32>} : memref<240x512xf32, #tpu.memory_space<vmem>>, vector<16xf32>,
            %get3A_984 = arith.index_cast %add3A_974 : i32 to index
            %get3A_985 = arith.constant 48 : index
            %get3A_986 = tpu.vector_load %run_scoped3A[%get3A_984, %get3A_985] {strides = array<i32>} : memref<240x512xf32, #tpu.memory_space<vmem>>, vector<16xf32>,
            %get3A_987 = arith.index_cast %add3A_974 : i32 to index
            %get3A_988 = arith.constant 64 : index
            %get3A_989 = tpu.vector_load %run_scoped3A[%get3A_987, %get3A_988] {strides = array<i32>} : memref<240x512xf32, #tpu.memory_space<vmem>>, vector<16xf32>,
            %get3A_990 = arith.index_cast %add3A_974 : i32 to index
            %get3A_991 = arith.constant 80 : index
            %get3A_992 = tpu.vector_load %run_scoped3A[%get3A_990, %get3A_991] {strides = array<i32>} : memref<240x512xf32, #tpu.memory_space<vmem>>, vector<16xf32>,
            %get3A_993 = arith.index_cast %add3A_974 : i32 to index
            %get3A_994 = arith.constant 96 : index
            %get3A_995 = tpu.vector_load %run_scoped3A[%get3A_993, %get3A_994] {strides = array<i32>} : memref<240x512xf32, #tpu.memory_space<vmem>>, vector<16xf32>,
            %get3A_996 = arith.index_cast %add3A_974 : i32 to index
            %get3A_997 = arith.constant 112 : index
            %get3A_998 = tpu.vector_load %run_scoped3A[%get3A_996, %get3A_997] {strides = array<i32>} : memref<240x512xf32, #tpu.memory_space<vmem>>, vector<16xf32>,
            %get3A_999 = arith.index_cast %add3A_974 : i32 to index
            %get3A_1000 = arith.constant 128 : index
            %get3A_1001 = tpu.vector_load %run_scoped3A[%get3A_999, %get3A_1000] {strides = array<i32>} : memref<240x512xf32, #tpu.memory_space<vmem>>, vector<16xf32>,
            %get3A_1002 = arith.index_cast %add3A_974 : i32 to index
            %get3A_1003 = arith.constant 144 : index
            %get3A_1004 = tpu.vector_load %run_scoped3A[%get3A_1002, %get3A_1003] {strides = array<i32>} : memref<240x512xf32, #tpu.memory_space<vmem>>, vector<16xf32>,
            %get3A_1005 = arith.index_cast %add3A_974 : i32 to index
            %get3A_1006 = arith.constant 160 : index
            %get3A_1007 = tpu.vector_load %run_scoped3A[%get3A_1005, %get3A_1006] {strides = array<i32>} : memref<240x512xf32, #tpu.memory_space<vmem>>, vector<16xf32>,
            %get3A_1008 = arith.index_cast %add3A_974 : i32 to index
            %get3A_1009 = arith.constant 176 : index
            %get3A_1010 = tpu.vector_load %run_scoped3A[%get3A_1008, %get3A_1009] {strides = array<i32>} : memref<240x512xf32, #tpu.memory_space<vmem>>, vector<16xf32>,
            %get3A_1011 = arith.index_cast %add3A_974 : i32 to index
            %get3A_1012 = arith.constant 192 : index
            %get3A_1013 = tpu.vector_load %run_scoped3A[%get3A_1011, %get3A_1012] {strides = array<i32>} : memref<240x512xf32, #tpu.memory_space<vmem>>, vector<16xf32>,
            %get3A_1014 = arith.index_cast %add3A_974 : i32 to index
            %get3A_1015 = arith.constant 208 : index
            %get3A_1016 = tpu.vector_load %run_scoped3A[%get3A_1014, %get3A_1015] {strides = array<i32>} : memref<240x512xf32, #tpu.memory_space<vmem>>, vector<16xf32>,
            %get3A_1017 = arith.index_cast %add3A_974 : i32 to index
            %get3A_1018 = arith.constant 224 : index
            %get3A_1019 = tpu.vector_load %run_scoped3A[%get3A_1017, %get3A_1018] {strides = array<i32>} : memref<240x512xf32, #tpu.memory_space<vmem>>, vector<16xf32>,
            %get3A_1020 = arith.index_cast %add3A_974 : i32 to index
            %get3A_1021 = arith.constant 240 : index
            %get3A_1022 = tpu.vector_load %run_scoped3A[%get3A_1020, %get3A_1021] {strides = array<i32>} : memref<240x512xf32, #tpu.memory_space<vmem>>, vector<16xf32>,
            %add3A_1023 = arith.addf %add3A_941, %get3A_977 : vector<16xf32>
            %add3A_1024 = arith.addf %add3A_942, %get3A_980 : vector<16xf32>
            %add3A_1025 = arith.addf %add3A_943, %get3A_983 : vector<16xf32>
            %add3A_1026 = arith.addf %add3A_944, %get3A_986 : vector<16xf32>
            %add3A_1027 = arith.addf %add3A_945, %get3A_989 : vector<16xf32>
            %add3A_1028 = arith.addf %add3A_946, %get3A_992 : vector<16xf32>
            %add3A_1029 = arith.addf %add3A_947, %get3A_995 : vector<16xf32>
            %add3A_1030 = arith.addf %add3A_948, %get3A_998 : vector<16xf32>
            %add3A_1031 = arith.addf %add3A_949, %get3A_1001 : vector<16xf32>
            %add3A_1032 = arith.addf %add3A_950, %get3A_1004 : vector<16xf32>
            %add3A_1033 = arith.addf %add3A_951, %get3A_1007 : vector<16xf32>
            %add3A_1034 = arith.addf %add3A_952, %get3A_1010 : vector<16xf32>
            %add3A_1035 = arith.addf %add3A_953, %get3A_1013 : vector<16xf32>
            %add3A_1036 = arith.addf %add3A_954, %get3A_1016 : vector<16xf32>
            %add3A_1037 = arith.addf %add3A_955, %get3A_1019 : vector<16xf32>
            %add3A_1038 = arith.addf %add3A_956, %get3A_1022 : vector<16xf32>
            %max3A_1039 = arith.maximumf %max3A_957, %get3A_977 : vector<16xf32>
            %max3A_1040 = arith.maximumf %max3A_958, %get3A_980 : vector<16xf32>
            %max3A_1041 = arith.maximumf %max3A_959, %get3A_983 : vector<16xf32>
            %max3A_1042 = arith.maximumf %max3A_960, %get3A_986 : vector<16xf32>
            %max3A_1043 = arith.maximumf %max3A_961, %get3A_989 : vector<16xf32>
            %max3A_1044 = arith.maximumf %max3A_962, %get3A_992 : vector<16xf32>
            %max3A_1045 = arith.maximumf %max3A_963, %get3A_995 : vector<16xf32>
            %max3A_1046 = arith.maximumf %max3A_964, %get3A_998 : vector<16xf32>
            %max3A_1047 = arith.maximumf %max3A_965, %get3A_1001 : vector<16xf32>
            %max3A_1048 = arith.maximumf %max3A_966, %get3A_1004 : vector<16xf32>
            %max3A_1049 = arith.maximumf %max3A_967, %get3A_1007 : vector<16xf32>
            %max3A_1050 = arith.maximumf %max3A_968, %get3A_1010 : vector<16xf32>
            %max3A_1051 = arith.maximumf %max3A_969, %get3A_1013 : vector<16xf32>
            %max3A_1052 = arith.maximumf %max3A_970, %get3A_1016 : vector<16xf32>
            %max3A_1053 = arith.maximumf %max3A_971, %get3A_1019 : vector<16xf32>
            %max3A_1054 = arith.maximumf %max3A_972, %get3A_1022 : vector<16xf32>
            scf.yield %add3A_1023, %add3A_1024, %add3A_1025, %add3A_1026, %add3A_1027, %add3A_1028, %add3A_1029, %add3A_1030, %add3A_1031, %add3A_1032, %add3A_1033, %add3A_1034, %add3A_1035, %add3A_1036, %add3A_1037, %add3A_1038, %max3A_1039, %max3A_1040, %max3A_1041, %max3A_1042, %max3A_1043, %max3A_1044, %max3A_1045, %max3A_1046, %max3A_1047, %max3A_1048, %max3A_1049, %max3A_1050, %max3A_1051, %max3A_1052, %max3A_1053, %max3A_1054 : vector<16xf32>, vector<16xf32>, vector<16xf32>, vector<16xf32>, vector<16xf32>, vector<16xf32>, vector<16xf32>, vector<16xf32>, vector<16xf32>, vector<16xf32>, vector<16xf32>, vector<16xf32>, vector<16xf32>, vector<16xf32>, vector<16xf32>, vector<16xf32>, vector<16xf32>, vector<16xf32>, vector<16xf32>, vector<16xf32>, vector<16xf32>, vector<16xf32>, vector<16xf32>, vector<16xf32>, vector<16xf32>, vector<16xf32>, vector<16xf32>, vector<16xf32>, vector<16xf32>, vector<16xf32>, vector<16xf32>, vector<16xf32>
          }
          %mul3A_627 = arith.constant 2 : i32
          %mul3A_628 = arith.muli %select_n3A_551, %mul3A_627 : i32
          %add3A_629 = arith.addi %add3A_496, %mul3A_628 : i32
          %while3A_630 = arith.subi %add3A_501, %add3A_629 : i32
          %while3A_631 = arith.addi %add3A_629, %while3A_630 : i32
          %while3A_632 = arith.constant 1 : i32
          %while3A_633 = arith.divsi %while3A_630, %while3A_632 : i32
          %while3A_634 = arith.muli %while3A_633, %while3A_632 : i32
          %while3A_635 = arith.addi %add3A_629, %while3A_634 : i32
          %while3A_636 = arith.constant 1 : i32
          %while3A_637:32 = scf.for %while3A_857 = %add3A_629 to %while3A_635 step %while3A_636 iter_args(%while3A_858 = %while3A_626#0, %while3A_859 = %while3A_626#1, %while3A_860 = %while3A_626#2, %while3A_861 = %while3A_626#3, %while3A_862 = %while3A_626#4, %while3A_863 = %while3A_626#5, %while3A_864 = %while3A_626#6, %while3A_865 = %while3A_626#7, %while3A_866 = %while3A_626#8, %while3A_867 = %while3A_626#9, %while3A_868 = %while3A_626#10, %while3A_869 = %while3A_626#11, %while3A_870 = %while3A_626#12, %while3A_871 = %while3A_626#13, %while3A_872 = %while3A_626#14, %while3A_873 = %while3A_626#15, %while3A_874 = %while3A_626#16, %while3A_875 = %while3A_626#17, %while3A_876 = %while3A_626#18, %while3A_877 = %while3A_626#19, %while3A_878 = %while3A_626#20, %while3A_879 = %while3A_626#21, %while3A_880 = %while3A_626#22, %while3A_881 = %while3A_626#23, %while3A_882 = %while3A_626#24, %while3A_883 = %while3A_626#25, %while3A_884 = %while3A_626#26, %while3A_885 = %while3A_626#27, %while3A_886 = %while3A_626#28, %while3A_887 = %while3A_626#29, %while3A_888 = %while3A_626#30, %while3A_889 = %while3A_626#31) -> (vector<16xf32>, vector<16xf32>, vector<16xf32>, vector<16xf32>, vector<16xf32>, vector<16xf32>, vector<16xf32>, vector<16xf32>, vector<16xf32>, vector<16xf32>, vector<16xf32>, vector<16xf32>, vector<16xf32>, vector<16xf32>, vector<16xf32>, vector<16xf32>, vector<16xf32>, vector<16xf32>, vector<16xf32>, vector<16xf32>, vector<16xf32>, vector<16xf32>, vector<16xf32>, vector<16xf32>, vector<16xf32>, vector<16xf32>, vector<16xf32>, vector<16xf32>, vector<16xf32>, vector<16xf32>, vector<16xf32>, vector<16xf32>)  : i32 {
            %get3A_890 = arith.index_cast %while3A_857 : i32 to index
            %get3A_891 = arith.constant 0 : index
            %get3A_892 = tpu.vector_load %run_scoped3A[%get3A_890, %get3A_891] {strides = array<i32>} : memref<240x512xf32, #tpu.memory_space<vmem>>, vector<16xf32>,
            %get3A_893 = arith.index_cast %while3A_857 : i32 to index
            %get3A_894 = arith.constant 16 : index
            %get3A_895 = tpu.vector_load %run_scoped3A[%get3A_893, %get3A_894] {strides = array<i32>} : memref<240x512xf32, #tpu.memory_space<vmem>>, vector<16xf32>,
            %get3A_896 = arith.index_cast %while3A_857 : i32 to index
            %get3A_897 = arith.constant 32 : index
            %get3A_898 = tpu.vector_load %run_scoped3A[%get3A_896, %get3A_897] {strides = array<i32>} : memref<240x512xf32, #tpu.memory_space<vmem>>, vector<16xf32>,
            %get3A_899 = arith.index_cast %while3A_857 : i32 to index
            %get3A_900 = arith.constant 48 : index
            %get3A_901 = tpu.vector_load %run_scoped3A[%get3A_899, %get3A_900] {strides = array<i32>} : memref<240x512xf32, #tpu.memory_space<vmem>>, vector<16xf32>,
            %get3A_902 = arith.index_cast %while3A_857 : i32 to index
            %get3A_903 = arith.constant 64 : index
            %get3A_904 = tpu.vector_load %run_scoped3A[%get3A_902, %get3A_903] {strides = array<i32>} : memref<240x512xf32, #tpu.memory_space<vmem>>, vector<16xf32>,
            %get3A_905 = arith.index_cast %while3A_857 : i32 to index
            %get3A_906 = arith.constant 80 : index
            %get3A_907 = tpu.vector_load %run_scoped3A[%get3A_905, %get3A_906] {strides = array<i32>} : memref<240x512xf32, #tpu.memory_space<vmem>>, vector<16xf32>,
            %get3A_908 = arith.index_cast %while3A_857 : i32 to index
            %get3A_909 = arith.constant 96 : index
            %get3A_910 = tpu.vector_load %run_scoped3A[%get3A_908, %get3A_909] {strides = array<i32>} : memref<240x512xf32, #tpu.memory_space<vmem>>, vector<16xf32>,
            %get3A_911 = arith.index_cast %while3A_857 : i32 to index
            %get3A_912 = arith.constant 112 : index
            %get3A_913 = tpu.vector_load %run_scoped3A[%get3A_911, %get3A_912] {strides = array<i32>} : memref<240x512xf32, #tpu.memory_space<vmem>>, vector<16xf32>,
            %get3A_914 = arith.index_cast %while3A_857 : i32 to index
            %get3A_915 = arith.constant 128 : index
            %get3A_916 = tpu.vector_load %run_scoped3A[%get3A_914, %get3A_915] {strides = array<i32>} : memref<240x512xf32, #tpu.memory_space<vmem>>, vector<16xf32>,
            %get3A_917 = arith.index_cast %while3A_857 : i32 to index
            %get3A_918 = arith.constant 144 : index
            %get3A_919 = tpu.vector_load %run_scoped3A[%get3A_917, %get3A_918] {strides = array<i32>} : memref<240x512xf32, #tpu.memory_space<vmem>>, vector<16xf32>,
            %get3A_920 = arith.index_cast %while3A_857 : i32 to index
            %get3A_921 = arith.constant 160 : index
            %get3A_922 = tpu.vector_load %run_scoped3A[%get3A_920, %get3A_921] {strides = array<i32>} : memref<240x512xf32, #tpu.memory_space<vmem>>, vector<16xf32>,
            %get3A_923 = arith.index_cast %while3A_857 : i32 to index
            %get3A_924 = arith.constant 176 : index
            %get3A_925 = tpu.vector_load %run_scoped3A[%get3A_923, %get3A_924] {strides = array<i32>} : memref<240x512xf32, #tpu.memory_space<vmem>>, vector<16xf32>,
            %get3A_926 = arith.index_cast %while3A_857 : i32 to index
            %get3A_927 = arith.constant 192 : index
            %get3A_928 = tpu.vector_load %run_scoped3A[%get3A_926, %get3A_927] {strides = array<i32>} : memref<240x512xf32, #tpu.memory_space<vmem>>, vector<16xf32>,
            %get3A_929 = arith.index_cast %while3A_857 : i32 to index
            %get3A_930 = arith.constant 208 : index
            %get3A_931 = tpu.vector_load %run_scoped3A[%get3A_929, %get3A_930] {strides = array<i32>} : memref<240x512xf32, #tpu.memory_space<vmem>>, vector<16xf32>,
            %get3A_932 = arith.index_cast %while3A_857 : i32 to index
            %get3A_933 = arith.constant 224 : index
            %get3A_934 = tpu.vector_load %run_scoped3A[%get3A_932, %get3A_933] {strides = array<i32>} : memref<240x512xf32, #tpu.memory_space<vmem>>, vector<16xf32>,
            %get3A_935 = arith.index_cast %while3A_857 : i32 to index
            %get3A_936 = arith.constant 240 : index
            %get3A_937 = tpu.vector_load %run_scoped3A[%get3A_935, %get3A_936] {strides = array<i32>} : memref<240x512xf32, #tpu.memory_space<vmem>>, vector<16xf32>,
            %add3A_938 = arith.addf %while3A_858, %get3A_892 : vector<16xf32>
            %add3A_939 = arith.addf %while3A_859, %get3A_895 : vector<16xf32>
            %add3A_940 = arith.addf %while3A_860, %get3A_898 : vector<16xf32>
            %add3A_941 = arith.addf %while3A_861, %get3A_901 : vector<16xf32>
            %add3A_942 = arith.addf %while3A_862, %get3A_904 : vector<16xf32>
            %add3A_943 = arith.addf %while3A_863, %get3A_907 : vector<16xf32>
            %add3A_944 = arith.addf %while3A_864, %get3A_910 : vector<16xf32>
            %add3A_945 = arith.addf %while3A_865, %get3A_913 : vector<16xf32>
            %add3A_946 = arith.addf %while3A_866, %get3A_916 : vector<16xf32>
            %add3A_947 = arith.addf %while3A_867, %get3A_919 : vector<16xf32>
            %add3A_948 = arith.addf %while3A_868, %get3A_922 : vector<16xf32>
            %add3A_949 = arith.addf %while3A_869, %get3A_925 : vector<16xf32>
            %add3A_950 = arith.addf %while3A_870, %get3A_928 : vector<16xf32>
            %add3A_951 = arith.addf %while3A_871, %get3A_931 : vector<16xf32>
            %add3A_952 = arith.addf %while3A_872, %get3A_934 : vector<16xf32>
            %add3A_953 = arith.addf %while3A_873, %get3A_937 : vector<16xf32>
            %max3A_954 = arith.maximumf %while3A_874, %get3A_892 : vector<16xf32>
            %max3A_955 = arith.maximumf %while3A_875, %get3A_895 : vector<16xf32>
            %max3A_956 = arith.maximumf %while3A_876, %get3A_898 : vector<16xf32>
            %max3A_957 = arith.maximumf %while3A_877, %get3A_901 : vector<16xf32>
            %max3A_958 = arith.maximumf %while3A_878, %get3A_904 : vector<16xf32>
            %max3A_959 = arith.maximumf %while3A_879, %get3A_907 : vector<16xf32>
            %max3A_960 = arith.maximumf %while3A_880, %get3A_910 : vector<16xf32>
            %max3A_961 = arith.maximumf %while3A_881, %get3A_913 : vector<16xf32>
            %max3A_962 = arith.maximumf %while3A_882, %get3A_916 : vector<16xf32>
            %max3A_963 = arith.maximumf %while3A_883, %get3A_919 : vector<16xf32>
            %max3A_964 = arith.maximumf %while3A_884, %get3A_922 : vector<16xf32>
            %max3A_965 = arith.maximumf %while3A_885, %get3A_925 : vector<16xf32>
            %max3A_966 = arith.maximumf %while3A_886, %get3A_928 : vector<16xf32>
            %max3A_967 = arith.maximumf %while3A_887, %get3A_931 : vector<16xf32>
            %max3A_968 = arith.maximumf %while3A_888, %get3A_934 : vector<16xf32>
            %max3A_969 = arith.maximumf %while3A_889, %get3A_937 : vector<16xf32>
            scf.yield %add3A_938, %add3A_939, %add3A_940, %add3A_941, %add3A_942, %add3A_943, %add3A_944, %add3A_945, %add3A_946, %add3A_947, %add3A_948, %add3A_949, %add3A_950, %add3A_951, %add3A_952, %add3A_953, %max3A_954, %max3A_955, %max3A_956, %max3A_957, %max3A_958, %max3A_959, %max3A_960, %max3A_961, %max3A_962, %max3A_963, %max3A_964, %max3A_965, %max3A_966, %max3A_967, %max3A_968, %max3A_969 : vector<16xf32>, vector<16xf32>, vector<16xf32>, vector<16xf32>, vector<16xf32>, vector<16xf32>, vector<16xf32>, vector<16xf32>, vector<16xf32>, vector<16xf32>, vector<16xf32>, vector<16xf32>, vector<16xf32>, vector<16xf32>, vector<16xf32>, vector<16xf32>, vector<16xf32>, vector<16xf32>, vector<16xf32>, vector<16xf32>, vector<16xf32>, vector<16xf32>, vector<16xf32>, vector<16xf32>, vector<16xf32>, vector<16xf32>, vector<16xf32>, vector<16xf32>, vector<16xf32>, vector<16xf32>, vector<16xf32>, vector<16xf32>
          }
          %while3A_638 = arith.constant 1 : i32
          %while3A_639:32 = scf.for %while3A_857 = %while3A_635 to %while3A_631 step %while3A_638 iter_args(%while3A_858 = %while3A_637#0, %while3A_859 = %while3A_637#1, %while3A_860 = %while3A_637#2, %while3A_861 = %while3A_637#3, %while3A_862 = %while3A_637#4, %while3A_863 = %while3A_637#5, %while3A_864 = %while3A_637#6, %while3A_865 = %while3A_637#7, %while3A_866 = %while3A_637#8, %while3A_867 = %while3A_637#9, %while3A_868 = %while3A_637#10, %while3A_869 = %while3A_637#11, %while3A_870 = %while3A_637#12, %while3A_871 = %while3A_637#13, %while3A_872 = %while3A_637#14, %while3A_873 = %while3A_637#15, %while3A_874 = %while3A_637#16, %while3A_875 = %while3A_637#17, %while3A_876 = %while3A_637#18, %while3A_877 = %while3A_637#19, %while3A_878 = %while3A_637#20, %while3A_879 = %while3A_637#21, %while3A_880 = %while3A_637#22, %while3A_881 = %while3A_637#23, %while3A_882 = %while3A_637#24, %while3A_883 = %while3A_637#25, %while3A_884 = %while3A_637#26, %while3A_885 = %while3A_637#27, %while3A_886 = %while3A_637#28, %while3A_887 = %while3A_637#29, %while3A_888 = %while3A_637#30, %while3A_889 = %while3A_637#31) -> (vector<16xf32>, vector<16xf32>, vector<16xf32>, vector<16xf32>, vector<16xf32>, vector<16xf32>, vector<16xf32>, vector<16xf32>, vector<16xf32>, vector<16xf32>, vector<16xf32>, vector<16xf32>, vector<16xf32>, vector<16xf32>, vector<16xf32>, vector<16xf32>, vector<16xf32>, vector<16xf32>, vector<16xf32>, vector<16xf32>, vector<16xf32>, vector<16xf32>, vector<16xf32>, vector<16xf32>, vector<16xf32>, vector<16xf32>, vector<16xf32>, vector<16xf32>, vector<16xf32>, vector<16xf32>, vector<16xf32>, vector<16xf32>)  : i32 {
            %get3A_890 = arith.index_cast %while3A_857 : i32 to index
            %get3A_891 = arith.constant 0 : index
            %get3A_892 = tpu.vector_load %run_scoped3A[%get3A_890, %get3A_891] {strides = array<i32>} : memref<240x512xf32, #tpu.memory_space<vmem>>, vector<16xf32>,
            %get3A_893 = arith.index_cast %while3A_857 : i32 to index
            %get3A_894 = arith.constant 16 : index
            %get3A_895 = tpu.vector_load %run_scoped3A[%get3A_893, %get3A_894] {strides = array<i32>} : memref<240x512xf32, #tpu.memory_space<vmem>>, vector<16xf32>,
            %get3A_896 = arith.index_cast %while3A_857 : i32 to index
            %get3A_897 = arith.constant 32 : index
            %get3A_898 = tpu.vector_load %run_scoped3A[%get3A_896, %get3A_897] {strides = array<i32>} : memref<240x512xf32, #tpu.memory_space<vmem>>, vector<16xf32>,
            %get3A_899 = arith.index_cast %while3A_857 : i32 to index
            %get3A_900 = arith.constant 48 : index
            %get3A_901 = tpu.vector_load %run_scoped3A[%get3A_899, %get3A_900] {strides = array<i32>} : memref<240x512xf32, #tpu.memory_space<vmem>>, vector<16xf32>,
            %get3A_902 = arith.index_cast %while3A_857 : i32 to index
            %get3A_903 = arith.constant 64 : index
            %get3A_904 = tpu.vector_load %run_scoped3A[%get3A_902, %get3A_903] {strides = array<i32>} : memref<240x512xf32, #tpu.memory_space<vmem>>, vector<16xf32>,
            %get3A_905 = arith.index_cast %while3A_857 : i32 to index
            %get3A_906 = arith.constant 80 : index
            %get3A_907 = tpu.vector_load %run_scoped3A[%get3A_905, %get3A_906] {strides = array<i32>} : memref<240x512xf32, #tpu.memory_space<vmem>>, vector<16xf32>,
            %get3A_908 = arith.index_cast %while3A_857 : i32 to index
            %get3A_909 = arith.constant 96 : index
            %get3A_910 = tpu.vector_load %run_scoped3A[%get3A_908, %get3A_909] {strides = array<i32>} : memref<240x512xf32, #tpu.memory_space<vmem>>, vector<16xf32>,
            %get3A_911 = arith.index_cast %while3A_857 : i32 to index
            %get3A_912 = arith.constant 112 : index
            %get3A_913 = tpu.vector_load %run_scoped3A[%get3A_911, %get3A_912] {strides = array<i32>} : memref<240x512xf32, #tpu.memory_space<vmem>>, vector<16xf32>,
            %get3A_914 = arith.index_cast %while3A_857 : i32 to index
            %get3A_915 = arith.constant 128 : index
            %get3A_916 = tpu.vector_load %run_scoped3A[%get3A_914, %get3A_915] {strides = array<i32>} : memref<240x512xf32, #tpu.memory_space<vmem>>, vector<16xf32>,
            %get3A_917 = arith.index_cast %while3A_857 : i32 to index
            %get3A_918 = arith.constant 144 : index
            %get3A_919 = tpu.vector_load %run_scoped3A[%get3A_917, %get3A_918] {strides = array<i32>} : memref<240x512xf32, #tpu.memory_space<vmem>>, vector<16xf32>,
            %get3A_920 = arith.index_cast %while3A_857 : i32 to index
            %get3A_921 = arith.constant 160 : index
            %get3A_922 = tpu.vector_load %run_scoped3A[%get3A_920, %get3A_921] {strides = array<i32>} : memref<240x512xf32, #tpu.memory_space<vmem>>, vector<16xf32>,
            %get3A_923 = arith.index_cast %while3A_857 : i32 to index
            %get3A_924 = arith.constant 176 : index
            %get3A_925 = tpu.vector_load %run_scoped3A[%get3A_923, %get3A_924] {strides = array<i32>} : memref<240x512xf32, #tpu.memory_space<vmem>>, vector<16xf32>,
            %get3A_926 = arith.index_cast %while3A_857 : i32 to index
            %get3A_927 = arith.constant 192 : index
            %get3A_928 = tpu.vector_load %run_scoped3A[%get3A_926, %get3A_927] {strides = array<i32>} : memref<240x512xf32, #tpu.memory_space<vmem>>, vector<16xf32>,
            %get3A_929 = arith.index_cast %while3A_857 : i32 to index
            %get3A_930 = arith.constant 208 : index
            %get3A_931 = tpu.vector_load %run_scoped3A[%get3A_929, %get3A_930] {strides = array<i32>} : memref<240x512xf32, #tpu.memory_space<vmem>>, vector<16xf32>,
            %get3A_932 = arith.index_cast %while3A_857 : i32 to index
            %get3A_933 = arith.constant 224 : index
            %get3A_934 = tpu.vector_load %run_scoped3A[%get3A_932, %get3A_933] {strides = array<i32>} : memref<240x512xf32, #tpu.memory_space<vmem>>, vector<16xf32>,
            %get3A_935 = arith.index_cast %while3A_857 : i32 to index
            %get3A_936 = arith.constant 240 : index
            %get3A_937 = tpu.vector_load %run_scoped3A[%get3A_935, %get3A_936] {strides = array<i32>} : memref<240x512xf32, #tpu.memory_space<vmem>>, vector<16xf32>,
            %add3A_938 = arith.addf %while3A_858, %get3A_892 : vector<16xf32>
            %add3A_939 = arith.addf %while3A_859, %get3A_895 : vector<16xf32>
            %add3A_940 = arith.addf %while3A_860, %get3A_898 : vector<16xf32>
            %add3A_941 = arith.addf %while3A_861, %get3A_901 : vector<16xf32>
            %add3A_942 = arith.addf %while3A_862, %get3A_904 : vector<16xf32>
            %add3A_943 = arith.addf %while3A_863, %get3A_907 : vector<16xf32>
            %add3A_944 = arith.addf %while3A_864, %get3A_910 : vector<16xf32>
            %add3A_945 = arith.addf %while3A_865, %get3A_913 : vector<16xf32>
            %add3A_946 = arith.addf %while3A_866, %get3A_916 : vector<16xf32>
            %add3A_947 = arith.addf %while3A_867, %get3A_919 : vector<16xf32>
            %add3A_948 = arith.addf %while3A_868, %get3A_922 : vector<16xf32>
            %add3A_949 = arith.addf %while3A_869, %get3A_925 : vector<16xf32>
            %add3A_950 = arith.addf %while3A_870, %get3A_928 : vector<16xf32>
            %add3A_951 = arith.addf %while3A_871, %get3A_931 : vector<16xf32>
            %add3A_952 = arith.addf %while3A_872, %get3A_934 : vector<16xf32>
            %add3A_953 = arith.addf %while3A_873, %get3A_937 : vector<16xf32>
            %max3A_954 = arith.maximumf %while3A_874, %get3A_892 : vector<16xf32>
            %max3A_955 = arith.maximumf %while3A_875, %get3A_895 : vector<16xf32>
            %max3A_956 = arith.maximumf %while3A_876, %get3A_898 : vector<16xf32>
            %max3A_957 = arith.maximumf %while3A_877, %get3A_901 : vector<16xf32>
            %max3A_958 = arith.maximumf %while3A_878, %get3A_904 : vector<16xf32>
            %max3A_959 = arith.maximumf %while3A_879, %get3A_907 : vector<16xf32>
            %max3A_960 = arith.maximumf %while3A_880, %get3A_910 : vector<16xf32>
            %max3A_961 = arith.maximumf %while3A_881, %get3A_913 : vector<16xf32>
            %max3A_962 = arith.maximumf %while3A_882, %get3A_916 : vector<16xf32>
            %max3A_963 = arith.maximumf %while3A_883, %get3A_919 : vector<16xf32>
            %max3A_964 = arith.maximumf %while3A_884, %get3A_922 : vector<16xf32>
            %max3A_965 = arith.maximumf %while3A_885, %get3A_925 : vector<16xf32>
            %max3A_966 = arith.maximumf %while3A_886, %get3A_928 : vector<16xf32>
            %max3A_967 = arith.maximumf %while3A_887, %get3A_931 : vector<16xf32>
            %max3A_968 = arith.maximumf %while3A_888, %get3A_934 : vector<16xf32>
            %max3A_969 = arith.maximumf %while3A_889, %get3A_937 : vector<16xf32>
            scf.yield %add3A_938, %add3A_939, %add3A_940, %add3A_941, %add3A_942, %add3A_943, %add3A_944, %add3A_945, %add3A_946, %add3A_947, %add3A_948, %add3A_949, %add3A_950, %add3A_951, %add3A_952, %add3A_953, %max3A_954, %max3A_955, %max3A_956, %max3A_957, %max3A_958, %max3A_959, %max3A_960, %max3A_961, %max3A_962, %max3A_963, %max3A_964, %max3A_965, %max3A_966, %max3A_967, %max3A_968, %max3A_969 : vector<16xf32>, vector<16xf32>, vector<16xf32>, vector<16xf32>, vector<16xf32>, vector<16xf32>, vector<16xf32>, vector<16xf32>, vector<16xf32>, vector<16xf32>, vector<16xf32>, vector<16xf32>, vector<16xf32>, vector<16xf32>, vector<16xf32>, vector<16xf32>, vector<16xf32>, vector<16xf32>, vector<16xf32>, vector<16xf32>, vector<16xf32>, vector<16xf32>, vector<16xf32>, vector<16xf32>, vector<16xf32>, vector<16xf32>, vector<16xf32>, vector<16xf32>, vector<16xf32>, vector<16xf32>, vector<16xf32>, vector<16xf32>
          }
          %swap3A_640 = arith.constant 0 : index
          %swap3A_641 = tpu.vector_load %arg6[%swap3A_640] {strides = array<i32>} : memref<512xf32, #tpu.memory_space<vmem>>, vector<16xf32>,
          tpu.vector_store %arg6[%swap3A_640], %while3A_639#0 {strides = array<i32>} : memref<512xf32, #tpu.memory_space<vmem>>, vector<16xf32>,
          %swap3A_642 = arith.constant 0 : index
          %swap3A_643 = tpu.vector_load %arg7[%swap3A_642] {strides = array<i32>} : memref<512xf32, #tpu.memory_space<vmem>>, vector<16xf32>,
          tpu.vector_store %arg7[%swap3A_642], %while3A_639#16 {strides = array<i32>} : memref<512xf32, #tpu.memory_space<vmem>>, vector<16xf32>,
          %swap3A_644 = arith.constant 16 : index
          %swap3A_645 = tpu.vector_load %arg6[%swap3A_644] {strides = array<i32>} : memref<512xf32, #tpu.memory_space<vmem>>, vector<16xf32>,
          tpu.vector_store %arg6[%swap3A_644], %while3A_639#1 {strides = array<i32>} : memref<512xf32, #tpu.memory_space<vmem>>, vector<16xf32>,
          %swap3A_646 = arith.constant 16 : index
          %swap3A_647 = tpu.vector_load %arg7[%swap3A_646] {strides = array<i32>} : memref<512xf32, #tpu.memory_space<vmem>>, vector<16xf32>,
          tpu.vector_store %arg7[%swap3A_646], %while3A_639#17 {strides = array<i32>} : memref<512xf32, #tpu.memory_space<vmem>>, vector<16xf32>,
          %swap3A_648 = arith.constant 32 : index
          %swap3A_649 = tpu.vector_load %arg6[%swap3A_648] {strides = array<i32>} : memref<512xf32, #tpu.memory_space<vmem>>, vector<16xf32>,
          tpu.vector_store %arg6[%swap3A_648], %while3A_639#2 {strides = array<i32>} : memref<512xf32, #tpu.memory_space<vmem>>, vector<16xf32>,
          %swap3A_650 = arith.constant 32 : index
          %swap3A_651 = tpu.vector_load %arg7[%swap3A_650] {strides = array<i32>} : memref<512xf32, #tpu.memory_space<vmem>>, vector<16xf32>,
          tpu.vector_store %arg7[%swap3A_650], %while3A_639#18 {strides = array<i32>} : memref<512xf32, #tpu.memory_space<vmem>>, vector<16xf32>,
          %swap3A_652 = arith.constant 48 : index
          %swap3A_653 = tpu.vector_load %arg6[%swap3A_652] {strides = array<i32>} : memref<512xf32, #tpu.memory_space<vmem>>, vector<16xf32>,
          tpu.vector_store %arg6[%swap3A_652], %while3A_639#3 {strides = array<i32>} : memref<512xf32, #tpu.memory_space<vmem>>, vector<16xf32>,
          %swap3A_654 = arith.constant 48 : index
          %swap3A_655 = tpu.vector_load %arg7[%swap3A_654] {strides = array<i32>} : memref<512xf32, #tpu.memory_space<vmem>>, vector<16xf32>,
          tpu.vector_store %arg7[%swap3A_654], %while3A_639#19 {strides = array<i32>} : memref<512xf32, #tpu.memory_space<vmem>>, vector<16xf32>,
          %swap3A_656 = arith.constant 64 : index
          %swap3A_657 = tpu.vector_load %arg6[%swap3A_656] {strides = array<i32>} : memref<512xf32, #tpu.memory_space<vmem>>, vector<16xf32>,
          tpu.vector_store %arg6[%swap3A_656], %while3A_639#4 {strides = array<i32>} : memref<512xf32, #tpu.memory_space<vmem>>, vector<16xf32>,
          %swap3A_658 = arith.constant 64 : index
          %swap3A_659 = tpu.vector_load %arg7[%swap3A_658] {strides = array<i32>} : memref<512xf32, #tpu.memory_space<vmem>>, vector<16xf32>,
          tpu.vector_store %arg7[%swap3A_658], %while3A_639#20 {strides = array<i32>} : memref<512xf32, #tpu.memory_space<vmem>>, vector<16xf32>,
          %swap3A_660 = arith.constant 80 : index
          %swap3A_661 = tpu.vector_load %arg6[%swap3A_660] {strides = array<i32>} : memref<512xf32, #tpu.memory_space<vmem>>, vector<16xf32>,
          tpu.vector_store %arg6[%swap3A_660], %while3A_639#5 {strides = array<i32>} : memref<512xf32, #tpu.memory_space<vmem>>, vector<16xf32>,
          %swap3A_662 = arith.constant 80 : index
          %swap3A_663 = tpu.vector_load %arg7[%swap3A_662] {strides = array<i32>} : memref<512xf32, #tpu.memory_space<vmem>>, vector<16xf32>,
          tpu.vector_store %arg7[%swap3A_662], %while3A_639#21 {strides = array<i32>} : memref<512xf32, #tpu.memory_space<vmem>>, vector<16xf32>,
          %swap3A_664 = arith.constant 96 : index
          %swap3A_665 = tpu.vector_load %arg6[%swap3A_664] {strides = array<i32>} : memref<512xf32, #tpu.memory_space<vmem>>, vector<16xf32>,
          tpu.vector_store %arg6[%swap3A_664], %while3A_639#6 {strides = array<i32>} : memref<512xf32, #tpu.memory_space<vmem>>, vector<16xf32>,
          %swap3A_666 = arith.constant 96 : index
          %swap3A_667 = tpu.vector_load %arg7[%swap3A_666] {strides = array<i32>} : memref<512xf32, #tpu.memory_space<vmem>>, vector<16xf32>,
          tpu.vector_store %arg7[%swap3A_666], %while3A_639#22 {strides = array<i32>} : memref<512xf32, #tpu.memory_space<vmem>>, vector<16xf32>,
          %swap3A_668 = arith.constant 112 : index
          %swap3A_669 = tpu.vector_load %arg6[%swap3A_668] {strides = array<i32>} : memref<512xf32, #tpu.memory_space<vmem>>, vector<16xf32>,
          tpu.vector_store %arg6[%swap3A_668], %while3A_639#7 {strides = array<i32>} : memref<512xf32, #tpu.memory_space<vmem>>, vector<16xf32>,
          %swap3A_670 = arith.constant 112 : index
          %swap3A_671 = tpu.vector_load %arg7[%swap3A_670] {strides = array<i32>} : memref<512xf32, #tpu.memory_space<vmem>>, vector<16xf32>,
          tpu.vector_store %arg7[%swap3A_670], %while3A_639#23 {strides = array<i32>} : memref<512xf32, #tpu.memory_space<vmem>>, vector<16xf32>,
          %swap3A_672 = arith.constant 128 : index
          %swap3A_673 = tpu.vector_load %arg6[%swap3A_672] {strides = array<i32>} : memref<512xf32, #tpu.memory_space<vmem>>, vector<16xf32>,
          tpu.vector_store %arg6[%swap3A_672], %while3A_639#8 {strides = array<i32>} : memref<512xf32, #tpu.memory_space<vmem>>, vector<16xf32>,
          %swap3A_674 = arith.constant 128 : index
          %swap3A_675 = tpu.vector_load %arg7[%swap3A_674] {strides = array<i32>} : memref<512xf32, #tpu.memory_space<vmem>>, vector<16xf32>,
          tpu.vector_store %arg7[%swap3A_674], %while3A_639#24 {strides = array<i32>} : memref<512xf32, #tpu.memory_space<vmem>>, vector<16xf32>,
          %swap3A_676 = arith.constant 144 : index
          %swap3A_677 = tpu.vector_load %arg6[%swap3A_676] {strides = array<i32>} : memref<512xf32, #tpu.memory_space<vmem>>, vector<16xf32>,
          tpu.vector_store %arg6[%swap3A_676], %while3A_639#9 {strides = array<i32>} : memref<512xf32, #tpu.memory_space<vmem>>, vector<16xf32>,
          %swap3A_678 = arith.constant 144 : index
          %swap3A_679 = tpu.vector_load %arg7[%swap3A_678] {strides = array<i32>} : memref<512xf32, #tpu.memory_space<vmem>>, vector<16xf32>,
          tpu.vector_store %arg7[%swap3A_678], %while3A_639#25 {strides = array<i32>} : memref<512xf32, #tpu.memory_space<vmem>>, vector<16xf32>,
          %swap3A_680 = arith.constant 160 : index
          %swap3A_681 = tpu.vector_load %arg6[%swap3A_680] {strides = array<i32>} : memref<512xf32, #tpu.memory_space<vmem>>, vector<16xf32>,
          tpu.vector_store %arg6[%swap3A_680], %while3A_639#10 {strides = array<i32>} : memref<512xf32, #tpu.memory_space<vmem>>, vector<16xf32>,
          %swap3A_682 = arith.constant 160 : index
          %swap3A_683 = tpu.vector_load %arg7[%swap3A_682] {strides = array<i32>} : memref<512xf32, #tpu.memory_space<vmem>>, vector<16xf32>,
          tpu.vector_store %arg7[%swap3A_682], %while3A_639#26 {strides = array<i32>} : memref<512xf32, #tpu.memory_space<vmem>>, vector<16xf32>,
          %swap3A_684 = arith.constant 176 : index
          %swap3A_685 = tpu.vector_load %arg6[%swap3A_684] {strides = array<i32>} : memref<512xf32, #tpu.memory_space<vmem>>, vector<16xf32>,
          tpu.vector_store %arg6[%swap3A_684], %while3A_639#11 {strides = array<i32>} : memref<512xf32, #tpu.memory_space<vmem>>, vector<16xf32>,
          %swap3A_686 = arith.constant 176 : index
          %swap3A_687 = tpu.vector_load %arg7[%swap3A_686] {strides = array<i32>} : memref<512xf32, #tpu.memory_space<vmem>>, vector<16xf32>,
          tpu.vector_store %arg7[%swap3A_686], %while3A_639#27 {strides = array<i32>} : memref<512xf32, #tpu.memory_space<vmem>>, vector<16xf32>,
          %swap3A_688 = arith.constant 192 : index
          %swap3A_689 = tpu.vector_load %arg6[%swap3A_688] {strides = array<i32>} : memref<512xf32, #tpu.memory_space<vmem>>, vector<16xf32>,
          tpu.vector_store %arg6[%swap3A_688], %while3A_639#12 {strides = array<i32>} : memref<512xf32, #tpu.memory_space<vmem>>, vector<16xf32>,
          %swap3A_690 = arith.constant 192 : index
          %swap3A_691 = tpu.vector_load %arg7[%swap3A_690] {strides = array<i32>} : memref<512xf32, #tpu.memory_space<vmem>>, vector<16xf32>,
          tpu.vector_store %arg7[%swap3A_690], %while3A_639#28 {strides = array<i32>} : memref<512xf32, #tpu.memory_space<vmem>>, vector<16xf32>,
          %swap3A_692 = arith.constant 208 : index
          %swap3A_693 = tpu.vector_load %arg6[%swap3A_692] {strides = array<i32>} : memref<512xf32, #tpu.memory_space<vmem>>, vector<16xf32>,
          tpu.vector_store %arg6[%swap3A_692], %while3A_639#13 {strides = array<i32>} : memref<512xf32, #tpu.memory_space<vmem>>, vector<16xf32>,
          %swap3A_694 = arith.constant 208 : index
          %swap3A_695 = tpu.vector_load %arg7[%swap3A_694] {strides = array<i32>} : memref<512xf32, #tpu.memory_space<vmem>>, vector<16xf32>,
          tpu.vector_store %arg7[%swap3A_694], %while3A_639#29 {strides = array<i32>} : memref<512xf32, #tpu.memory_space<vmem>>, vector<16xf32>,
          %swap3A_696 = arith.constant 224 : index
          %swap3A_697 = tpu.vector_load %arg6[%swap3A_696] {strides = array<i32>} : memref<512xf32, #tpu.memory_space<vmem>>, vector<16xf32>,
          tpu.vector_store %arg6[%swap3A_696], %while3A_639#14 {strides = array<i32>} : memref<512xf32, #tpu.memory_space<vmem>>, vector<16xf32>,
          %swap3A_698 = arith.constant 224 : index
          %swap3A_699 = tpu.vector_load %arg7[%swap3A_698] {strides = array<i32>} : memref<512xf32, #tpu.memory_space<vmem>>, vector<16xf32>,
          tpu.vector_store %arg7[%swap3A_698], %while3A_639#30 {strides = array<i32>} : memref<512xf32, #tpu.memory_space<vmem>>, vector<16xf32>,
          %swap3A_700 = arith.constant 240 : index
          %swap3A_701 = tpu.vector_load %arg6[%swap3A_700] {strides = array<i32>} : memref<512xf32, #tpu.memory_space<vmem>>, vector<16xf32>,
          tpu.vector_store %arg6[%swap3A_700], %while3A_639#15 {strides = array<i32>} : memref<512xf32, #tpu.memory_space<vmem>>, vector<16xf32>,
          %swap3A_702 = arith.constant 240 : index
          %swap3A_703 = tpu.vector_load %arg7[%swap3A_702] {strides = array<i32>} : memref<512xf32, #tpu.memory_space<vmem>>, vector<16xf32>,
          tpu.vector_store %arg7[%swap3A_702], %while3A_639#31 {strides = array<i32>} : memref<512xf32, #tpu.memory_space<vmem>>, vector<16xf32>,
          %get3A_704 = arith.constant 256 : index
          %get3A_705 = tpu.vector_load %arg6[%get3A_704] {strides = array<i32>} : memref<512xf32, #tpu.memory_space<vmem>>, vector<16xf32>,
          %get3A_706 = arith.constant 272 : index
          %get3A_707 = tpu.vector_load %arg6[%get3A_706] {strides = array<i32>} : memref<512xf32, #tpu.memory_space<vmem>>, vector<16xf32>,
          %get3A_708 = arith.constant 288 : index
          %get3A_709 = tpu.vector_load %arg6[%get3A_708] {strides = array<i32>} : memref<512xf32, #tpu.memory_space<vmem>>, vector<16xf32>,
          %get3A_710 = arith.constant 304 : index
          %get3A_711 = tpu.vector_load %arg6[%get3A_710] {strides = array<i32>} : memref<512xf32, #tpu.memory_space<vmem>>, vector<16xf32>,
          %get3A_712 = arith.constant 320 : index
          %get3A_713 = tpu.vector_load %arg6[%get3A_712] {strides = array<i32>} : memref<512xf32, #tpu.memory_space<vmem>>, vector<16xf32>,
          %get3A_714 = arith.constant 336 : index
          %get3A_715 = tpu.vector_load %arg6[%get3A_714] {strides = array<i32>} : memref<512xf32, #tpu.memory_space<vmem>>, vector<16xf32>,
          %get3A_716 = arith.constant 352 : index
          %get3A_717 = tpu.vector_load %arg6[%get3A_716] {strides = array<i32>} : memref<512xf32, #tpu.memory_space<vmem>>, vector<16xf32>,
          %get3A_718 = arith.constant 368 : index
          %get3A_719 = tpu.vector_load %arg6[%get3A_718] {strides = array<i32>} : memref<512xf32, #tpu.memory_space<vmem>>, vector<16xf32>,
          %get3A_720 = arith.constant 384 : index
          %get3A_721 = tpu.vector_load %arg6[%get3A_720] {strides = array<i32>} : memref<512xf32, #tpu.memory_space<vmem>>, vector<16xf32>,
          %get3A_722 = arith.constant 400 : index
          %get3A_723 = tpu.vector_load %arg6[%get3A_722] {strides = array<i32>} : memref<512xf32, #tpu.memory_space<vmem>>, vector<16xf32>,
          %get3A_724 = arith.constant 416 : index
          %get3A_725 = tpu.vector_load %arg6[%get3A_724] {strides = array<i32>} : memref<512xf32, #tpu.memory_space<vmem>>, vector<16xf32>,
          %get3A_726 = arith.constant 432 : index
          %get3A_727 = tpu.vector_load %arg6[%get3A_726] {strides = array<i32>} : memref<512xf32, #tpu.memory_space<vmem>>, vector<16xf32>,
          %get3A_728 = arith.constant 448 : index
          %get3A_729 = tpu.vector_load %arg6[%get3A_728] {strides = array<i32>} : memref<512xf32, #tpu.memory_space<vmem>>, vector<16xf32>,
          %get3A_730 = arith.constant 464 : index
          %get3A_731 = tpu.vector_load %arg6[%get3A_730] {strides = array<i32>} : memref<512xf32, #tpu.memory_space<vmem>>, vector<16xf32>,
          %get3A_732 = arith.constant 480 : index
          %get3A_733 = tpu.vector_load %arg6[%get3A_732] {strides = array<i32>} : memref<512xf32, #tpu.memory_space<vmem>>, vector<16xf32>,
          %get3A_734 = arith.constant 496 : index
          %get3A_735 = tpu.vector_load %arg6[%get3A_734] {strides = array<i32>} : memref<512xf32, #tpu.memory_space<vmem>>, vector<16xf32>,
          %get3A_736 = arith.constant 256 : index
          %get3A_737 = tpu.vector_load %arg7[%get3A_736] {strides = array<i32>} : memref<512xf32, #tpu.memory_space<vmem>>, vector<16xf32>,
          %get3A_738 = arith.constant 272 : index
          %get3A_739 = tpu.vector_load %arg7[%get3A_738] {strides = array<i32>} : memref<512xf32, #tpu.memory_space<vmem>>, vector<16xf32>,
          %get3A_740 = arith.constant 288 : index
          %get3A_741 = tpu.vector_load %arg7[%get3A_740] {strides = array<i32>} : memref<512xf32, #tpu.memory_space<vmem>>, vector<16xf32>,
          %get3A_742 = arith.constant 304 : index
          %get3A_743 = tpu.vector_load %arg7[%get3A_742] {strides = array<i32>} : memref<512xf32, #tpu.memory_space<vmem>>, vector<16xf32>,
          %get3A_744 = arith.constant 320 : index
          %get3A_745 = tpu.vector_load %arg7[%get3A_744] {strides = array<i32>} : memref<512xf32, #tpu.memory_space<vmem>>, vector<16xf32>,
          %get3A_746 = arith.constant 336 : index
          %get3A_747 = tpu.vector_load %arg7[%get3A_746] {strides = array<i32>} : memref<512xf32, #tpu.memory_space<vmem>>, vector<16xf32>,
          %get3A_748 = arith.constant 352 : index
          %get3A_749 = tpu.vector_load %arg7[%get3A_748] {strides = array<i32>} : memref<512xf32, #tpu.memory_space<vmem>>, vector<16xf32>,
          %get3A_750 = arith.constant 368 : index
          %get3A_751 = tpu.vector_load %arg7[%get3A_750] {strides = array<i32>} : memref<512xf32, #tpu.memory_space<vmem>>, vector<16xf32>,
          %get3A_752 = arith.constant 384 : index
          %get3A_753 = tpu.vector_load %arg7[%get3A_752] {strides = array<i32>} : memref<512xf32, #tpu.memory_space<vmem>>, vector<16xf32>,
          %get3A_754 = arith.constant 400 : index
          %get3A_755 = tpu.vector_load %arg7[%get3A_754] {strides = array<i32>} : memref<512xf32, #tpu.memory_space<vmem>>, vector<16xf32>,
          %get3A_756 = arith.constant 416 : index
          %get3A_757 = tpu.vector_load %arg7[%get3A_756] {strides = array<i32>} : memref<512xf32, #tpu.memory_space<vmem>>, vector<16xf32>,
          %get3A_758 = arith.constant 432 : index
          %get3A_759 = tpu.vector_load %arg7[%get3A_758] {strides = array<i32>} : memref<512xf32, #tpu.memory_space<vmem>>, vector<16xf32>,
          %get3A_760 = arith.constant 448 : index
          %get3A_761 = tpu.vector_load %arg7[%get3A_760] {strides = array<i32>} : memref<512xf32, #tpu.memory_space<vmem>>, vector<16xf32>,
          %get3A_762 = arith.constant 464 : index
          %get3A_763 = tpu.vector_load %arg7[%get3A_762] {strides = array<i32>} : memref<512xf32, #tpu.memory_space<vmem>>, vector<16xf32>,
          %get3A_764 = arith.constant 480 : index
          %get3A_765 = tpu.vector_load %arg7[%get3A_764] {strides = array<i32>} : memref<512xf32, #tpu.memory_space<vmem>>, vector<16xf32>,
          %get3A_766 = arith.constant 496 : index
          %get3A_767 = tpu.vector_load %arg7[%get3A_766] {strides = array<i32>} : memref<512xf32, #tpu.memory_space<vmem>>, vector<16xf32>,
          %while3A_768 = arith.constant 0 : i32
          %while3A_769 = arith.subi %select_n3A_551, %while3A_768 : i32
          %while3A_770 = arith.addi %while3A_768, %while3A_769 : i32
          %while3A_771 = arith.constant 1 : i32
          %while3A_772 = arith.divsi %while3A_769, %while3A_771 : i32
          %while3A_773 = arith.muli %while3A_772, %while3A_771 : i32
          %while3A_774 = arith.addi %while3A_768, %while3A_773 : i32
          %while3A_775 = arith.constant 1 : i32
          %while3A_776:32 = scf.for %while3A_857 = %while3A_768 to %while3A_774 step %while3A_775 iter_args(%while3A_858 = %get3A_705, %while3A_859 = %get3A_707, %while3A_860 = %get3A_709, %while3A_861 = %get3A_711, %while3A_862 = %get3A_713, %while3A_863 = %get3A_715, %while3A_864 = %get3A_717, %while3A_865 = %get3A_719, %while3A_866 = %get3A_721, %while3A_867 = %get3A_723, %while3A_868 = %get3A_725, %while3A_869 = %get3A_727, %while3A_870 = %get3A_729, %while3A_871 = %get3A_731, %while3A_872 = %get3A_733, %while3A_873 = %get3A_735, %while3A_874 = %get3A_737, %while3A_875 = %get3A_739, %while3A_876 = %get3A_741, %while3A_877 = %get3A_743, %while3A_878 = %get3A_745, %while3A_879 = %get3A_747, %while3A_880 = %get3A_749, %while3A_881 = %get3A_751, %while3A_882 = %get3A_753, %while3A_883 = %get3A_755, %while3A_884 = %get3A_757, %while3A_885 = %get3A_759, %while3A_886 = %get3A_761, %while3A_887 = %get3A_763, %while3A_888 = %get3A_765, %while3A_889 = %get3A_767) -> (vector<16xf32>, vector<16xf32>, vector<16xf32>, vector<16xf32>, vector<16xf32>, vector<16xf32>, vector<16xf32>, vector<16xf32>, vector<16xf32>, vector<16xf32>, vector<16xf32>, vector<16xf32>, vector<16xf32>, vector<16xf32>, vector<16xf32>, vector<16xf32>, vector<16xf32>, vector<16xf32>, vector<16xf32>, vector<16xf32>, vector<16xf32>, vector<16xf32>, vector<16xf32>, vector<16xf32>, vector<16xf32>, vector<16xf32>, vector<16xf32>, vector<16xf32>, vector<16xf32>, vector<16xf32>, vector<16xf32>, vector<16xf32>)  : i32 {
            %mul3A_890 = arith.constant 2 : i32
            %mul3A_891 = arith.muli %while3A_857, %mul3A_890 : i32
            %add3A_892 = arith.addi %add3A_496, %mul3A_891 : i32
            %get3A_893 = arith.index_cast %add3A_892 : i32 to index
            %get3A_894 = arith.constant 256 : index
            %get3A_895 = tpu.vector_load %run_scoped3A[%get3A_893, %get3A_894] {strides = array<i32>} : memref<240x512xf32, #tpu.memory_space<vmem>>, vector<16xf32>,
            %get3A_896 = arith.index_cast %add3A_892 : i32 to index
            %get3A_897 = arith.constant 272 : index
            %get3A_898 = tpu.vector_load %run_scoped3A[%get3A_896, %get3A_897] {strides = array<i32>} : memref<240x512xf32, #tpu.memory_space<vmem>>, vector<16xf32>,
            %get3A_899 = arith.index_cast %add3A_892 : i32 to index
            %get3A_900 = arith.constant 288 : index
            %get3A_901 = tpu.vector_load %run_scoped3A[%get3A_899, %get3A_900] {strides = array<i32>} : memref<240x512xf32, #tpu.memory_space<vmem>>, vector<16xf32>,
            %get3A_902 = arith.index_cast %add3A_892 : i32 to index
            %get3A_903 = arith.constant 304 : index
            %get3A_904 = tpu.vector_load %run_scoped3A[%get3A_902, %get3A_903] {strides = array<i32>} : memref<240x512xf32, #tpu.memory_space<vmem>>, vector<16xf32>,
            %get3A_905 = arith.index_cast %add3A_892 : i32 to index
            %get3A_906 = arith.constant 320 : index
            %get3A_907 = tpu.vector_load %run_scoped3A[%get3A_905, %get3A_906] {strides = array<i32>} : memref<240x512xf32, #tpu.memory_space<vmem>>, vector<16xf32>,
            %get3A_908 = arith.index_cast %add3A_892 : i32 to index
            %get3A_909 = arith.constant 336 : index
            %get3A_910 = tpu.vector_load %run_scoped3A[%get3A_908, %get3A_909] {strides = array<i32>} : memref<240x512xf32, #tpu.memory_space<vmem>>, vector<16xf32>,
            %get3A_911 = arith.index_cast %add3A_892 : i32 to index
            %get3A_912 = arith.constant 352 : index
            %get3A_913 = tpu.vector_load %run_scoped3A[%get3A_911, %get3A_912] {strides = array<i32>} : memref<240x512xf32, #tpu.memory_space<vmem>>, vector<16xf32>,
            %get3A_914 = arith.index_cast %add3A_892 : i32 to index
            %get3A_915 = arith.constant 368 : index
            %get3A_916 = tpu.vector_load %run_scoped3A[%get3A_914, %get3A_915] {strides = array<i32>} : memref<240x512xf32, #tpu.memory_space<vmem>>, vector<16xf32>,
            %get3A_917 = arith.index_cast %add3A_892 : i32 to index
            %get3A_918 = arith.constant 384 : index
            %get3A_919 = tpu.vector_load %run_scoped3A[%get3A_917, %get3A_918] {strides = array<i32>} : memref<240x512xf32, #tpu.memory_space<vmem>>, vector<16xf32>,
            %get3A_920 = arith.index_cast %add3A_892 : i32 to index
            %get3A_921 = arith.constant 400 : index
            %get3A_922 = tpu.vector_load %run_scoped3A[%get3A_920, %get3A_921] {strides = array<i32>} : memref<240x512xf32, #tpu.memory_space<vmem>>, vector<16xf32>,
            %get3A_923 = arith.index_cast %add3A_892 : i32 to index
            %get3A_924 = arith.constant 416 : index
            %get3A_925 = tpu.vector_load %run_scoped3A[%get3A_923, %get3A_924] {strides = array<i32>} : memref<240x512xf32, #tpu.memory_space<vmem>>, vector<16xf32>,
            %get3A_926 = arith.index_cast %add3A_892 : i32 to index
            %get3A_927 = arith.constant 432 : index
            %get3A_928 = tpu.vector_load %run_scoped3A[%get3A_926, %get3A_927] {strides = array<i32>} : memref<240x512xf32, #tpu.memory_space<vmem>>, vector<16xf32>,
            %get3A_929 = arith.index_cast %add3A_892 : i32 to index
            %get3A_930 = arith.constant 448 : index
            %get3A_931 = tpu.vector_load %run_scoped3A[%get3A_929, %get3A_930] {strides = array<i32>} : memref<240x512xf32, #tpu.memory_space<vmem>>, vector<16xf32>,
            %get3A_932 = arith.index_cast %add3A_892 : i32 to index
            %get3A_933 = arith.constant 464 : index
            %get3A_934 = tpu.vector_load %run_scoped3A[%get3A_932, %get3A_933] {strides = array<i32>} : memref<240x512xf32, #tpu.memory_space<vmem>>, vector<16xf32>,
            %get3A_935 = arith.index_cast %add3A_892 : i32 to index
            %get3A_936 = arith.constant 480 : index
            %get3A_937 = tpu.vector_load %run_scoped3A[%get3A_935, %get3A_936] {strides = array<i32>} : memref<240x512xf32, #tpu.memory_space<vmem>>, vector<16xf32>,
            %get3A_938 = arith.index_cast %add3A_892 : i32 to index
            %get3A_939 = arith.constant 496 : index
            %get3A_940 = tpu.vector_load %run_scoped3A[%get3A_938, %get3A_939] {strides = array<i32>} : memref<240x512xf32, #tpu.memory_space<vmem>>, vector<16xf32>,
            %add3A_941 = arith.addf %while3A_858, %get3A_895 : vector<16xf32>
            %add3A_942 = arith.addf %while3A_859, %get3A_898 : vector<16xf32>
            %add3A_943 = arith.addf %while3A_860, %get3A_901 : vector<16xf32>
            %add3A_944 = arith.addf %while3A_861, %get3A_904 : vector<16xf32>
            %add3A_945 = arith.addf %while3A_862, %get3A_907 : vector<16xf32>
            %add3A_946 = arith.addf %while3A_863, %get3A_910 : vector<16xf32>
            %add3A_947 = arith.addf %while3A_864, %get3A_913 : vector<16xf32>
            %add3A_948 = arith.addf %while3A_865, %get3A_916 : vector<16xf32>
            %add3A_949 = arith.addf %while3A_866, %get3A_919 : vector<16xf32>
            %add3A_950 = arith.addf %while3A_867, %get3A_922 : vector<16xf32>
            %add3A_951 = arith.addf %while3A_868, %get3A_925 : vector<16xf32>
            %add3A_952 = arith.addf %while3A_869, %get3A_928 : vector<16xf32>
            %add3A_953 = arith.addf %while3A_870, %get3A_931 : vector<16xf32>
            %add3A_954 = arith.addf %while3A_871, %get3A_934 : vector<16xf32>
            %add3A_955 = arith.addf %while3A_872, %get3A_937 : vector<16xf32>
            %add3A_956 = arith.addf %while3A_873, %get3A_940 : vector<16xf32>
            %max3A_957 = arith.maximumf %while3A_874, %get3A_895 : vector<16xf32>
            %max3A_958 = arith.maximumf %while3A_875, %get3A_898 : vector<16xf32>
            %max3A_959 = arith.maximumf %while3A_876, %get3A_901 : vector<16xf32>
            %max3A_960 = arith.maximumf %while3A_877, %get3A_904 : vector<16xf32>
            %max3A_961 = arith.maximumf %while3A_878, %get3A_907 : vector<16xf32>
            %max3A_962 = arith.maximumf %while3A_879, %get3A_910 : vector<16xf32>
            %max3A_963 = arith.maximumf %while3A_880, %get3A_913 : vector<16xf32>
            %max3A_964 = arith.maximumf %while3A_881, %get3A_916 : vector<16xf32>
            %max3A_965 = arith.maximumf %while3A_882, %get3A_919 : vector<16xf32>
            %max3A_966 = arith.maximumf %while3A_883, %get3A_922 : vector<16xf32>
            %max3A_967 = arith.maximumf %while3A_884, %get3A_925 : vector<16xf32>
            %max3A_968 = arith.maximumf %while3A_885, %get3A_928 : vector<16xf32>
            %max3A_969 = arith.maximumf %while3A_886, %get3A_931 : vector<16xf32>
            %max3A_970 = arith.maximumf %while3A_887, %get3A_934 : vector<16xf32>
            %max3A_971 = arith.maximumf %while3A_888, %get3A_937 : vector<16xf32>
            %max3A_972 = arith.maximumf %while3A_889, %get3A_940 : vector<16xf32>
            %add3A_973 = arith.constant 1 : i32
            %add3A_974 = arith.addi %add3A_892, %add3A_973 : i32
            %get3A_975 = arith.index_cast %add3A_974 : i32 to index
            %get3A_976 = arith.constant 256 : index
            %get3A_977 = tpu.vector_load %run_scoped3A[%get3A_975, %get3A_976] {strides = array<i32>} : memref<240x512xf32, #tpu.memory_space<vmem>>, vector<16xf32>,
            %get3A_978 = arith.index_cast %add3A_974 : i32 to index
            %get3A_979 = arith.constant 272 : index
            %get3A_980 = tpu.vector_load %run_scoped3A[%get3A_978, %get3A_979] {strides = array<i32>} : memref<240x512xf32, #tpu.memory_space<vmem>>, vector<16xf32>,
            %get3A_981 = arith.index_cast %add3A_974 : i32 to index
            %get3A_982 = arith.constant 288 : index
            %get3A_983 = tpu.vector_load %run_scoped3A[%get3A_981, %get3A_982] {strides = array<i32>} : memref<240x512xf32, #tpu.memory_space<vmem>>, vector<16xf32>,
            %get3A_984 = arith.index_cast %add3A_974 : i32 to index
            %get3A_985 = arith.constant 304 : index
            %get3A_986 = tpu.vector_load %run_scoped3A[%get3A_984, %get3A_985] {strides = array<i32>} : memref<240x512xf32, #tpu.memory_space<vmem>>, vector<16xf32>,
            %get3A_987 = arith.index_cast %add3A_974 : i32 to index
            %get3A_988 = arith.constant 320 : index
            %get3A_989 = tpu.vector_load %run_scoped3A[%get3A_987, %get3A_988] {strides = array<i32>} : memref<240x512xf32, #tpu.memory_space<vmem>>, vector<16xf32>,
            %get3A_990 = arith.index_cast %add3A_974 : i32 to index
            %get3A_991 = arith.constant 336 : index
            %get3A_992 = tpu.vector_load %run_scoped3A[%get3A_990, %get3A_991] {strides = array<i32>} : memref<240x512xf32, #tpu.memory_space<vmem>>, vector<16xf32>,
            %get3A_993 = arith.index_cast %add3A_974 : i32 to index
            %get3A_994 = arith.constant 352 : index
            %get3A_995 = tpu.vector_load %run_scoped3A[%get3A_993, %get3A_994] {strides = array<i32>} : memref<240x512xf32, #tpu.memory_space<vmem>>, vector<16xf32>,
            %get3A_996 = arith.index_cast %add3A_974 : i32 to index
            %get3A_997 = arith.constant 368 : index
            %get3A_998 = tpu.vector_load %run_scoped3A[%get3A_996, %get3A_997] {strides = array<i32>} : memref<240x512xf32, #tpu.memory_space<vmem>>, vector<16xf32>,
            %get3A_999 = arith.index_cast %add3A_974 : i32 to index
            %get3A_1000 = arith.constant 384 : index
            %get3A_1001 = tpu.vector_load %run_scoped3A[%get3A_999, %get3A_1000] {strides = array<i32>} : memref<240x512xf32, #tpu.memory_space<vmem>>, vector<16xf32>,
            %get3A_1002 = arith.index_cast %add3A_974 : i32 to index
            %get3A_1003 = arith.constant 400 : index
            %get3A_1004 = tpu.vector_load %run_scoped3A[%get3A_1002, %get3A_1003] {strides = array<i32>} : memref<240x512xf32, #tpu.memory_space<vmem>>, vector<16xf32>,
            %get3A_1005 = arith.index_cast %add3A_974 : i32 to index
            %get3A_1006 = arith.constant 416 : index
            %get3A_1007 = tpu.vector_load %run_scoped3A[%get3A_1005, %get3A_1006] {strides = array<i32>} : memref<240x512xf32, #tpu.memory_space<vmem>>, vector<16xf32>,
            %get3A_1008 = arith.index_cast %add3A_974 : i32 to index
            %get3A_1009 = arith.constant 432 : index
            %get3A_1010 = tpu.vector_load %run_scoped3A[%get3A_1008, %get3A_1009] {strides = array<i32>} : memref<240x512xf32, #tpu.memory_space<vmem>>, vector<16xf32>,
            %get3A_1011 = arith.index_cast %add3A_974 : i32 to index
            %get3A_1012 = arith.constant 448 : index
            %get3A_1013 = tpu.vector_load %run_scoped3A[%get3A_1011, %get3A_1012] {strides = array<i32>} : memref<240x512xf32, #tpu.memory_space<vmem>>, vector<16xf32>,
            %get3A_1014 = arith.index_cast %add3A_974 : i32 to index
            %get3A_1015 = arith.constant 464 : index
            %get3A_1016 = tpu.vector_load %run_scoped3A[%get3A_1014, %get3A_1015] {strides = array<i32>} : memref<240x512xf32, #tpu.memory_space<vmem>>, vector<16xf32>,
            %get3A_1017 = arith.index_cast %add3A_974 : i32 to index
            %get3A_1018 = arith.constant 480 : index
            %get3A_1019 = tpu.vector_load %run_scoped3A[%get3A_1017, %get3A_1018] {strides = array<i32>} : memref<240x512xf32, #tpu.memory_space<vmem>>, vector<16xf32>,
            %get3A_1020 = arith.index_cast %add3A_974 : i32 to index
            %get3A_1021 = arith.constant 496 : index
            %get3A_1022 = tpu.vector_load %run_scoped3A[%get3A_1020, %get3A_1021] {strides = array<i32>} : memref<240x512xf32, #tpu.memory_space<vmem>>, vector<16xf32>,
            %add3A_1023 = arith.addf %add3A_941, %get3A_977 : vector<16xf32>
            %add3A_1024 = arith.addf %add3A_942, %get3A_980 : vector<16xf32>
            %add3A_1025 = arith.addf %add3A_943, %get3A_983 : vector<16xf32>
            %add3A_1026 = arith.addf %add3A_944, %get3A_986 : vector<16xf32>
            %add3A_1027 = arith.addf %add3A_945, %get3A_989 : vector<16xf32>
            %add3A_1028 = arith.addf %add3A_946, %get3A_992 : vector<16xf32>
            %add3A_1029 = arith.addf %add3A_947, %get3A_995 : vector<16xf32>
            %add3A_1030 = arith.addf %add3A_948, %get3A_998 : vector<16xf32>
            %add3A_1031 = arith.addf %add3A_949, %get3A_1001 : vector<16xf32>
            %add3A_1032 = arith.addf %add3A_950, %get3A_1004 : vector<16xf32>
            %add3A_1033 = arith.addf %add3A_951, %get3A_1007 : vector<16xf32>
            %add3A_1034 = arith.addf %add3A_952, %get3A_1010 : vector<16xf32>
            %add3A_1035 = arith.addf %add3A_953, %get3A_1013 : vector<16xf32>
            %add3A_1036 = arith.addf %add3A_954, %get3A_1016 : vector<16xf32>
            %add3A_1037 = arith.addf %add3A_955, %get3A_1019 : vector<16xf32>
            %add3A_1038 = arith.addf %add3A_956, %get3A_1022 : vector<16xf32>
            %max3A_1039 = arith.maximumf %max3A_957, %get3A_977 : vector<16xf32>
            %max3A_1040 = arith.maximumf %max3A_958, %get3A_980 : vector<16xf32>
            %max3A_1041 = arith.maximumf %max3A_959, %get3A_983 : vector<16xf32>
            %max3A_1042 = arith.maximumf %max3A_960, %get3A_986 : vector<16xf32>
            %max3A_1043 = arith.maximumf %max3A_961, %get3A_989 : vector<16xf32>
            %max3A_1044 = arith.maximumf %max3A_962, %get3A_992 : vector<16xf32>
            %max3A_1045 = arith.maximumf %max3A_963, %get3A_995 : vector<16xf32>
            %max3A_1046 = arith.maximumf %max3A_964, %get3A_998 : vector<16xf32>
            %max3A_1047 = arith.maximumf %max3A_965, %get3A_1001 : vector<16xf32>
            %max3A_1048 = arith.maximumf %max3A_966, %get3A_1004 : vector<16xf32>
            %max3A_1049 = arith.maximumf %max3A_967, %get3A_1007 : vector<16xf32>
            %max3A_1050 = arith.maximumf %max3A_968, %get3A_1010 : vector<16xf32>
            %max3A_1051 = arith.maximumf %max3A_969, %get3A_1013 : vector<16xf32>
            %max3A_1052 = arith.maximumf %max3A_970, %get3A_1016 : vector<16xf32>
            %max3A_1053 = arith.maximumf %max3A_971, %get3A_1019 : vector<16xf32>
            %max3A_1054 = arith.maximumf %max3A_972, %get3A_1022 : vector<16xf32>
            scf.yield %add3A_1023, %add3A_1024, %add3A_1025, %add3A_1026, %add3A_1027, %add3A_1028, %add3A_1029, %add3A_1030, %add3A_1031, %add3A_1032, %add3A_1033, %add3A_1034, %add3A_1035, %add3A_1036, %add3A_1037, %add3A_1038, %max3A_1039, %max3A_1040, %max3A_1041, %max3A_1042, %max3A_1043, %max3A_1044, %max3A_1045, %max3A_1046, %max3A_1047, %max3A_1048, %max3A_1049, %max3A_1050, %max3A_1051, %max3A_1052, %max3A_1053, %max3A_1054 : vector<16xf32>, vector<16xf32>, vector<16xf32>, vector<16xf32>, vector<16xf32>, vector<16xf32>, vector<16xf32>, vector<16xf32>, vector<16xf32>, vector<16xf32>, vector<16xf32>, vector<16xf32>, vector<16xf32>, vector<16xf32>, vector<16xf32>, vector<16xf32>, vector<16xf32>, vector<16xf32>, vector<16xf32>, vector<16xf32>, vector<16xf32>, vector<16xf32>, vector<16xf32>, vector<16xf32>, vector<16xf32>, vector<16xf32>, vector<16xf32>, vector<16xf32>, vector<16xf32>, vector<16xf32>, vector<16xf32>, vector<16xf32>
          }
          %while3A_777 = arith.constant 1 : i32
          %while3A_778:32 = scf.for %while3A_857 = %while3A_774 to %while3A_770 step %while3A_777 iter_args(%while3A_858 = %while3A_776#0, %while3A_859 = %while3A_776#1, %while3A_860 = %while3A_776#2, %while3A_861 = %while3A_776#3, %while3A_862 = %while3A_776#4, %while3A_863 = %while3A_776#5, %while3A_864 = %while3A_776#6, %while3A_865 = %while3A_776#7, %while3A_866 = %while3A_776#8, %while3A_867 = %while3A_776#9, %while3A_868 = %while3A_776#10, %while3A_869 = %while3A_776#11, %while3A_870 = %while3A_776#12, %while3A_871 = %while3A_776#13, %while3A_872 = %while3A_776#14, %while3A_873 = %while3A_776#15, %while3A_874 = %while3A_776#16, %while3A_875 = %while3A_776#17, %while3A_876 = %while3A_776#18, %while3A_877 = %while3A_776#19, %while3A_878 = %while3A_776#20, %while3A_879 = %while3A_776#21, %while3A_880 = %while3A_776#22, %while3A_881 = %while3A_776#23, %while3A_882 = %while3A_776#24, %while3A_883 = %while3A_776#25, %while3A_884 = %while3A_776#26, %while3A_885 = %while3A_776#27, %while3A_886 = %while3A_776#28, %while3A_887 = %while3A_776#29, %while3A_888 = %while3A_776#30, %while3A_889 = %while3A_776#31) -> (vector<16xf32>, vector<16xf32>, vector<16xf32>, vector<16xf32>, vector<16xf32>, vector<16xf32>, vector<16xf32>, vector<16xf32>, vector<16xf32>, vector<16xf32>, vector<16xf32>, vector<16xf32>, vector<16xf32>, vector<16xf32>, vector<16xf32>, vector<16xf32>, vector<16xf32>, vector<16xf32>, vector<16xf32>, vector<16xf32>, vector<16xf32>, vector<16xf32>, vector<16xf32>, vector<16xf32>, vector<16xf32>, vector<16xf32>, vector<16xf32>, vector<16xf32>, vector<16xf32>, vector<16xf32>, vector<16xf32>, vector<16xf32>)  : i32 {
            %mul3A_890 = arith.constant 2 : i32
            %mul3A_891 = arith.muli %while3A_857, %mul3A_890 : i32
            %add3A_892 = arith.addi %add3A_496, %mul3A_891 : i32
            %get3A_893 = arith.index_cast %add3A_892 : i32 to index
            %get3A_894 = arith.constant 256 : index
            %get3A_895 = tpu.vector_load %run_scoped3A[%get3A_893, %get3A_894] {strides = array<i32>} : memref<240x512xf32, #tpu.memory_space<vmem>>, vector<16xf32>,
            %get3A_896 = arith.index_cast %add3A_892 : i32 to index
            %get3A_897 = arith.constant 272 : index
            %get3A_898 = tpu.vector_load %run_scoped3A[%get3A_896, %get3A_897] {strides = array<i32>} : memref<240x512xf32, #tpu.memory_space<vmem>>, vector<16xf32>,
            %get3A_899 = arith.index_cast %add3A_892 : i32 to index
            %get3A_900 = arith.constant 288 : index
            %get3A_901 = tpu.vector_load %run_scoped3A[%get3A_899, %get3A_900] {strides = array<i32>} : memref<240x512xf32, #tpu.memory_space<vmem>>, vector<16xf32>,
            %get3A_902 = arith.index_cast %add3A_892 : i32 to index
            %get3A_903 = arith.constant 304 : index
            %get3A_904 = tpu.vector_load %run_scoped3A[%get3A_902, %get3A_903] {strides = array<i32>} : memref<240x512xf32, #tpu.memory_space<vmem>>, vector<16xf32>,
            %get3A_905 = arith.index_cast %add3A_892 : i32 to index
            %get3A_906 = arith.constant 320 : index
            %get3A_907 = tpu.vector_load %run_scoped3A[%get3A_905, %get3A_906] {strides = array<i32>} : memref<240x512xf32, #tpu.memory_space<vmem>>, vector<16xf32>,
            %get3A_908 = arith.index_cast %add3A_892 : i32 to index
            %get3A_909 = arith.constant 336 : index
            %get3A_910 = tpu.vector_load %run_scoped3A[%get3A_908, %get3A_909] {strides = array<i32>} : memref<240x512xf32, #tpu.memory_space<vmem>>, vector<16xf32>,
            %get3A_911 = arith.index_cast %add3A_892 : i32 to index
            %get3A_912 = arith.constant 352 : index
            %get3A_913 = tpu.vector_load %run_scoped3A[%get3A_911, %get3A_912] {strides = array<i32>} : memref<240x512xf32, #tpu.memory_space<vmem>>, vector<16xf32>,
            %get3A_914 = arith.index_cast %add3A_892 : i32 to index
            %get3A_915 = arith.constant 368 : index
            %get3A_916 = tpu.vector_load %run_scoped3A[%get3A_914, %get3A_915] {strides = array<i32>} : memref<240x512xf32, #tpu.memory_space<vmem>>, vector<16xf32>,
            %get3A_917 = arith.index_cast %add3A_892 : i32 to index
            %get3A_918 = arith.constant 384 : index
            %get3A_919 = tpu.vector_load %run_scoped3A[%get3A_917, %get3A_918] {strides = array<i32>} : memref<240x512xf32, #tpu.memory_space<vmem>>, vector<16xf32>,
            %get3A_920 = arith.index_cast %add3A_892 : i32 to index
            %get3A_921 = arith.constant 400 : index
            %get3A_922 = tpu.vector_load %run_scoped3A[%get3A_920, %get3A_921] {strides = array<i32>} : memref<240x512xf32, #tpu.memory_space<vmem>>, vector<16xf32>,
            %get3A_923 = arith.index_cast %add3A_892 : i32 to index
            %get3A_924 = arith.constant 416 : index
            %get3A_925 = tpu.vector_load %run_scoped3A[%get3A_923, %get3A_924] {strides = array<i32>} : memref<240x512xf32, #tpu.memory_space<vmem>>, vector<16xf32>,
            %get3A_926 = arith.index_cast %add3A_892 : i32 to index
            %get3A_927 = arith.constant 432 : index
            %get3A_928 = tpu.vector_load %run_scoped3A[%get3A_926, %get3A_927] {strides = array<i32>} : memref<240x512xf32, #tpu.memory_space<vmem>>, vector<16xf32>,
            %get3A_929 = arith.index_cast %add3A_892 : i32 to index
            %get3A_930 = arith.constant 448 : index
            %get3A_931 = tpu.vector_load %run_scoped3A[%get3A_929, %get3A_930] {strides = array<i32>} : memref<240x512xf32, #tpu.memory_space<vmem>>, vector<16xf32>,
            %get3A_932 = arith.index_cast %add3A_892 : i32 to index
            %get3A_933 = arith.constant 464 : index
            %get3A_934 = tpu.vector_load %run_scoped3A[%get3A_932, %get3A_933] {strides = array<i32>} : memref<240x512xf32, #tpu.memory_space<vmem>>, vector<16xf32>,
            %get3A_935 = arith.index_cast %add3A_892 : i32 to index
            %get3A_936 = arith.constant 480 : index
            %get3A_937 = tpu.vector_load %run_scoped3A[%get3A_935, %get3A_936] {strides = array<i32>} : memref<240x512xf32, #tpu.memory_space<vmem>>, vector<16xf32>,
            %get3A_938 = arith.index_cast %add3A_892 : i32 to index
            %get3A_939 = arith.constant 496 : index
            %get3A_940 = tpu.vector_load %run_scoped3A[%get3A_938, %get3A_939] {strides = array<i32>} : memref<240x512xf32, #tpu.memory_space<vmem>>, vector<16xf32>,
            %add3A_941 = arith.addf %while3A_858, %get3A_895 : vector<16xf32>
            %add3A_942 = arith.addf %while3A_859, %get3A_898 : vector<16xf32>
            %add3A_943 = arith.addf %while3A_860, %get3A_901 : vector<16xf32>
            %add3A_944 = arith.addf %while3A_861, %get3A_904 : vector<16xf32>
            %add3A_945 = arith.addf %while3A_862, %get3A_907 : vector<16xf32>
            %add3A_946 = arith.addf %while3A_863, %get3A_910 : vector<16xf32>
            %add3A_947 = arith.addf %while3A_864, %get3A_913 : vector<16xf32>
            %add3A_948 = arith.addf %while3A_865, %get3A_916 : vector<16xf32>
            %add3A_949 = arith.addf %while3A_866, %get3A_919 : vector<16xf32>
            %add3A_950 = arith.addf %while3A_867, %get3A_922 : vector<16xf32>
            %add3A_951 = arith.addf %while3A_868, %get3A_925 : vector<16xf32>
            %add3A_952 = arith.addf %while3A_869, %get3A_928 : vector<16xf32>
            %add3A_953 = arith.addf %while3A_870, %get3A_931 : vector<16xf32>
            %add3A_954 = arith.addf %while3A_871, %get3A_934 : vector<16xf32>
            %add3A_955 = arith.addf %while3A_872, %get3A_937 : vector<16xf32>
            %add3A_956 = arith.addf %while3A_873, %get3A_940 : vector<16xf32>
            %max3A_957 = arith.maximumf %while3A_874, %get3A_895 : vector<16xf32>
            %max3A_958 = arith.maximumf %while3A_875, %get3A_898 : vector<16xf32>
            %max3A_959 = arith.maximumf %while3A_876, %get3A_901 : vector<16xf32>
            %max3A_960 = arith.maximumf %while3A_877, %get3A_904 : vector<16xf32>
            %max3A_961 = arith.maximumf %while3A_878, %get3A_907 : vector<16xf32>
            %max3A_962 = arith.maximumf %while3A_879, %get3A_910 : vector<16xf32>
            %max3A_963 = arith.maximumf %while3A_880, %get3A_913 : vector<16xf32>
            %max3A_964 = arith.maximumf %while3A_881, %get3A_916 : vector<16xf32>
            %max3A_965 = arith.maximumf %while3A_882, %get3A_919 : vector<16xf32>
            %max3A_966 = arith.maximumf %while3A_883, %get3A_922 : vector<16xf32>
            %max3A_967 = arith.maximumf %while3A_884, %get3A_925 : vector<16xf32>
            %max3A_968 = arith.maximumf %while3A_885, %get3A_928 : vector<16xf32>
            %max3A_969 = arith.maximumf %while3A_886, %get3A_931 : vector<16xf32>
            %max3A_970 = arith.maximumf %while3A_887, %get3A_934 : vector<16xf32>
            %max3A_971 = arith.maximumf %while3A_888, %get3A_937 : vector<16xf32>
            %max3A_972 = arith.maximumf %while3A_889, %get3A_940 : vector<16xf32>
            %add3A_973 = arith.constant 1 : i32
            %add3A_974 = arith.addi %add3A_892, %add3A_973 : i32
            %get3A_975 = arith.index_cast %add3A_974 : i32 to index
            %get3A_976 = arith.constant 256 : index
            %get3A_977 = tpu.vector_load %run_scoped3A[%get3A_975, %get3A_976] {strides = array<i32>} : memref<240x512xf32, #tpu.memory_space<vmem>>, vector<16xf32>,
            %get3A_978 = arith.index_cast %add3A_974 : i32 to index
            %get3A_979 = arith.constant 272 : index
            %get3A_980 = tpu.vector_load %run_scoped3A[%get3A_978, %get3A_979] {strides = array<i32>} : memref<240x512xf32, #tpu.memory_space<vmem>>, vector<16xf32>,
            %get3A_981 = arith.index_cast %add3A_974 : i32 to index
            %get3A_982 = arith.constant 288 : index
            %get3A_983 = tpu.vector_load %run_scoped3A[%get3A_981, %get3A_982] {strides = array<i32>} : memref<240x512xf32, #tpu.memory_space<vmem>>, vector<16xf32>,
            %get3A_984 = arith.index_cast %add3A_974 : i32 to index
            %get3A_985 = arith.constant 304 : index
            %get3A_986 = tpu.vector_load %run_scoped3A[%get3A_984, %get3A_985] {strides = array<i32>} : memref<240x512xf32, #tpu.memory_space<vmem>>, vector<16xf32>,
            %get3A_987 = arith.index_cast %add3A_974 : i32 to index
            %get3A_988 = arith.constant 320 : index
            %get3A_989 = tpu.vector_load %run_scoped3A[%get3A_987, %get3A_988] {strides = array<i32>} : memref<240x512xf32, #tpu.memory_space<vmem>>, vector<16xf32>,
            %get3A_990 = arith.index_cast %add3A_974 : i32 to index
            %get3A_991 = arith.constant 336 : index
            %get3A_992 = tpu.vector_load %run_scoped3A[%get3A_990, %get3A_991] {strides = array<i32>} : memref<240x512xf32, #tpu.memory_space<vmem>>, vector<16xf32>,
            %get3A_993 = arith.index_cast %add3A_974 : i32 to index
            %get3A_994 = arith.constant 352 : index
            %get3A_995 = tpu.vector_load %run_scoped3A[%get3A_993, %get3A_994] {strides = array<i32>} : memref<240x512xf32, #tpu.memory_space<vmem>>, vector<16xf32>,
            %get3A_996 = arith.index_cast %add3A_974 : i32 to index
            %get3A_997 = arith.constant 368 : index
            %get3A_998 = tpu.vector_load %run_scoped3A[%get3A_996, %get3A_997] {strides = array<i32>} : memref<240x512xf32, #tpu.memory_space<vmem>>, vector<16xf32>,
            %get3A_999 = arith.index_cast %add3A_974 : i32 to index
            %get3A_1000 = arith.constant 384 : index
            %get3A_1001 = tpu.vector_load %run_scoped3A[%get3A_999, %get3A_1000] {strides = array<i32>} : memref<240x512xf32, #tpu.memory_space<vmem>>, vector<16xf32>,
            %get3A_1002 = arith.index_cast %add3A_974 : i32 to index
            %get3A_1003 = arith.constant 400 : index
            %get3A_1004 = tpu.vector_load %run_scoped3A[%get3A_1002, %get3A_1003] {strides = array<i32>} : memref<240x512xf32, #tpu.memory_space<vmem>>, vector<16xf32>,
            %get3A_1005 = arith.index_cast %add3A_974 : i32 to index
            %get3A_1006 = arith.constant 416 : index
            %get3A_1007 = tpu.vector_load %run_scoped3A[%get3A_1005, %get3A_1006] {strides = array<i32>} : memref<240x512xf32, #tpu.memory_space<vmem>>, vector<16xf32>,
            %get3A_1008 = arith.index_cast %add3A_974 : i32 to index
            %get3A_1009 = arith.constant 432 : index
            %get3A_1010 = tpu.vector_load %run_scoped3A[%get3A_1008, %get3A_1009] {strides = array<i32>} : memref<240x512xf32, #tpu.memory_space<vmem>>, vector<16xf32>,
            %get3A_1011 = arith.index_cast %add3A_974 : i32 to index
            %get3A_1012 = arith.constant 448 : index
            %get3A_1013 = tpu.vector_load %run_scoped3A[%get3A_1011, %get3A_1012] {strides = array<i32>} : memref<240x512xf32, #tpu.memory_space<vmem>>, vector<16xf32>,
            %get3A_1014 = arith.index_cast %add3A_974 : i32 to index
            %get3A_1015 = arith.constant 464 : index
            %get3A_1016 = tpu.vector_load %run_scoped3A[%get3A_1014, %get3A_1015] {strides = array<i32>} : memref<240x512xf32, #tpu.memory_space<vmem>>, vector<16xf32>,
            %get3A_1017 = arith.index_cast %add3A_974 : i32 to index
            %get3A_1018 = arith.constant 480 : index
            %get3A_1019 = tpu.vector_load %run_scoped3A[%get3A_1017, %get3A_1018] {strides = array<i32>} : memref<240x512xf32, #tpu.memory_space<vmem>>, vector<16xf32>,
            %get3A_1020 = arith.index_cast %add3A_974 : i32 to index
            %get3A_1021 = arith.constant 496 : index
            %get3A_1022 = tpu.vector_load %run_scoped3A[%get3A_1020, %get3A_1021] {strides = array<i32>} : memref<240x512xf32, #tpu.memory_space<vmem>>, vector<16xf32>,
            %add3A_1023 = arith.addf %add3A_941, %get3A_977 : vector<16xf32>
            %add3A_1024 = arith.addf %add3A_942, %get3A_980 : vector<16xf32>
            %add3A_1025 = arith.addf %add3A_943, %get3A_983 : vector<16xf32>
            %add3A_1026 = arith.addf %add3A_944, %get3A_986 : vector<16xf32>
            %add3A_1027 = arith.addf %add3A_945, %get3A_989 : vector<16xf32>
            %add3A_1028 = arith.addf %add3A_946, %get3A_992 : vector<16xf32>
            %add3A_1029 = arith.addf %add3A_947, %get3A_995 : vector<16xf32>
            %add3A_1030 = arith.addf %add3A_948, %get3A_998 : vector<16xf32>
            %add3A_1031 = arith.addf %add3A_949, %get3A_1001 : vector<16xf32>
            %add3A_1032 = arith.addf %add3A_950, %get3A_1004 : vector<16xf32>
            %add3A_1033 = arith.addf %add3A_951, %get3A_1007 : vector<16xf32>
            %add3A_1034 = arith.addf %add3A_952, %get3A_1010 : vector<16xf32>
            %add3A_1035 = arith.addf %add3A_953, %get3A_1013 : vector<16xf32>
            %add3A_1036 = arith.addf %add3A_954, %get3A_1016 : vector<16xf32>
            %add3A_1037 = arith.addf %add3A_955, %get3A_1019 : vector<16xf32>
            %add3A_1038 = arith.addf %add3A_956, %get3A_1022 : vector<16xf32>
            %max3A_1039 = arith.maximumf %max3A_957, %get3A_977 : vector<16xf32>
            %max3A_1040 = arith.maximumf %max3A_958, %get3A_980 : vector<16xf32>
            %max3A_1041 = arith.maximumf %max3A_959, %get3A_983 : vector<16xf32>
            %max3A_1042 = arith.maximumf %max3A_960, %get3A_986 : vector<16xf32>
            %max3A_1043 = arith.maximumf %max3A_961, %get3A_989 : vector<16xf32>
            %max3A_1044 = arith.maximumf %max3A_962, %get3A_992 : vector<16xf32>
            %max3A_1045 = arith.maximumf %max3A_963, %get3A_995 : vector<16xf32>
            %max3A_1046 = arith.maximumf %max3A_964, %get3A_998 : vector<16xf32>
            %max3A_1047 = arith.maximumf %max3A_965, %get3A_1001 : vector<16xf32>
            %max3A_1048 = arith.maximumf %max3A_966, %get3A_1004 : vector<16xf32>
            %max3A_1049 = arith.maximumf %max3A_967, %get3A_1007 : vector<16xf32>
            %max3A_1050 = arith.maximumf %max3A_968, %get3A_1010 : vector<16xf32>
            %max3A_1051 = arith.maximumf %max3A_969, %get3A_1013 : vector<16xf32>
            %max3A_1052 = arith.maximumf %max3A_970, %get3A_1016 : vector<16xf32>
            %max3A_1053 = arith.maximumf %max3A_971, %get3A_1019 : vector<16xf32>
            %max3A_1054 = arith.maximumf %max3A_972, %get3A_1022 : vector<16xf32>
            scf.yield %add3A_1023, %add3A_1024, %add3A_1025, %add3A_1026, %add3A_1027, %add3A_1028, %add3A_1029, %add3A_1030, %add3A_1031, %add3A_1032, %add3A_1033, %add3A_1034, %add3A_1035, %add3A_1036, %add3A_1037, %add3A_1038, %max3A_1039, %max3A_1040, %max3A_1041, %max3A_1042, %max3A_1043, %max3A_1044, %max3A_1045, %max3A_1046, %max3A_1047, %max3A_1048, %max3A_1049, %max3A_1050, %max3A_1051, %max3A_1052, %max3A_1053, %max3A_1054 : vector<16xf32>, vector<16xf32>, vector<16xf32>, vector<16xf32>, vector<16xf32>, vector<16xf32>, vector<16xf32>, vector<16xf32>, vector<16xf32>, vector<16xf32>, vector<16xf32>, vector<16xf32>, vector<16xf32>, vector<16xf32>, vector<16xf32>, vector<16xf32>, vector<16xf32>, vector<16xf32>, vector<16xf32>, vector<16xf32>, vector<16xf32>, vector<16xf32>, vector<16xf32>, vector<16xf32>, vector<16xf32>, vector<16xf32>, vector<16xf32>, vector<16xf32>, vector<16xf32>, vector<16xf32>, vector<16xf32>, vector<16xf32>
          }
          %mul3A_779 = arith.constant 2 : i32
          %mul3A_780 = arith.muli %select_n3A_551, %mul3A_779 : i32
          %add3A_781 = arith.addi %add3A_496, %mul3A_780 : i32
          %while3A_782 = arith.subi %add3A_501, %add3A_781 : i32
          %while3A_783 = arith.addi %add3A_781, %while3A_782 : i32
          %while3A_784 = arith.constant 1 : i32
          %while3A_785 = arith.divsi %while3A_782, %while3A_784 : i32
          %while3A_786 = arith.muli %while3A_785, %while3A_784 : i32
          %while3A_787 = arith.addi %add3A_781, %while3A_786 : i32
          %while3A_788 = arith.constant 1 : i32
          %while3A_789:32 = scf.for %while3A_857 = %add3A_781 to %while3A_787 step %while3A_788 iter_args(%while3A_858 = %while3A_778#0, %while3A_859 = %while3A_778#1, %while3A_860 = %while3A_778#2, %while3A_861 = %while3A_778#3, %while3A_862 = %while3A_778#4, %while3A_863 = %while3A_778#5, %while3A_864 = %while3A_778#6, %while3A_865 = %while3A_778#7, %while3A_866 = %while3A_778#8, %while3A_867 = %while3A_778#9, %while3A_868 = %while3A_778#10, %while3A_869 = %while3A_778#11, %while3A_870 = %while3A_778#12, %while3A_871 = %while3A_778#13, %while3A_872 = %while3A_778#14, %while3A_873 = %while3A_778#15, %while3A_874 = %while3A_778#16, %while3A_875 = %while3A_778#17, %while3A_876 = %while3A_778#18, %while3A_877 = %while3A_778#19, %while3A_878 = %while3A_778#20, %while3A_879 = %while3A_778#21, %while3A_880 = %while3A_778#22, %while3A_881 = %while3A_778#23, %while3A_882 = %while3A_778#24, %while3A_883 = %while3A_778#25, %while3A_884 = %while3A_778#26, %while3A_885 = %while3A_778#27, %while3A_886 = %while3A_778#28, %while3A_887 = %while3A_778#29, %while3A_888 = %while3A_778#30, %while3A_889 = %while3A_778#31) -> (vector<16xf32>, vector<16xf32>, vector<16xf32>, vector<16xf32>, vector<16xf32>, vector<16xf32>, vector<16xf32>, vector<16xf32>, vector<16xf32>, vector<16xf32>, vector<16xf32>, vector<16xf32>, vector<16xf32>, vector<16xf32>, vector<16xf32>, vector<16xf32>, vector<16xf32>, vector<16xf32>, vector<16xf32>, vector<16xf32>, vector<16xf32>, vector<16xf32>, vector<16xf32>, vector<16xf32>, vector<16xf32>, vector<16xf32>, vector<16xf32>, vector<16xf32>, vector<16xf32>, vector<16xf32>, vector<16xf32>, vector<16xf32>)  : i32 {
            %get3A_890 = arith.index_cast %while3A_857 : i32 to index
            %get3A_891 = arith.constant 256 : index
            %get3A_892 = tpu.vector_load %run_scoped3A[%get3A_890, %get3A_891] {strides = array<i32>} : memref<240x512xf32, #tpu.memory_space<vmem>>, vector<16xf32>,
            %get3A_893 = arith.index_cast %while3A_857 : i32 to index
            %get3A_894 = arith.constant 272 : index
            %get3A_895 = tpu.vector_load %run_scoped3A[%get3A_893, %get3A_894] {strides = array<i32>} : memref<240x512xf32, #tpu.memory_space<vmem>>, vector<16xf32>,
            %get3A_896 = arith.index_cast %while3A_857 : i32 to index
            %get3A_897 = arith.constant 288 : index
            %get3A_898 = tpu.vector_load %run_scoped3A[%get3A_896, %get3A_897] {strides = array<i32>} : memref<240x512xf32, #tpu.memory_space<vmem>>, vector<16xf32>,
            %get3A_899 = arith.index_cast %while3A_857 : i32 to index
            %get3A_900 = arith.constant 304 : index
            %get3A_901 = tpu.vector_load %run_scoped3A[%get3A_899, %get3A_900] {strides = array<i32>} : memref<240x512xf32, #tpu.memory_space<vmem>>, vector<16xf32>,
            %get3A_902 = arith.index_cast %while3A_857 : i32 to index
            %get3A_903 = arith.constant 320 : index
            %get3A_904 = tpu.vector_load %run_scoped3A[%get3A_902, %get3A_903] {strides = array<i32>} : memref<240x512xf32, #tpu.memory_space<vmem>>, vector<16xf32>,
            %get3A_905 = arith.index_cast %while3A_857 : i32 to index
            %get3A_906 = arith.constant 336 : index
            %get3A_907 = tpu.vector_load %run_scoped3A[%get3A_905, %get3A_906] {strides = array<i32>} : memref<240x512xf32, #tpu.memory_space<vmem>>, vector<16xf32>,
            %get3A_908 = arith.index_cast %while3A_857 : i32 to index
            %get3A_909 = arith.constant 352 : index
            %get3A_910 = tpu.vector_load %run_scoped3A[%get3A_908, %get3A_909] {strides = array<i32>} : memref<240x512xf32, #tpu.memory_space<vmem>>, vector<16xf32>,
            %get3A_911 = arith.index_cast %while3A_857 : i32 to index
            %get3A_912 = arith.constant 368 : index
            %get3A_913 = tpu.vector_load %run_scoped3A[%get3A_911, %get3A_912] {strides = array<i32>} : memref<240x512xf32, #tpu.memory_space<vmem>>, vector<16xf32>,
            %get3A_914 = arith.index_cast %while3A_857 : i32 to index
            %get3A_915 = arith.constant 384 : index
            %get3A_916 = tpu.vector_load %run_scoped3A[%get3A_914, %get3A_915] {strides = array<i32>} : memref<240x512xf32, #tpu.memory_space<vmem>>, vector<16xf32>,
            %get3A_917 = arith.index_cast %while3A_857 : i32 to index
            %get3A_918 = arith.constant 400 : index
            %get3A_919 = tpu.vector_load %run_scoped3A[%get3A_917, %get3A_918] {strides = array<i32>} : memref<240x512xf32, #tpu.memory_space<vmem>>, vector<16xf32>,
            %get3A_920 = arith.index_cast %while3A_857 : i32 to index
            %get3A_921 = arith.constant 416 : index
            %get3A_922 = tpu.vector_load %run_scoped3A[%get3A_920, %get3A_921] {strides = array<i32>} : memref<240x512xf32, #tpu.memory_space<vmem>>, vector<16xf32>,
            %get3A_923 = arith.index_cast %while3A_857 : i32 to index
            %get3A_924 = arith.constant 432 : index
            %get3A_925 = tpu.vector_load %run_scoped3A[%get3A_923, %get3A_924] {strides = array<i32>} : memref<240x512xf32, #tpu.memory_space<vmem>>, vector<16xf32>,
            %get3A_926 = arith.index_cast %while3A_857 : i32 to index
            %get3A_927 = arith.constant 448 : index
            %get3A_928 = tpu.vector_load %run_scoped3A[%get3A_926, %get3A_927] {strides = array<i32>} : memref<240x512xf32, #tpu.memory_space<vmem>>, vector<16xf32>,
            %get3A_929 = arith.index_cast %while3A_857 : i32 to index
            %get3A_930 = arith.constant 464 : index
            %get3A_931 = tpu.vector_load %run_scoped3A[%get3A_929, %get3A_930] {strides = array<i32>} : memref<240x512xf32, #tpu.memory_space<vmem>>, vector<16xf32>,
            %get3A_932 = arith.index_cast %while3A_857 : i32 to index
            %get3A_933 = arith.constant 480 : index
            %get3A_934 = tpu.vector_load %run_scoped3A[%get3A_932, %get3A_933] {strides = array<i32>} : memref<240x512xf32, #tpu.memory_space<vmem>>, vector<16xf32>,
            %get3A_935 = arith.index_cast %while3A_857 : i32 to index
            %get3A_936 = arith.constant 496 : index
            %get3A_937 = tpu.vector_load %run_scoped3A[%get3A_935, %get3A_936] {strides = array<i32>} : memref<240x512xf32, #tpu.memory_space<vmem>>, vector<16xf32>,
            %add3A_938 = arith.addf %while3A_858, %get3A_892 : vector<16xf32>
            %add3A_939 = arith.addf %while3A_859, %get3A_895 : vector<16xf32>
            %add3A_940 = arith.addf %while3A_860, %get3A_898 : vector<16xf32>
            %add3A_941 = arith.addf %while3A_861, %get3A_901 : vector<16xf32>
            %add3A_942 = arith.addf %while3A_862, %get3A_904 : vector<16xf32>
            %add3A_943 = arith.addf %while3A_863, %get3A_907 : vector<16xf32>
            %add3A_944 = arith.addf %while3A_864, %get3A_910 : vector<16xf32>
            %add3A_945 = arith.addf %while3A_865, %get3A_913 : vector<16xf32>
            %add3A_946 = arith.addf %while3A_866, %get3A_916 : vector<16xf32>
            %add3A_947 = arith.addf %while3A_867, %get3A_919 : vector<16xf32>
            %add3A_948 = arith.addf %while3A_868, %get3A_922 : vector<16xf32>
            %add3A_949 = arith.addf %while3A_869, %get3A_925 : vector<16xf32>
            %add3A_950 = arith.addf %while3A_870, %get3A_928 : vector<16xf32>
            %add3A_951 = arith.addf %while3A_871, %get3A_931 : vector<16xf32>
            %add3A_952 = arith.addf %while3A_872, %get3A_934 : vector<16xf32>
            %add3A_953 = arith.addf %while3A_873, %get3A_937 : vector<16xf32>
            %max3A_954 = arith.maximumf %while3A_874, %get3A_892 : vector<16xf32>
            %max3A_955 = arith.maximumf %while3A_875, %get3A_895 : vector<16xf32>
            %max3A_956 = arith.maximumf %while3A_876, %get3A_898 : vector<16xf32>
            %max3A_957 = arith.maximumf %while3A_877, %get3A_901 : vector<16xf32>
            %max3A_958 = arith.maximumf %while3A_878, %get3A_904 : vector<16xf32>
            %max3A_959 = arith.maximumf %while3A_879, %get3A_907 : vector<16xf32>
            %max3A_960 = arith.maximumf %while3A_880, %get3A_910 : vector<16xf32>
            %max3A_961 = arith.maximumf %while3A_881, %get3A_913 : vector<16xf32>
            %max3A_962 = arith.maximumf %while3A_882, %get3A_916 : vector<16xf32>
            %max3A_963 = arith.maximumf %while3A_883, %get3A_919 : vector<16xf32>
            %max3A_964 = arith.maximumf %while3A_884, %get3A_922 : vector<16xf32>
            %max3A_965 = arith.maximumf %while3A_885, %get3A_925 : vector<16xf32>
            %max3A_966 = arith.maximumf %while3A_886, %get3A_928 : vector<16xf32>
            %max3A_967 = arith.maximumf %while3A_887, %get3A_931 : vector<16xf32>
            %max3A_968 = arith.maximumf %while3A_888, %get3A_934 : vector<16xf32>
            %max3A_969 = arith.maximumf %while3A_889, %get3A_937 : vector<16xf32>
            scf.yield %add3A_938, %add3A_939, %add3A_940, %add3A_941, %add3A_942, %add3A_943, %add3A_944, %add3A_945, %add3A_946, %add3A_947, %add3A_948, %add3A_949, %add3A_950, %add3A_951, %add3A_952, %add3A_953, %max3A_954, %max3A_955, %max3A_956, %max3A_957, %max3A_958, %max3A_959, %max3A_960, %max3A_961, %max3A_962, %max3A_963, %max3A_964, %max3A_965, %max3A_966, %max3A_967, %max3A_968, %max3A_969 : vector<16xf32>, vector<16xf32>, vector<16xf32>, vector<16xf32>, vector<16xf32>, vector<16xf32>, vector<16xf32>, vector<16xf32>, vector<16xf32>, vector<16xf32>, vector<16xf32>, vector<16xf32>, vector<16xf32>, vector<16xf32>, vector<16xf32>, vector<16xf32>, vector<16xf32>, vector<16xf32>, vector<16xf32>, vector<16xf32>, vector<16xf32>, vector<16xf32>, vector<16xf32>, vector<16xf32>, vector<16xf32>, vector<16xf32>, vector<16xf32>, vector<16xf32>, vector<16xf32>, vector<16xf32>, vector<16xf32>, vector<16xf32>
          }
          %while3A_790 = arith.constant 1 : i32
          %while3A_791:32 = scf.for %while3A_857 = %while3A_787 to %while3A_783 step %while3A_790 iter_args(%while3A_858 = %while3A_789#0, %while3A_859 = %while3A_789#1, %while3A_860 = %while3A_789#2, %while3A_861 = %while3A_789#3, %while3A_862 = %while3A_789#4, %while3A_863 = %while3A_789#5, %while3A_864 = %while3A_789#6, %while3A_865 = %while3A_789#7, %while3A_866 = %while3A_789#8, %while3A_867 = %while3A_789#9, %while3A_868 = %while3A_789#10, %while3A_869 = %while3A_789#11, %while3A_870 = %while3A_789#12, %while3A_871 = %while3A_789#13, %while3A_872 = %while3A_789#14, %while3A_873 = %while3A_789#15, %while3A_874 = %while3A_789#16, %while3A_875 = %while3A_789#17, %while3A_876 = %while3A_789#18, %while3A_877 = %while3A_789#19, %while3A_878 = %while3A_789#20, %while3A_879 = %while3A_789#21, %while3A_880 = %while3A_789#22, %while3A_881 = %while3A_789#23, %while3A_882 = %while3A_789#24, %while3A_883 = %while3A_789#25, %while3A_884 = %while3A_789#26, %while3A_885 = %while3A_789#27, %while3A_886 = %while3A_789#28, %while3A_887 = %while3A_789#29, %while3A_888 = %while3A_789#30, %while3A_889 = %while3A_789#31) -> (vector<16xf32>, vector<16xf32>, vector<16xf32>, vector<16xf32>, vector<16xf32>, vector<16xf32>, vector<16xf32>, vector<16xf32>, vector<16xf32>, vector<16xf32>, vector<16xf32>, vector<16xf32>, vector<16xf32>, vector<16xf32>, vector<16xf32>, vector<16xf32>, vector<16xf32>, vector<16xf32>, vector<16xf32>, vector<16xf32>, vector<16xf32>, vector<16xf32>, vector<16xf32>, vector<16xf32>, vector<16xf32>, vector<16xf32>, vector<16xf32>, vector<16xf32>, vector<16xf32>, vector<16xf32>, vector<16xf32>, vector<16xf32>)  : i32 {
            %get3A_890 = arith.index_cast %while3A_857 : i32 to index
            %get3A_891 = arith.constant 256 : index
            %get3A_892 = tpu.vector_load %run_scoped3A[%get3A_890, %get3A_891] {strides = array<i32>} : memref<240x512xf32, #tpu.memory_space<vmem>>, vector<16xf32>,
            %get3A_893 = arith.index_cast %while3A_857 : i32 to index
            %get3A_894 = arith.constant 272 : index
            %get3A_895 = tpu.vector_load %run_scoped3A[%get3A_893, %get3A_894] {strides = array<i32>} : memref<240x512xf32, #tpu.memory_space<vmem>>, vector<16xf32>,
            %get3A_896 = arith.index_cast %while3A_857 : i32 to index
            %get3A_897 = arith.constant 288 : index
            %get3A_898 = tpu.vector_load %run_scoped3A[%get3A_896, %get3A_897] {strides = array<i32>} : memref<240x512xf32, #tpu.memory_space<vmem>>, vector<16xf32>,
            %get3A_899 = arith.index_cast %while3A_857 : i32 to index
            %get3A_900 = arith.constant 304 : index
            %get3A_901 = tpu.vector_load %run_scoped3A[%get3A_899, %get3A_900] {strides = array<i32>} : memref<240x512xf32, #tpu.memory_space<vmem>>, vector<16xf32>,
            %get3A_902 = arith.index_cast %while3A_857 : i32 to index
            %get3A_903 = arith.constant 320 : index
            %get3A_904 = tpu.vector_load %run_scoped3A[%get3A_902, %get3A_903] {strides = array<i32>} : memref<240x512xf32, #tpu.memory_space<vmem>>, vector<16xf32>,
            %get3A_905 = arith.index_cast %while3A_857 : i32 to index
            %get3A_906 = arith.constant 336 : index
            %get3A_907 = tpu.vector_load %run_scoped3A[%get3A_905, %get3A_906] {strides = array<i32>} : memref<240x512xf32, #tpu.memory_space<vmem>>, vector<16xf32>,
            %get3A_908 = arith.index_cast %while3A_857 : i32 to index
            %get3A_909 = arith.constant 352 : index
            %get3A_910 = tpu.vector_load %run_scoped3A[%get3A_908, %get3A_909] {strides = array<i32>} : memref<240x512xf32, #tpu.memory_space<vmem>>, vector<16xf32>,
            %get3A_911 = arith.index_cast %while3A_857 : i32 to index
            %get3A_912 = arith.constant 368 : index
            %get3A_913 = tpu.vector_load %run_scoped3A[%get3A_911, %get3A_912] {strides = array<i32>} : memref<240x512xf32, #tpu.memory_space<vmem>>, vector<16xf32>,
            %get3A_914 = arith.index_cast %while3A_857 : i32 to index
            %get3A_915 = arith.constant 384 : index
            %get3A_916 = tpu.vector_load %run_scoped3A[%get3A_914, %get3A_915] {strides = array<i32>} : memref<240x512xf32, #tpu.memory_space<vmem>>, vector<16xf32>,
            %get3A_917 = arith.index_cast %while3A_857 : i32 to index
            %get3A_918 = arith.constant 400 : index
            %get3A_919 = tpu.vector_load %run_scoped3A[%get3A_917, %get3A_918] {strides = array<i32>} : memref<240x512xf32, #tpu.memory_space<vmem>>, vector<16xf32>,
            %get3A_920 = arith.index_cast %while3A_857 : i32 to index
            %get3A_921 = arith.constant 416 : index
            %get3A_922 = tpu.vector_load %run_scoped3A[%get3A_920, %get3A_921] {strides = array<i32>} : memref<240x512xf32, #tpu.memory_space<vmem>>, vector<16xf32>,
            %get3A_923 = arith.index_cast %while3A_857 : i32 to index
            %get3A_924 = arith.constant 432 : index
            %get3A_925 = tpu.vector_load %run_scoped3A[%get3A_923, %get3A_924] {strides = array<i32>} : memref<240x512xf32, #tpu.memory_space<vmem>>, vector<16xf32>,
            %get3A_926 = arith.index_cast %while3A_857 : i32 to index
            %get3A_927 = arith.constant 448 : index
            %get3A_928 = tpu.vector_load %run_scoped3A[%get3A_926, %get3A_927] {strides = array<i32>} : memref<240x512xf32, #tpu.memory_space<vmem>>, vector<16xf32>,
            %get3A_929 = arith.index_cast %while3A_857 : i32 to index
            %get3A_930 = arith.constant 464 : index
            %get3A_931 = tpu.vector_load %run_scoped3A[%get3A_929, %get3A_930] {strides = array<i32>} : memref<240x512xf32, #tpu.memory_space<vmem>>, vector<16xf32>,
            %get3A_932 = arith.index_cast %while3A_857 : i32 to index
            %get3A_933 = arith.constant 480 : index
            %get3A_934 = tpu.vector_load %run_scoped3A[%get3A_932, %get3A_933] {strides = array<i32>} : memref<240x512xf32, #tpu.memory_space<vmem>>, vector<16xf32>,
            %get3A_935 = arith.index_cast %while3A_857 : i32 to index
            %get3A_936 = arith.constant 496 : index
            %get3A_937 = tpu.vector_load %run_scoped3A[%get3A_935, %get3A_936] {strides = array<i32>} : memref<240x512xf32, #tpu.memory_space<vmem>>, vector<16xf32>,
            %add3A_938 = arith.addf %while3A_858, %get3A_892 : vector<16xf32>
            %add3A_939 = arith.addf %while3A_859, %get3A_895 : vector<16xf32>
            %add3A_940 = arith.addf %while3A_860, %get3A_898 : vector<16xf32>
            %add3A_941 = arith.addf %while3A_861, %get3A_901 : vector<16xf32>
            %add3A_942 = arith.addf %while3A_862, %get3A_904 : vector<16xf32>
            %add3A_943 = arith.addf %while3A_863, %get3A_907 : vector<16xf32>
            %add3A_944 = arith.addf %while3A_864, %get3A_910 : vector<16xf32>
            %add3A_945 = arith.addf %while3A_865, %get3A_913 : vector<16xf32>
            %add3A_946 = arith.addf %while3A_866, %get3A_916 : vector<16xf32>
            %add3A_947 = arith.addf %while3A_867, %get3A_919 : vector<16xf32>
            %add3A_948 = arith.addf %while3A_868, %get3A_922 : vector<16xf32>
            %add3A_949 = arith.addf %while3A_869, %get3A_925 : vector<16xf32>
            %add3A_950 = arith.addf %while3A_870, %get3A_928 : vector<16xf32>
            %add3A_951 = arith.addf %while3A_871, %get3A_931 : vector<16xf32>
            %add3A_952 = arith.addf %while3A_872, %get3A_934 : vector<16xf32>
            %add3A_953 = arith.addf %while3A_873, %get3A_937 : vector<16xf32>
            %max3A_954 = arith.maximumf %while3A_874, %get3A_892 : vector<16xf32>
            %max3A_955 = arith.maximumf %while3A_875, %get3A_895 : vector<16xf32>
            %max3A_956 = arith.maximumf %while3A_876, %get3A_898 : vector<16xf32>
            %max3A_957 = arith.maximumf %while3A_877, %get3A_901 : vector<16xf32>
            %max3A_958 = arith.maximumf %while3A_878, %get3A_904 : vector<16xf32>
            %max3A_959 = arith.maximumf %while3A_879, %get3A_907 : vector<16xf32>
            %max3A_960 = arith.maximumf %while3A_880, %get3A_910 : vector<16xf32>
            %max3A_961 = arith.maximumf %while3A_881, %get3A_913 : vector<16xf32>
            %max3A_962 = arith.maximumf %while3A_882, %get3A_916 : vector<16xf32>
            %max3A_963 = arith.maximumf %while3A_883, %get3A_919 : vector<16xf32>
            %max3A_964 = arith.maximumf %while3A_884, %get3A_922 : vector<16xf32>
            %max3A_965 = arith.maximumf %while3A_885, %get3A_925 : vector<16xf32>
            %max3A_966 = arith.maximumf %while3A_886, %get3A_928 : vector<16xf32>
            %max3A_967 = arith.maximumf %while3A_887, %get3A_931 : vector<16xf32>
            %max3A_968 = arith.maximumf %while3A_888, %get3A_934 : vector<16xf32>
            %max3A_969 = arith.maximumf %while3A_889, %get3A_937 : vector<16xf32>
            scf.yield %add3A_938, %add3A_939, %add3A_940, %add3A_941, %add3A_942, %add3A_943, %add3A_944, %add3A_945, %add3A_946, %add3A_947, %add3A_948, %add3A_949, %add3A_950, %add3A_951, %add3A_952, %add3A_953, %max3A_954, %max3A_955, %max3A_956, %max3A_957, %max3A_958, %max3A_959, %max3A_960, %max3A_961, %max3A_962, %max3A_963, %max3A_964, %max3A_965, %max3A_966, %max3A_967, %max3A_968, %max3A_969 : vector<16xf32>, vector<16xf32>, vector<16xf32>, vector<16xf32>, vector<16xf32>, vector<16xf32>, vector<16xf32>, vector<16xf32>, vector<16xf32>, vector<16xf32>, vector<16xf32>, vector<16xf32>, vector<16xf32>, vector<16xf32>, vector<16xf32>, vector<16xf32>, vector<16xf32>, vector<16xf32>, vector<16xf32>, vector<16xf32>, vector<16xf32>, vector<16xf32>, vector<16xf32>, vector<16xf32>, vector<16xf32>, vector<16xf32>, vector<16xf32>, vector<16xf32>, vector<16xf32>, vector<16xf32>, vector<16xf32>, vector<16xf32>
          }
          %swap3A_792 = arith.constant 256 : index
          %swap3A_793 = tpu.vector_load %arg6[%swap3A_792] {strides = array<i32>} : memref<512xf32, #tpu.memory_space<vmem>>, vector<16xf32>,
          tpu.vector_store %arg6[%swap3A_792], %while3A_791#0 {strides = array<i32>} : memref<512xf32, #tpu.memory_space<vmem>>, vector<16xf32>,
          %swap3A_794 = arith.constant 256 : index
          %swap3A_795 = tpu.vector_load %arg7[%swap3A_794] {strides = array<i32>} : memref<512xf32, #tpu.memory_space<vmem>>, vector<16xf32>,
          tpu.vector_store %arg7[%swap3A_794], %while3A_791#16 {strides = array<i32>} : memref<512xf32, #tpu.memory_space<vmem>>, vector<16xf32>,
          %swap3A_796 = arith.constant 272 : index
          %swap3A_797 = tpu.vector_load %arg6[%swap3A_796] {strides = array<i32>} : memref<512xf32, #tpu.memory_space<vmem>>, vector<16xf32>,
          tpu.vector_store %arg6[%swap3A_796], %while3A_791#1 {strides = array<i32>} : memref<512xf32, #tpu.memory_space<vmem>>, vector<16xf32>,
          %swap3A_798 = arith.constant 272 : index
          %swap3A_799 = tpu.vector_load %arg7[%swap3A_798] {strides = array<i32>} : memref<512xf32, #tpu.memory_space<vmem>>, vector<16xf32>,
          tpu.vector_store %arg7[%swap3A_798], %while3A_791#17 {strides = array<i32>} : memref<512xf32, #tpu.memory_space<vmem>>, vector<16xf32>,
          %swap3A_800 = arith.constant 288 : index
          %swap3A_801 = tpu.vector_load %arg6[%swap3A_800] {strides = array<i32>} : memref<512xf32, #tpu.memory_space<vmem>>, vector<16xf32>,
          tpu.vector_store %arg6[%swap3A_800], %while3A_791#2 {strides = array<i32>} : memref<512xf32, #tpu.memory_space<vmem>>, vector<16xf32>,
          %swap3A_802 = arith.constant 288 : index
          %swap3A_803 = tpu.vector_load %arg7[%swap3A_802] {strides = array<i32>} : memref<512xf32, #tpu.memory_space<vmem>>, vector<16xf32>,
          tpu.vector_store %arg7[%swap3A_802], %while3A_791#18 {strides = array<i32>} : memref<512xf32, #tpu.memory_space<vmem>>, vector<16xf32>,
          %swap3A_804 = arith.constant 304 : index
          %swap3A_805 = tpu.vector_load %arg6[%swap3A_804] {strides = array<i32>} : memref<512xf32, #tpu.memory_space<vmem>>, vector<16xf32>,
          tpu.vector_store %arg6[%swap3A_804], %while3A_791#3 {strides = array<i32>} : memref<512xf32, #tpu.memory_space<vmem>>, vector<16xf32>,
          %swap3A_806 = arith.constant 304 : index
          %swap3A_807 = tpu.vector_load %arg7[%swap3A_806] {strides = array<i32>} : memref<512xf32, #tpu.memory_space<vmem>>, vector<16xf32>,
          tpu.vector_store %arg7[%swap3A_806], %while3A_791#19 {strides = array<i32>} : memref<512xf32, #tpu.memory_space<vmem>>, vector<16xf32>,
          %swap3A_808 = arith.constant 320 : index
          %swap3A_809 = tpu.vector_load %arg6[%swap3A_808] {strides = array<i32>} : memref<512xf32, #tpu.memory_space<vmem>>, vector<16xf32>,
          tpu.vector_store %arg6[%swap3A_808], %while3A_791#4 {strides = array<i32>} : memref<512xf32, #tpu.memory_space<vmem>>, vector<16xf32>,
          %swap3A_810 = arith.constant 320 : index
          %swap3A_811 = tpu.vector_load %arg7[%swap3A_810] {strides = array<i32>} : memref<512xf32, #tpu.memory_space<vmem>>, vector<16xf32>,
          tpu.vector_store %arg7[%swap3A_810], %while3A_791#20 {strides = array<i32>} : memref<512xf32, #tpu.memory_space<vmem>>, vector<16xf32>,
          %swap3A_812 = arith.constant 336 : index
          %swap3A_813 = tpu.vector_load %arg6[%swap3A_812] {strides = array<i32>} : memref<512xf32, #tpu.memory_space<vmem>>, vector<16xf32>,
          tpu.vector_store %arg6[%swap3A_812], %while3A_791#5 {strides = array<i32>} : memref<512xf32, #tpu.memory_space<vmem>>, vector<16xf32>,
          %swap3A_814 = arith.constant 336 : index
          %swap3A_815 = tpu.vector_load %arg7[%swap3A_814] {strides = array<i32>} : memref<512xf32, #tpu.memory_space<vmem>>, vector<16xf32>,
          tpu.vector_store %arg7[%swap3A_814], %while3A_791#21 {strides = array<i32>} : memref<512xf32, #tpu.memory_space<vmem>>, vector<16xf32>,
          %swap3A_816 = arith.constant 352 : index
          %swap3A_817 = tpu.vector_load %arg6[%swap3A_816] {strides = array<i32>} : memref<512xf32, #tpu.memory_space<vmem>>, vector<16xf32>,
          tpu.vector_store %arg6[%swap3A_816], %while3A_791#6 {strides = array<i32>} : memref<512xf32, #tpu.memory_space<vmem>>, vector<16xf32>,
          %swap3A_818 = arith.constant 352 : index
          %swap3A_819 = tpu.vector_load %arg7[%swap3A_818] {strides = array<i32>} : memref<512xf32, #tpu.memory_space<vmem>>, vector<16xf32>,
          tpu.vector_store %arg7[%swap3A_818], %while3A_791#22 {strides = array<i32>} : memref<512xf32, #tpu.memory_space<vmem>>, vector<16xf32>,
          %swap3A_820 = arith.constant 368 : index
          %swap3A_821 = tpu.vector_load %arg6[%swap3A_820] {strides = array<i32>} : memref<512xf32, #tpu.memory_space<vmem>>, vector<16xf32>,
          tpu.vector_store %arg6[%swap3A_820], %while3A_791#7 {strides = array<i32>} : memref<512xf32, #tpu.memory_space<vmem>>, vector<16xf32>,
          %swap3A_822 = arith.constant 368 : index
          %swap3A_823 = tpu.vector_load %arg7[%swap3A_822] {strides = array<i32>} : memref<512xf32, #tpu.memory_space<vmem>>, vector<16xf32>,
          tpu.vector_store %arg7[%swap3A_822], %while3A_791#23 {strides = array<i32>} : memref<512xf32, #tpu.memory_space<vmem>>, vector<16xf32>,
          %swap3A_824 = arith.constant 384 : index
          %swap3A_825 = tpu.vector_load %arg6[%swap3A_824] {strides = array<i32>} : memref<512xf32, #tpu.memory_space<vmem>>, vector<16xf32>,
          tpu.vector_store %arg6[%swap3A_824], %while3A_791#8 {strides = array<i32>} : memref<512xf32, #tpu.memory_space<vmem>>, vector<16xf32>,
          %swap3A_826 = arith.constant 384 : index
          %swap3A_827 = tpu.vector_load %arg7[%swap3A_826] {strides = array<i32>} : memref<512xf32, #tpu.memory_space<vmem>>, vector<16xf32>,
          tpu.vector_store %arg7[%swap3A_826], %while3A_791#24 {strides = array<i32>} : memref<512xf32, #tpu.memory_space<vmem>>, vector<16xf32>,
          %swap3A_828 = arith.constant 400 : index
          %swap3A_829 = tpu.vector_load %arg6[%swap3A_828] {strides = array<i32>} : memref<512xf32, #tpu.memory_space<vmem>>, vector<16xf32>,
          tpu.vector_store %arg6[%swap3A_828], %while3A_791#9 {strides = array<i32>} : memref<512xf32, #tpu.memory_space<vmem>>, vector<16xf32>,
          %swap3A_830 = arith.constant 400 : index
          %swap3A_831 = tpu.vector_load %arg7[%swap3A_830] {strides = array<i32>} : memref<512xf32, #tpu.memory_space<vmem>>, vector<16xf32>,
          tpu.vector_store %arg7[%swap3A_830], %while3A_791#25 {strides = array<i32>} : memref<512xf32, #tpu.memory_space<vmem>>, vector<16xf32>,
          %swap3A_832 = arith.constant 416 : index
          %swap3A_833 = tpu.vector_load %arg6[%swap3A_832] {strides = array<i32>} : memref<512xf32, #tpu.memory_space<vmem>>, vector<16xf32>,
          tpu.vector_store %arg6[%swap3A_832], %while3A_791#10 {strides = array<i32>} : memref<512xf32, #tpu.memory_space<vmem>>, vector<16xf32>,
          %swap3A_834 = arith.constant 416 : index
          %swap3A_835 = tpu.vector_load %arg7[%swap3A_834] {strides = array<i32>} : memref<512xf32, #tpu.memory_space<vmem>>, vector<16xf32>,
          tpu.vector_store %arg7[%swap3A_834], %while3A_791#26 {strides = array<i32>} : memref<512xf32, #tpu.memory_space<vmem>>, vector<16xf32>,
          %swap3A_836 = arith.constant 432 : index
          %swap3A_837 = tpu.vector_load %arg6[%swap3A_836] {strides = array<i32>} : memref<512xf32, #tpu.memory_space<vmem>>, vector<16xf32>,
          tpu.vector_store %arg6[%swap3A_836], %while3A_791#11 {strides = array<i32>} : memref<512xf32, #tpu.memory_space<vmem>>, vector<16xf32>,
          %swap3A_838 = arith.constant 432 : index
          %swap3A_839 = tpu.vector_load %arg7[%swap3A_838] {strides = array<i32>} : memref<512xf32, #tpu.memory_space<vmem>>, vector<16xf32>,
          tpu.vector_store %arg7[%swap3A_838], %while3A_791#27 {strides = array<i32>} : memref<512xf32, #tpu.memory_space<vmem>>, vector<16xf32>,
          %swap3A_840 = arith.constant 448 : index
          %swap3A_841 = tpu.vector_load %arg6[%swap3A_840] {strides = array<i32>} : memref<512xf32, #tpu.memory_space<vmem>>, vector<16xf32>,
          tpu.vector_store %arg6[%swap3A_840], %while3A_791#12 {strides = array<i32>} : memref<512xf32, #tpu.memory_space<vmem>>, vector<16xf32>,
          %swap3A_842 = arith.constant 448 : index
          %swap3A_843 = tpu.vector_load %arg7[%swap3A_842] {strides = array<i32>} : memref<512xf32, #tpu.memory_space<vmem>>, vector<16xf32>,
          tpu.vector_store %arg7[%swap3A_842], %while3A_791#28 {strides = array<i32>} : memref<512xf32, #tpu.memory_space<vmem>>, vector<16xf32>,
          %swap3A_844 = arith.constant 464 : index
          %swap3A_845 = tpu.vector_load %arg6[%swap3A_844] {strides = array<i32>} : memref<512xf32, #tpu.memory_space<vmem>>, vector<16xf32>,
          tpu.vector_store %arg6[%swap3A_844], %while3A_791#13 {strides = array<i32>} : memref<512xf32, #tpu.memory_space<vmem>>, vector<16xf32>,
          %swap3A_846 = arith.constant 464 : index
          %swap3A_847 = tpu.vector_load %arg7[%swap3A_846] {strides = array<i32>} : memref<512xf32, #tpu.memory_space<vmem>>, vector<16xf32>,
          tpu.vector_store %arg7[%swap3A_846], %while3A_791#29 {strides = array<i32>} : memref<512xf32, #tpu.memory_space<vmem>>, vector<16xf32>,
          %swap3A_848 = arith.constant 480 : index
          %swap3A_849 = tpu.vector_load %arg6[%swap3A_848] {strides = array<i32>} : memref<512xf32, #tpu.memory_space<vmem>>, vector<16xf32>,
          tpu.vector_store %arg6[%swap3A_848], %while3A_791#14 {strides = array<i32>} : memref<512xf32, #tpu.memory_space<vmem>>, vector<16xf32>,
          %swap3A_850 = arith.constant 480 : index
          %swap3A_851 = tpu.vector_load %arg7[%swap3A_850] {strides = array<i32>} : memref<512xf32, #tpu.memory_space<vmem>>, vector<16xf32>,
          tpu.vector_store %arg7[%swap3A_850], %while3A_791#30 {strides = array<i32>} : memref<512xf32, #tpu.memory_space<vmem>>, vector<16xf32>,
          %swap3A_852 = arith.constant 496 : index
          %swap3A_853 = tpu.vector_load %arg6[%swap3A_852] {strides = array<i32>} : memref<512xf32, #tpu.memory_space<vmem>>, vector<16xf32>,
          tpu.vector_store %arg6[%swap3A_852], %while3A_791#15 {strides = array<i32>} : memref<512xf32, #tpu.memory_space<vmem>>, vector<16xf32>,
          %swap3A_854 = arith.constant 496 : index
          %swap3A_855 = tpu.vector_load %arg7[%swap3A_854] {strides = array<i32>} : memref<512xf32, #tpu.memory_space<vmem>>, vector<16xf32>,
          tpu.vector_store %arg7[%swap3A_854], %while3A_791#31 {strides = array<i32>} : memref<512xf32, #tpu.memory_space<vmem>>, vector<16xf32>,
          %while3A_856 = arith.constant 0 : i32
          scf.yield %while3A_856 : i32
        }
        %convert_element_type3A_213 = arith.sitofp %sub3A : i32 to f32
        %max3A = arith.constant 1.000000e+00 : f32
        %max3A_214 = arith.maximumf %convert_element_type3A_213, %max3A : f32
        %broadcast_in_dim3A_215 = arith.constant 1.000000e+00 : f32
        %broadcast_in_dim3A_216 = vector.broadcast %broadcast_in_dim3A_215 : f32 to vector<16xf32>
        %broadcast_in_dim3A_217 = vector.broadcast %max3A_214 : f32 to vector<16xf32>
        %div3A_218 = arith.divf %broadcast_in_dim3A_216, %broadcast_in_dim3A_217 : vector<16xf32>
        %get3A_219 = arith.constant 0 : index
        %get3A_220 = tpu.vector_load %arg6[%get3A_219] {strides = array<i32>} : memref<512xf32, #tpu.memory_space<vmem>>, vector<16xf32>,
        %mul3A_221 = arith.mulf %get3A_220, %div3A_218 : vector<16xf32>
        %swap3A_222 = arith.constant 0 : index
        %swap3A_223 = tpu.vector_load %arg6[%swap3A_222] {strides = array<i32>} : memref<512xf32, #tpu.memory_space<vmem>>, vector<16xf32>,
        tpu.vector_store %arg6[%swap3A_222], %mul3A_221 {strides = array<i32>} : memref<512xf32, #tpu.memory_space<vmem>>, vector<16xf32>,
        %get3A_224 = arith.constant 16 : index
        %get3A_225 = tpu.vector_load %arg6[%get3A_224] {strides = array<i32>} : memref<512xf32, #tpu.memory_space<vmem>>, vector<16xf32>,
        %mul3A_226 = arith.mulf %get3A_225, %div3A_218 : vector<16xf32>
        %swap3A_227 = arith.constant 16 : index
        %swap3A_228 = tpu.vector_load %arg6[%swap3A_227] {strides = array<i32>} : memref<512xf32, #tpu.memory_space<vmem>>, vector<16xf32>,
        tpu.vector_store %arg6[%swap3A_227], %mul3A_226 {strides = array<i32>} : memref<512xf32, #tpu.memory_space<vmem>>, vector<16xf32>,
        %get3A_229 = arith.constant 32 : index
        %get3A_230 = tpu.vector_load %arg6[%get3A_229] {strides = array<i32>} : memref<512xf32, #tpu.memory_space<vmem>>, vector<16xf32>,
        %mul3A_231 = arith.mulf %get3A_230, %div3A_218 : vector<16xf32>
        %swap3A_232 = arith.constant 32 : index
        %swap3A_233 = tpu.vector_load %arg6[%swap3A_232] {strides = array<i32>} : memref<512xf32, #tpu.memory_space<vmem>>, vector<16xf32>,
        tpu.vector_store %arg6[%swap3A_232], %mul3A_231 {strides = array<i32>} : memref<512xf32, #tpu.memory_space<vmem>>, vector<16xf32>,
        %get3A_234 = arith.constant 48 : index
        %get3A_235 = tpu.vector_load %arg6[%get3A_234] {strides = array<i32>} : memref<512xf32, #tpu.memory_space<vmem>>, vector<16xf32>,
        %mul3A_236 = arith.mulf %get3A_235, %div3A_218 : vector<16xf32>
        %swap3A_237 = arith.constant 48 : index
        %swap3A_238 = tpu.vector_load %arg6[%swap3A_237] {strides = array<i32>} : memref<512xf32, #tpu.memory_space<vmem>>, vector<16xf32>,
        tpu.vector_store %arg6[%swap3A_237], %mul3A_236 {strides = array<i32>} : memref<512xf32, #tpu.memory_space<vmem>>, vector<16xf32>,
        %get3A_239 = arith.constant 64 : index
        %get3A_240 = tpu.vector_load %arg6[%get3A_239] {strides = array<i32>} : memref<512xf32, #tpu.memory_space<vmem>>, vector<16xf32>,
        %mul3A_241 = arith.mulf %get3A_240, %div3A_218 : vector<16xf32>
        %swap3A_242 = arith.constant 64 : index
        %swap3A_243 = tpu.vector_load %arg6[%swap3A_242] {strides = array<i32>} : memref<512xf32, #tpu.memory_space<vmem>>, vector<16xf32>,
        tpu.vector_store %arg6[%swap3A_242], %mul3A_241 {strides = array<i32>} : memref<512xf32, #tpu.memory_space<vmem>>, vector<16xf32>,
        %get3A_244 = arith.constant 80 : index
        %get3A_245 = tpu.vector_load %arg6[%get3A_244] {strides = array<i32>} : memref<512xf32, #tpu.memory_space<vmem>>, vector<16xf32>,
        %mul3A_246 = arith.mulf %get3A_245, %div3A_218 : vector<16xf32>
        %swap3A_247 = arith.constant 80 : index
        %swap3A_248 = tpu.vector_load %arg6[%swap3A_247] {strides = array<i32>} : memref<512xf32, #tpu.memory_space<vmem>>, vector<16xf32>,
        tpu.vector_store %arg6[%swap3A_247], %mul3A_246 {strides = array<i32>} : memref<512xf32, #tpu.memory_space<vmem>>, vector<16xf32>,
        %get3A_249 = arith.constant 96 : index
        %get3A_250 = tpu.vector_load %arg6[%get3A_249] {strides = array<i32>} : memref<512xf32, #tpu.memory_space<vmem>>, vector<16xf32>,
        %mul3A_251 = arith.mulf %get3A_250, %div3A_218 : vector<16xf32>
        %swap3A_252 = arith.constant 96 : index
        %swap3A_253 = tpu.vector_load %arg6[%swap3A_252] {strides = array<i32>} : memref<512xf32, #tpu.memory_space<vmem>>, vector<16xf32>,
        tpu.vector_store %arg6[%swap3A_252], %mul3A_251 {strides = array<i32>} : memref<512xf32, #tpu.memory_space<vmem>>, vector<16xf32>,
        %get3A_254 = arith.constant 112 : index
        %get3A_255 = tpu.vector_load %arg6[%get3A_254] {strides = array<i32>} : memref<512xf32, #tpu.memory_space<vmem>>, vector<16xf32>,
        %mul3A_256 = arith.mulf %get3A_255, %div3A_218 : vector<16xf32>
        %swap3A_257 = arith.constant 112 : index
        %swap3A_258 = tpu.vector_load %arg6[%swap3A_257] {strides = array<i32>} : memref<512xf32, #tpu.memory_space<vmem>>, vector<16xf32>,
        tpu.vector_store %arg6[%swap3A_257], %mul3A_256 {strides = array<i32>} : memref<512xf32, #tpu.memory_space<vmem>>, vector<16xf32>,
        %get3A_259 = arith.constant 128 : index
        %get3A_260 = tpu.vector_load %arg6[%get3A_259] {strides = array<i32>} : memref<512xf32, #tpu.memory_space<vmem>>, vector<16xf32>,
        %mul3A_261 = arith.mulf %get3A_260, %div3A_218 : vector<16xf32>
        %swap3A_262 = arith.constant 128 : index
        %swap3A_263 = tpu.vector_load %arg6[%swap3A_262] {strides = array<i32>} : memref<512xf32, #tpu.memory_space<vmem>>, vector<16xf32>,
        tpu.vector_store %arg6[%swap3A_262], %mul3A_261 {strides = array<i32>} : memref<512xf32, #tpu.memory_space<vmem>>, vector<16xf32>,
        %get3A_264 = arith.constant 144 : index
        %get3A_265 = tpu.vector_load %arg6[%get3A_264] {strides = array<i32>} : memref<512xf32, #tpu.memory_space<vmem>>, vector<16xf32>,
        %mul3A_266 = arith.mulf %get3A_265, %div3A_218 : vector<16xf32>
        %swap3A_267 = arith.constant 144 : index
        %swap3A_268 = tpu.vector_load %arg6[%swap3A_267] {strides = array<i32>} : memref<512xf32, #tpu.memory_space<vmem>>, vector<16xf32>,
        tpu.vector_store %arg6[%swap3A_267], %mul3A_266 {strides = array<i32>} : memref<512xf32, #tpu.memory_space<vmem>>, vector<16xf32>,
        %get3A_269 = arith.constant 160 : index
        %get3A_270 = tpu.vector_load %arg6[%get3A_269] {strides = array<i32>} : memref<512xf32, #tpu.memory_space<vmem>>, vector<16xf32>,
        %mul3A_271 = arith.mulf %get3A_270, %div3A_218 : vector<16xf32>
        %swap3A_272 = arith.constant 160 : index
        %swap3A_273 = tpu.vector_load %arg6[%swap3A_272] {strides = array<i32>} : memref<512xf32, #tpu.memory_space<vmem>>, vector<16xf32>,
        tpu.vector_store %arg6[%swap3A_272], %mul3A_271 {strides = array<i32>} : memref<512xf32, #tpu.memory_space<vmem>>, vector<16xf32>,
        %get3A_274 = arith.constant 176 : index
        %get3A_275 = tpu.vector_load %arg6[%get3A_274] {strides = array<i32>} : memref<512xf32, #tpu.memory_space<vmem>>, vector<16xf32>,
        %mul3A_276 = arith.mulf %get3A_275, %div3A_218 : vector<16xf32>
        %swap3A_277 = arith.constant 176 : index
        %swap3A_278 = tpu.vector_load %arg6[%swap3A_277] {strides = array<i32>} : memref<512xf32, #tpu.memory_space<vmem>>, vector<16xf32>,
        tpu.vector_store %arg6[%swap3A_277], %mul3A_276 {strides = array<i32>} : memref<512xf32, #tpu.memory_space<vmem>>, vector<16xf32>,
        %get3A_279 = arith.constant 192 : index
        %get3A_280 = tpu.vector_load %arg6[%get3A_279] {strides = array<i32>} : memref<512xf32, #tpu.memory_space<vmem>>, vector<16xf32>,
        %mul3A_281 = arith.mulf %get3A_280, %div3A_218 : vector<16xf32>
        %swap3A_282 = arith.constant 192 : index
        %swap3A_283 = tpu.vector_load %arg6[%swap3A_282] {strides = array<i32>} : memref<512xf32, #tpu.memory_space<vmem>>, vector<16xf32>,
        tpu.vector_store %arg6[%swap3A_282], %mul3A_281 {strides = array<i32>} : memref<512xf32, #tpu.memory_space<vmem>>, vector<16xf32>,
        %get3A_284 = arith.constant 208 : index
        %get3A_285 = tpu.vector_load %arg6[%get3A_284] {strides = array<i32>} : memref<512xf32, #tpu.memory_space<vmem>>, vector<16xf32>,
        %mul3A_286 = arith.mulf %get3A_285, %div3A_218 : vector<16xf32>
        %swap3A_287 = arith.constant 208 : index
        %swap3A_288 = tpu.vector_load %arg6[%swap3A_287] {strides = array<i32>} : memref<512xf32, #tpu.memory_space<vmem>>, vector<16xf32>,
        tpu.vector_store %arg6[%swap3A_287], %mul3A_286 {strides = array<i32>} : memref<512xf32, #tpu.memory_space<vmem>>, vector<16xf32>,
        %get3A_289 = arith.constant 224 : index
        %get3A_290 = tpu.vector_load %arg6[%get3A_289] {strides = array<i32>} : memref<512xf32, #tpu.memory_space<vmem>>, vector<16xf32>,
        %mul3A_291 = arith.mulf %get3A_290, %div3A_218 : vector<16xf32>
        %swap3A_292 = arith.constant 224 : index
        %swap3A_293 = tpu.vector_load %arg6[%swap3A_292] {strides = array<i32>} : memref<512xf32, #tpu.memory_space<vmem>>, vector<16xf32>,
        tpu.vector_store %arg6[%swap3A_292], %mul3A_291 {strides = array<i32>} : memref<512xf32, #tpu.memory_space<vmem>>, vector<16xf32>,
        %get3A_294 = arith.constant 240 : index
        %get3A_295 = tpu.vector_load %arg6[%get3A_294] {strides = array<i32>} : memref<512xf32, #tpu.memory_space<vmem>>, vector<16xf32>,
        %mul3A_296 = arith.mulf %get3A_295, %div3A_218 : vector<16xf32>
        %swap3A_297 = arith.constant 240 : index
        %swap3A_298 = tpu.vector_load %arg6[%swap3A_297] {strides = array<i32>} : memref<512xf32, #tpu.memory_space<vmem>>, vector<16xf32>,
        tpu.vector_store %arg6[%swap3A_297], %mul3A_296 {strides = array<i32>} : memref<512xf32, #tpu.memory_space<vmem>>, vector<16xf32>,
        %get3A_299 = arith.constant 256 : index
        %get3A_300 = tpu.vector_load %arg6[%get3A_299] {strides = array<i32>} : memref<512xf32, #tpu.memory_space<vmem>>, vector<16xf32>,
        %mul3A_301 = arith.mulf %get3A_300, %div3A_218 : vector<16xf32>
        %swap3A_302 = arith.constant 256 : index
        %swap3A_303 = tpu.vector_load %arg6[%swap3A_302] {strides = array<i32>} : memref<512xf32, #tpu.memory_space<vmem>>, vector<16xf32>,
        tpu.vector_store %arg6[%swap3A_302], %mul3A_301 {strides = array<i32>} : memref<512xf32, #tpu.memory_space<vmem>>, vector<16xf32>,
        %get3A_304 = arith.constant 272 : index
        %get3A_305 = tpu.vector_load %arg6[%get3A_304] {strides = array<i32>} : memref<512xf32, #tpu.memory_space<vmem>>, vector<16xf32>,
        %mul3A_306 = arith.mulf %get3A_305, %div3A_218 : vector<16xf32>
        %swap3A_307 = arith.constant 272 : index
        %swap3A_308 = tpu.vector_load %arg6[%swap3A_307] {strides = array<i32>} : memref<512xf32, #tpu.memory_space<vmem>>, vector<16xf32>,
        tpu.vector_store %arg6[%swap3A_307], %mul3A_306 {strides = array<i32>} : memref<512xf32, #tpu.memory_space<vmem>>, vector<16xf32>,
        %get3A_309 = arith.constant 288 : index
        %get3A_310 = tpu.vector_load %arg6[%get3A_309] {strides = array<i32>} : memref<512xf32, #tpu.memory_space<vmem>>, vector<16xf32>,
        %mul3A_311 = arith.mulf %get3A_310, %div3A_218 : vector<16xf32>
        %swap3A_312 = arith.constant 288 : index
        %swap3A_313 = tpu.vector_load %arg6[%swap3A_312] {strides = array<i32>} : memref<512xf32, #tpu.memory_space<vmem>>, vector<16xf32>,
        tpu.vector_store %arg6[%swap3A_312], %mul3A_311 {strides = array<i32>} : memref<512xf32, #tpu.memory_space<vmem>>, vector<16xf32>,
        %get3A_314 = arith.constant 304 : index
        %get3A_315 = tpu.vector_load %arg6[%get3A_314] {strides = array<i32>} : memref<512xf32, #tpu.memory_space<vmem>>, vector<16xf32>,
        %mul3A_316 = arith.mulf %get3A_315, %div3A_218 : vector<16xf32>
        %swap3A_317 = arith.constant 304 : index
        %swap3A_318 = tpu.vector_load %arg6[%swap3A_317] {strides = array<i32>} : memref<512xf32, #tpu.memory_space<vmem>>, vector<16xf32>,
        tpu.vector_store %arg6[%swap3A_317], %mul3A_316 {strides = array<i32>} : memref<512xf32, #tpu.memory_space<vmem>>, vector<16xf32>,
        %get3A_319 = arith.constant 320 : index
        %get3A_320 = tpu.vector_load %arg6[%get3A_319] {strides = array<i32>} : memref<512xf32, #tpu.memory_space<vmem>>, vector<16xf32>,
        %mul3A_321 = arith.mulf %get3A_320, %div3A_218 : vector<16xf32>
        %swap3A_322 = arith.constant 320 : index
        %swap3A_323 = tpu.vector_load %arg6[%swap3A_322] {strides = array<i32>} : memref<512xf32, #tpu.memory_space<vmem>>, vector<16xf32>,
        tpu.vector_store %arg6[%swap3A_322], %mul3A_321 {strides = array<i32>} : memref<512xf32, #tpu.memory_space<vmem>>, vector<16xf32>,
        %get3A_324 = arith.constant 336 : index
        %get3A_325 = tpu.vector_load %arg6[%get3A_324] {strides = array<i32>} : memref<512xf32, #tpu.memory_space<vmem>>, vector<16xf32>,
        %mul3A_326 = arith.mulf %get3A_325, %div3A_218 : vector<16xf32>
        %swap3A_327 = arith.constant 336 : index
        %swap3A_328 = tpu.vector_load %arg6[%swap3A_327] {strides = array<i32>} : memref<512xf32, #tpu.memory_space<vmem>>, vector<16xf32>,
        tpu.vector_store %arg6[%swap3A_327], %mul3A_326 {strides = array<i32>} : memref<512xf32, #tpu.memory_space<vmem>>, vector<16xf32>,
        %get3A_329 = arith.constant 352 : index
        %get3A_330 = tpu.vector_load %arg6[%get3A_329] {strides = array<i32>} : memref<512xf32, #tpu.memory_space<vmem>>, vector<16xf32>,
        %mul3A_331 = arith.mulf %get3A_330, %div3A_218 : vector<16xf32>
        %swap3A_332 = arith.constant 352 : index
        %swap3A_333 = tpu.vector_load %arg6[%swap3A_332] {strides = array<i32>} : memref<512xf32, #tpu.memory_space<vmem>>, vector<16xf32>,
        tpu.vector_store %arg6[%swap3A_332], %mul3A_331 {strides = array<i32>} : memref<512xf32, #tpu.memory_space<vmem>>, vector<16xf32>,
        %get3A_334 = arith.constant 368 : index
        %get3A_335 = tpu.vector_load %arg6[%get3A_334] {strides = array<i32>} : memref<512xf32, #tpu.memory_space<vmem>>, vector<16xf32>,
        %mul3A_336 = arith.mulf %get3A_335, %div3A_218 : vector<16xf32>
        %swap3A_337 = arith.constant 368 : index
        %swap3A_338 = tpu.vector_load %arg6[%swap3A_337] {strides = array<i32>} : memref<512xf32, #tpu.memory_space<vmem>>, vector<16xf32>,
        tpu.vector_store %arg6[%swap3A_337], %mul3A_336 {strides = array<i32>} : memref<512xf32, #tpu.memory_space<vmem>>, vector<16xf32>,
        %get3A_339 = arith.constant 384 : index
        %get3A_340 = tpu.vector_load %arg6[%get3A_339] {strides = array<i32>} : memref<512xf32, #tpu.memory_space<vmem>>, vector<16xf32>,
        %mul3A_341 = arith.mulf %get3A_340, %div3A_218 : vector<16xf32>
        %swap3A_342 = arith.constant 384 : index
        %swap3A_343 = tpu.vector_load %arg6[%swap3A_342] {strides = array<i32>} : memref<512xf32, #tpu.memory_space<vmem>>, vector<16xf32>,
        tpu.vector_store %arg6[%swap3A_342], %mul3A_341 {strides = array<i32>} : memref<512xf32, #tpu.memory_space<vmem>>, vector<16xf32>,
        %get3A_344 = arith.constant 400 : index
        %get3A_345 = tpu.vector_load %arg6[%get3A_344] {strides = array<i32>} : memref<512xf32, #tpu.memory_space<vmem>>, vector<16xf32>,
        %mul3A_346 = arith.mulf %get3A_345, %div3A_218 : vector<16xf32>
        %swap3A_347 = arith.constant 400 : index
        %swap3A_348 = tpu.vector_load %arg6[%swap3A_347] {strides = array<i32>} : memref<512xf32, #tpu.memory_space<vmem>>, vector<16xf32>,
        tpu.vector_store %arg6[%swap3A_347], %mul3A_346 {strides = array<i32>} : memref<512xf32, #tpu.memory_space<vmem>>, vector<16xf32>,
        %get3A_349 = arith.constant 416 : index
        %get3A_350 = tpu.vector_load %arg6[%get3A_349] {strides = array<i32>} : memref<512xf32, #tpu.memory_space<vmem>>, vector<16xf32>,
        %mul3A_351 = arith.mulf %get3A_350, %div3A_218 : vector<16xf32>
        %swap3A_352 = arith.constant 416 : index
        %swap3A_353 = tpu.vector_load %arg6[%swap3A_352] {strides = array<i32>} : memref<512xf32, #tpu.memory_space<vmem>>, vector<16xf32>,
        tpu.vector_store %arg6[%swap3A_352], %mul3A_351 {strides = array<i32>} : memref<512xf32, #tpu.memory_space<vmem>>, vector<16xf32>,
        %get3A_354 = arith.constant 432 : index
        %get3A_355 = tpu.vector_load %arg6[%get3A_354] {strides = array<i32>} : memref<512xf32, #tpu.memory_space<vmem>>, vector<16xf32>,
        %mul3A_356 = arith.mulf %get3A_355, %div3A_218 : vector<16xf32>
        %swap3A_357 = arith.constant 432 : index
        %swap3A_358 = tpu.vector_load %arg6[%swap3A_357] {strides = array<i32>} : memref<512xf32, #tpu.memory_space<vmem>>, vector<16xf32>,
        tpu.vector_store %arg6[%swap3A_357], %mul3A_356 {strides = array<i32>} : memref<512xf32, #tpu.memory_space<vmem>>, vector<16xf32>,
        %get3A_359 = arith.constant 448 : index
        %get3A_360 = tpu.vector_load %arg6[%get3A_359] {strides = array<i32>} : memref<512xf32, #tpu.memory_space<vmem>>, vector<16xf32>,
        %mul3A_361 = arith.mulf %get3A_360, %div3A_218 : vector<16xf32>
        %swap3A_362 = arith.constant 448 : index
        %swap3A_363 = tpu.vector_load %arg6[%swap3A_362] {strides = array<i32>} : memref<512xf32, #tpu.memory_space<vmem>>, vector<16xf32>,
        tpu.vector_store %arg6[%swap3A_362], %mul3A_361 {strides = array<i32>} : memref<512xf32, #tpu.memory_space<vmem>>, vector<16xf32>,
        %get3A_364 = arith.constant 464 : index
        %get3A_365 = tpu.vector_load %arg6[%get3A_364] {strides = array<i32>} : memref<512xf32, #tpu.memory_space<vmem>>, vector<16xf32>,
        %mul3A_366 = arith.mulf %get3A_365, %div3A_218 : vector<16xf32>
        %swap3A_367 = arith.constant 464 : index
        %swap3A_368 = tpu.vector_load %arg6[%swap3A_367] {strides = array<i32>} : memref<512xf32, #tpu.memory_space<vmem>>, vector<16xf32>,
        tpu.vector_store %arg6[%swap3A_367], %mul3A_366 {strides = array<i32>} : memref<512xf32, #tpu.memory_space<vmem>>, vector<16xf32>,
        %get3A_369 = arith.constant 480 : index
        %get3A_370 = tpu.vector_load %arg6[%get3A_369] {strides = array<i32>} : memref<512xf32, #tpu.memory_space<vmem>>, vector<16xf32>,
        %mul3A_371 = arith.mulf %get3A_370, %div3A_218 : vector<16xf32>
        %swap3A_372 = arith.constant 480 : index
        %swap3A_373 = tpu.vector_load %arg6[%swap3A_372] {strides = array<i32>} : memref<512xf32, #tpu.memory_space<vmem>>, vector<16xf32>,
        tpu.vector_store %arg6[%swap3A_372], %mul3A_371 {strides = array<i32>} : memref<512xf32, #tpu.memory_space<vmem>>, vector<16xf32>,
        %get3A_374 = arith.constant 496 : index
        %get3A_375 = tpu.vector_load %arg6[%get3A_374] {strides = array<i32>} : memref<512xf32, #tpu.memory_space<vmem>>, vector<16xf32>,
        %mul3A_376 = arith.mulf %get3A_375, %div3A_218 : vector<16xf32>
        %swap3A_377 = arith.constant 496 : index
        %swap3A_378 = tpu.vector_load %arg6[%swap3A_377] {strides = array<i32>} : memref<512xf32, #tpu.memory_space<vmem>>, vector<16xf32>,
        tpu.vector_store %arg6[%swap3A_377], %mul3A_376 {strides = array<i32>} : memref<512xf32, #tpu.memory_space<vmem>>, vector<16xf32>,
        %mul3A_379 = arith.constant 512 : i32
        %mul3A_380 = arith.muli %add3A_11, %mul3A_379 : i32
        "tpu.region"() ({
          %run_scoped3A_384 = tpu.sem_alloc : memref<!tpu.dma_semaphore, #tpu.memory_space<semaphore_mem>>
          %dma_start3A = tpu.memref_slice %arg4[%mul3A_380] : memref<65536xf32, #tpu.memory_space<hbm>> -> memref<512xf32, #tpu.memory_space<hbm>>
          %dma_start3A_385 = tpu.memref_slice %arg4[%mul3A_380] : memref<65536xf32, #tpu.memory_space<hbm>> -> memref<512xf32, #tpu.memory_space<hbm>>
          tpu.enqueue_dma source(%arg6 : memref<512xf32, #tpu.memory_space<vmem>>) target(%dma_start3A_385 : memref<512xf32, #tpu.memory_space<hbm>>) target_semaphore(%run_scoped3A_384 : memref<!tpu.dma_semaphore, #tpu.memory_space<semaphore_mem>>)
          %dma_wait3A = tpu.memref_slice %arg4[%mul3A_380] : memref<65536xf32, #tpu.memory_space<hbm>> -> memref<512xf32, #tpu.memory_space<hbm>>
          %dma_wait3A_386 = tpu.memref_slice %arg4[%mul3A_380] : memref<65536xf32, #tpu.memory_space<hbm>> -> memref<512xf32, #tpu.memory_space<hbm>>
          tpu.wait_dma2 semaphore(%run_scoped3A_384 : memref<!tpu.dma_semaphore, #tpu.memory_space<semaphore_mem>>) src(%arg6 : memref<512xf32, #tpu.memory_space<vmem>>) dst(%dma_wait3A_386 : memref<512xf32, #tpu.memory_space<hbm>>)
          tpu.yield
        }) : () -> ()
        %mul3A_381 = arith.constant 512 : i32
        %mul3A_382 = arith.muli %add3A_11, %mul3A_381 : i32
        "tpu.region"() ({
          %run_scoped3A_384 = tpu.sem_alloc : memref<!tpu.dma_semaphore, #tpu.memory_space<semaphore_mem>>
          %dma_start3A = tpu.memref_slice %arg5[%mul3A_382] : memref<65536xf32, #tpu.memory_space<hbm>> -> memref<512xf32, #tpu.memory_space<hbm>>
          %dma_start3A_385 = tpu.memref_slice %arg5[%mul3A_382] : memref<65536xf32, #tpu.memory_space<hbm>> -> memref<512xf32, #tpu.memory_space<hbm>>
          tpu.enqueue_dma source(%arg7 : memref<512xf32, #tpu.memory_space<vmem>>) target(%dma_start3A_385 : memref<512xf32, #tpu.memory_space<hbm>>) target_semaphore(%run_scoped3A_384 : memref<!tpu.dma_semaphore, #tpu.memory_space<semaphore_mem>>)
          %dma_wait3A = tpu.memref_slice %arg5[%mul3A_382] : memref<65536xf32, #tpu.memory_space<hbm>> -> memref<512xf32, #tpu.memory_space<hbm>>
          %dma_wait3A_386 = tpu.memref_slice %arg5[%mul3A_382] : memref<65536xf32, #tpu.memory_space<hbm>> -> memref<512xf32, #tpu.memory_space<hbm>>
          tpu.wait_dma2 semaphore(%run_scoped3A_384 : memref<!tpu.dma_semaphore, #tpu.memory_space<semaphore_mem>>) src(%arg7 : memref<512xf32, #tpu.memory_space<vmem>>) dst(%dma_wait3A_386 : memref<512xf32, #tpu.memory_space<hbm>>)
          tpu.yield
        }) : () -> ()
        %scan3A_383 = arith.constant 0 : i32
        scf.yield %scan3A_383 : i32
      }
      %scan3A_8 = arith.constant 4 : i32
      tpu.yield
    }) : () -> ()
    return
  }
}

module attributes {stable_mosaic.version = 14 : i64} {
  func.func @_proj_body(%arg0: memref<128x512xf32, #tpu.memory_space<vmem>>, %arg1: memref<128x512xf32, #tpu.memory_space<vmem>>, %arg2: memref<512x3072xf32, #tpu.memory_space<vmem>>, %arg3: memref<1x512xf32, #tpu.memory_space<vmem>>, %arg4: memref<128x512xf32, #tpu.memory_space<vmem>>) attributes {dimension_semantics = [], scalar_prefetch = 0 : i64, scratch_operands = 0 : i64, tpu.core_type = #tpu.core_type<tc>} {
    %get3A = arith.constant 0 : index
    %get3A_0 = arith.constant 0 : index
    %get3A_1 = vector.load %arg2[%get3A, %get3A_0] : memref<512x3072xf32, #tpu.memory_space<vmem>>, vector<512x3072xf32>
    %slice3A = vector.extract_strided_slice %get3A_1 {offsets = [0, 0], sizes = [512, 512], strides = [1, 1]} : vector<512x3072xf32> to vector<512x512xf32>
    %slice3A_2 = vector.extract_strided_slice %get3A_1 {offsets = [0, 1024], sizes = [512, 512], strides = [1, 1]} : vector<512x3072xf32> to vector<512x512xf32>
    %add3A = arith.addf %slice3A, %slice3A_2 : vector<512x512xf32>
    %slice3A_3 = vector.extract_strided_slice %get3A_1 {offsets = [0, 2048], sizes = [512, 512], strides = [1, 1]} : vector<512x3072xf32> to vector<512x512xf32>
    %add3A_4 = arith.addf %add3A, %slice3A_3 : vector<512x512xf32>
    %slice3A_5 = vector.extract_strided_slice %get3A_1 {offsets = [0, 512], sizes = [512, 512], strides = [1, 1]} : vector<512x3072xf32> to vector<512x512xf32>
    %slice3A_6 = vector.extract_strided_slice %get3A_1 {offsets = [0, 1536], sizes = [512, 512], strides = [1, 1]} : vector<512x3072xf32> to vector<512x512xf32>
    %add3A_7 = arith.addf %slice3A_5, %slice3A_6 : vector<512x512xf32>
    %slice3A_8 = vector.extract_strided_slice %get3A_1 {offsets = [0, 2560], sizes = [512, 512], strides = [1, 1]} : vector<512x3072xf32> to vector<512x512xf32>
    %add3A_9 = arith.addf %add3A_7, %slice3A_8 : vector<512x512xf32>
    %get3A_10 = arith.constant 0 : index
    %get3A_11 = arith.constant 0 : index
    %get3A_12 = vector.load %arg0[%get3A_10, %get3A_11] : memref<128x512xf32, #tpu.memory_space<vmem>>, vector<128x512xf32>
    %dot_general3A = arith.constant dense<0.000000e+00> : vector<128x512xf32>
    %dot_general3A_13 = tpu.matmul %get3A_12, %add3A_4, %dot_general3A {dimension_numbers = #tpu.dot_dimension_numbers<[1], [1], [0], [0], [0, 0, 1, 0], [], []>, transpose_lhs_hint = false} : vector<128x512xf32>, vector<512x512xf32>, vector<128x512xf32> -> vector<128x512xf32>
    %get3A_14 = arith.constant 0 : index
    %get3A_15 = arith.constant 0 : index
    %get3A_16 = vector.load %arg1[%get3A_14, %get3A_15] : memref<128x512xf32, #tpu.memory_space<vmem>>, vector<128x512xf32>
    %dot_general3A_17 = arith.constant dense<0.000000e+00> : vector<128x512xf32>
    %dot_general3A_18 = tpu.matmul %get3A_16, %add3A_9, %dot_general3A_17 {dimension_numbers = #tpu.dot_dimension_numbers<[1], [1], [0], [0], [0, 0, 1, 0], [], []>, transpose_lhs_hint = false} : vector<128x512xf32>, vector<512x512xf32>, vector<128x512xf32> -> vector<128x512xf32>
    %add3A_19 = arith.addf %dot_general3A_13, %dot_general3A_18 : vector<128x512xf32>
    %get3A_20 = arith.constant 0 : index
    %get3A_21 = arith.constant 0 : index
    %get3A_22 = vector.load %arg3[%get3A_20, %get3A_21] : memref<1x512xf32, #tpu.memory_space<vmem>>, vector<1x512xf32>
    %add3A_23 = vector.broadcast %get3A_22 : vector<1x512xf32> to vector<128x512xf32>
    %add3A_24 = arith.addf %add3A_19, %add3A_23 : vector<128x512xf32>
    %swap3A = arith.constant 0 : index
    %swap3A_25 = arith.constant 0 : index
    %swap3A_26 = vector.load %arg4[%swap3A, %swap3A_25] : memref<128x512xf32, #tpu.memory_space<vmem>>, vector<128x512xf32>
    tpu.vector_store %arg4[%swap3A, %swap3A_25], %add3A_24 {strides = array<i32>} : memref<128x512xf32, #tpu.memory_space<vmem>>, vector<128x512xf32>,
    return
  }
}

</mosaic_0001>

<sc_bundles>
// kernel: kernel.4.cloned.1.call-start
scs
__scs_entry_jumppad:
0x0: {  	(pc) =	sbr.rel $0x88, $3  }
0x1: {  	(tag) =	ssettag $0x0;
	lr =	simm.s32 $0x1  }
0x2: {  	[smem:$0x3F9D] =	sst lr;
	_ =	strace $0xD0000000  }
0x3: {  	_ = 	snop  }
0x4: {  	_ = 	snop  }
0x5: {  	_ = 	snop  }
0x6: {  	_ = 	snop  }
0x7: {  	_ = 	snop  }
__scs_overlays_trampoline_lowered:
0x8: {  	[smem:$0x3FAC] =	sst s0  }
0x9: {  	[smem:$0x3FAD] =	sst s1  }
0xa: {  	[smem:$0x3FAE] =	sst s2  }
0xb: {  	[smem:$0x3FAF] =	sst s3  }
0xc: {  	[smem:$0x3FB0] =	sst s4  }
0xd: {  	[smem:$0x3FB1] =	sst s5  }
0xe: {  	[smem:$0x3FB2] =	sst s6  }
0xf: {  	[smem:$0x3FB3] =	sst s7  }
0x10: {  	[smem:$0x3FB4] =	sst s8  }
0x11: {  	[smem:$0x3FB5] =	sst s9;
	s0 =	simm.s32 @!p0 $0x0  }
0x12: {  	s1 =	sld [smem:$0x3F9B];
	s0 =	simm.s32 @p0 $0x1  }
0x13: {  	[smem:$0x3FB6] =	sst s0;
	s0 =	simm.s32 @!p1 $0x0  }
0x14: {  	s2 =	sld [smem:$0x3F9A];
	s0 =	simm.s32 @p1 $0x1  }
0x15: {  	[smem:$0x3FB7] =	sst s0;
	s0 =	simm.s32 @!p2 $0x0  }
0x16: {  	s3 =	sld [smem:$0x3FDB];
	s0 =	simm.s32 @p2 $0x1  }
0x17: {  	s4 =	simm.s32 $0x1BF5;
	[smem:$0x3FB9] =	sst s0  }
0x18: {  	s0 =	sld [smem:$0x3F9C];
	_ =	swait.ge [sflag:s4], $0x0  }
0x19: {  	s7 =	sld [smem:$0x3F9D]  }
0x1a: {  	s8 =	sadd.s32 $0xFFFFE003, lr  }
0x1b: {  	s9 =	sadd.s32 $0xFFFFFEF7, lr;
	s5 =	simm.s32 $0xFFFFFFFF;
	p2 =	slt.u32 s8, $0xFFFFF086  }
0x1c: {  	p1 =	slt.u32 s9, $0xF7A;
	s5 =	simm.s32 @!p2 $0x0  }
0x1d: {  	s5 =	simm.s32 @p1 $0x1;
	p0 =	seq.s32 s7, s2  }
0x1e: {  	s7 =	smul.u32 @!p0 $0xF7A, s2;
	p2 =	seq.s32 @!p0 s5, $0x0  }
0x1f: {  	s9 =	smul.u32 $0xF7A, s1;
	s8 =	simm.s32 @!p0 $0x1BF5;
	p2 =	por !p2, p0  }
0x20: {  	[sflag:s8] =	ssyncset.s32 @!p0 $0xFFFFF086;
	s6 =	sadd.s32 @!p0 s3, s7;
	s7 =	simm.s32 @!p0 $0x108  }
0x21: {  	s3 =	sadd.s32 s3, s9;
	s6 =	sadd.s32 @!p0 $0x88, s6;
	s7 =	simm.s32 @p2 $0x1082  }
0x22: {  	[simem:s7], [sflag:s8] =	dma.local @!p0 [hbm:s6], $0xF7A  }
0x23: {  	s9 =	sor.u32 $0xD0000000, s2;
	s6 =	simm.s32 $0x108;
	_ =	swait.ge @!p0 [sflag:s8], $0x0  }
0x24: {  	s3 =	sadd.s32 $0x88, s3;
	s6 =	simm.s32 @!p1 $0x1082;
	[sflag:s4] =	ssyncset.s32 $0xFFFFF086  }
0x25: {  	[simem:s6], [sflag:s4] =	dma.local [hbm:s3], $0xF7A  }
0x26: {  	[smem:$0x3F9D] =	sst s1;
	(tag) =	ssettag s2;
	_ =	strace s9  }
0x27: {  	s1 =	sld [smem:$0x3FAD]  }
0x28: {  	s2 =	sld [smem:$0x3FAE]  }
0x29: {  	s4 =	sld [smem:$0x3FB0]  }
0x2a: {  	p0 =	seq.s32 s5, $0x0;
	s5 =	sld [smem:$0x3FB1]  }
0x2b: {  	s6 =	sld [smem:$0x3FB2]  }
0x2c: {  	s7 =	sld [smem:$0x3FB3]  }
0x2d: {  	s3 =	simm.s32 $0x108;
	s8 =	sld [smem:$0x3FB4]  }
0x2e: {  	s3 =	simm.s32 @!p0 $0x1082;
	s9 =	sld [smem:$0x3FB5]  }
0x2f: {  	lr =	sadd.s32 s0, s3;
	s0 =	sld [smem:$0x3FAC]  }
0x30: {  	s3 =	sld [smem:$0x3FAF]  }
0x31: {  	[smem:$0x3FB8] =	sst s10  }
0x32: {  	s10 =	sld [smem:$0x3FB6];
	_ =	sdelay $0x3  }
0x33: {  	p0 =	seq.s32 s10, $0x1;
	s10 =	sld [smem:$0x3FB8];
	_ =	sdelay $0x3  }
0x34: {  	[smem:$0x3FB8] =	sst s10  }
0x35: {  	s10 =	sld [smem:$0x3FB7];
	_ =	sdelay $0x3  }
0x36: {  	p1 =	seq.s32 s10, $0x1;
	s10 =	sld [smem:$0x3FB8];
	_ =	sdelay $0x3  }
0x37: {  	[smem:$0x3FB8] =	sst s10  }
0x38: {  	s10 =	sld [smem:$0x3FB9]  }
0x39: {  	_ = 	snop;
	(pc) =	sbr.ind lr, $3  }
0x3a: {  	_ = 	snop  }
0x3b: {  	_ = 	snop  }
0x3c: {  	p2 =	seq.s32 s10, $0x1;
	s10 =	sld [smem:$0x3FB8]  }
0x3d: {  	_ =	shalt  }
0x3e: {  	_ =	shalt  }
0x3f: {  	_ =	shalt  }
0x40: {  	_ =	shalt  }
0x41: {  	_ =	shalt  }
0x42: {  	_ =	shalt  }
0x43: {  	_ =	shalt  }
0x44: {  	_ =	shalt  }
0x45: {  	_ =	shalt  }
0x46: {  	_ =	shalt  }
0x47: {  	_ =	shalt  }
0x48: {  	_ =	shalt  }
0x49: {  	_ =	shalt  }
0x4a: {  	_ =	shalt  }
0x4b: {  	_ =	shalt  }
0x4c: {  	_ =	shalt  }
0x4d: {  	_ =	shalt  }
0x4e: {  	_ =	shalt  }
0x4f: {  	_ =	shalt  }
0x50: {  	_ =	shalt  }
0x51: {  	_ =	shalt  }
0x52: {  	_ =	shalt  }
0x53: {  	_ =	shalt  }
0x54: {  	_ =	shalt  }
0x55: {  	_ =	shalt  }
0x56: {  	_ =	shalt  }
0x57: {  	_ =	shalt  }
0x58: {  	_ =	shalt  }
0x59: {  	_ =	shalt  }
0x5a: {  	_ =	shalt  }
0x5b: {  	_ =	shalt  }
0x5c: {  	_ =	shalt  }
0x5d: {  	_ =	shalt  }
0x5e: {  	_ =	shalt  }
0x5f: {  	_ =	shalt  }
0x60: {  	_ =	shalt  }
0x61: {  	_ =	shalt  }
0x62: {  	_ =	shalt  }
0x63: {  	_ =	shalt  }
0x64: {  	_ =	shalt  }
0x65: {  	_ =	shalt  }
0x66: {  	_ =	shalt  }
0x67: {  	_ =	shalt  }
0x68: {  	_ =	shalt  }
0x69: {  	_ =	shalt  }
0x6a: {  	_ =	shalt  }
0x6b: {  	_ =	shalt  }
0x6c: {  	_ =	shalt  }
0x6d: {  	_ =	shalt  }
0x6e: {  	_ =	shalt  }
0x6f: {  	_ =	shalt  }
0x70: {  	_ =	shalt  }
0x71: {  	_ =	shalt  }
0x72: {  	_ =	shalt  }
0x73: {  	_ =	shalt  }
0x74: {  	_ =	shalt  }
0x75: {  	_ =	shalt  }
0x76: {  	_ =	shalt  }
0x77: {  	_ =	shalt  }
0x78: {  	_ =	shalt  }
0x79: {  	_ =	shalt  }
0x7a: {  	_ =	shalt  }
0x7b: {  	_ =	shalt  }
0x7c: {  	_ =	shalt  }
0x7d: {  	_ =	shalt  }
0x7e: {  	_ =	shalt  }
0x7f: {  	_ =	shalt  }
0x80: {  	_ =	shalt  }
0x81: {  	_ =	shalt  }
0x82: {  	_ =	shalt  }
0x83: {  	_ =	shalt  }
0x84: {  	_ =	shalt  }
0x85: {  	_ =	shalt  }
0x86: {  	_ =	shalt  }
0x87: {  	_ =	shalt  }
.Lfunc_end0:
.L_simem_size_0:
called_computation_lowered:
.L_overlay_start_0:
0x88: {  	s2 =	sld [smem:$0x3FD9]  }
0x89: {  	s3 =	sld [smem:$0x3FFE];
	_ =	sdelay $0x1  }
0x8a: {  	s1 =	srdreg.scid  }
0x8b: {  	s0 =	sand.u32 $0x1, s1  }
0x8c: {  	s17 =	sshll.u32 s0, $0xA;
	s2 =	sadd.s32 s3, s2  }
0x8d: {  	s2 =	sadd.s32 s2, s17  }
0x8e: {  	[smem:$0x3FC4] =	sst s2  }
0x8f: {  	_ = 	snop  }
0x90: {  	s2 =	sld [smem:$0x3FC9]  }
0x91: {  	s18 =	sld [smem:$0x3FC8]  }
0x92: {  	s4 =	sld [smem:$0x3FD0];
	(tm) =	ssettm $0x1  }
0x93: {  	s5 =	sld [smem:$0x3FFB];
	_ =	sdelay $0x3  }
0x94: {  	_ =	strace s5  }
0x95: {  	s5 =	sld [smem:$0x3FFC];
	_ =	sdelay $0x3  }
0x96: {  	_ =	strace s5  }
0x97: {  	s5 =	sld [smem:$0x3FFD];
	_ =	sdelay $0x3  }
0x98: {  	_ =	strace s5  }
0x99: {  	_ =	strace $0x8FFFFFFF  }
0x9a: {  	s19 =	sld [smem:$0x3FDB];
	_ =	sdelay $0x1  }
0x9b: {  	s6 =	simm.s32 $_scs_section_size  }
0x9c: {  	s7 =	simm.s32 $_size__tile_overlayer_lowered;
	s8 =	simm.s32 $_tile_overlayer_lowered  }
0x9d: {  	s22 =	simm.s32 $0x1BFF;
	s21 =	sshll.u32 s8, $0x1;
	s5 =	sadd.s32 s6, s19  }
0x9e: {  	s9 =	simm.s32 $0x0;
	s20 =	sshll.u32 s7, $0x1;
	s7 =	sadd.s32 s21, s5  }
0x9f: {  	[timem:s9], [sflag:s22] =	dma.local [hbm:s7], s20  }
0xa0: {  	_ =	swait.ge [sflag:s22], s20  }
0xa1: {  	s6 =	ssub.s32 $0x0, s20;
	[sflag:s22] =	ssyncset.done $0x0  }
0xa2: {  	[sflag:s22] =	ssyncadd.s32 s6;
	_ =	sdelay $0x1  }
0xa3: {  	s23 =	simm.s32 $0x1B8B  }
0xa4: {  	_ =	swait.ge [sflag:s23], $0x1  }
0xa5: {  	[sflag:s23] =	ssyncset.done $0x0  }
0xa6: {  	s25 =	simm.s32 $0x1B8E;
	s24 =	sld [smem:$0x3FFE];
	[sflag:s23] =	ssyncadd.s32 $0xFFFFFFFF  }
0xa7: {  	s26 =	simm.s32 $execute0_lowered;
	[smem:$0x3FD2] =	sst s25  }
0xa8: {  	s7 =	sshll.u32 s26, $0x1;
	_ =	strace $0x80000046;
	[dreg:$0x1] =	wrdreg $0xFFFFFFFF  }
0xa9: {  	s28 =	simm.s32 $_size_execute0_lowered;
	s5 =	sadd.s32 s5, s7;
	[dreg:$0x0] =	wrdreg $0x0  }
0xaa: {  	s7 =	sshll.u32 s28, $0x1;
	[dreg:$0x2] =	wrdreg s5  }
0xab: {  	[dreg:$0x3] =	wrdreg s7  }
0xac: {  	[dreg:$0x4] =	wrdreg $0xC0  }
0xad: {  	_ =	task [dreg:s9], $0x5FFFF  }
0xae: {  	[dreg:$0x1] =	wrdreg $0xFFFFFFFF  }
0xaf: {  	[dreg:$0x0] =	wrdreg $0x60  }
0xb0: {  	[dreg:$0x2] =	wrdreg s2  }
0xb1: {  	[dreg:$0x3] =	wrdreg s18  }
0xb2: {  	[dreg:$0x4] =	wrdreg s4  }
0xb3: {  	[dreg:$0x5] =	wrdreg s24  }
0xb4: {  	[dreg:$0x6] =	wrdreg $0x9  }
0xb5: {  	_ =	task.clear_ibuf [dreg:s9], $0x7FFFF;
	_ =	strace $0x90000046  }
0xb6: {  	s29 =	simm.s32 $0x9;
	_ =	strace $0x80000048  }
0xb7: {  	_ =	swait.ge [sflag:s29], $0x1  }
0xb8: {  	[sflag:s29] =	ssyncadd.s32 $0xFFFFFFFF  }
0xb9: {  	_ =	strace $0x90000048  }
0xba: {  	_ =	sfence  }
0xbb: {  	s30 =	sld [smem:$0x0];
	_ =	sdelay $0x2  }
0xbc: {  	s31 =	sshll.u32 s1, $0xD;
	s1 =	sshrl.u32 s1, $0x2  }
0xbd: {  	s3 =	sand.u32 $0x4000, s31;
	s1 =	sadd.s32 s1, s30  }
0xbe: {  	s0 =	sor.u32 s3, s0;
	s1 =	sshll.u32 s1, $0x11  }
0xbf: {  	s0 =	sor.u32 s1, s0  }
0xc0: {  	s0 =	sadd.s32 $0x8F2B, s0  }
0xc1: {  	[sflag:s0] =	ssyncadd.remote.s32 $0x1  }
0xc2: {  	_ =	sfence.sel $0xFFFF  }
0xc3: {  	[dreg:$0x0] =	wrdreg $0xFFFFFFFF;
	(pc) =	sbr.abs _section_cstart, $3  }
0xc4: {  	[dreg:$0x1] =	wrdreg $0xFFFFFFFF  }
0xc5: {  	_ =	task.clear_ibuf [dreg:s9], $0x2FFFF;
	_ =	strace $0x9FFFFFFF  }
0xc6: {  	(tm) =	ssettm $0x7FFFFFFF  }
0xc7: {  	_ =	shalt  }
tec
execute0_lowered:
.L_overlay_start_1:
0x0: {  	(tag) =	ssettag $0x1  }
0x1: {  	s0 =	rddreg [dreg:$0x3];
	s2 =	simm.s32 $0x0;
	s1 =	srdreg.scid  }
0x2: {  	s3 =	stileid.u32;
	[smem:$0x7FF] =	sst s2  }
0x3: {  	s1 =	sand.u32 $0x1, s1;
	s3 =	sshll.u32 s3, $0x3;
	s0 =	sadd.s32 $0xC00, s0  }
0x4: {  	s30 =	ssub.s32 $0x2, s1;
	s1 =	sshll.u32 s1, $0x2;
	_ =	strace $0x80000047  }
0x5: {  	[dreg:$0x5] =	wrdreg s0;
	s4 =	sshrl.u32 s30, $0x1;
	s6 =	sor.u32 s1, s3  }
.Ltmp0:
0x6: {  	s7 =	sor.u32 $0x2, s6;
	[dreg:$0xc] =	wrdreg s6;
	(pc) =	sbr.rel .LBB2_1-.Ltmp0, $4  }
0x7: {  	s31 =	ssub.s32 s30, s4;
	s8 =	sor.u32 $0x3, s6;
	[dreg:$0x6] =	wrdreg s7  }
0x8: {  	v5 =	vimm.s32 $0x0;
	v6 =	vimm.f32 $0.0e+00;
	s1 =	sor.u32 $0x1, s6;
	s9 =	sadd.s32 $0x4, s6;
	[dreg:$0x7] =	wrdreg s8  }
0x9: {  	v7 =	vimm.f32 $-Inf;
	v0 =	vmov s6;
	v1 =	vmov s1;
	s0 =	smax.u32 s31, $0x1;
	[dreg:$0x8] =	wrdreg s9  }
0xa: {  	v2 =	vmov s7;
	v3 =	vmov s8;
	v4 =	vmov s9;
	s1 =	simm.s32 $0x0;
	[dreg:$0x9] =	wrdreg s0  }
.LBB2_34:
0xb: {  	s1 =	rddreg [dreg:$0xa]  }
0xc: {  	s0 =	rddreg [dreg:$0x9];
	s1 =	sadd.s32 $0x1, s1  }
0xd: {  	p0 =	sne.s32 s1, s0  }
.Ltmp1:
0xe: {  	_ = 	snop;
	(pc) =	sbr.rel @!p0 .LBB2_35-.Ltmp1, $4  }
0xf: {  	_ = 	snop  }
0x10: {  	s7 =	rddreg [dreg:$0x6]  }
0x11: {  	s8 =	rddreg [dreg:$0x7]  }
0x12: {  	s9 =	rddreg [dreg:$0x8]  }
.LBB2_1:
0x13: {  	s0 =	rddreg [dreg:$0x1]  }
0x14: {  	s26 =	simm.s32 $0x0;
	s2 =	simm.s32 $0x400;
	s28 =	simm.s32 $0xC35  }
0x15: {  	[tilespmem:s2], [sflag:$0x4] =	stream.linear.gather [hbm4b:s0+s26], $0xC380, $0x38;
	[tilespmem:$0x1E400] =	vst v63  }
0x16: {  	s0 =	sand.u32 $0x1, s28  }
0x17: {  	p0 =	por $0x0, $0x0;
	p1 =	seq.s32 s0, $0x1  }
0x18: {  	p0 =	por !p0, !p1  }
0x19: {  	s0 =	simm.s32 $0x1;
	p0 =	por !p0, !p0  }
0x1a: {  	s0 =	simm.s32 @!p0 $0x0  }
0x1b: {  	[dreg:$0xa] =	wrdreg s1;
	s0 =	ssub.s32 $0x61A, s0  }
0x1c: {  	s29 =	simm.s32 $0x4;
	p0 =	slt.s32 s0, $0xC34;
	s1 =	smov.u32 s0  }
0x1d: {  	_ =	swait.ge [sflag:s29], $0xC380;
	s1 =	simm.s32 @!p0 $0xC34  }
0x1e: {  	[sflag:s29] =	ssyncset.done $0x0;
	s1 =	sshll.u32 s1, $0x6  }
0x1f: {  	[sflag:s29] =	ssyncadd.s32 $0xFFFF3C80;
	s1 =	sshra.s32 s1, $0x2  }
0x20: {  	v8 =	vld [tilespmem:s1+$0x400];
	_ =	sdelay $0x4  }
0x21: {  	v8 =	vxor.u32 $0x80000000, v8  }
0x22: {  	(xrf0) =	vmax.scan.msk.u32 $0xffff, v8;
	_ =	sdelay $0x5  }
0x23: {  	v8, _, _ =	vpop (xrf0)  }
0x24: {  	(v2sf) =	vpush v8, $0xF;
	_ =	sdelay $0xe  }
0x25: {  	s30 =	spop (v2sf)  }
0x26: {  	s3 =	simm.s32 $0x0;
	s2 =	simm.s32 $0xB;
	s31 =	sxor.u32 $0x80000000, s30  }
0x27: {  	s4 =	sadd.s32 $0x1, s0;
	s1 =	simm.s32 $0xC35;
	p1 =	slt.s32 s31, s6  }
0x28: {  	p0 =	sge.s32 s31, s6;
	s3 =	smov.u32 @p1 s4;
	s4 =	simm.s32 $0xC35  }
0x29: {  	p1 =	por $0x1, $0x1;
	s4 =	smov.u32 @p0 s0;
	s0 =	simm.s32 $0x0  }
.LBB2_2:
0x2a: {  	p0 =	sne.s32 s2, $0x1;
	s0 =	smov.u32 @p1 s3;
	s1 =	smov.u32 @p1 s4  }
0x2b: {  	s2 =	sadd.s32 $0xFFFFFFFF, s2;
	s3 =	sadd.s32 s0, s1  }
0x2c: {  	s4 =	sshrl.u32 s3, $0x1F;
	s5 =	sand.u32 $0x1, s3  }
0x2d: {  	p1 =	slt.s32 s3, $0x1;
	s4 =	sadd.s32 s4, s3;
	p2 =	seq.s32 s5, $0x1  }
0x2e: {  	p1 =	por !p1, !p2  }
0x2f: {  	s3 =	sshra.s32 s4, $0x1;
	s4 =	simm.s32 $0x1;
	p1 =	por !p1, !p1  }
0x30: {  	s4 =	simm.s32 @!p1 $0x0  }
0x31: {  	s5 =	ssub.s32 s3, s4  }
0x32: {  	p1 =	slt.s32 s5, $0xC34;
	s3 =	smov.u32 s5  }
0x33: {  	s3 =	simm.s32 @!p1 $0xC34  }
0x34: {  	s3 =	sshll.u32 s3, $0x6  }
0x35: {  	s3 =	sshra.s32 s3, $0x2  }
0x36: {  	v8 =	vld [tilespmem:s3+$0x400];
	_ =	sdelay $0x4  }
0x37: {  	v8 =	vxor.u32 $0x80000000, v8  }
0x38: {  	(xrf0) =	vmax.scan.msk.u32 $0xffff, v8;
	_ =	sdelay $0x5  }
0x39: {  	v8, _, _ =	vpop (xrf0)  }
0x3a: {  	(v2sf) =	vpush v8, $0xF;
	_ =	sdelay $0xe  }
.Ltmp2:
0x3b: {  	s3 =	spop (v2sf);
	(pc) =	sbr.rel @p0 .LBB2_2-.Ltmp2, $4  }
0x3c: {  	s4 =	sadd.s32 $0x1, s5;
	s3 =	sxor.u32 $0x80000000, s3  }
0x3d: {  	p2 =	sge.s32 s3, s6;
	p3 =	slt.s32 s3, s6;
	s3 =	smov.u32 s0  }
0x3e: {  	s3 =	smov.u32 @p3 s4;
	s4 =	smov.u32 s1  }
0x3f: {  	p1 =	slt.s32 s0, s1;
	s4 =	smov.u32 @p2 s5  }
0x40: {  	s1 =	simm.s32 $0xC35  }
0x41: {  	s1 =	sand.u32 $0x1, s1  }
0x42: {  	p0 =	por $0x0, $0x0;
	p2 =	seq.s32 s1, $0x1  }
0x43: {  	p0 =	por !p0, !p2  }
0x44: {  	s1 =	simm.s32 $0x1;
	p0 =	por !p0, !p0  }
0x45: {  	s0 =	smov.u32 @p1 s3;
	s1 =	simm.s32 @!p0 $0x0  }
0x46: {  	p1 =	slt.s32 s0, $0xC34;
	s5 =	ssub.s32 $0x61A, s1  }
0x47: {  	s0 =	simm.s32 @!p1 $0xC34;
	p0 =	slt.s32 s5, $0xC34;
	s1 =	smov.u32 s5  }
0x48: {  	s0 =	sshll.u32 s0, $0x4;
	s1 =	simm.s32 @!p0 $0xC34  }
0x49: {  	v8 =	vld [tilespmem:s0+$0x400];
	s1 =	sshll.u32 s1, $0x6  }
0x4a: {  	s1 =	sshra.s32 s1, $0x2  }
0x4b: {  	v9 =	vld [tilespmem:s1+$0x400];
	_ =	sdelay $0x2  }
0x4c: {  	vm0 =	vlt.s32 v8, v0  }
0x4d: {  	v8 =	vsel vm0, $0x1, v5  }
0x4e: {  	(xrf0) =	vadd.scan.msk.s32 $0xffff, v8;
	v8 =	vxor.u32 $0x80000000, v9  }
0x4f: {  	(xrf0) =	vmax.scan.msk.u32 $0xffff, v8;
	_ =	sdelay $0x4  }
0x50: {  	v8, _, _ =	vpop (xrf0)  }
0x51: {  	(v2sf) =	vpush v8, $0xF;
	v8, _, _ =	vpop (xrf0)  }
0x52: {  	(v2sf) =	vpush v8, $0xF;
	_ =	sdelay $0xd  }
0x53: {  	s31 =	spop (v2sf)  }
0x54: {  	s3 =	simm.s32 $0x0;
	p1 =	por $0x1, $0x1;
	s2 =	spop (v2sf)  }
0x55: {  	s4 =	sadd.s32 $0x1, s5;
	s0 =	sadd.s32 s0, s31;
	s2 =	sxor.u32 $0x80000000, s2  }
0x56: {  	s1 =	simm.s32 $0xC35;
	[smem:$0x0] =	sst s0;
	p0 =	sle.s32 s2, s6  }
0x57: {  	p2 =	sgt.s32 s2, s6;
	s3 =	smov.u32 @p0 s4;
	s4 =	simm.s32 $0xC35  }
0x58: {  	s0 =	simm.s32 $0x0;
	s2 =	simm.s32 $0xB;
	s4 =	smov.u32 @p2 s5  }
.LBB2_4:
0x59: {  	p0 =	sne.s32 s2, $0x1;
	s0 =	smov.u32 @p1 s3;
	s1 =	smov.u32 @p1 s4  }
0x5a: {  	s2 =	sadd.s32 $0xFFFFFFFF, s2;
	s3 =	sadd.s32 s0, s1  }
0x5b: {  	s4 =	sshrl.u32 s3, $0x1F;
	s5 =	sand.u32 $0x1, s3  }
0x5c: {  	p1 =	slt.s32 s3, $0x1;
	s4 =	sadd.s32 s4, s3;
	p2 =	seq.s32 s5, $0x1  }
0x5d: {  	p1 =	por !p1, !p2  }
0x5e: {  	s3 =	sshra.s32 s4, $0x1;
	s4 =	simm.s32 $0x1;
	p1 =	por !p1, !p1  }
0x5f: {  	s4 =	simm.s32 @!p1 $0x0  }
0x60: {  	s5 =	ssub.s32 s3, s4  }
0x61: {  	p1 =	slt.s32 s5, $0xC34;
	s3 =	smov.u32 s5  }
0x62: {  	s3 =	simm.s32 @!p1 $0xC34  }
0x63: {  	s3 =	sshll.u32 s3, $0x6  }
0x64: {  	s3 =	sshra.s32 s3, $0x2  }
0x65: {  	v8 =	vld [tilespmem:s3+$0x400];
	_ =	sdelay $0x4  }
0x66: {  	v8 =	vxor.u32 $0x80000000, v8  }
0x67: {  	(xrf0) =	vmax.scan.msk.u32 $0xffff, v8;
	_ =	sdelay $0x5  }
0x68: {  	v8, _, _ =	vpop (xrf0)  }
0x69: {  	(v2sf) =	vpush v8, $0xF;
	_ =	sdelay $0xe  }
.Ltmp3:
0x6a: {  	s3 =	spop (v2sf);
	(pc) =	sbr.rel @p0 .LBB2_4-.Ltmp3, $4  }
0x6b: {  	s4 =	sadd.s32 $0x1, s5;
	s3 =	sxor.u32 $0x80000000, s3  }
0x6c: {  	p2 =	sgt.s32 s3, s6;
	p3 =	sle.s32 s3, s6;
	s3 =	smov.u32 s0  }
0x6d: {  	s3 =	smov.u32 @p3 s4;
	s4 =	smov.u32 s1  }
0x6e: {  	p1 =	slt.s32 s0, s1;
	s4 =	smov.u32 @p2 s5  }
0x6f: {  	s1 =	simm.s32 $0xC35  }
0x70: {  	s1 =	sand.u32 $0x1, s1  }
0x71: {  	p0 =	por $0x0, $0x0;
	p2 =	seq.s32 s1, $0x1  }
0x72: {  	p0 =	por !p0, !p2  }
0x73: {  	s1 =	simm.s32 $0x1;
	p0 =	por !p0, !p0  }
0x74: {  	s0 =	smov.u32 @p1 s3;
	s1 =	simm.s32 @!p0 $0x0  }
0x75: {  	p1 =	slt.s32 s0, $0xC34;
	s5 =	ssub.s32 $0x61A, s1  }
0x76: {  	s0 =	simm.s32 @!p1 $0xC34;
	p0 =	slt.s32 s5, $0xC34;
	s1 =	smov.u32 s5  }
0x77: {  	s0 =	sshll.u32 s0, $0x4;
	s1 =	simm.s32 @!p0 $0xC34  }
0x78: {  	v8 =	vld [tilespmem:s0+$0x400];
	s1 =	sshll.u32 s1, $0x6  }
0x79: {  	s1 =	sshra.s32 s1, $0x2  }
0x7a: {  	v9 =	vld [tilespmem:s1+$0x400];
	_ =	sdelay $0x2  }
0x7b: {  	vm0 =	vlt.s32 v8, v1  }
0x7c: {  	v8 =	vsel vm0, $0x1, v5  }
0x7d: {  	(xrf0) =	vadd.scan.msk.s32 $0xffff, v8;
	v8 =	vxor.u32 $0x80000000, v9  }
0x7e: {  	(xrf0) =	vmax.scan.msk.u32 $0xffff, v8;
	_ =	sdelay $0x4  }
0x7f: {  	v8, _, _ =	vpop (xrf0)  }
0x80: {  	(v2sf) =	vpush v8, $0xF;
	v8, _, _ =	vpop (xrf0)  }
0x81: {  	(v2sf) =	vpush v8, $0xF;
	_ =	sdelay $0xd  }
0x82: {  	s31 =	spop (v2sf)  }
0x83: {  	s3 =	simm.s32 $0x0;
	p1 =	por $0x1, $0x1;
	s2 =	spop (v2sf)  }
0x84: {  	s4 =	sadd.s32 $0x1, s5;
	s0 =	sadd.s32 s0, s31;
	s2 =	sxor.u32 $0x80000000, s2  }
0x85: {  	s1 =	simm.s32 $0xC35;
	[smem:$0x1] =	sst s0;
	p0 =	slt.s32 s2, s7  }
0x86: {  	p2 =	sge.s32 s2, s7;
	s3 =	smov.u32 @p0 s4;
	s4 =	simm.s32 $0xC35  }
0x87: {  	s0 =	simm.s32 $0x0;
	s2 =	simm.s32 $0xB;
	s4 =	smov.u32 @p2 s5  }
.LBB2_6:
0x88: {  	p0 =	sne.s32 s2, $0x1;
	s0 =	smov.u32 @p1 s3;
	s1 =	smov.u32 @p1 s4  }
0x89: {  	s2 =	sadd.s32 $0xFFFFFFFF, s2;
	s3 =	sadd.s32 s0, s1  }
0x8a: {  	s4 =	sshrl.u32 s3, $0x1F;
	s5 =	sand.u32 $0x1, s3  }
0x8b: {  	p1 =	slt.s32 s3, $0x1;
	s4 =	sadd.s32 s4, s3;
	p2 =	seq.s32 s5, $0x1  }
0x8c: {  	p1 =	por !p1, !p2  }
0x8d: {  	s3 =	sshra.s32 s4, $0x1;
	s4 =	simm.s32 $0x1;
	p1 =	por !p1, !p1  }
0x8e: {  	s4 =	simm.s32 @!p1 $0x0  }
0x8f: {  	s5 =	ssub.s32 s3, s4  }
0x90: {  	p1 =	slt.s32 s5, $0xC34;
	s3 =	smov.u32 s5  }
0x91: {  	s3 =	simm.s32 @!p1 $0xC34  }
0x92: {  	s3 =	sshll.u32 s3, $0x6  }
0x93: {  	s3 =	sshra.s32 s3, $0x2  }
0x94: {  	v8 =	vld [tilespmem:s3+$0x400];
	_ =	sdelay $0x4  }
0x95: {  	v8 =	vxor.u32 $0x80000000, v8  }
0x96: {  	(xrf0) =	vmax.scan.msk.u32 $0xffff, v8;
	_ =	sdelay $0x5  }
0x97: {  	v8, _, _ =	vpop (xrf0)  }
0x98: {  	(v2sf) =	vpush v8, $0xF;
	_ =	sdelay $0xe  }
.Ltmp4:
0x99: {  	s3 =	spop (v2sf);
	(pc) =	sbr.rel @p0 .LBB2_6-.Ltmp4, $4  }
0x9a: {  	s4 =	sadd.s32 $0x1, s5;
	s3 =	sxor.u32 $0x80000000, s3  }
0x9b: {  	p2 =	sge.s32 s3, s7;
	p3 =	slt.s32 s3, s7;
	s3 =	smov.u32 s0  }
0x9c: {  	s3 =	smov.u32 @p3 s4;
	s4 =	smov.u32 s1  }
0x9d: {  	p1 =	slt.s32 s0, s1;
	s4 =	smov.u32 @p2 s5  }
0x9e: {  	s1 =	simm.s32 $0xC35  }
0x9f: {  	s1 =	sand.u32 $0x1, s1  }
0xa0: {  	p0 =	por $0x0, $0x0;
	p2 =	seq.s32 s1, $0x1  }
0xa1: {  	p0 =	por !p0, !p2  }
0xa2: {  	s1 =	simm.s32 $0x1;
	p0 =	por !p0, !p0  }
0xa3: {  	s0 =	smov.u32 @p1 s3;
	s1 =	simm.s32 @!p0 $0x0  }
0xa4: {  	p1 =	slt.s32 s0, $0xC34;
	s5 =	ssub.s32 $0x61A, s1  }
0xa5: {  	s0 =	simm.s32 @!p1 $0xC34;
	p0 =	slt.s32 s5, $0xC34;
	s1 =	smov.u32 s5  }
0xa6: {  	s0 =	sshll.u32 s0, $0x4;
	s1 =	simm.s32 @!p0 $0xC34  }
0xa7: {  	v8 =	vld [tilespmem:s0+$0x400];
	s1 =	sshll.u32 s1, $0x6  }
0xa8: {  	s1 =	sshra.s32 s1, $0x2  }
0xa9: {  	v9 =	vld [tilespmem:s1+$0x400];
	_ =	sdelay $0x2  }
0xaa: {  	vm0 =	vlt.s32 v8, v2  }
0xab: {  	v8 =	vsel vm0, $0x1, v5  }
0xac: {  	(xrf0) =	vadd.scan.msk.s32 $0xffff, v8;
	v8 =	vxor.u32 $0x80000000, v9  }
0xad: {  	(xrf0) =	vmax.scan.msk.u32 $0xffff, v8;
	_ =	sdelay $0x4  }
0xae: {  	v8, _, _ =	vpop (xrf0)  }
0xaf: {  	(v2sf) =	vpush v8, $0xF;
	v8, _, _ =	vpop (xrf0)  }
0xb0: {  	(v2sf) =	vpush v8, $0xF;
	_ =	sdelay $0xd  }
0xb1: {  	s31 =	spop (v2sf)  }
0xb2: {  	s3 =	simm.s32 $0x0;
	p1 =	por $0x1, $0x1;
	s2 =	spop (v2sf)  }
0xb3: {  	s4 =	sadd.s32 $0x1, s5;
	s0 =	sadd.s32 s0, s31;
	s2 =	sxor.u32 $0x80000000, s2  }
0xb4: {  	s1 =	simm.s32 $0xC35;
	[smem:$0x2] =	sst s0;
	p0 =	slt.s32 s2, s8  }
0xb5: {  	p2 =	sge.s32 s2, s8;
	s3 =	smov.u32 @p0 s4;
	s4 =	simm.s32 $0xC35  }
0xb6: {  	s0 =	simm.s32 $0x0;
	s2 =	simm.s32 $0xB;
	s4 =	smov.u32 @p2 s5  }
.LBB2_8:
0xb7: {  	p0 =	sne.s32 s2, $0x1;
	s0 =	smov.u32 @p1 s3;
	s1 =	smov.u32 @p1 s4  }
0xb8: {  	s2 =	sadd.s32 $0xFFFFFFFF, s2;
	s3 =	sadd.s32 s0, s1  }
0xb9: {  	s4 =	sshrl.u32 s3, $0x1F;
	s5 =	sand.u32 $0x1, s3  }
0xba: {  	p1 =	slt.s32 s3, $0x1;
	s4 =	sadd.s32 s4, s3;
	p2 =	seq.s32 s5, $0x1  }
0xbb: {  	p1 =	por !p1, !p2  }
0xbc: {  	s3 =	sshra.s32 s4, $0x1;
	s4 =	simm.s32 $0x1;
	p1 =	por !p1, !p1  }
0xbd: {  	s4 =	simm.s32 @!p1 $0x0  }
0xbe: {  	s5 =	ssub.s32 s3, s4  }
0xbf: {  	p1 =	slt.s32 s5, $0xC34;
	s3 =	smov.u32 s5  }
0xc0: {  	s3 =	simm.s32 @!p1 $0xC34  }
0xc1: {  	s3 =	sshll.u32 s3, $0x6  }
0xc2: {  	s3 =	sshra.s32 s3, $0x2  }
0xc3: {  	v8 =	vld [tilespmem:s3+$0x400];
	_ =	sdelay $0x4  }
0xc4: {  	v8 =	vxor.u32 $0x80000000, v8  }
0xc5: {  	(xrf0) =	vmax.scan.msk.u32 $0xffff, v8;
	_ =	sdelay $0x5  }
0xc6: {  	v8, _, _ =	vpop (xrf0)  }
0xc7: {  	(v2sf) =	vpush v8, $0xF;
	_ =	sdelay $0xe  }
.Ltmp5:
0xc8: {  	s3 =	spop (v2sf);
	(pc) =	sbr.rel @p0 .LBB2_8-.Ltmp5, $4  }
0xc9: {  	s4 =	sadd.s32 $0x1, s5;
	s3 =	sxor.u32 $0x80000000, s3  }
0xca: {  	p2 =	sge.s32 s3, s8;
	p3 =	slt.s32 s3, s8;
	s3 =	smov.u32 s0  }
0xcb: {  	s3 =	smov.u32 @p3 s4;
	s4 =	smov.u32 s1  }
0xcc: {  	p1 =	slt.s32 s0, s1;
	s4 =	smov.u32 @p2 s5  }
0xcd: {  	s1 =	simm.s32 $0xC35  }
0xce: {  	s1 =	sand.u32 $0x1, s1  }
0xcf: {  	p0 =	por $0x0, $0x0;
	p2 =	seq.s32 s1, $0x1  }
0xd0: {  	p0 =	por !p0, !p2  }
0xd1: {  	s1 =	simm.s32 $0x1;
	p0 =	por !p0, !p0  }
0xd2: {  	s0 =	smov.u32 @p1 s3;
	s1 =	simm.s32 @!p0 $0x0  }
0xd3: {  	p1 =	slt.s32 s0, $0xC34;
	s5 =	ssub.s32 $0x61A, s1  }
0xd4: {  	s0 =	simm.s32 @!p1 $0xC34;
	p0 =	slt.s32 s5, $0xC34;
	s1 =	smov.u32 s5  }
0xd5: {  	s0 =	sshll.u32 s0, $0x4;
	s1 =	simm.s32 @!p0 $0xC34  }
0xd6: {  	v8 =	vld [tilespmem:s0+$0x400];
	s1 =	sshll.u32 s1, $0x6  }
0xd7: {  	s1 =	sshra.s32 s1, $0x2  }
0xd8: {  	v9 =	vld [tilespmem:s1+$0x400];
	_ =	sdelay $0x2  }
0xd9: {  	vm0 =	vlt.s32 v8, v3  }
0xda: {  	v8 =	vsel vm0, $0x1, v5  }
0xdb: {  	(xrf0) =	vadd.scan.msk.s32 $0xffff, v8;
	v8 =	vxor.u32 $0x80000000, v9  }
0xdc: {  	(xrf0) =	vmax.scan.msk.u32 $0xffff, v8;
	_ =	sdelay $0x4  }
0xdd: {  	v8, _, _ =	vpop (xrf0)  }
0xde: {  	(v2sf) =	vpush v8, $0xF;
	v8, _, _ =	vpop (xrf0)  }
0xdf: {  	(v2sf) =	vpush v8, $0xF;
	_ =	sdelay $0xd  }
0xe0: {  	s31 =	spop (v2sf)  }
0xe1: {  	s3 =	simm.s32 $0x0;
	p1 =	por $0x1, $0x1;
	s2 =	spop (v2sf)  }
0xe2: {  	s4 =	sadd.s32 $0x1, s5;
	s0 =	sadd.s32 s0, s31;
	s2 =	sxor.u32 $0x80000000, s2  }
0xe3: {  	s1 =	simm.s32 $0xC35;
	[smem:$0x3] =	sst s0;
	p0 =	slt.s32 s2, s9  }
0xe4: {  	p2 =	sge.s32 s2, s9;
	s3 =	smov.u32 @p0 s4;
	s4 =	simm.s32 $0xC35  }
0xe5: {  	s0 =	simm.s32 $0x0;
	s2 =	simm.s32 $0xB;
	s4 =	smov.u32 @p2 s5  }
.LBB2_10:
0xe6: {  	p0 =	sne.s32 s2, $0x1;
	s0 =	smov.u32 @p1 s3;
	s1 =	smov.u32 @p1 s4  }
0xe7: {  	s2 =	sadd.s32 $0xFFFFFFFF, s2;
	s3 =	sadd.s32 s0, s1  }
0xe8: {  	s4 =	sshrl.u32 s3, $0x1F;
	s5 =	sand.u32 $0x1, s3  }
0xe9: {  	p1 =	slt.s32 s3, $0x1;
	s4 =	sadd.s32 s4, s3;
	p2 =	seq.s32 s5, $0x1  }
0xea: {  	p1 =	por !p1, !p2  }
0xeb: {  	s3 =	sshra.s32 s4, $0x1;
	s4 =	simm.s32 $0x1;
	p1 =	por !p1, !p1  }
0xec: {  	s4 =	simm.s32 @!p1 $0x0  }
0xed: {  	s5 =	ssub.s32 s3, s4  }
0xee: {  	p1 =	slt.s32 s5, $0xC34;
	s3 =	smov.u32 s5  }
0xef: {  	s3 =	simm.s32 @!p1 $0xC34  }
0xf0: {  	s3 =	sshll.u32 s3, $0x6  }
0xf1: {  	s3 =	sshra.s32 s3, $0x2  }
0xf2: {  	v8 =	vld [tilespmem:s3+$0x400];
	_ =	sdelay $0x4  }
0xf3: {  	v8 =	vxor.u32 $0x80000000, v8  }
0xf4: {  	(xrf0) =	vmax.scan.msk.u32 $0xffff, v8;
	_ =	sdelay $0x5  }
0xf5: {  	v8, _, _ =	vpop (xrf0)  }
0xf6: {  	(v2sf) =	vpush v8, $0xF;
	_ =	sdelay $0xe  }
.Ltmp6:
0xf7: {  	s3 =	spop (v2sf);
	(pc) =	sbr.rel @p0 .LBB2_10-.Ltmp6, $4  }
0xf8: {  	s4 =	sadd.s32 $0x1, s5;
	s3 =	sxor.u32 $0x80000000, s3  }
0xf9: {  	p2 =	sge.s32 s3, s9;
	p3 =	slt.s32 s3, s9;
	s3 =	smov.u32 s0  }
0xfa: {  	s3 =	smov.u32 @p3 s4;
	s4 =	smov.u32 s1  }
0xfb: {  	p1 =	slt.s32 s0, s1;
	s4 =	smov.u32 @p2 s5  }
0xfc: {  	s0 =	smov.u32 @p1 s3  }
0xfd: {  	p0 =	slt.s32 s0, $0xC34  }
0xfe: {  	s0 =	simm.s32 @!p0 $0xC34  }
0xff: {  	s0 =	sshll.u32 s0, $0x4  }
0x100: {  	v8 =	vld [tilespmem:s0+$0x400];
	_ =	sdelay $0x4  }
0x101: {  	vm0 =	vlt.s32 v8, v4  }
0x102: {  	v8 =	vsel vm0, $0x1, v5  }
0x103: {  	(xrf0) =	vadd.scan.msk.s32 $0xffff, v8;
	_ =	sdelay $0x5  }
0x104: {  	v8, _, _ =	vpop (xrf0)  }
0x105: {  	(v2sf) =	vpush v8, $0xF;
	_ =	sdelay $0xc  }
.Ltmp7:
0x106: {  	_ = 	snop;
	(pc) =	sbr.rel .LBB2_12-.Ltmp7, $4  }
0x107: {  	_ = 	snop  }
0x108: {  	s1 =	spop (v2sf)  }
0x109: {  	s0 =	sadd.s32 s0, s1  }
0x10a: {  	s4 =	simm.s32 $0x0;
	[smem:$0x4] =	sst s0  }
.LBB2_33:
0x10b: {  	s0 =	ssub.s32 s19, s18  }
0x10c: {  	s0 =	scvt.s32.f32 s0;
	_ =	sdelay $0x1  }
0x10d: {  	s0 =	smax.f32 s0, $1.000000000e+00  }
0x10e: {  	v8 =	vmov s0  }
0x10f: {  	(erf) = vrcp.f32 v8;
	_ =	sdelay $0x4  }
0x110: {  	v8 =	vld [tilespmem:$0x0]  }
0x111: {  	v9 =	vld [tilespmem:$0x10]  }
0x112: {  	v11 =	vld [tilespmem:$0x30]  }
0x113: {  	v10 =	vld [tilespmem:$0x20]  }
0x114: {  	v14 =	vld [tilespmem:$0x50];
	v12 =	vpop (erf)  }
0x115: {  	v13 =	vld [tilespmem:$0x40];
	v8 =	vmul.f32 v8, v12  }
0x116: {  	v24 =	vld [tilespmem:$0x70];
	v9 =	vmul.f32 v9, v12  }
0x117: {  	v15 =	vld [tilespmem:$0x60];
	v25 =	vmul.f32 v11, v12;
	[tilespmem:$0x0] =	vst v8  }
0x118: {  	v27 =	vld [tilespmem:$0x90];
	v8 =	vmul.f32 v10, v12;
	[tilespmem:$0x10] =	vst v9  }
0x119: {  	v26 =	vld [tilespmem:$0x80];
	v28 =	vmul.f32 v14, v12;
	[tilespmem:$0x30] =	vst v25  }
0x11a: {  	v30 =	vld [tilespmem:$0xB0];
	[tilespmem:$0x20] =	vst v8;
	v8 =	vmul.f32 v13, v12  }
0x11b: {  	v29 =	vld [tilespmem:$0xA0];
	v31 =	vmul.f32 v24, v12;
	[tilespmem:$0x50] =	vst v28  }
0x11c: {  	v33 =	vld [tilespmem:$0xD0];
	[tilespmem:$0x40] =	vst v8;
	v8 =	vmul.f32 v15, v12  }
0x11d: {  	v32 =	vld [tilespmem:$0xC0];
	v34 =	vmul.f32 v27, v12;
	[tilespmem:$0x70] =	vst v31  }
0x11e: {  	v36 =	vld [tilespmem:$0xF0];
	[tilespmem:$0x60] =	vst v8;
	v8 =	vmul.f32 v26, v12  }
0x11f: {  	v35 =	vld [tilespmem:$0xE0];
	v37 =	vmul.f32 v30, v12;
	[tilespmem:$0x90] =	vst v34  }
0x120: {  	v39 =	vld [tilespmem:$0x110];
	[tilespmem:$0x80] =	vst v8;
	v8 =	vmul.f32 v29, v12  }
0x121: {  	v38 =	vld [tilespmem:$0x100];
	v40 =	vmul.f32 v33, v12;
	[tilespmem:$0xB0] =	vst v37  }
0x122: {  	v42 =	vld [tilespmem:$0x130];
	[tilespmem:$0xA0] =	vst v8;
	v8 =	vmul.f32 v32, v12  }
0x123: {  	v41 =	vld [tilespmem:$0x120];
	v43 =	vmul.f32 v36, v12;
	[tilespmem:$0xD0] =	vst v40  }
0x124: {  	v45 =	vld [tilespmem:$0x150];
	[tilespmem:$0xC0] =	vst v8;
	v8 =	vmul.f32 v35, v12  }
0x125: {  	v44 =	vld [tilespmem:$0x140];
	v46 =	vmul.f32 v39, v12;
	[tilespmem:$0xF0] =	vst v43  }
0x126: {  	v48 =	vld [tilespmem:$0x170];
	[tilespmem:$0xE0] =	vst v8;
	v8 =	vmul.f32 v38, v12  }
0x127: {  	v47 =	vld [tilespmem:$0x160];
	v49 =	vmul.f32 v42, v12;
	[tilespmem:$0x110] =	vst v46  }
0x128: {  	v51 =	vld [tilespmem:$0x190];
	[tilespmem:$0x100] =	vst v8;
	v8 =	vmul.f32 v41, v12  }
0x129: {  	v50 =	vld [tilespmem:$0x180];
	v52 =	vmul.f32 v45, v12;
	[tilespmem:$0x130] =	vst v49  }
0x12a: {  	v54 =	vld [tilespmem:$0x1B0];
	[tilespmem:$0x120] =	vst v8;
	v8 =	vmul.f32 v44, v12  }
0x12b: {  	v53 =	vld [tilespmem:$0x1A0];
	v55 =	vmul.f32 v48, v12;
	[tilespmem:$0x150] =	vst v52  }
0x12c: {  	v57 =	vld [tilespmem:$0x1D0];
	[tilespmem:$0x140] =	vst v8;
	v8 =	vmul.f32 v47, v12  }
0x12d: {  	v56 =	vld [tilespmem:$0x1C0];
	v58 =	vmul.f32 v51, v12;
	[tilespmem:$0x170] =	vst v55  }
0x12e: {  	v60 =	vld [tilespmem:$0x1F0];
	[tilespmem:$0x160] =	vst v8;
	v8 =	vmul.f32 v50, v12  }
0x12f: {  	v59 =	vld [tilespmem:$0x1E0];
	v61 =	vmul.f32 v54, v12;
	[tilespmem:$0x190] =	vst v58  }
0x130: {  	[tilespmem:$0x180] =	vst v8;
	v8 =	vmul.f32 v53, v12  }
0x131: {  	v62 =	vmul.f32 v57, v12;
	[tilespmem:$0x1B0] =	vst v61  }
0x132: {  	s4 =	rddreg [dreg:$0xb];
	[tilespmem:$0x1A0] =	vst v8;
	v8 =	vmul.f32 v56, v12  }
0x133: {  	s6 =	rddreg [dreg:$0xc];
	v63 =	vmul.f32 v60, v12;
	[tilespmem:$0x1D0] =	vst v62  }
0x134: {  	s29 =	sor.u32 s6, s4;
	[tilespmem:$0x1C0] =	vst v8;
	v8 =	vmul.f32 v59, v12  }
0x135: {  	s1 =	rddreg [dreg:$0x2];
	s0 =	sshll.u32 s29, $0x6;
	[tilespmem:$0x1F0] =	vst v63  }
0x136: {  	s2 =	simm.s32 $0x0;
	s3 =	simm.s32 $0x4;
	s1 =	sadd.s32 s1, s0;
	[tilespmem:$0x1E0] =	vst v8  }
0x137: {  	[hbm4b:s1+s2] =	stream.linear.scatter [tilespmem:s2], [sflag:$0x4], $0x200, $0x38;
	[tilespmem:$0x1E400] =	vst v63  }
0x138: {  	s31 =	simm.s32 $0x200;
	s4 =	sadd.s32 $0x1, s4;
	_ =	swait.ge [sflag:s3], $0x200  }
0x139: {  	p0 =	sne.s32 s4, $0x4;
	[sflag:s3] =	ssyncset.done $0x0;
	s30 =	rddreg [dreg:$0x5]  }
.Ltmp8:
0x13a: {  	[sflag:s3] =	ssyncadd.s32 $0xFFFFFE00;
	s0 =	sadd.s32 s30, s0;
	(pc) =	sbr.rel @!p0 .LBB2_34-.Ltmp8, $4  }
0x13b: {  	[hbm4b:s0+s2] =	stream.linear.scatter [tilespmem:s31], [sflag:$0x4], $0x200, $0x38;
	[tilespmem:$0x1E400] =	vst v63  }
0x13c: {  	_ =	swait.ge [sflag:s3], $0x200  }
0x13d: {  	[sflag:s3] =	ssyncset.done $0x0  }
0x13e: {  	[sflag:s3] =	ssyncadd.s32 $0xFFFFFE00  }
.LBB2_12:
0x13f: {  	[tilespmem:$0x0] =	vst v6  }
0x140: {  	[tilespmem:$0x200] =	vst v7  }
0x141: {  	[tilespmem:$0x10] =	vst v6  }
0x142: {  	[tilespmem:$0x210] =	vst v7  }
0x143: {  	[tilespmem:$0x20] =	vst v6  }
0x144: {  	[tilespmem:$0x220] =	vst v7  }
0x145: {  	[tilespmem:$0x30] =	vst v6  }
0x146: {  	[tilespmem:$0x230] =	vst v7  }
0x147: {  	[tilespmem:$0x40] =	vst v6  }
0x148: {  	[tilespmem:$0x240] =	vst v7  }
0x149: {  	[tilespmem:$0x50] =	vst v6  }
0x14a: {  	[tilespmem:$0x250] =	vst v7  }
0x14b: {  	[tilespmem:$0x60] =	vst v6  }
0x14c: {  	[tilespmem:$0x260] =	vst v7  }
0x14d: {  	[tilespmem:$0x70] =	vst v6  }
0x14e: {  	[tilespmem:$0x270] =	vst v7  }
0x14f: {  	[tilespmem:$0x80] =	vst v6  }
0x150: {  	[tilespmem:$0x280] =	vst v7  }
0x151: {  	[tilespmem:$0x90] =	vst v6  }
0x152: {  	[tilespmem:$0x290] =	vst v7  }
0x153: {  	[tilespmem:$0xA0] =	vst v6  }
0x154: {  	[tilespmem:$0x2A0] =	vst v7  }
0x155: {  	[tilespmem:$0xB0] =	vst v6  }
0x156: {  	[tilespmem:$0x2B0] =	vst v7  }
0x157: {  	[tilespmem:$0xC0] =	vst v6  }
0x158: {  	[tilespmem:$0x2C0] =	vst v7  }
0x159: {  	[tilespmem:$0xD0] =	vst v6  }
0x15a: {  	[tilespmem:$0x2D0] =	vst v7  }
0x15b: {  	[tilespmem:$0xE0] =	vst v6  }
0x15c: {  	[tilespmem:$0x2E0] =	vst v7  }
0x15d: {  	[tilespmem:$0xF0] =	vst v6  }
0x15e: {  	[tilespmem:$0x2F0] =	vst v7  }
0x15f: {  	[tilespmem:$0x100] =	vst v6  }
0x160: {  	[tilespmem:$0x300] =	vst v7;
	s18 =	sld [smem:s4+$0x0]  }
0x161: {  	[tilespmem:$0x110] =	vst v6  }
0x162: {  	[tilespmem:$0x310] =	vst v7  }
0x163: {  	[tilespmem:$0x120] =	vst v6;
	s0 =	sand.u32 $0x7, s18  }
0x164: {  	[tilespmem:$0x320] =	vst v7;
	s1 =	sshra.s32 s18, $0x1F;
	p0 =	slt.s32 s18, $0x1;
	p1 =	sne.s32 s0, $0x0  }
0x165: {  	[tilespmem:$0x130] =	vst v6;
	s29 =	sshrl.u32 s1, $0x1D;
	p0 =	por !p0, !p1  }
0x166: {  	[tilespmem:$0x330] =	vst v7;
	s1 =	simm.s32 $0x1;
	s0 =	sadd.s32 s29, s18;
	p0 =	por !p0, !p0  }
0x167: {  	[tilespmem:$0x140] =	vst v6;
	s19 =	sld [smem:s4+$0x1];
	s0 =	sshrl.u32 s0, $0x3;
	s1 =	simm.s32 @!p0 $0x0  }
0x168: {  	[tilespmem:$0x340] =	vst v7;
	s0 =	ssub.s32 s0, s1  }
0x169: {  	[tilespmem:$0x150] =	vst v6;
	s30 =	sshll.u32 s0, $0x3  }
0x16a: {  	[tilespmem:$0x350] =	vst v7;
	s0 =	ssub.s32 s19, s30  }
0x16b: {  	[tilespmem:$0x160] =	vst v6;
	s31 =	sadd.s32 $0x4F, s0  }
0x16c: {  	[tilespmem:$0x360] =	vst v7;
	s2 =	smulhi.u32 $0x66666667, s31;
	s3 =	sshra.s32 s31, $0x1F  }
0x16d: {  	[tilespmem:$0x170] =	vst v6;
	s3 =	smul.u32 $0x66666667, s3  }
0x16e: {  	[tilespmem:$0x370] =	vst v7  }
0x16f: {  	[tilespmem:$0x180] =	vst v6;
	s2 =	sadd.s32 s3, s2  }
0x170: {  	[tilespmem:$0x380] =	vst v7;
	s3 =	sshrl.u32 s2, $0x1F;
	s2 =	sshra.s32 s2, $0x5  }
0x171: {  	[tilespmem:$0x190] =	vst v6;
	s2 =	sadd.s32 s3, s2  }
0x172: {  	[tilespmem:$0x390] =	vst v7;
	s3 =	smul.u32 $0xFFFFFFB0, s2  }
0x173: {  	[tilespmem:$0x1A0] =	vst v6;
	s0 =	ssub.s32 $0xFFFFFFB1, s0  }
0x174: {  	[tilespmem:$0x3A0] =	vst v7;
	p5 =	slt.s32 s31, $0x1;
	p6 =	sne.s32 s3, s0  }
0x175: {  	[tilespmem:$0x1B0] =	vst v6;
	p0 =	por !p5, !p6  }
0x176: {  	[tilespmem:$0x3B0] =	vst v7;
	s0 =	simm.s32 $0x1;
	p0 =	por !p0, !p0  }
0x177: {  	[tilespmem:$0x1C0] =	vst v6;
	s0 =	simm.s32 @!p0 $0x0  }
0x178: {  	[tilespmem:$0x3C0] =	vst v7;
	s17 =	ssub.s32 s2, s0  }
0x179: {  	[tilespmem:$0x1D0] =	vst v6;
	p0 =	slt.s32 s17, $0x1  }
.Ltmp9:
0x17a: {  	[tilespmem:$0x3D0] =	vst v7;
	(pc) =	sbr.rel @p0 .LBB2_33-.Ltmp9, $4  }
0x17b: {  	[tilespmem:$0x1E0] =	vst v6  }
0x17c: {  	[tilespmem:$0x3E0] =	vst v7  }
0x17d: {  	[tilespmem:$0x1F0] =	vst v6  }
0x17e: {  	[dreg:$0xb] =	wrdreg s4;
	[tilespmem:$0x3F0] =	vst v7  }
0x17f: {  	p0 =	slt.s32 s30, $0xC300;
	s0 =	smov.u32 s30  }
0x180: {  	s0 =	simm.s32 @!p0 $0xC300  }
0x181: {  	s1 =	rddreg [dreg:$0x0];
	s2 =	simm.s32 $0x0;
	s0 =	sshll.u32 s0, $0x6  }
0x182: {  	s3 =	simm.s32 $0x400;
	p0 =	seq.s32 s17, $0x1;
	s0 =	sadd.s32 s1, s0  }
0x183: {  	[tilespmem:s3], [sflag:$0x1] =	stream.linear.gather [hbm4b:s0+s2], $0xA000, $0x38;
	[tilespmem:$0x1E400] =	vst v63  }
0x184: {  	s0 =	sadd.s32 @!p0 $0x50, s30  }
0x185: {  	s22 =	sadd.s32 $0x50, s30;
	p1 =	slt.s32 @!p0 s0, $0xC300  }
.Ltmp10:
0x186: {  	s23 =	simm.s32 $0x0;
	p1 =	por !p1, p0;
	(pc) =	sbr.rel .LBB2_14-.Ltmp10, $4  }
0x187: {  	s24 =	simm.s32 $0x0;
	s25 =	smov.u32 s30;
	s0 =	simm.s32 @p1 $0xC300  }
0x188: {  	s26 =	simm.s32 $0x0;
	s28 =	simm.s32 $0x0;
	s0 =	sshll.u32 @!p0 s0, $0x6  }
0x189: {  	s2 =	simm.s32 @!p0 $0xA400;
	s0 =	sadd.s32 @!p0 s1, s0;
	s1 =	simm.s32 @!p0 $0x0  }
0x18a: {  	[tilespmem:s2], [sflag:$0x2] =	stream.linear.gather @!p0 [hbm4b:s0+s1], $0xA000, $0x38;
	[tilespmem:$0x1E400] =	vst v63  }
.LBB2_31:
0x18b: {  	v45 =	vld [tilespmem:s0+$0x1050]  }
0x18c: {  	v46 =	vld [tilespmem:s0+$0x1060]  }
0x18d: {  	v13 =	vadd.f32 v38, v13;
	v22 =	vmax.f32 v22, v38  }
0x18e: {  	v30 =	vadd.f32 v40, v30;
	v15 =	vmax.f32 v15, v40;
	v31 =	vadd.f32 v41, v31  }
0x18f: {  	v36 =	vmax.f32 v36, v41;
	v12 =	vadd.f32 v43, v12;
	v9 =	vmax.f32 v9, v43  }
0x190: {  	v32 =	vadd.f32 v44, v32;
	v34 =	vmax.f32 v34, v44;
	v42 =	vadd.f32 v45, v42  }
0x191: {  	v20 =	vmax.f32 v20, v45;
	v11 =	vadd.f32 v46, v11;
	v8 =	vmax.f32 v8, v46  }
.LBB2_32:
0x192: {  	[tilespmem:$0x100] =	vst v14  }
0x193: {  	[tilespmem:$0x300] =	vst v17  }
0x194: {  	[tilespmem:$0x110] =	vst v25  }
0x195: {  	[tilespmem:$0x310] =	vst v16  }
0x196: {  	[tilespmem:$0x120] =	vst v18  }
0x197: {  	[tilespmem:$0x320] =	vst v21  }
0x198: {  	[tilespmem:$0x130] =	vst v19  }
0x199: {  	[tilespmem:$0x330] =	vst v27  }
0x19a: {  	[tilespmem:$0x140] =	vst v28  }
0x19b: {  	[tilespmem:$0x340] =	vst v26  }
0x19c: {  	[tilespmem:$0x150] =	vst v24  }
0x19d: {  	[tilespmem:$0x350] =	vst v10  }
0x19e: {  	[tilespmem:$0x160] =	vst v35  }
0x19f: {  	[tilespmem:$0x360] =	vst v29  }
0x1a0: {  	[tilespmem:$0x170] =	vst v23  }
0x1a1: {  	[tilespmem:$0x370] =	vst v39  }
0x1a2: {  	[tilespmem:$0x180] =	vst v13  }
0x1a3: {  	[tilespmem:$0x380] =	vst v22  }
0x1a4: {  	[tilespmem:$0x190] =	vst v30  }
0x1a5: {  	[tilespmem:$0x390] =	vst v15  }
0x1a6: {  	[tilespmem:$0x1A0] =	vst v31  }
0x1a7: {  	[tilespmem:$0x3A0] =	vst v36  }
0x1a8: {  	[tilespmem:$0x1B0] =	vst v12  }
0x1a9: {  	[tilespmem:$0x3B0] =	vst v9  }
0x1aa: {  	[tilespmem:$0x1C0] =	vst v32  }
0x1ab: {  	[tilespmem:$0x3C0] =	vst v34;
	s28 =	sadd.s32 $0x1, s28  }
0x1ac: {  	[tilespmem:$0x1D0] =	vst v42;
	p0 =	sne.s32 s28, s17  }
.Ltmp11:
0x1ad: {  	[tilespmem:$0x3D0] =	vst v20;
	(pc) =	sbr.rel @!p0 .LBB2_33-.Ltmp11, $4  }
0x1ae: {  	[tilespmem:$0x3E0] =	vst v8  }
0x1af: {  	[tilespmem:$0x1F0] =	vst v37  }
0x1b0: {  	s26 =	sadd.s32 $0x2800, s26;
	s25 =	sadd.s32 $0x50, s25;
	[tilespmem:$0x3F0] =	vst v33  }
0x1b1: {  	s24 =	sadd.s32 $0xA000, s24;
	s23 =	sadd.s32 $0x50, s23;
	s22 =	sadd.s32 $0x50, s22;
	[tilespmem:$0x1E0] =	vst v11  }
.LBB2_14:
0x1b2: {  	s0 =	smulhi.u32 $0xAAAAAAAB, s28  }
0x1b3: {  	p0 =	sgt.s32 s18, s25;
	s7 =	smov.u32 s25;
	p1 =	slt.s32 s19, s22  }
0x1b4: {  	s1 =	smov.u32 s22;
	s29 =	smov.u32 s25;
	s7 =	smov.u32 @p0 s18  }
0x1b5: {  	s1 =	smov.u32 @p1 s19;
	p0 =	slt.s32 s25, $0xC300;
	s0 =	sshrl.u32 s0, $0x1  }
0x1b6: {  	s1 =	ssub.s32 s1, s7;
	s29 =	simm.s32 @!p0 $0xC300;
	s15 =	sshll.u32 s7, $0x7  }
0x1b7: {  	s20 =	sshll.u32 s7, $0x9;
	s2 =	smul.u32 $0x3, s0;
	s1 =	sand.u32 $0x1, s1  }
0x1b8: {  	s16 =	sshll.u32 s29, $0x7;
	p1 =	seq.s32 s1, $0x1;
	s1 =	sadd.s32 s15, s26  }
0x1b9: {  	s4 =	sshll.u32 s29, $0x9;
	s11 =	ssub.s32 s1, s16;
	s1 =	sadd.s32 s20, s24  }
0x1ba: {  	s3 =	ssub.s32 s28, s2;
	s16 =	ssub.s32 s1, s4;
	s1 =	sadd.s32 $0x2, s28  }
0x1bb: {  	p0 =	seq.s32 s3, $0x0;
	s21 =	smulhi.u32 $0xAAAAAAAB, s1  }
0x1bc: {  	p2 =	seq.s32 @!p0 s3, $0x2  }
0x1bd: {  	p2 =	por !p2, p0;
	s4 =	sshrl.u32 s21, $0x1  }
0x1be: {  	s2 =	simm.s32 @!p2 $0x3;
	s4 =	smul.u32 $0x3, s4  }
0x1bf: {  	s2 =	simm.s32 @p2 $0x2  }
0x1c0: {  	s2 =	simm.s32 @p0 $0x1;
	p0 =	sge.s32 s1, s17;
	s4 =	ssub.s32 s1, s4  }
0x1c1: {  	p2 =	sne.s32 @!p0 s4, $0x0  }
0x1c2: {  	p2 =	por p0, p2  }
.Ltmp12:
0x1c3: {  	_ = 	snop;
	(pc) =	sbr.rel @p2 .LBB2_16-.Ltmp12, $4  }
0x1c4: {  	s6 =	smul.u32 $0xF0, s0  }
0x1c5: {  	s31 =	smul.u32 $0xFFFF8800, s0;
	_ =	swait.ge [sflag:s2], $0xA000  }
0x1c6: {  	s0 =	smul.u32 $0xFFFE2000, s0;
	[sflag:s2] =	ssyncset.done $0x0  }
0x1c7: {  	[sflag:s2] =	ssyncadd.s32 $0xFFFF6000  }
0x1c8: {  	s1 =	smul.u32 $0x50, s1;
	_ =	sdelay $0x1  }
0x1c9: {  	s1 =	sadd.s32 s30, s1  }
.Ltmp13:
0x1ca: {  	p0 =	slt.s32 s1, $0xC300;
	(pc) =	sbr.rel .LBB2_19-.Ltmp13, $4  }
0x1cb: {  	s1 =	simm.s32 @!p0 $0xC300  }
0x1cc: {  	s2 =	rddreg [dreg:$0x0];
	s1 =	sshll.u32 s1, $0x6  }
0x1cd: {  	s21 =	simm.s32 $0x0;
	s4 =	simm.s32 $0x400;
	s1 =	sadd.s32 s2, s1  }
0x1ce: {  	[tilespmem:s4], [sflag:$0x1] =	stream.linear.gather [hbm4b:s1+s21], $0xA000, $0x38;
	[tilespmem:$0x1E400] =	vst v63  }
.LBB2_16:
0x1cf: {  	p2 =	sne.s32 @!p0 s4, $0x1  }
0x1d0: {  	p2 =	por p0, p2  }
.Ltmp14:
0x1d1: {  	_ = 	snop;
	(pc) =	sbr.rel @p2 .LBB2_18-.Ltmp14, $1  }
0x1d2: {  	_ =	sdelay $0x3  }
0x1d3: {  	s1 =	smul.u32 $0x50, s1;
	_ =	sdelay $0x1  }
0x1d4: {  	s1 =	sadd.s32 s30, s1  }
.Ltmp15:
0x1d5: {  	p0 =	slt.s32 s1, $0xC300;
	(pc) =	sbr.rel .LBB2_19-.Ltmp15, $4  }
0x1d6: {  	s1 =	simm.s32 @!p0 $0xC300  }
0x1d7: {  	s2 =	rddreg [dreg:$0x0];
	s1 =	sshll.u32 s1, $0x6  }
0x1d8: {  	s21 =	simm.s32 $0x0;
	s4 =	simm.s32 $0xA400;
	s1 =	sadd.s32 s2, s1  }
0x1d9: {  	[tilespmem:s4], [sflag:$0x2] =	stream.linear.gather [hbm4b:s1+s21], $0xA000, $0x38;
	[tilespmem:$0x1E400] =	vst v63  }
.LBB2_18:
0x1da: {  	p2 =	sne.s32 @!p0 s4, $0x2  }
0x1db: {  	p3 =	por p2, p0  }
0x1dc: {  	s1 =	smul.u32 @!p3 $0x50, s1;
	_ =	sdelay $0x1  }
0x1dd: {  	s1 =	sadd.s32 @!p3 s30, s1  }
0x1de: {  	p4 =	slt.s32 @!p3 s1, $0xC300  }
0x1df: {  	p2 =	por @!p0 !p4, p2  }
0x1e0: {  	p0 =	por !p2, p0  }
0x1e1: {  	s1 =	simm.s32 @!p0 $0xC300  }
0x1e2: {  	s2 =	rddreg [dreg:$0x0];
	s1 =	sshll.u32 @!p3 s1, $0x6  }
0x1e3: {  	s4 =	simm.s32 @!p3 $0x14400;
	s1 =	sadd.s32 @!p3 s2, s1;
	s2 =	simm.s32 @!p3 $0x0  }
0x1e4: {  	[tilespmem:s4], [sflag:$0x3] =	stream.linear.gather @!p3 [hbm4b:s1+s2], $0xA000, $0x38;
	[tilespmem:$0x1E400] =	vst v63  }
.LBB2_19:
0x1e5: {  	v14 =	vld [tilespmem:$0x0]  }
0x1e6: {  	v18 =	vld [tilespmem:$0x10]  }
0x1e7: {  	v12 =	vld [tilespmem:$0x20]  }
0x1e8: {  	v13 =	vld [tilespmem:$0x30]  }
0x1e9: {  	v21 =	vld [tilespmem:$0x40]  }
0x1ea: {  	v16 =	vld [tilespmem:$0x50]  }
0x1eb: {  	v32 =	vld [tilespmem:$0x60]  }
0x1ec: {  	v11 =	vld [tilespmem:$0x70]  }
0x1ed: {  	v10 =	vld [tilespmem:$0x80]  }
0x1ee: {  	v27 =	vld [tilespmem:$0x90]  }
0x1ef: {  	v26 =	vld [tilespmem:$0xA0]  }
0x1f0: {  	v9 =	vld [tilespmem:$0xB0];
	s1 =	smul.u32 $0x50, s28  }
0x1f1: {  	v34 =	vld [tilespmem:$0xC0]  }
0x1f2: {  	v36 =	vld [tilespmem:$0xD0];
	s5 =	smov.u32 s18;
	s12 =	smov.u32 s19;
	s1 =	sadd.s32 s30, s1  }
0x1f3: {  	v8 =	vld [tilespmem:$0xE0];
	p0 =	slt.s32 s1, $0xC300;
	s2 =	smov.u32 s1;
	s4 =	sadd.s32 $0x50, s1  }
0x1f4: {  	v33 =	vld [tilespmem:$0xF0];
	s2 =	simm.s32 @!p0 $0xC300;
	p0 =	sgt.s32 s1, s18;
	p2 =	slt.s32 s4, s19  }
0x1f5: {  	v23 =	vld [tilespmem:$0x200];
	s5 =	smov.u32 @p0 s1;
	s12 =	smov.u32 @p2 s4  }
0x1f6: {  	v19 =	vld [tilespmem:$0x210];
	s14 =	ssub.s32 s5, s2;
	s15 =	ssub.s32 s12, s2  }
0x1f7: {  	v24 =	vld [tilespmem:$0x220];
	p0 =	sne.s32 s12, s5;
	s2 =	simm.s32 $0x1;
	s10 =	ssub.s32 s15, s14  }
0x1f8: {  	v30 =	vld [tilespmem:$0x230];
	s2 =	simm.s32 @!p0 $0x0;
	s13 =	sshra.s32 s10, $0x1F  }
0x1f9: {  	v31 =	vld [tilespmem:$0x240];
	s20 =	sand.u32 $0x1, s10;
	s2 =	sor.u32 s2, s13  }
0x1fa: {  	v17 =	vld [tilespmem:$0x250];
	p6 =	seq.s32 s20, $0x1;
	p2 =	sne.s32 s2, $0x1  }
0x1fb: {  	v37 =	vld [tilespmem:$0x260];
	s21 =	sshrl.u32 s10, $0x1F;
	p0 =	por !p2, !p6  }
0x1fc: {  	v39 =	vld [tilespmem:$0x270];
	s1 =	sadd.s32 s21, s10;
	s2 =	simm.s32 $0x1;
	p0 =	por !p0, !p0  }
0x1fd: {  	v29 =	vld [tilespmem:$0x280];
	s4 =	sshra.s32 s1, $0x1;
	s2 =	simm.s32 @!p0 $0x0  }
0x1fe: {  	v22 =	vld [tilespmem:$0x290];
	s2 =	ssub.s32 s4, s2  }
0x1ff: {  	v43 =	vld [tilespmem:$0x2A0];
	p0 =	slt.s32 s2, $0x1  }
.Ltmp16:
0x200: {  	v15 =	vld [tilespmem:$0x2B0];
	(pc) =	sbr.rel @p0 .LBB2_23-.Ltmp16, $4  }
0x201: {  	v38 =	vld [tilespmem:$0x2C0]  }
0x202: {  	v40 =	vld [tilespmem:$0x2D0]  }
0x203: {  	v20 =	vld [tilespmem:$0x2E0]  }
0x204: {  	v41 =	vld [tilespmem:$0x2F0];
	s1 =	simm.s32 $0x0  }
0x205: {  	s5 =	sadd.s32 s16, s0;
	s12 =	sadd.s32 s11, s31  }
0x206: {  	s13 =	sand.u32 $0xFFFFF000, s5;
	s21 =	sand.u32 $0x380, s12  }
0x207: {  	s20 =	smov.u32 s17;
	s17 =	sor.u32 s21, s13  }
0x208: {  	v46 =	vld [tilespmem:s17+$0x430]  }
0x209: {  	v48 =	vld [tilespmem:s17+$0x420]  }
0x20a: {  	v45 =	vld [tilespmem:s17+$0x870]  }
0x20b: {  	v42 =	vld [tilespmem:s17+$0x860]  }
0x20c: {  	v47 =	vld [tilespmem:s17+$0x830]  }
0x20d: {  	v54 =	vld [tilespmem:s17+$0x850]  }
0x20e: {  	v44 =	vld [tilespmem:s17+$0x820]  }
0x20f: {  	v55 =	vld [tilespmem:s17+$0x840]  }
0x210: {  	v56 =	vld [tilespmem:s17+$0x810]  }
0x211: {  	s5 =	sadd.s32 $0x200, s5;
	s12 =	sadd.s32 $0x80, s12;
	v57 =	vld [tilespmem:s17+$0x800]  }
0x212: {  	s5 =	sand.u32 $0xFFFFF000, s5;
	s12 =	sand.u32 $0x380, s12;
	v58 =	vld [tilespmem:s17+$0x470]  }
0x213: {  	s13 =	sor.u32 s12, s5;
	v63 =	vld [tilespmem:s17+$0x460]  }
0x214: {  	v50 =	vld [tilespmem:s13+$0x430]  }
0x215: {  	v28 =	vld [tilespmem:s13+$0x830]  }
0x216: {  	v51 =	vld [tilespmem:s13+$0x420]  }
0x217: {  	v52 =	vld [tilespmem:s13+$0x810]  }
0x218: {  	v53 =	vld [tilespmem:s13+$0x800];
	v9 =	vadd.f32 v47, v9  }
0x219: {  	v25 =	vld [tilespmem:s13+$0x470];
	v15 =	vmax.f32 v15, v47;
	v30 =	vmax.f32 v30, v46;
	v36 =	vadd.f32 v54, v36  }
0x21a: {  	v49 =	vld [tilespmem:s13+$0x860];
	v40 =	vmax.f32 v40, v54;
	v8 =	vadd.f32 v42, v8;
	v20 =	vmax.f32 v20, v42  }
0x21b: {  	v35 =	vld [tilespmem:s13+$0x460];
	v34 =	vadd.f32 v55, v34;
	v33 =	vadd.f32 v45, v33;
	v41 =	vmax.f32 v41, v45  }
0x21c: {  	v42 =	vld [tilespmem:s17+$0x450];
	v27 =	vadd.f32 v56, v27;
	v22 =	vmax.f32 v22, v56;
	v10 =	vadd.f32 v57, v10  }
0x21d: {  	v45 =	vld [tilespmem:s13+$0x850];
	v29 =	vmax.f32 v29, v57;
	v11 =	vadd.f32 v58, v11;
	v24 =	vmax.f32 v24, v48  }
0x21e: {  	s12 =	sadd.s32 $0x1, s1;
	v47 =	vld [tilespmem:s17+$0x410];
	v12 =	vadd.f32 v48, v12;
	v37 =	vmax.f32 v37, v63;
	v13 =	vadd.f32 v46, v13  }
0x21f: {  	p0 =	slt.s32 s12, s2;
	v39 =	vmax.f32 v39, v58;
	v20 =	vmax.f32 v20, v49;
	v8 =	vadd.f32 v49, v8;
	v49 =	vld [tilespmem:s17+$0x440]  }
.Ltmp17:
0x220: {  	v38 =	vmax.f32 v38, v55;
	v48 =	vld [tilespmem:s13+$0x840];
	v32 =	vadd.f32 v63, v32;
	v15 =	vmax.f32 v15, v28;
	(pc) =	sbr.rel @!p0 .LBB2_22-.Ltmp17, $4  }
0x221: {  	v46 =	vld [tilespmem:s13+$0x870];
	v22 =	vmax.f32 v22, v52;
	v24 =	vmax.f32 v24, v51;
	v30 =	vmax.f32 v30, v50  }
0x222: {  	v9 =	vadd.f32 v28, v9;
	v28 =	vmax.f32 v43, v44;
	v43 =	vld [tilespmem:s17+$0x400];
	v10 =	vadd.f32 v53, v10  }
0x223: {  	v29 =	vmax.f32 v29, v53;
	v12 =	vadd.f32 v51, v12;
	v11 =	vadd.f32 v25, v11;
	v51 =	vld [tilespmem:s13+$0x410]  }
0x224: {  	s5 =	sadd.s32 $0x100, s11;
	s1 =	sadd.s32 $0x400, s16;
	v13 =	vadd.f32 v50, v13;
	v50 =	vld [tilespmem:s13+$0x440];
	v27 =	vadd.f32 v52, v27;
	v31 =	vmax.f32 v31, v49  }
.LBB2_21:
0x225: {  	s17 =	sadd.s32 s1, s0;
	s8 =	sadd.s32 s5, s31;
	s12 =	sadd.s32 $0x1, s12;
	v26 =	vadd.f32 v44, v26;
	v44 =	vld [tilespmem:s13+$0x400];
	v32 =	vadd.f32 v35, v32;
	v37 =	vmax.f32 v37, v35  }
0x226: {  	v18 =	vadd.f32 v47, v18;
	v21 =	vadd.f32 v49, v21;
	v40 =	vmax.f32 v40, v45;
	s9 =	sand.u32 $0xFFFFF000, s17;
	s10 =	sand.u32 $0x380, s8;
	s21 =	sadd.s32 $0x200, s17;
	v35 =	vld [tilespmem:s13+$0x450]  }
0x227: {  	v19 =	vmax.f32 v19, v47;
	v36 =	vadd.f32 v45, v36;
	s8 =	sadd.s32 $0x80, s8;
	p0 =	slt.s32 s12, s2;
	v34 =	vadd.f32 v48, v34;
	s17 =	sor.u32 s10, s9;
	v47 =	vld [tilespmem:s13+$0x820]  }
0x228: {  	v16 =	vadd.f32 v42, v16;
	s9 =	sand.u32 $0xFFFFF000, s21;
	s8 =	sand.u32 $0x380, s8;
	v33 =	vadd.f32 v46, v33;
	v52 =	vld [tilespmem:s17+$0x430];
	v19 =	vmax.f32 v19, v51  }
0x229: {  	v38 =	vmax.f32 v38, v48;
	s13 =	sor.u32 s8, s9;
	v18 =	vadd.f32 v51, v18;
	v53 =	vld [tilespmem:s17+$0x420];
	v31 =	vmax.f32 v31, v50  }
0x22a: {  	v23 =	vmax.f32 v23, v43;
	v17 =	vmax.f32 v17, v42;
	v21 =	vadd.f32 v50, v21;
	v54 =	vld [tilespmem:s13+$0x430]  }
0x22b: {  	v14 =	vadd.f32 v43, v14;
	v41 =	vmax.f32 v41, v46;
	v42 =	vld [tilespmem:s13+$0x830];
	v17 =	vmax.f32 v17, v35  }
0x22c: {  	v39 =	vmax.f32 v39, v25;
	v16 =	vadd.f32 v35, v16;
	v50 =	vld [tilespmem:s13+$0x420];
	v26 =	vadd.f32 v47, v26  }
0x22d: {  	v14 =	vadd.f32 v44, v14;
	v23 =	vmax.f32 v23, v44;
	v28 =	vmax.f32 v28, v47;
	v55 =	vld [tilespmem:s13+$0x810]  }
0x22e: {  	v56 =	vld [tilespmem:s13+$0x800]  }
0x22f: {  	v25 =	vld [tilespmem:s13+$0x470]  }
0x230: {  	v35 =	vld [tilespmem:s13+$0x460]  }
0x231: {  	v43 =	vld [tilespmem:s17+$0x870]  }
0x232: {  	v45 =	vld [tilespmem:s17+$0x860]  }
0x233: {  	v46 =	vld [tilespmem:s17+$0x830]  }
0x234: {  	v48 =	vld [tilespmem:s13+$0x860]  }
0x235: {  	v47 =	vld [tilespmem:s17+$0x850]  }
0x236: {  	v44 =	vld [tilespmem:s17+$0x820]  }
0x237: {  	v51 =	vld [tilespmem:s17+$0x840]  }
0x238: {  	v49 =	vld [tilespmem:s17+$0x810];
	v9 =	vadd.f32 v46, v9;
	v15 =	vmax.f32 v15, v46  }
0x239: {  	v30 =	vmax.f32 v30, v52;
	v46 =	vld [tilespmem:s17+$0x800];
	v15 =	vmax.f32 v15, v42  }
0x23a: {  	v57 =	vld [tilespmem:s17+$0x470];
	v36 =	vadd.f32 v47, v36;
	v40 =	vmax.f32 v40, v47;
	v9 =	vadd.f32 v42, v9  }
0x23b: {  	v8 =	vadd.f32 v45, v8;
	v20 =	vmax.f32 v20, v45;
	v58 =	vld [tilespmem:s17+$0x460];
	v28 =	vmax.f32 v28, v44  }
0x23c: {  	v33 =	vadd.f32 v43, v33;
	v41 =	vmax.f32 v41, v43;
	v42 =	vld [tilespmem:s17+$0x450];
	v34 =	vadd.f32 v51, v34  }
0x23d: {  	v8 =	vadd.f32 v48, v8;
	v27 =	vadd.f32 v49, v27;
	v22 =	vmax.f32 v22, v49;
	v45 =	vld [tilespmem:s13+$0x850]  }
0x23e: {  	v20 =	vmax.f32 v20, v48;
	v47 =	vld [tilespmem:s17+$0x410];
	v10 =	vadd.f32 v46, v10;
	v29 =	vmax.f32 v29, v46  }
0x23f: {  	v24 =	vmax.f32 v24, v53;
	v22 =	vmax.f32 v22, v55;
	v49 =	vld [tilespmem:s17+$0x440];
	v11 =	vadd.f32 v57, v11  }
.Ltmp18:
0x240: {  	v12 =	vadd.f32 v53, v12;
	v43 =	vld [tilespmem:s17+$0x400];
	v37 =	vmax.f32 v37, v58;
	v10 =	vadd.f32 v56, v10;
	(pc) =	sbr.rel @p0 .LBB2_21-.Ltmp18, $4  }
0x241: {  	v13 =	vadd.f32 v52, v13;
	v38 =	vmax.f32 v38, v51;
	v39 =	vmax.f32 v39, v57;
	v48 =	vld [tilespmem:s13+$0x840]  }
0x242: {  	v12 =	vadd.f32 v50, v12;
	v24 =	vmax.f32 v24, v50;
	v11 =	vadd.f32 v25, v11;
	v46 =	vld [tilespmem:s13+$0x870]  }
0x243: {  	v13 =	vadd.f32 v54, v13;
	v30 =	vmax.f32 v30, v54;
	v32 =	vadd.f32 v58, v32;
	v51 =	vld [tilespmem:s13+$0x410]  }
0x244: {  	s5 =	sadd.s32 $0x100, s5;
	s1 =	sadd.s32 $0x400, s1;
	v27 =	vadd.f32 v55, v27;
	v29 =	vmax.f32 v29, v56;
	v31 =	vmax.f32 v31, v49;
	v50 =	vld [tilespmem:s13+$0x440]  }
.LBB2_22:
0x245: {  	v26 =	vadd.f32 v44, v26;
	v32 =	vadd.f32 v35, v32;
	v37 =	vmax.f32 v37, v35  }
0x246: {  	v18 =	vadd.f32 v47, v18;
	v21 =	vadd.f32 v49, v21;
	v61 =	vld [tilespmem:s13+$0x450];
	v40 =	vmax.f32 v40, v45  }
0x247: {  	v19 =	vmax.f32 v19, v47;
	v62 =	vld [tilespmem:s13+$0x820];
	v36 =	vadd.f32 v45, v36;
	v16 =	vadd.f32 v42, v16  }
0x248: {  	v63 =	vld [tilespmem:s13+$0x400];
	v17 =	vmax.f32 v17, v42;
	v39 =	vmax.f32 v39, v25;
	v34 =	vadd.f32 v48, v34  }
0x249: {  	v38 =	vmax.f32 v38, v48;
	v33 =	vadd.f32 v46, v33;
	v23 =	vmax.f32 v23, v43  }
0x24a: {  	v14 =	vadd.f32 v43, v14;
	v41 =	vmax.f32 v41, v46;
	v19 =	vmax.f32 v19, v51  }
0x24b: {  	v18 =	vadd.f32 v51, v18;
	v31 =	vmax.f32 v31, v50;
	v21 =	vadd.f32 v50, v21  }
0x24c: {  	v17 =	vmax.f32 v17, v61;
	v16 =	vadd.f32 v61, v16;
	v26 =	vadd.f32 v62, v26  }
0x24d: {  	s17 =	smov.u32 s20;
	v14 =	vadd.f32 v63, v14;
	v23 =	vmax.f32 v23, v63;
	v43 =	vmax.f32 v28, v62  }
.LBB2_23:
0x24e: {  	s1 =	smul.u32 $0x50, s3;
	_ =	sdelay $0x1  }
0x24f: {  	s8 =	sshll.u32 s2, $0x1;
	s5 =	sadd.s32 s1, s14  }
0x250: {  	s3 =	sadd.s32 s1, s15;
	s15 =	sadd.s32 s5, s8  }
0x251: {  	p0 =	sge.s32 s15, s3  }
.Ltmp19:
0x252: {  	_ = 	snop;
	(pc) =	sbr.rel @p0 .LBB2_27-.Ltmp19, $2  }
0x253: {  	_ =	sdelay $0x2  }
0x254: {  	s7 =	sadd.s32 s23, s7;
	p1 =	por !p2, !p1  }
0x255: {  	p2 =	por !p1, !p1;
	s1 =	simm.s32 $0x1  }
0x256: {  	s1 =	simm.s32 @!p2 $0x0  }
0x257: {  	s1 =	ssub.s32 s4, s1  }
0x258: {  	s1 =	sshll.u32 s1, $0x1  }
0x259: {  	s1 =	sadd.s32 s1, s7  }
0x25a: {  	s1 =	ssub.s32 s1, s29  }
0x25b: {  	s1 =	ssub.s32 s1, s6  }
0x25c: {  	s8 =	sshll.u32 s1, $0x7;
	s9 =	sshll.u32 s1, $0x9  }
0x25d: {  	s1 =	sand.u32 $0xFFFFF000, s9;
	s5 =	sand.u32 $0x380, s8  }
0x25e: {  	s1 =	sor.u32 s5, s1  }
0x25f: {  	v25 =	vld [tilespmem:s1+$0x870]  }
0x260: {  	v28 =	vld [tilespmem:s1+$0x400]  }
0x261: {  	v35 =	vld [tilespmem:s1+$0x410]  }
0x262: {  	v42 =	vld [tilespmem:s1+$0x420]  }
0x263: {  	v44 =	vld [tilespmem:s1+$0x430]  }
0x264: {  	v45 =	vld [tilespmem:s1+$0x440]  }
0x265: {  	v46 =	vld [tilespmem:s1+$0x450]  }
0x266: {  	s5 =	sadd.s32 $0x1, s15;
	v47 =	vld [tilespmem:s1+$0x460]  }
0x267: {  	v48 =	vld [tilespmem:s1+$0x470];
	p2 =	slt.s32 s5, s3;
	v33 =	vadd.f32 v25, v33;
	v41 =	vmax.f32 v41, v25;
	v14 =	vadd.f32 v28, v14  }
.Ltmp20:
0x268: {  	v23 =	vmax.f32 v23, v28;
	v18 =	vadd.f32 v35, v18;
	v19 =	vmax.f32 v19, v35;
	v25 =	vld [tilespmem:s1+$0x800];
	(pc) =	sbr.rel @!p2 .LBB2_26-.Ltmp20, $4  }
0x269: {  	v12 =	vadd.f32 v42, v12;
	v24 =	vmax.f32 v24, v42;
	v13 =	vadd.f32 v44, v13;
	v28 =	vld [tilespmem:s1+$0x810]  }
0x26a: {  	v30 =	vmax.f32 v30, v44;
	v21 =	vadd.f32 v45, v21;
	v31 =	vmax.f32 v31, v45;
	v35 =	vld [tilespmem:s1+$0x820]  }
0x26b: {  	v16 =	vadd.f32 v46, v16;
	v17 =	vmax.f32 v17, v46;
	v42 =	vld [tilespmem:s1+$0x830];
	v32 =	vadd.f32 v47, v32  }
0x26c: {  	s12 =	sadd.s32 $0x80, s8;
	s13 =	sadd.s32 $0x200, s9;
	v37 =	vmax.f32 v37, v47;
	v44 =	vld [tilespmem:s1+$0x840];
	v11 =	vadd.f32 v48, v11;
	v39 =	vmax.f32 v39, v48  }
.LBB2_25:
0x26d: {  	s8 =	sand.u32 $0xFFFFF000, s13;
	s9 =	sand.u32 $0x380, s12;
	s5 =	sadd.s32 $0x1, s5;
	v45 =	vld [tilespmem:s1+$0x850];
	v10 =	vadd.f32 v25, v10;
	v29 =	vmax.f32 v29, v25  }
0x26e: {  	p2 =	slt.s32 s5, s3;
	v25 =	vld [tilespmem:s1+$0x860];
	s1 =	sor.u32 s9, s8;
	v27 =	vadd.f32 v28, v27;
	v22 =	vmax.f32 v22, v28  }
0x26f: {  	v28 =	vld [tilespmem:s1+$0x870];
	v26 =	vadd.f32 v35, v26;
	v43 =	vmax.f32 v43, v35  }
0x270: {  	v35 =	vld [tilespmem:s1+$0x400];
	v9 =	vadd.f32 v42, v9;
	v15 =	vmax.f32 v15, v42  }
0x271: {  	v42 =	vld [tilespmem:s1+$0x410];
	v34 =	vadd.f32 v44, v34;
	v38 =	vmax.f32 v38, v44  }
0x272: {  	v44 =	vld [tilespmem:s1+$0x420];
	v36 =	vadd.f32 v45, v36;
	v40 =	vmax.f32 v40, v45  }
0x273: {  	v45 =	vld [tilespmem:s1+$0x430];
	v8 =	vadd.f32 v25, v8;
	v20 =	vmax.f32 v20, v25  }
0x274: {  	v46 =	vld [tilespmem:s1+$0x440];
	v33 =	vadd.f32 v28, v33;
	v41 =	vmax.f32 v41, v28  }
0x275: {  	v47 =	vld [tilespmem:s1+$0x450];
	v14 =	vadd.f32 v35, v14;
	v23 =	vmax.f32 v23, v35  }
0x276: {  	v48 =	vld [tilespmem:s1+$0x460];
	v18 =	vadd.f32 v42, v18;
	v19 =	vmax.f32 v19, v42  }
0x277: {  	v49 =	vld [tilespmem:s1+$0x470];
	v12 =	vadd.f32 v44, v12;
	v24 =	vmax.f32 v24, v44  }
.Ltmp21:
0x278: {  	v25 =	vld [tilespmem:s1+$0x800];
	v13 =	vadd.f32 v45, v13;
	v30 =	vmax.f32 v30, v45;
	(pc) =	sbr.rel @p2 .LBB2_25-.Ltmp21, $4  }
0x279: {  	v28 =	vld [tilespmem:s1+$0x810];
	v21 =	vadd.f32 v46, v21;
	v31 =	vmax.f32 v31, v46  }
0x27a: {  	v35 =	vld [tilespmem:s1+$0x820];
	v16 =	vadd.f32 v47, v16;
	v17 =	vmax.f32 v17, v47  }
0x27b: {  	v42 =	vld [tilespmem:s1+$0x830];
	v32 =	vadd.f32 v48, v32;
	v37 =	vmax.f32 v37, v48  }
0x27c: {  	s12 =	sadd.s32 $0x80, s12;
	s13 =	sadd.s32 $0x200, s13;
	v44 =	vld [tilespmem:s1+$0x840];
	v11 =	vadd.f32 v49, v11;
	v39 =	vmax.f32 v39, v49  }
.LBB2_26:
0x27d: {  	v45 =	vld [tilespmem:s1+$0x850]  }
0x27e: {  	v46 =	vld [tilespmem:s1+$0x860]  }
0x27f: {  	v10 =	vadd.f32 v25, v10;
	v29 =	vmax.f32 v29, v25  }
0x280: {  	v27 =	vadd.f32 v28, v27;
	v22 =	vmax.f32 v22, v28;
	v26 =	vadd.f32 v35, v26  }
0x281: {  	v43 =	vmax.f32 v43, v35;
	v9 =	vadd.f32 v42, v9;
	v15 =	vmax.f32 v15, v42  }
0x282: {  	v34 =	vadd.f32 v44, v34;
	v38 =	vmax.f32 v38, v44;
	v36 =	vadd.f32 v45, v36  }
0x283: {  	v40 =	vmax.f32 v40, v45;
	v8 =	vadd.f32 v46, v8;
	v20 =	vmax.f32 v20, v46  }
.LBB2_27:
0x284: {  	[tilespmem:$0x0] =	vst v14;
	v14 =	vld [tilespmem:$0x100]  }
0x285: {  	[tilespmem:$0x200] =	vst v23;
	v25 =	vld [tilespmem:$0x110]  }
0x286: {  	[tilespmem:$0x10] =	vst v18;
	v18 =	vld [tilespmem:$0x120]  }
0x287: {  	[tilespmem:$0x210] =	vst v19;
	v19 =	vld [tilespmem:$0x130]  }
0x288: {  	[tilespmem:$0x20] =	vst v12;
	v28 =	vld [tilespmem:$0x140]  }
0x289: {  	[tilespmem:$0x220] =	vst v24;
	v24 =	vld [tilespmem:$0x150]  }
0x28a: {  	[tilespmem:$0x30] =	vst v13;
	v35 =	vld [tilespmem:$0x160]  }
0x28b: {  	[tilespmem:$0x230] =	vst v30;
	v23 =	vld [tilespmem:$0x170]  }
0x28c: {  	[tilespmem:$0x40] =	vst v21;
	v13 =	vld [tilespmem:$0x180]  }
0x28d: {  	[tilespmem:$0x240] =	vst v31;
	v30 =	vld [tilespmem:$0x190]  }
0x28e: {  	[tilespmem:$0x50] =	vst v16;
	v31 =	vld [tilespmem:$0x1A0]  }
0x28f: {  	[tilespmem:$0x250] =	vst v17;
	v12 =	vld [tilespmem:$0x1B0]  }
0x290: {  	[tilespmem:$0x60] =	vst v32;
	v32 =	vld [tilespmem:$0x1C0]  }
0x291: {  	[tilespmem:$0x260] =	vst v37;
	v42 =	vld [tilespmem:$0x1D0]  }
0x292: {  	[tilespmem:$0x70] =	vst v11;
	v11 =	vld [tilespmem:$0x1E0]  }
0x293: {  	[tilespmem:$0x270] =	vst v39;
	v37 =	vld [tilespmem:$0x1F0]  }
0x294: {  	[tilespmem:$0x80] =	vst v10;
	v17 =	vld [tilespmem:$0x300]  }
0x295: {  	[tilespmem:$0x280] =	vst v29;
	v16 =	vld [tilespmem:$0x310]  }
0x296: {  	[tilespmem:$0x90] =	vst v27;
	v21 =	vld [tilespmem:$0x320]  }
0x297: {  	[tilespmem:$0x290] =	vst v22;
	v27 =	vld [tilespmem:$0x330]  }
0x298: {  	[tilespmem:$0xA0] =	vst v26;
	v26 =	vld [tilespmem:$0x340]  }
0x299: {  	[tilespmem:$0x2A0] =	vst v43;
	v10 =	vld [tilespmem:$0x350]  }
0x29a: {  	[tilespmem:$0xB0] =	vst v9;
	v29 =	vld [tilespmem:$0x360]  }
0x29b: {  	[tilespmem:$0x2B0] =	vst v15;
	v39 =	vld [tilespmem:$0x370]  }
0x29c: {  	[tilespmem:$0xC0] =	vst v34;
	v22 =	vld [tilespmem:$0x380]  }
0x29d: {  	[tilespmem:$0x2C0] =	vst v38;
	v15 =	vld [tilespmem:$0x390]  }
0x29e: {  	[tilespmem:$0xD0] =	vst v36;
	v36 =	vld [tilespmem:$0x3A0];
	p2 =	sgt.s32 s2, $0x0  }
.Ltmp22:
0x29f: {  	[tilespmem:$0x2D0] =	vst v40;
	v9 =	vld [tilespmem:$0x3B0];
	(pc) =	sbr.rel @!p2 .LBB2_28-.Ltmp22, $4  }
0x2a0: {  	v34 =	vld [tilespmem:$0x3C0];
	[tilespmem:$0x2E0] =	vst v20  }
0x2a1: {  	v20 =	vld [tilespmem:$0x3D0];
	[tilespmem:$0xF0] =	vst v33  }
0x2a2: {  	[tilespmem:$0x2F0] =	vst v41;
	v33 =	vld [tilespmem:$0x3F0]  }
0x2a3: {  	s1 =	simm.s32 $0x0;
	[tilespmem:$0xE0] =	vst v8;
	v8 =	vld [tilespmem:$0x3E0]  }
0x2a4: {  	s5 =	sadd.s32 s16, s0;
	s8 =	sadd.s32 s11, s31  }
0x2a5: {  	s9 =	sand.u32 $0xFFFFF000, s5;
	s10 =	sand.u32 $0x380, s8  }
0x2a6: {  	s9 =	sor.u32 s10, s9  }
0x2a7: {  	v46 =	vld [tilespmem:s9+$0xC30]  }
0x2a8: {  	v48 =	vld [tilespmem:s9+$0xC20]  }
0x2a9: {  	v44 =	vld [tilespmem:s9+$0x1070]  }
0x2aa: {  	v45 =	vld [tilespmem:s9+$0x1060]  }
0x2ab: {  	v47 =	vld [tilespmem:s9+$0x1030]  }
0x2ac: {  	v54 =	vld [tilespmem:s9+$0x1050]  }
0x2ad: {  	v43 =	vld [tilespmem:s9+$0x1020]  }
0x2ae: {  	v55 =	vld [tilespmem:s9+$0x1040]  }
0x2af: {  	v56 =	vld [tilespmem:s9+$0x1010]  }
0x2b0: {  	s5 =	sadd.s32 $0x200, s5;
	s8 =	sadd.s32 $0x80, s8;
	v57 =	vld [tilespmem:s9+$0x1000]  }
0x2b1: {  	s5 =	sand.u32 $0xFFFFF000, s5;
	s8 =	sand.u32 $0x380, s8;
	v58 =	vld [tilespmem:s9+$0xC70]  }
0x2b2: {  	s13 =	sor.u32 s8, s5;
	v63 =	vld [tilespmem:s9+$0xC60]  }
0x2b3: {  	v50 =	vld [tilespmem:s13+$0xC30]  }
0x2b4: {  	v41 =	vld [tilespmem:s13+$0x1030]  }
0x2b5: {  	v51 =	vld [tilespmem:s13+$0xC20]  }
0x2b6: {  	v52 =	vld [tilespmem:s13+$0x1010]  }
0x2b7: {  	v53 =	vld [tilespmem:s13+$0x1000];
	v12 =	vadd.f32 v47, v12  }
0x2b8: {  	v38 =	vld [tilespmem:s13+$0xC70];
	v9 =	vmax.f32 v9, v47;
	v27 =	vmax.f32 v27, v46;
	v42 =	vadd.f32 v54, v42  }
0x2b9: {  	v49 =	vld [tilespmem:s13+$0x1060];
	v20 =	vmax.f32 v20, v54;
	v11 =	vadd.f32 v45, v11;
	v36 =	vmax.f32 v36, v43  }
0x2ba: {  	v40 =	vld [tilespmem:s13+$0xC60];
	v8 =	vmax.f32 v8, v45;
	v32 =	vadd.f32 v55, v32;
	v37 =	vadd.f32 v44, v37  }
0x2bb: {  	v33 =	vmax.f32 v33, v44;
	v30 =	vadd.f32 v56, v30;
	v15 =	vmax.f32 v15, v56;
	v45 =	vld [tilespmem:s13+$0x1050]  }
0x2bc: {  	v47 =	vld [tilespmem:s9+$0xC10];
	v13 =	vadd.f32 v57, v13;
	v22 =	vmax.f32 v22, v57;
	v23 =	vadd.f32 v58, v23  }
0x2bd: {  	s12 =	sadd.s32 $0x1, s1;
	v21 =	vmax.f32 v21, v48;
	v44 =	vld [tilespmem:s9+$0xC00];
	v18 =	vadd.f32 v48, v18;
	v29 =	vmax.f32 v29, v63  }
0x2be: {  	p2 =	slt.s32 s12, s2;
	v19 =	vadd.f32 v46, v19;
	v8 =	vmax.f32 v8, v49;
	v11 =	vadd.f32 v49, v11;
	v49 =	vld [tilespmem:s9+$0xC40]  }
.Ltmp23:
0x2bf: {  	v39 =	vmax.f32 v39, v58;
	v34 =	vmax.f32 v34, v55;
	v48 =	vld [tilespmem:s13+$0x1040];
	v35 =	vadd.f32 v63, v35;
	(pc) =	sbr.rel @!p2 .LBB2_38-.Ltmp23, $4  }
0x2c0: {  	v46 =	vld [tilespmem:s13+$0x1070];
	v9 =	vmax.f32 v9, v41;
	v15 =	vmax.f32 v15, v52;
	v21 =	vmax.f32 v21, v51  }
0x2c1: {  	v27 =	vmax.f32 v27, v50;
	v12 =	vadd.f32 v41, v12;
	v41 =	vld [tilespmem:s9+$0xC50];
	v13 =	vadd.f32 v53, v13  }
0x2c2: {  	v22 =	vmax.f32 v22, v53;
	v18 =	vadd.f32 v51, v18;
	v23 =	vadd.f32 v38, v23;
	v51 =	vld [tilespmem:s13+$0xC10]  }
0x2c3: {  	s1 =	sadd.s32 $0x400, s16;
	s5 =	sadd.s32 $0x100, s11;
	v19 =	vadd.f32 v50, v19;
	v50 =	vld [tilespmem:s13+$0xC40];
	v30 =	vadd.f32 v52, v30;
	v26 =	vmax.f32 v26, v49  }
.LBB2_37:
0x2c4: {  	s8 =	sadd.s32 s1, s0;
	s9 =	sadd.s32 s5, s31;
	s12 =	sadd.s32 $0x1, s12;
	v31 =	vadd.f32 v43, v31;
	v43 =	vld [tilespmem:s13+$0xC00];
	v35 =	vadd.f32 v40, v35;
	v29 =	vmax.f32 v29, v40  }
0x2c5: {  	v25 =	vadd.f32 v47, v25;
	v28 =	vadd.f32 v49, v28;
	v20 =	vmax.f32 v20, v45;
	s10 =	sand.u32 $0xFFFFF000, s8;
	s11 =	sand.u32 $0x380, s9;
	s8 =	sadd.s32 $0x200, s8;
	v40 =	vld [tilespmem:s13+$0xC50]  }
0x2c6: {  	v16 =	vmax.f32 v16, v47;
	v42 =	vadd.f32 v45, v42;
	s9 =	sadd.s32 $0x80, s9;
	p2 =	slt.s32 s12, s2;
	v32 =	vadd.f32 v48, v32;
	s11 =	sor.u32 s11, s10;
	v47 =	vld [tilespmem:s13+$0x1020]  }
0x2c7: {  	v24 =	vadd.f32 v41, v24;
	s8 =	sand.u32 $0xFFFFF000, s8;
	s9 =	sand.u32 $0x380, s9;
	v37 =	vadd.f32 v46, v37;
	v52 =	vld [tilespmem:s11+$0xC30];
	v16 =	vmax.f32 v16, v51  }
0x2c8: {  	v34 =	vmax.f32 v34, v48;
	s13 =	sor.u32 s9, s8;
	v25 =	vadd.f32 v51, v25;
	v53 =	vld [tilespmem:s11+$0xC20];
	v26 =	vmax.f32 v26, v50  }
0x2c9: {  	v17 =	vmax.f32 v17, v44;
	v10 =	vmax.f32 v10, v41;
	v28 =	vadd.f32 v50, v28;
	v54 =	vld [tilespmem:s13+$0xC30]  }
0x2ca: {  	v14 =	vadd.f32 v44, v14;
	v33 =	vmax.f32 v33, v46;
	v41 =	vld [tilespmem:s13+$0x1030];
	v10 =	vmax.f32 v10, v40  }
0x2cb: {  	v39 =	vmax.f32 v39, v38;
	v24 =	vadd.f32 v40, v24;
	v50 =	vld [tilespmem:s13+$0xC20];
	v31 =	vadd.f32 v47, v31  }
0x2cc: {  	v14 =	vadd.f32 v43, v14;
	v17 =	vmax.f32 v17, v43;
	v36 =	vmax.f32 v36, v47;
	v55 =	vld [tilespmem:s13+$0x1010]  }
0x2cd: {  	v56 =	vld [tilespmem:s13+$0x1000]  }
0x2ce: {  	v38 =	vld [tilespmem:s13+$0xC70]  }
0x2cf: {  	v40 =	vld [tilespmem:s13+$0xC60]  }
0x2d0: {  	v44 =	vld [tilespmem:s11+$0x1070]  }
0x2d1: {  	v45 =	vld [tilespmem:s11+$0x1060]  }
0x2d2: {  	v46 =	vld [tilespmem:s11+$0x1030]  }
0x2d3: {  	v48 =	vld [tilespmem:s13+$0x1060]  }
0x2d4: {  	v47 =	vld [tilespmem:s11+$0x1050]  }
0x2d5: {  	v43 =	vld [tilespmem:s11+$0x1020]  }
0x2d6: {  	v51 =	vld [tilespmem:s11+$0x1040]  }
0x2d7: {  	v49 =	vld [tilespmem:s11+$0x1010];
	v12 =	vadd.f32 v46, v12;
	v9 =	vmax.f32 v9, v46  }
0x2d8: {  	v27 =	vmax.f32 v27, v52;
	v46 =	vld [tilespmem:s11+$0x1000];
	v9 =	vmax.f32 v9, v41  }
0x2d9: {  	v57 =	vld [tilespmem:s11+$0xC70];
	v42 =	vadd.f32 v47, v42;
	v20 =	vmax.f32 v20, v47;
	v12 =	vadd.f32 v41, v12  }
0x2da: {  	v11 =	vadd.f32 v45, v11;
	v8 =	vmax.f32 v8, v45;
	v58 =	vld [tilespmem:s11+$0xC60];
	v36 =	vmax.f32 v36, v43  }
0x2db: {  	v37 =	vadd.f32 v44, v37;
	v33 =	vmax.f32 v33, v44;
	v41 =	vld [tilespmem:s11+$0xC50];
	v32 =	vadd.f32 v51, v32  }
0x2dc: {  	v11 =	vadd.f32 v48, v11;
	v30 =	vadd.f32 v49, v30;
	v15 =	vmax.f32 v15, v49;
	v45 =	vld [tilespmem:s13+$0x1050]  }
0x2dd: {  	v8 =	vmax.f32 v8, v48;
	v47 =	vld [tilespmem:s11+$0xC10];
	v13 =	vadd.f32 v46, v13;
	v22 =	vmax.f32 v22, v46  }
0x2de: {  	v21 =	vmax.f32 v21, v53;
	v15 =	vmax.f32 v15, v55;
	v49 =	vld [tilespmem:s11+$0xC40];
	v23 =	vadd.f32 v57, v23  }
.Ltmp24:
0x2df: {  	v18 =	vadd.f32 v53, v18;
	v44 =	vld [tilespmem:s11+$0xC00];
	v29 =	vmax.f32 v29, v58;
	v13 =	vadd.f32 v56, v13;
	(pc) =	sbr.rel @p2 .LBB2_37-.Ltmp24, $4  }
0x2e0: {  	v19 =	vadd.f32 v52, v19;
	v34 =	vmax.f32 v34, v51;
	v39 =	vmax.f32 v39, v57;
	v48 =	vld [tilespmem:s13+$0x1040]  }
0x2e1: {  	v18 =	vadd.f32 v50, v18;
	v21 =	vmax.f32 v21, v50;
	v23 =	vadd.f32 v38, v23;
	v46 =	vld [tilespmem:s13+$0x1070]  }
0x2e2: {  	v19 =	vadd.f32 v54, v19;
	v27 =	vmax.f32 v27, v54;
	v35 =	vadd.f32 v58, v35;
	v51 =	vld [tilespmem:s13+$0xC10]  }
0x2e3: {  	s5 =	sadd.s32 $0x100, s5;
	s1 =	sadd.s32 $0x400, s1;
	v30 =	vadd.f32 v55, v30;
	v22 =	vmax.f32 v22, v56;
	v26 =	vmax.f32 v26, v49;
	v50 =	vld [tilespmem:s13+$0xC40]  }
.LBB2_38:
0x2e4: {  	v31 =	vadd.f32 v43, v31;
	v35 =	vadd.f32 v40, v35;
	v29 =	vmax.f32 v29, v40  }
0x2e5: {  	v25 =	vadd.f32 v47, v25;
	v28 =	vadd.f32 v49, v28;
	v61 =	vld [tilespmem:s13+$0xC50];
	v20 =	vmax.f32 v20, v45  }
0x2e6: {  	v16 =	vmax.f32 v16, v47;
	v62 =	vld [tilespmem:s13+$0x1020];
	v42 =	vadd.f32 v45, v42;
	v17 =	vmax.f32 v17, v44  }
0x2e7: {  	v63 =	vld [tilespmem:s13+$0xC00];
	v14 =	vadd.f32 v44, v14;
	v39 =	vmax.f32 v39, v38;
	v32 =	vadd.f32 v48, v32  }
0x2e8: {  	v34 =	vmax.f32 v34, v48;
	v24 =	vadd.f32 v41, v24;
	v37 =	vadd.f32 v46, v37  }
0x2e9: {  	v10 =	vmax.f32 v10, v41;
	v33 =	vmax.f32 v33, v46;
	v16 =	vmax.f32 v16, v51  }
0x2ea: {  	v25 =	vadd.f32 v51, v25;
	v26 =	vmax.f32 v26, v50;
	v28 =	vadd.f32 v50, v28  }
0x2eb: {  	v10 =	vmax.f32 v10, v61;
	v24 =	vadd.f32 v61, v24;
	v31 =	vadd.f32 v62, v31  }
0x2ec: {  	v14 =	vadd.f32 v63, v14;
	v17 =	vmax.f32 v17, v63;
	v36 =	vmax.f32 v36, v62  }
.LBB2_28:
.Ltmp25:
0x2ed: {  	(pc) =	sbr.rel @p0 .LBB2_32-.Ltmp25, $1  }
0x2ee: {  	_ =	sdelay $0x3  }
0x2ef: {  	p0 =	por !p1, !p1;
	s0 =	simm.s32 $0x1  }
0x2f0: {  	s0 =	simm.s32 @!p0 $0x0  }
0x2f1: {  	s0 =	ssub.s32 s4, s0  }
0x2f2: {  	s0 =	sshll.u32 s0, $0x1  }
0x2f3: {  	s0 =	sadd.s32 s0, s7  }
0x2f4: {  	s0 =	ssub.s32 s0, s29  }
0x2f5: {  	s0 =	ssub.s32 s0, s6  }
0x2f6: {  	s2 =	sshll.u32 s0, $0x7;
	s31 =	sshll.u32 s0, $0x9  }
0x2f7: {  	s0 =	sand.u32 $0xFFFFF000, s31;
	s1 =	sand.u32 $0x380, s2  }
0x2f8: {  	s0 =	sor.u32 s1, s0  }
0x2f9: {  	v38 =	vld [tilespmem:s0+$0x1070]  }
0x2fa: {  	v40 =	vld [tilespmem:s0+$0xC00]  }
0x2fb: {  	v41 =	vld [tilespmem:s0+$0xC10]  }
0x2fc: {  	v43 =	vld [tilespmem:s0+$0xC20]  }
0x2fd: {  	v44 =	vld [tilespmem:s0+$0xC30]  }
0x2fe: {  	v45 =	vld [tilespmem:s0+$0xC40]  }
0x2ff: {  	v46 =	vld [tilespmem:s0+$0xC50]  }
0x300: {  	s1 =	sadd.s32 $0x1, s15;
	v47 =	vld [tilespmem:s0+$0xC60]  }
0x301: {  	v48 =	vld [tilespmem:s0+$0xC70];
	p0 =	slt.s32 s1, s3;
	v37 =	vadd.f32 v38, v37;
	v33 =	vmax.f32 v33, v38;
	v14 =	vadd.f32 v40, v14  }
.Ltmp26:
0x302: {  	v17 =	vmax.f32 v17, v40;
	v25 =	vadd.f32 v41, v25;
	v16 =	vmax.f32 v16, v41;
	v38 =	vld [tilespmem:s0+$0x1000];
	(pc) =	sbr.rel @!p0 .LBB2_31-.Ltmp26, $4  }
0x303: {  	v18 =	vadd.f32 v43, v18;
	v21 =	vmax.f32 v21, v43;
	v19 =	vadd.f32 v44, v19;
	v40 =	vld [tilespmem:s0+$0x1010]  }
0x304: {  	v27 =	vmax.f32 v27, v44;
	v28 =	vadd.f32 v45, v28;
	v26 =	vmax.f32 v26, v45;
	v41 =	vld [tilespmem:s0+$0x1020]  }
0x305: {  	v24 =	vadd.f32 v46, v24;
	v10 =	vmax.f32 v10, v46;
	v43 =	vld [tilespmem:s0+$0x1030];
	v35 =	vadd.f32 v47, v35  }
0x306: {  	s2 =	sadd.s32 $0x80, s2;
	s4 =	sadd.s32 $0x200, s31;
	v29 =	vmax.f32 v29, v47;
	v44 =	vld [tilespmem:s0+$0x1040];
	v23 =	vadd.f32 v48, v23;
	v39 =	vmax.f32 v39, v48  }
.LBB2_30:
0x307: {  	s5 =	sand.u32 $0xFFFFF000, s4;
	s7 =	sand.u32 $0x380, s2;
	s1 =	sadd.s32 $0x1, s1;
	v45 =	vld [tilespmem:s0+$0x1050];
	v13 =	vadd.f32 v38, v13;
	v22 =	vmax.f32 v22, v38  }
0x308: {  	v15 =	vmax.f32 v15, v40;
	p0 =	slt.s32 s1, s3;
	v38 =	vld [tilespmem:s0+$0x1060];
	s0 =	sor.u32 s7, s5;
	v30 =	vadd.f32 v40, v30  }
0x309: {  	v31 =	vadd.f32 v41, v31;
	v36 =	vmax.f32 v36, v41;
	v40 =	vld [tilespmem:s0+$0x1070]  }
0x30a: {  	v12 =	vadd.f32 v43, v12;
	v9 =	vmax.f32 v9, v43;
	v41 =	vld [tilespmem:s0+$0xC00]  }
0x30b: {  	v32 =	vadd.f32 v44, v32;
	v34 =	vmax.f32 v34, v44;
	v43 =	vld [tilespmem:s0+$0xC10]  }
0x30c: {  	v44 =	vld [tilespmem:s0+$0xC20];
	v42 =	vadd.f32 v45, v42;
	v20 =	vmax.f32 v20, v45  }
0x30d: {  	v45 =	vld [tilespmem:s0+$0xC30];
	v11 =	vadd.f32 v38, v11;
	v8 =	vmax.f32 v8, v38  }
0x30e: {  	v46 =	vld [tilespmem:s0+$0xC40];
	v37 =	vadd.f32 v40, v37;
	v33 =	vmax.f32 v33, v40  }
0x30f: {  	v47 =	vld [tilespmem:s0+$0xC50];
	v14 =	vadd.f32 v41, v14;
	v17 =	vmax.f32 v17, v41  }
0x310: {  	v48 =	vld [tilespmem:s0+$0xC60];
	v25 =	vadd.f32 v43, v25;
	v16 =	vmax.f32 v16, v43  }
0x311: {  	v49 =	vld [tilespmem:s0+$0xC70];
	v18 =	vadd.f32 v44, v18;
	v21 =	vmax.f32 v21, v44  }
.Ltmp27:
0x312: {  	v38 =	vld [tilespmem:s0+$0x1000];
	v19 =	vadd.f32 v45, v19;
	v27 =	vmax.f32 v27, v45;
	(pc) =	sbr.rel @p0 .LBB2_30-.Ltmp27, $4  }
0x313: {  	v40 =	vld [tilespmem:s0+$0x1010];
	v28 =	vadd.f32 v46, v28;
	v26 =	vmax.f32 v26, v46  }
0x314: {  	v41 =	vld [tilespmem:s0+$0x1020];
	v24 =	vadd.f32 v47, v24;
	v10 =	vmax.f32 v10, v47  }
0x315: {  	v43 =	vld [tilespmem:s0+$0x1030];
	v35 =	vadd.f32 v48, v35;
	v29 =	vmax.f32 v29, v48  }
0x316: {  	s2 =	sadd.s32 $0x80, s2;
	s4 =	sadd.s32 $0x200, s4;
	v44 =	vld [tilespmem:s0+$0x1040];
	v23 =	vadd.f32 v49, v23;
	v39 =	vmax.f32 v39, v49  }
.Ltmp28:
0x317: {  	_ = 	snop;
	(pc) =	sbr.rel .LBB2_31-.Ltmp28, $1  }
0x318: {  	_ =	sdelay $0x3  }
.LBB2_35:
0x319: {  	_ =	sfence.sel $0x180000  }
0x31a: {  	[bflag:$0x0] =	sbarrier.arrive $0xFFFF  }
0x31b: {  	_ =	strace $0x90000047  }
0x31c: {  	s0 =	stileid.u32;
	[bflag:$0x2] =	sbarrier.arrive $0xFFFF  }
0x31d: {  	p0 =	sne.s32 s0, $0x0;
	s0 =	rddreg [dreg:$0x4]  }
0x31e: {  	s0 =	sadd.s32 @!p0 $0x100000, s0  }
0x31f: {  	[sflag:s0] =	ssyncadd.tile.s32 @!p0 $0x1;
	_ =	shalt  }
.Lfunc_end2:
_tile_overlayer_lowered:
.L_overlay_start_2:
0x320: {  	(tag) =	ssettag $0x2  }
0x321: {  	s0 =	rddreg [dreg:$0x0];
	s2 =	stileid.u32  }
0x322: {  	s1 =	rddreg [dreg:$0x1];
	p0 =	sne.s32 s2, $0x0  }
0x323: {  	s3 =	rddreg [dreg:$0x2];
	[bflag:$0x3] =	sbarrier.arrive $0xFFFF;
	s2 =	simm.s32 @!p0 $0x1C04  }
0x324: {  	[timem:s3], [sflag:s2] =	dma.local @!p0 [hbm:s0], s1  }
0x325: {  	s0 =	simm.s32 @!p0 $0x4  }
0x326: {  	_ =	swait.ge @!p0 [sflag:s0], s1  }
0x327: {  	s1 =	ssub.s32 @!p0 $0x0, s1;
	[sflag:s0] =	ssyncset.done @!p0 $0x0  }
0x328: {  	[sflag:s0] =	ssyncadd.s32 @!p0 s1  }
0x329: {  	[bflag:$0x3] =	sbarrier.arrive $0xFFFF  }
0x32a: {  	_ =	shalt  }

</sc_bundles>
